<compile_context>
chip_gen: v7x
topology: tpu7x:2x2x1
jax: 0.10.2.dev20260603
libtpu: 0.0.44.dev20260713+nightly
codegen_flags: <defaults>
</compile_context>

<pallas_src>
import functools
import jax
import jax.numpy as jnp
from jax import lax
from jax.experimental import pallas as pl
from jax.experimental.pallas import tpu as pltpu
from jax.experimental.pallas import tpu_sc as plsc

B = 4
L = 4096
D = 1024
NC = 2
NS = 16
LANES = 16
NW = NC * NS
NTOK = B * L
TOK_PER_W = NTOK // NW
CHUNK = 16
NCHUNK = TOK_PER_W // CHUNK
NBUF = 4


def _positional_encoding(seq_len, d_model):
    pos = jnp.arange(seq_len, dtype=jnp.float32)[:, None]
    _2i = jnp.arange(0, d_model, 2, dtype=jnp.float32)
    ang = pos / jnp.power(10000.0, _2i / d_model)
    pe = jnp.zeros((seq_len, d_model), dtype=jnp.float32)
    pe = pe.at[:, 0::2].set(jnp.sin(ang))
    pe = pe.at[:, 1::2].set(jnp.cos(ang))
    return pe


def _packed_pe(seq_len, d_model):
    pe = _positional_encoding(seq_len, d_model).astype(jnp.bfloat16)
    g = pe.reshape(seq_len, d_model // 32, 2, LANES)
    inter = jnp.stack([g[:, :, 0, :], g[:, :, 1, :]], axis=-1)
    return lax.bitcast_convert_type(inter, jnp.int32).reshape(
        seq_len, d_model // 2)


def _embed_body(x_hbm, table_hbm, pe_hbm, out_hbm, idx_v, bufs):
    c = lax.axis_index("c")
    s = lax.axis_index("s")
    wid = s * NC + c
    base = wid * TOK_PER_W
    pos0 = lax.rem(base, L)
    pltpu.sync_copy(x_hbm.at[pl.ds(base, TOK_PER_W)], idx_v)

    def in_copies(ci, rv, pv, sg):
        rbase = ci * CHUNK
        return (
            pltpu.make_async_copy(
                table_hbm.at[idx_v.at[pl.ds(rbase, CHUNK)]], rv, sg),
            pltpu.make_async_copy(
                pe_hbm.at[pl.ds(pos0 + rbase, CHUNK)], pv, sg),
        )

    def wb_copy(ci, rv, sw):
        return pltpu.make_async_copy(
            rv, out_hbm.at[pl.ds(base + ci * CHUNK, CHUNK)], sw)

    GU = 8

    def add_chunk(rv, pv):
        def row_body(j, _):
            for g0 in range(0, D // 32, GU):
                vs = [pv[j, pl.ds((g0 + u) * LANES, LANES)]
                      for u in range(GU)]
                for u, v in enumerate(vs):
                    g = g0 + u
                    a = lax.bitcast_convert_type(lax.shift_left(v, 16),
                                                 jnp.float32)
                    b = lax.bitcast_convert_type(
                        lax.shift_left(lax.shift_right_logical(v, 16), 16),
                        jnp.float32)
                    plsc.addupdate(rv.at[j, pl.ds(g * 32, LANES)], a)
                    plsc.addupdate(rv.at[j, pl.ds(g * 32 + LANES, LANES)], b)
            return 0
        lax.fori_loop(0, CHUNK, row_body, 0, unroll=False)

    AHEAD = NBUF - 2

    for ci in range(AHEAD):
        rv, pv, sg, _ = bufs[ci]
        for d in in_copies(ci, rv, pv, sg):
            d.start()

    def body(i, _):
        for p in range(NBUF):
            ci = NBUF * i + p
            rv, pv, sg, sw = bufs[p]
            nb = (p + AHEAD) % NBUF
            nrv, npv, nsg, nsw = bufs[nb]

            @pl.when(ci + AHEAD >= NBUF)
            def _():
                wb_copy(ci + AHEAD - NBUF, nrv, nsw).wait()

            @pl.when(ci + AHEAD < NCHUNK)
            def _():
                for d in in_copies(ci + AHEAD, nrv, npv, nsg):
                    d.start()
            for d in in_copies(ci, rv, pv, sg):
                d.wait()
            add_chunk(rv, pv)
            wb_copy(ci, rv, sw).start()
        return 0

    lax.fori_loop(0, NCHUNK // NBUF, body, 0, unroll=False)
    for ci in range(NCHUNK - (NBUF - AHEAD), NCHUNK):
        rv, _, _, sw = bufs[ci % NBUF]
        wb_copy(ci, rv, sw).wait()


@functools.partial(
    pl.kernel,
    out_type=jax.ShapeDtypeStruct((NTOK, D), jnp.float32),
    mesh=plsc.VectorSubcoreMesh(core_axis_name="c", subcore_axis_name="s",
                                num_cores=NC, num_subcores=NS),
    scratch_types=[
        pltpu.VMEM((TOK_PER_W,), jnp.int32),
    ] + [
        t
        for _ in range(NBUF)
        for t in (pltpu.VMEM((CHUNK, D), jnp.float32),
                  pltpu.VMEM((CHUNK, D // 2), jnp.int32),
                  pltpu.SemaphoreType.DMA,
                  pltpu.SemaphoreType.DMA)
    ],
)
def _sc_embed(x_hbm, table_hbm, pe_hbm, out_hbm, idx_v, *scratch):
    bufs = tuple(tuple(scratch[4 * i:4 * i + 4]) for i in range(NBUF))
    _embed_body(x_hbm, table_hbm, pe_hbm, out_hbm, idx_v, bufs)


@jax.jit
def kernel(x, table):
    pe = _packed_pe(L, D)
    xf = x.reshape(-1).astype(jnp.int32)
    out = _sc_embed(xf, table, pe)
    return out.reshape(B, L, D)

# --- scband reference (transcript-rebuilt; emitter-appended) ---
"""Pipeline reference for scband-transformer-embedding-20796231647507 (READ-ONLY COPY).

The authoritative reference and input builder live on the scoring server;
editing this copy changes nothing except your own understanding.
"""

import jax, jax.numpy as jnp
import numpy as np

VOCAB = 100000
D_MODEL = 1024


def _positional_encoding(seq_len, d_model):
    pos = jnp.arange(seq_len, dtype=jnp.float32)[:, None]
    _2i = jnp.arange(0, d_model, 2, dtype=jnp.float32)
    ang = pos / jnp.power(10000.0, _2i / d_model)
    pe = jnp.zeros((seq_len, d_model), dtype=jnp.float32)
    pe = pe.at[:, 0::2].set(jnp.sin(ang))
    pe = pe.at[:, 1::2].set(jnp.cos(ang))
    return pe


def setup_inputs(seed: int = 0) -> dict:
    key = jax.random.key(seed)
    k_idx = jax.random.fold_in(key, 0)
    k_tab = jax.random.fold_in(key, 1)
    x = jax.random.randint(k_idx, (4, 4096), 0, VOCAB, dtype=jnp.int64 if jax.config.jax_enable_x64 else jnp.int32)
    table = jax.random.normal(k_tab, (VOCAB, D_MODEL), dtype=jnp.float32)
    # padding_idx=0: embedding row 0 is zeros
    table = table.at[0].set(0.0)
    return {"x": x, "table": table}


def reference(x, table):
    # TokenEmbedding: gather rows of the embedding table (padding_idx row forced to zero)
    table = table.at[0].set(0.0)
    tok_emb = jnp.take(table, x, axis=0)  # [B, L, D]
    B, L, D = tok_emb.shape
    # PositionalEncoding buffer, broadcast over batch
    pos_emb = _positional_encoding(L, D)[None, :, :]
    # Dropout is identity in eval/reference mode
    return tok_emb + pos_emb

if __name__ == "__main__":
    import jax
    _d = setup_inputs()
    print(jax.jit(kernel)(*tuple(_d.values())))

</pallas_src>

<mosaic_0001>
#map = affine_map<(d0, d1) -> (0)>
#map1 = affine_map<(d0, d1) -> (0, 0)>
module attributes {stable_mosaic.version = 14 : i64} {
  func.func @_sc_embed(%arg0: i32, %arg1: i32, %arg2: memref<16384xi32, #tpu.memory_space<hbm>>, %arg3: memref<100000x1024xf32, #tpu.memory_space<hbm>>, %arg4: memref<4096x512xi32, #tpu.memory_space<hbm>>, %arg5: memref<16384x1024xf32, #tpu.memory_space<hbm>>, %arg6: memref<512xi32, #tpu.memory_space<vmem>>, %arg7: memref<16x1024xf32, #tpu.memory_space<vmem>>, %arg8: memref<16x512xi32, #tpu.memory_space<vmem>>, %arg9: memref<!tpu.dma_semaphore, #tpu.memory_space<semaphore_mem>>, %arg10: memref<!tpu.dma_semaphore, #tpu.memory_space<semaphore_mem>>, %arg11: memref<16x1024xf32, #tpu.memory_space<vmem>>, %arg12: memref<16x512xi32, #tpu.memory_space<vmem>>, %arg13: memref<!tpu.dma_semaphore, #tpu.memory_space<semaphore_mem>>, %arg14: memref<!tpu.dma_semaphore, #tpu.memory_space<semaphore_mem>>, %arg15: memref<16x1024xf32, #tpu.memory_space<vmem>>, %arg16: memref<16x512xi32, #tpu.memory_space<vmem>>, %arg17: memref<!tpu.dma_semaphore, #tpu.memory_space<semaphore_mem>>, %arg18: memref<!tpu.dma_semaphore, #tpu.memory_space<semaphore_mem>>, %arg19: memref<16x1024xf32, #tpu.memory_space<vmem>>, %arg20: memref<16x512xi32, #tpu.memory_space<vmem>>, %arg21: memref<!tpu.dma_semaphore, #tpu.memory_space<semaphore_mem>>, %arg22: memref<!tpu.dma_semaphore, #tpu.memory_space<semaphore_mem>>) attributes {dimension_semantics = [#tpu.dimension_semantics<core_parallel>, #tpu.dimension_semantics<subcore_parallel>], iteration_bounds = array<i64: 2, 16>, scalar_prefetch = 0 : i64, scratch_operands = 17 : i64, tpu.core_type = #tpu.core_type<sc_vector_subcore>, window_params = [{transform_indices = #map}, {transform_indices = #map1}, {transform_indices = #map1}, {transform_indices = #map1}]} {
    %mul3A = arith.constant 2 : i32
    %mul3A_0 = arith.muli %arg1, %mul3A : i32
    %add3A = arith.addi %mul3A_0, %arg0 : i32
    %mul3A_1 = arith.constant 512 : i32
    %mul3A_2 = arith.muli %add3A, %mul3A_1 : i32
    %rem3A = arith.constant 4096 : i32
    %rem3A_3 = arith.remsi %mul3A_2, %rem3A : i32
    "tpu.region"() ({
      %run_scoped3A = tpu.sem_alloc : memref<!tpu.dma_semaphore, #tpu.memory_space<semaphore_mem>>
      %dma_start3A_42 = tpu.memref_slice %arg2[%mul3A_2] : memref<16384xi32, #tpu.memory_space<hbm>> -> memref<512xi32, #tpu.memory_space<hbm>>
      %dma_start3A_43 = tpu.memref_slice %arg2[%mul3A_2] : memref<16384xi32, #tpu.memory_space<hbm>> -> memref<512xi32, #tpu.memory_space<hbm>>
      tpu.enqueue_dma source(%dma_start3A_43 : memref<512xi32, #tpu.memory_space<hbm>>) target(%arg6 : memref<512xi32, #tpu.memory_space<vmem>>) target_semaphore(%run_scoped3A : memref<!tpu.dma_semaphore, #tpu.memory_space<semaphore_mem>>)
      %dma_wait3A_44 = tpu.memref_slice %arg2[%mul3A_2] : memref<16384xi32, #tpu.memory_space<hbm>> -> memref<512xi32, #tpu.memory_space<hbm>>
      %dma_wait3A_45 = tpu.memref_slice %arg2[%mul3A_2] : memref<16384xi32, #tpu.memory_space<hbm>> -> memref<512xi32, #tpu.memory_space<hbm>>
      tpu.wait_dma2 semaphore(%run_scoped3A : memref<!tpu.dma_semaphore, #tpu.memory_space<semaphore_mem>>) src(%dma_wait3A_45 : memref<512xi32, #tpu.memory_space<hbm>>) dst(%arg6 : memref<512xi32, #tpu.memory_space<vmem>>)
      tpu.yield
    }) : () -> ()
    %add3A_4 = arith.constant 0 : i32
    %add3A_5 = arith.addi %rem3A_3, %add3A_4 : i32
    %dma_start3A = arith.constant 0 : i32
    %dma_start3A_6 = tpu.memref_slice %arg6[%dma_start3A] : memref<512xi32, #tpu.memory_space<vmem>> -> memref<16xi32, #tpu.memory_space<vmem>>
    %dma_start3A_7 = arith.constant 0 : i32
    %dma_start3A_8 = arith.constant 0 : i32
    %dma_start3A_9 = tpu.memref_slice %arg3[%dma_start3A_7, %dma_start3A_8] : memref<100000x1024xf32, #tpu.memory_space<hbm>> -> memref<100000x1024xf32, #tpu.memory_space<hbm>>
    tpu.enqueue_indirect_dma source(%dma_start3A_9 : memref<100000x1024xf32, #tpu.memory_space<hbm>>) target(%arg7 : memref<16x1024xf32, #tpu.memory_space<vmem>>) offsets(%dma_start3A_6 : memref<16xi32, #tpu.memory_space<vmem>>) semaphore(%arg9 : memref<!tpu.dma_semaphore, #tpu.memory_space<semaphore_mem>>)
    %dma_start3A_10 = arith.constant 0 : i32
    %dma_start3A_11 = tpu.memref_slice %arg4[%add3A_5, %dma_start3A_10] : memref<4096x512xi32, #tpu.memory_space<hbm>> -> memref<16x512xi32, #tpu.memory_space<hbm>>
    %dma_start3A_12 = arith.constant 0 : i32
    %dma_start3A_13 = tpu.memref_slice %arg4[%add3A_5, %dma_start3A_12] : memref<4096x512xi32, #tpu.memory_space<hbm>> -> memref<16x512xi32, #tpu.memory_space<hbm>>
    tpu.enqueue_dma source(%dma_start3A_13 : memref<16x512xi32, #tpu.memory_space<hbm>>) target(%arg8 : memref<16x512xi32, #tpu.memory_space<vmem>>) target_semaphore(%arg9 : memref<!tpu.dma_semaphore, #tpu.memory_space<semaphore_mem>>)
    %add3A_14 = arith.constant 16 : i32
    %add3A_15 = arith.addi %rem3A_3, %add3A_14 : i32
    %dma_start3A_16 = arith.constant 16 : i32
    %dma_start3A_17 = tpu.memref_slice %arg6[%dma_start3A_16] : memref<512xi32, #tpu.memory_space<vmem>> -> memref<16xi32, #tpu.memory_space<vmem>>
    %dma_start3A_18 = arith.constant 0 : i32
    %dma_start3A_19 = arith.constant 0 : i32
    %dma_start3A_20 = tpu.memref_slice %arg3[%dma_start3A_18, %dma_start3A_19] : memref<100000x1024xf32, #tpu.memory_space<hbm>> -> memref<100000x1024xf32, #tpu.memory_space<hbm>>
    tpu.enqueue_indirect_dma source(%dma_start3A_20 : memref<100000x1024xf32, #tpu.memory_space<hbm>>) target(%arg11 : memref<16x1024xf32, #tpu.memory_space<vmem>>) offsets(%dma_start3A_17 : memref<16xi32, #tpu.memory_space<vmem>>) semaphore(%arg13 : memref<!tpu.dma_semaphore, #tpu.memory_space<semaphore_mem>>)
    %dma_start3A_21 = arith.constant 0 : i32
    %dma_start3A_22 = tpu.memref_slice %arg4[%add3A_15, %dma_start3A_21] : memref<4096x512xi32, #tpu.memory_space<hbm>> -> memref<16x512xi32, #tpu.memory_space<hbm>>
    %dma_start3A_23 = arith.constant 0 : i32
    %dma_start3A_24 = tpu.memref_slice %arg4[%add3A_15, %dma_start3A_23] : memref<4096x512xi32, #tpu.memory_space<hbm>> -> memref<16x512xi32, #tpu.memory_space<hbm>>
    tpu.enqueue_dma source(%dma_start3A_24 : memref<16x512xi32, #tpu.memory_space<hbm>>) target(%arg12 : memref<16x512xi32, #tpu.memory_space<vmem>>) target_semaphore(%arg13 : memref<!tpu.dma_semaphore, #tpu.memory_space<semaphore_mem>>)
    %scan3A = arith.constant 0 : i32
    %scan3A_25 = arith.constant 0 : i32
    %scan3A_26 = arith.constant 8 : i32
    %scan3A_27 = arith.addi %scan3A_25, %scan3A_26 : i32
    %scan3A_28 = arith.constant 1 : i32
    %scan3A_29 = scf.for %scan3A_42 = %scan3A_25 to %scan3A_27 step %scan3A_28 iter_args(%scan3A_43 = %scan3A) -> (i32)  : i32 {
      %mul3A_44 = arith.constant 4 : i32
      %mul3A_45 = arith.muli %mul3A_44, %scan3A_42 : i32
      %add3A_46 = arith.constant 0 : i32
      %add3A_47 = arith.addi %mul3A_45, %add3A_46 : i32
      %add3A_48 = arith.constant 2 : i32
      %add3A_49 = arith.addi %add3A_47, %add3A_48 : i32
      %ge3A = arith.constant 4 : i32
      %ge3A_50 = arith.cmpi sge, %add3A_49, %ge3A : i32
      %convert_element_type3A = arith.extui %ge3A_50 : i1 to i32
      %cond3A = arith.constant 0 : i32
      %cond3A_51 = arith.cmpi ne, %convert_element_type3A, %cond3A : i32
      scf.if %cond3A_51 {
        %add3A_213 = arith.constant 2 : i32
        %add3A_214 = arith.addi %add3A_47, %add3A_213 : i32
        %sub3A = arith.constant 4 : i32
        %sub3A_215 = arith.subi %add3A_214, %sub3A : i32
        %mul3A_216 = arith.constant 16 : i32
        %mul3A_217 = arith.muli %sub3A_215, %mul3A_216 : i32
        %add3A_218 = arith.addi %mul3A_2, %mul3A_217 : i32
        %dma_wait3A_219 = arith.constant 0 : i32
        %dma_wait3A_220 = tpu.memref_slice %arg5[%add3A_218, %dma_wait3A_219] : memref<16384x1024xf32, #tpu.memory_space<hbm>> -> memref<16x1024xf32, #tpu.memory_space<hbm>>
        %dma_wait3A_221 = arith.constant 0 : i32
        %dma_wait3A_222 = tpu.memref_slice %arg5[%add3A_218, %dma_wait3A_221] : memref<16384x1024xf32, #tpu.memory_space<hbm>> -> memref<16x1024xf32, #tpu.memory_space<hbm>>
        tpu.wait_dma2 semaphore(%arg18 : memref<!tpu.dma_semaphore, #tpu.memory_space<semaphore_mem>>) src(%arg15 : memref<16x1024xf32, #tpu.memory_space<vmem>>) dst(%dma_wait3A_222 : memref<16x1024xf32, #tpu.memory_space<hbm>>)
      } else {
      }
      %add3A_52 = arith.constant 2 : i32
      %add3A_53 = arith.addi %add3A_47, %add3A_52 : i32
      %lt3A = arith.constant 32 : i32
      %lt3A_54 = arith.cmpi slt, %add3A_53, %lt3A : i32
      %convert_element_type3A_55 = arith.extui %lt3A_54 : i1 to i32
      %cond3A_56 = arith.constant 0 : i32
      %cond3A_57 = arith.cmpi ne, %convert_element_type3A_55, %cond3A_56 : i32
      scf.if %cond3A_57 {
        %add3A_213 = arith.constant 2 : i32
        %add3A_214 = arith.addi %add3A_47, %add3A_213 : i32
        %mul3A_215 = arith.constant 16 : i32
        %mul3A_216 = arith.muli %add3A_214, %mul3A_215 : i32
        %add3A_217 = arith.addi %rem3A_3, %mul3A_216 : i32
        %dma_start3A_218 = tpu.memref_slice %arg6[%mul3A_216] : memref<512xi32, #tpu.memory_space<vmem>> -> memref<16xi32, #tpu.memory_space<vmem>>
        %dma_start3A_219 = arith.constant 0 : i32
        %dma_start3A_220 = arith.constant 0 : i32
        %dma_start3A_221 = tpu.memref_slice %arg3[%dma_start3A_219, %dma_start3A_220] : memref<100000x1024xf32, #tpu.memory_space<hbm>> -> memref<100000x1024xf32, #tpu.memory_space<hbm>>
        tpu.enqueue_indirect_dma source(%dma_start3A_221 : memref<100000x1024xf32, #tpu.memory_space<hbm>>) target(%arg15 : memref<16x1024xf32, #tpu.memory_space<vmem>>) offsets(%dma_start3A_218 : memref<16xi32, #tpu.memory_space<vmem>>) semaphore(%arg17 : memref<!tpu.dma_semaphore, #tpu.memory_space<semaphore_mem>>)
        %dma_start3A_222 = arith.constant 0 : i32
        %dma_start3A_223 = tpu.memref_slice %arg4[%add3A_217, %dma_start3A_222] : memref<4096x512xi32, #tpu.memory_space<hbm>> -> memref<16x512xi32, #tpu.memory_space<hbm>>
        %dma_start3A_224 = arith.constant 0 : i32
        %dma_start3A_225 = tpu.memref_slice %arg4[%add3A_217, %dma_start3A_224] : memref<4096x512xi32, #tpu.memory_space<hbm>> -> memref<16x512xi32, #tpu.memory_space<hbm>>
        tpu.enqueue_dma source(%dma_start3A_225 : memref<16x512xi32, #tpu.memory_space<hbm>>) target(%arg16 : memref<16x512xi32, #tpu.memory_space<vmem>>) target_semaphore(%arg17 : memref<!tpu.dma_semaphore, #tpu.memory_space<semaphore_mem>>)
      } else {
      }
      %mul3A_58 = arith.constant 16 : i32
      %mul3A_59 = arith.muli %add3A_47, %mul3A_58 : i32
      %add3A_60 = arith.addi %rem3A_3, %mul3A_59 : i32
      %dma_wait3A_61 = tpu.memref_slice %arg6[%mul3A_59] : memref<512xi32, #tpu.memory_space<vmem>> -> memref<16xi32, #tpu.memory_space<vmem>>
      %dma_wait3A_62 = arith.constant 0 : i32
      %dma_wait3A_63 = arith.constant 0 : i32
      %dma_wait3A_64 = tpu.memref_slice %arg3[%dma_wait3A_62, %dma_wait3A_63] : memref<100000x1024xf32, #tpu.memory_space<hbm>> -> memref<100000x1024xf32, #tpu.memory_space<hbm>>
      tpu.wait_indirect_dma semaphore(%arg9 : memref<!tpu.dma_semaphore, #tpu.memory_space<semaphore_mem>>) src(%dma_wait3A_64 : memref<100000x1024xf32, #tpu.memory_space<hbm>>) dst(%arg7 : memref<16x1024xf32, #tpu.memory_space<vmem>>)
      %dma_wait3A_65 = arith.constant 0 : i32
      %dma_wait3A_66 = tpu.memref_slice %arg4[%add3A_60, %dma_wait3A_65] : memref<4096x512xi32, #tpu.memory_space<hbm>> -> memref<16x512xi32, #tpu.memory_space<hbm>>
      %dma_wait3A_67 = arith.constant 0 : i32
      %dma_wait3A_68 = tpu.memref_slice %arg4[%add3A_60, %dma_wait3A_67] : memref<4096x512xi32, #tpu.memory_space<hbm>> -> memref<16x512xi32, #tpu.memory_space<hbm>>
      tpu.wait_dma2 semaphore(%arg9 : memref<!tpu.dma_semaphore, #tpu.memory_space<semaphore_mem>>) src(%dma_wait3A_68 : memref<16x512xi32, #tpu.memory_space<hbm>>) dst(%arg8 : memref<16x512xi32, #tpu.memory_space<vmem>>)
      %scan3A_69 = arith.constant 0 : i32
      %scan3A_70 = arith.constant 0 : i32
      %scan3A_71 = arith.constant 16 : i32
      %scan3A_72 = arith.addi %scan3A_70, %scan3A_71 : i32
      %scan3A_73 = arith.constant 1 : i32
      %scan3A_74 = scf.for %scan3A_213 = %scan3A_70 to %scan3A_72 step %scan3A_73 iter_args(%scan3A_214 = %scan3A_69) -> (i32)  : i32 {
        %get3A = arith.index_cast %scan3A_213 : i32 to index
        %get3A_215 = arith.constant 0 : index
        %get3A_216 = tpu.vector_load %arg8[%get3A, %get3A_215] {strides = array<i32>} : memref<16x512xi32, #tpu.memory_space<vmem>>, vector<1x16xi32>,
        %get3A_217 = vector.shape_cast %get3A_216 : vector<1x16xi32> to vector<16xi32>
        %get3A_218 = arith.index_cast %scan3A_213 : i32 to index
        %get3A_219 = arith.constant 16 : index
        %get3A_220 = tpu.vector_load %arg8[%get3A_218, %get3A_219] {strides = array<i32>} : memref<16x512xi32, #tpu.memory_space<vmem>>, vector<1x16xi32>,
        %get3A_221 = vector.shape_cast %get3A_220 : vector<1x16xi32> to vector<16xi32>
        %get3A_222 = arith.index_cast %scan3A_213 : i32 to index
        %get3A_223 = arith.constant 32 : index
        %get3A_224 = tpu.vector_load %arg8[%get3A_222, %get3A_223] {strides = array<i32>} : memref<16x512xi32, #tpu.memory_space<vmem>>, vector<1x16xi32>,
        %get3A_225 = vector.shape_cast %get3A_224 : vector<1x16xi32> to vector<16xi32>
        %get3A_226 = arith.index_cast %scan3A_213 : i32 to index
        %get3A_227 = arith.constant 48 : index
        %get3A_228 = tpu.vector_load %arg8[%get3A_226, %get3A_227] {strides = array<i32>} : memref<16x512xi32, #tpu.memory_space<vmem>>, vector<1x16xi32>,
        %get3A_229 = vector.shape_cast %get3A_228 : vector<1x16xi32> to vector<16xi32>
        %get3A_230 = arith.index_cast %scan3A_213 : i32 to index
        %get3A_231 = arith.constant 64 : index
        %get3A_232 = tpu.vector_load %arg8[%get3A_230, %get3A_231] {strides = array<i32>} : memref<16x512xi32, #tpu.memory_space<vmem>>, vector<1x16xi32>,
        %get3A_233 = vector.shape_cast %get3A_232 : vector<1x16xi32> to vector<16xi32>
        %get3A_234 = arith.index_cast %scan3A_213 : i32 to index
        %get3A_235 = arith.constant 80 : index
        %get3A_236 = tpu.vector_load %arg8[%get3A_234, %get3A_235] {strides = array<i32>} : memref<16x512xi32, #tpu.memory_space<vmem>>, vector<1x16xi32>,
        %get3A_237 = vector.shape_cast %get3A_236 : vector<1x16xi32> to vector<16xi32>
        %get3A_238 = arith.index_cast %scan3A_213 : i32 to index
        %get3A_239 = arith.constant 96 : index
        %get3A_240 = tpu.vector_load %arg8[%get3A_238, %get3A_239] {strides = array<i32>} : memref<16x512xi32, #tpu.memory_space<vmem>>, vector<1x16xi32>,
        %get3A_241 = vector.shape_cast %get3A_240 : vector<1x16xi32> to vector<16xi32>
        %get3A_242 = arith.index_cast %scan3A_213 : i32 to index
        %get3A_243 = arith.constant 112 : index
        %get3A_244 = tpu.vector_load %arg8[%get3A_242, %get3A_243] {strides = array<i32>} : memref<16x512xi32, #tpu.memory_space<vmem>>, vector<1x16xi32>,
        %get3A_245 = vector.shape_cast %get3A_244 : vector<1x16xi32> to vector<16xi32>
        %shift_left3A = arith.constant 16 : i32
        %shift_left3A_246 = vector.broadcast %shift_left3A : i32 to vector<16xi32>
        %shift_left3A_247 = arith.shli %get3A_217, %shift_left3A_246 : vector<16xi32>
        %bitcast_convert_type3A = tpu.bitcast %shift_left3A_247 : vector<16xi32> -> vector<16xf32>
        %shift_right_logical3A = arith.constant 16 : i32
        %shift_right_logical3A_248 = vector.broadcast %shift_right_logical3A : i32 to vector<16xi32>
        %shift_right_logical3A_249 = arith.shrui %get3A_217, %shift_right_logical3A_248 : vector<16xi32>
        %shift_left3A_250 = arith.constant 16 : i32
        %shift_left3A_251 = vector.broadcast %shift_left3A_250 : i32 to vector<16xi32>
        %shift_left3A_252 = arith.shli %shift_right_logical3A_249, %shift_left3A_251 : vector<16xi32>
        %bitcast_convert_type3A_253 = tpu.bitcast %shift_left3A_252 : vector<16xi32> -> vector<16xf32>
        %swap3A = arith.index_cast %scan3A_213 : i32 to index
        %swap3A_254 = arith.constant 0 : index
        %swap3A_255 = tpu.vector_load %arg7[%swap3A, %swap3A_254] {strides = array<i32>} : memref<16x1024xf32, #tpu.memory_space<vmem>>, vector<1x16xf32>,
        %swap3A_256 = vector.shape_cast %swap3A_255 : vector<1x16xf32> to vector<16xf32>
        %swap3A_257 = vector.shape_cast %bitcast_convert_type3A : vector<16xf32> to vector<1x16xf32>
        tpu.vector_store %arg7[%swap3A, %swap3A_254], %swap3A_257 {add = true, strides = array<i32>} : memref<16x1024xf32, #tpu.memory_space<vmem>>, vector<1x16xf32>,
        %swap3A_258 = arith.index_cast %scan3A_213 : i32 to index
        %swap3A_259 = arith.constant 16 : index
        %swap3A_260 = tpu.vector_load %arg7[%swap3A_258, %swap3A_259] {strides = array<i32>} : memref<16x1024xf32, #tpu.memory_space<vmem>>, vector<1x16xf32>,
        %swap3A_261 = vector.shape_cast %swap3A_260 : vector<1x16xf32> to vector<16xf32>
        %swap3A_262 = vector.shape_cast %bitcast_convert_type3A_253 : vector<16xf32> to vector<1x16xf32>
        tpu.vector_store %arg7[%swap3A_258, %swap3A_259], %swap3A_262 {add = true, strides = array<i32>} : memref<16x1024xf32, #tpu.memory_space<vmem>>, vector<1x16xf32>,
        %shift_left3A_263 = arith.constant 16 : i32
        %shift_left3A_264 = vector.broadcast %shift_left3A_263 : i32 to vector<16xi32>
        %shift_left3A_265 = arith.shli %get3A_221, %shift_left3A_264 : vector<16xi32>
        %bitcast_convert_type3A_266 = tpu.bitcast %shift_left3A_265 : vector<16xi32> -> vector<16xf32>
        %shift_right_logical3A_267 = arith.constant 16 : i32
        %shift_right_logical3A_268 = vector.broadcast %shift_right_logical3A_267 : i32 to vector<16xi32>
        %shift_right_logical3A_269 = arith.shrui %get3A_221, %shift_right_logical3A_268 : vector<16xi32>
        %shift_left3A_270 = arith.constant 16 : i32
        %shift_left3A_271 = vector.broadcast %shift_left3A_270 : i32 to vector<16xi32>
        %shift_left3A_272 = arith.shli %shift_right_logical3A_269, %shift_left3A_271 : vector<16xi32>
        %bitcast_convert_type3A_273 = tpu.bitcast %shift_left3A_272 : vector<16xi32> -> vector<16xf32>
        %swap3A_274 = arith.index_cast %scan3A_213 : i32 to index
        %swap3A_275 = arith.constant 32 : index
        %swap3A_276 = tpu.vector_load %arg7[%swap3A_274, %swap3A_275] {strides = array<i32>} : memref<16x1024xf32, #tpu.memory_space<vmem>>, vector<1x16xf32>,
        %swap3A_277 = vector.shape_cast %swap3A_276 : vector<1x16xf32> to vector<16xf32>
        %swap3A_278 = vector.shape_cast %bitcast_convert_type3A_266 : vector<16xf32> to vector<1x16xf32>
        tpu.vector_store %arg7[%swap3A_274, %swap3A_275], %swap3A_278 {add = true, strides = array<i32>} : memref<16x1024xf32, #tpu.memory_space<vmem>>, vector<1x16xf32>,
        %swap3A_279 = arith.index_cast %scan3A_213 : i32 to index
        %swap3A_280 = arith.constant 48 : index
        %swap3A_281 = tpu.vector_load %arg7[%swap3A_279, %swap3A_280] {strides = array<i32>} : memref<16x1024xf32, #tpu.memory_space<vmem>>, vector<1x16xf32>,
        %swap3A_282 = vector.shape_cast %swap3A_281 : vector<1x16xf32> to vector<16xf32>
        %swap3A_283 = vector.shape_cast %bitcast_convert_type3A_273 : vector<16xf32> to vector<1x16xf32>
        tpu.vector_store %arg7[%swap3A_279, %swap3A_280], %swap3A_283 {add = true, strides = array<i32>} : memref<16x1024xf32, #tpu.memory_space<vmem>>, vector<1x16xf32>,
        %shift_left3A_284 = arith.constant 16 : i32
        %shift_left3A_285 = vector.broadcast %shift_left3A_284 : i32 to vector<16xi32>
        %shift_left3A_286 = arith.shli %get3A_225, %shift_left3A_285 : vector<16xi32>
        %bitcast_convert_type3A_287 = tpu.bitcast %shift_left3A_286 : vector<16xi32> -> vector<16xf32>
        %shift_right_logical3A_288 = arith.constant 16 : i32
        %shift_right_logical3A_289 = vector.broadcast %shift_right_logical3A_288 : i32 to vector<16xi32>
        %shift_right_logical3A_290 = arith.shrui %get3A_225, %shift_right_logical3A_289 : vector<16xi32>
        %shift_left3A_291 = arith.constant 16 : i32
        %shift_left3A_292 = vector.broadcast %shift_left3A_291 : i32 to vector<16xi32>
        %shift_left3A_293 = arith.shli %shift_right_logical3A_290, %shift_left3A_292 : vector<16xi32>
        %bitcast_convert_type3A_294 = tpu.bitcast %shift_left3A_293 : vector<16xi32> -> vector<16xf32>
        %swap3A_295 = arith.index_cast %scan3A_213 : i32 to index
        %swap3A_296 = arith.constant 64 : index
        %swap3A_297 = tpu.vector_load %arg7[%swap3A_295, %swap3A_296] {strides = array<i32>} : memref<16x1024xf32, #tpu.memory_space<vmem>>, vector<1x16xf32>,
        %swap3A_298 = vector.shape_cast %swap3A_297 : vector<1x16xf32> to vector<16xf32>
        %swap3A_299 = vector.shape_cast %bitcast_convert_type3A_287 : vector<16xf32> to vector<1x16xf32>
        tpu.vector_store %arg7[%swap3A_295, %swap3A_296], %swap3A_299 {add = true, strides = array<i32>} : memref<16x1024xf32, #tpu.memory_space<vmem>>, vector<1x16xf32>,
        %swap3A_300 = arith.index_cast %scan3A_213 : i32 to index
        %swap3A_301 = arith.constant 80 : index
        %swap3A_302 = tpu.vector_load %arg7[%swap3A_300, %swap3A_301] {strides = array<i32>} : memref<16x1024xf32, #tpu.memory_space<vmem>>, vector<1x16xf32>,
        %swap3A_303 = vector.shape_cast %swap3A_302 : vector<1x16xf32> to vector<16xf32>
        %swap3A_304 = vector.shape_cast %bitcast_convert_type3A_294 : vector<16xf32> to vector<1x16xf32>
        tpu.vector_store %arg7[%swap3A_300, %swap3A_301], %swap3A_304 {add = true, strides = array<i32>} : memref<16x1024xf32, #tpu.memory_space<vmem>>, vector<1x16xf32>,
        %shift_left3A_305 = arith.constant 16 : i32
        %shift_left3A_306 = vector.broadcast %shift_left3A_305 : i32 to vector<16xi32>
        %shift_left3A_307 = arith.shli %get3A_229, %shift_left3A_306 : vector<16xi32>
        %bitcast_convert_type3A_308 = tpu.bitcast %shift_left3A_307 : vector<16xi32> -> vector<16xf32>
        %shift_right_logical3A_309 = arith.constant 16 : i32
        %shift_right_logical3A_310 = vector.broadcast %shift_right_logical3A_309 : i32 to vector<16xi32>
        %shift_right_logical3A_311 = arith.shrui %get3A_229, %shift_right_logical3A_310 : vector<16xi32>
        %shift_left3A_312 = arith.constant 16 : i32
        %shift_left3A_313 = vector.broadcast %shift_left3A_312 : i32 to vector<16xi32>
        %shift_left3A_314 = arith.shli %shift_right_logical3A_311, %shift_left3A_313 : vector<16xi32>
        %bitcast_convert_type3A_315 = tpu.bitcast %shift_left3A_314 : vector<16xi32> -> vector<16xf32>
        %swap3A_316 = arith.index_cast %scan3A_213 : i32 to index
        %swap3A_317 = arith.constant 96 : index
        %swap3A_318 = tpu.vector_load %arg7[%swap3A_316, %swap3A_317] {strides = array<i32>} : memref<16x1024xf32, #tpu.memory_space<vmem>>, vector<1x16xf32>,
        %swap3A_319 = vector.shape_cast %swap3A_318 : vector<1x16xf32> to vector<16xf32>
        %swap3A_320 = vector.shape_cast %bitcast_convert_type3A_308 : vector<16xf32> to vector<1x16xf32>
        tpu.vector_store %arg7[%swap3A_316, %swap3A_317], %swap3A_320 {add = true, strides = array<i32>} : memref<16x1024xf32, #tpu.memory_space<vmem>>, vector<1x16xf32>,
        %swap3A_321 = arith.index_cast %scan3A_213 : i32 to index
        %swap3A_322 = arith.constant 112 : index
        %swap3A_323 = tpu.vector_load %arg7[%swap3A_321, %swap3A_322] {strides = array<i32>} : memref<16x1024xf32, #tpu.memory_space<vmem>>, vector<1x16xf32>,
        %swap3A_324 = vector.shape_cast %swap3A_323 : vector<1x16xf32> to vector<16xf32>
        %swap3A_325 = vector.shape_cast %bitcast_convert_type3A_315 : vector<16xf32> to vector<1x16xf32>
        tpu.vector_store %arg7[%swap3A_321, %swap3A_322], %swap3A_325 {add = true, strides = array<i32>} : memref<16x1024xf32, #tpu.memory_space<vmem>>, vector<1x16xf32>,
        %shift_left3A_326 = arith.constant 16 : i32
        %shift_left3A_327 = vector.broadcast %shift_left3A_326 : i32 to vector<16xi32>
        %shift_left3A_328 = arith.shli %get3A_233, %shift_left3A_327 : vector<16xi32>
        %bitcast_convert_type3A_329 = tpu.bitcast %shift_left3A_328 : vector<16xi32> -> vector<16xf32>
        %shift_right_logical3A_330 = arith.constant 16 : i32
        %shift_right_logical3A_331 = vector.broadcast %shift_right_logical3A_330 : i32 to vector<16xi32>
        %shift_right_logical3A_332 = arith.shrui %get3A_233, %shift_right_logical3A_331 : vector<16xi32>
        %shift_left3A_333 = arith.constant 16 : i32
        %shift_left3A_334 = vector.broadcast %shift_left3A_333 : i32 to vector<16xi32>
        %shift_left3A_335 = arith.shli %shift_right_logical3A_332, %shift_left3A_334 : vector<16xi32>
        %bitcast_convert_type3A_336 = tpu.bitcast %shift_left3A_335 : vector<16xi32> -> vector<16xf32>
        %swap3A_337 = arith.index_cast %scan3A_213 : i32 to index
        %swap3A_338 = arith.constant 128 : index
        %swap3A_339 = tpu.vector_load %arg7[%swap3A_337, %swap3A_338] {strides = array<i32>} : memref<16x1024xf32, #tpu.memory_space<vmem>>, vector<1x16xf32>,
        %swap3A_340 = vector.shape_cast %swap3A_339 : vector<1x16xf32> to vector<16xf32>
        %swap3A_341 = vector.shape_cast %bitcast_convert_type3A_329 : vector<16xf32> to vector<1x16xf32>
        tpu.vector_store %arg7[%swap3A_337, %swap3A_338], %swap3A_341 {add = true, strides = array<i32>} : memref<16x1024xf32, #tpu.memory_space<vmem>>, vector<1x16xf32>,
        %swap3A_342 = arith.index_cast %scan3A_213 : i32 to index
        %swap3A_343 = arith.constant 144 : index
        %swap3A_344 = tpu.vector_load %arg7[%swap3A_342, %swap3A_343] {strides = array<i32>} : memref<16x1024xf32, #tpu.memory_space<vmem>>, vector<1x16xf32>,
        %swap3A_345 = vector.shape_cast %swap3A_344 : vector<1x16xf32> to vector<16xf32>
        %swap3A_346 = vector.shape_cast %bitcast_convert_type3A_336 : vector<16xf32> to vector<1x16xf32>
        tpu.vector_store %arg7[%swap3A_342, %swap3A_343], %swap3A_346 {add = true, strides = array<i32>} : memref<16x1024xf32, #tpu.memory_space<vmem>>, vector<1x16xf32>,
        %shift_left3A_347 = arith.constant 16 : i32
        %shift_left3A_348 = vector.broadcast %shift_left3A_347 : i32 to vector<16xi32>
        %shift_left3A_349 = arith.shli %get3A_237, %shift_left3A_348 : vector<16xi32>
        %bitcast_convert_type3A_350 = tpu.bitcast %shift_left3A_349 : vector<16xi32> -> vector<16xf32>
        %shift_right_logical3A_351 = arith.constant 16 : i32
        %shift_right_logical3A_352 = vector.broadcast %shift_right_logical3A_351 : i32 to vector<16xi32>
        %shift_right_logical3A_353 = arith.shrui %get3A_237, %shift_right_logical3A_352 : vector<16xi32>
        %shift_left3A_354 = arith.constant 16 : i32
        %shift_left3A_355 = vector.broadcast %shift_left3A_354 : i32 to vector<16xi32>
        %shift_left3A_356 = arith.shli %shift_right_logical3A_353, %shift_left3A_355 : vector<16xi32>
        %bitcast_convert_type3A_357 = tpu.bitcast %shift_left3A_356 : vector<16xi32> -> vector<16xf32>
        %swap3A_358 = arith.index_cast %scan3A_213 : i32 to index
        %swap3A_359 = arith.constant 160 : index
        %swap3A_360 = tpu.vector_load %arg7[%swap3A_358, %swap3A_359] {strides = array<i32>} : memref<16x1024xf32, #tpu.memory_space<vmem>>, vector<1x16xf32>,
        %swap3A_361 = vector.shape_cast %swap3A_360 : vector<1x16xf32> to vector<16xf32>
        %swap3A_362 = vector.shape_cast %bitcast_convert_type3A_350 : vector<16xf32> to vector<1x16xf32>
        tpu.vector_store %arg7[%swap3A_358, %swap3A_359], %swap3A_362 {add = true, strides = array<i32>} : memref<16x1024xf32, #tpu.memory_space<vmem>>, vector<1x16xf32>,
        %swap3A_363 = arith.index_cast %scan3A_213 : i32 to index
        %swap3A_364 = arith.constant 176 : index
        %swap3A_365 = tpu.vector_load %arg7[%swap3A_363, %swap3A_364] {strides = array<i32>} : memref<16x1024xf32, #tpu.memory_space<vmem>>, vector<1x16xf32>,
        %swap3A_366 = vector.shape_cast %swap3A_365 : vector<1x16xf32> to vector<16xf32>
        %swap3A_367 = vector.shape_cast %bitcast_convert_type3A_357 : vector<16xf32> to vector<1x16xf32>
        tpu.vector_store %arg7[%swap3A_363, %swap3A_364], %swap3A_367 {add = true, strides = array<i32>} : memref<16x1024xf32, #tpu.memory_space<vmem>>, vector<1x16xf32>,
        %shift_left3A_368 = arith.constant 16 : i32
        %shift_left3A_369 = vector.broadcast %shift_left3A_368 : i32 to vector<16xi32>
        %shift_left3A_370 = arith.shli %get3A_241, %shift_left3A_369 : vector<16xi32>
        %bitcast_convert_type3A_371 = tpu.bitcast %shift_left3A_370 : vector<16xi32> -> vector<16xf32>
        %shift_right_logical3A_372 = arith.constant 16 : i32
        %shift_right_logical3A_373 = vector.broadcast %shift_right_logical3A_372 : i32 to vector<16xi32>
        %shift_right_logical3A_374 = arith.shrui %get3A_241, %shift_right_logical3A_373 : vector<16xi32>
        %shift_left3A_375 = arith.constant 16 : i32
        %shift_left3A_376 = vector.broadcast %shift_left3A_375 : i32 to vector<16xi32>
        %shift_left3A_377 = arith.shli %shift_right_logical3A_374, %shift_left3A_376 : vector<16xi32>
        %bitcast_convert_type3A_378 = tpu.bitcast %shift_left3A_377 : vector<16xi32> -> vector<16xf32>
        %swap3A_379 = arith.index_cast %scan3A_213 : i32 to index
        %swap3A_380 = arith.constant 192 : index
        %swap3A_381 = tpu.vector_load %arg7[%swap3A_379, %swap3A_380] {strides = array<i32>} : memref<16x1024xf32, #tpu.memory_space<vmem>>, vector<1x16xf32>,
        %swap3A_382 = vector.shape_cast %swap3A_381 : vector<1x16xf32> to vector<16xf32>
        %swap3A_383 = vector.shape_cast %bitcast_convert_type3A_371 : vector<16xf32> to vector<1x16xf32>
        tpu.vector_store %arg7[%swap3A_379, %swap3A_380], %swap3A_383 {add = true, strides = array<i32>} : memref<16x1024xf32, #tpu.memory_space<vmem>>, vector<1x16xf32>,
        %swap3A_384 = arith.index_cast %scan3A_213 : i32 to index
        %swap3A_385 = arith.constant 208 : index
        %swap3A_386 = tpu.vector_load %arg7[%swap3A_384, %swap3A_385] {strides = array<i32>} : memref<16x1024xf32, #tpu.memory_space<vmem>>, vector<1x16xf32>,
        %swap3A_387 = vector.shape_cast %swap3A_386 : vector<1x16xf32> to vector<16xf32>
        %swap3A_388 = vector.shape_cast %bitcast_convert_type3A_378 : vector<16xf32> to vector<1x16xf32>
        tpu.vector_store %arg7[%swap3A_384, %swap3A_385], %swap3A_388 {add = true, strides = array<i32>} : memref<16x1024xf32, #tpu.memory_space<vmem>>, vector<1x16xf32>,
        %shift_left3A_389 = arith.constant 16 : i32
        %shift_left3A_390 = vector.broadcast %shift_left3A_389 : i32 to vector<16xi32>
        %shift_left3A_391 = arith.shli %get3A_245, %shift_left3A_390 : vector<16xi32>
        %bitcast_convert_type3A_392 = tpu.bitcast %shift_left3A_391 : vector<16xi32> -> vector<16xf32>
        %shift_right_logical3A_393 = arith.constant 16 : i32
        %shift_right_logical3A_394 = vector.broadcast %shift_right_logical3A_393 : i32 to vector<16xi32>
        %shift_right_logical3A_395 = arith.shrui %get3A_245, %shift_right_logical3A_394 : vector<16xi32>
        %shift_left3A_396 = arith.constant 16 : i32
        %shift_left3A_397 = vector.broadcast %shift_left3A_396 : i32 to vector<16xi32>
        %shift_left3A_398 = arith.shli %shift_right_logical3A_395, %shift_left3A_397 : vector<16xi32>
        %bitcast_convert_type3A_399 = tpu.bitcast %shift_left3A_398 : vector<16xi32> -> vector<16xf32>
        %swap3A_400 = arith.index_cast %scan3A_213 : i32 to index
        %swap3A_401 = arith.constant 224 : index
        %swap3A_402 = tpu.vector_load %arg7[%swap3A_400, %swap3A_401] {strides = array<i32>} : memref<16x1024xf32, #tpu.memory_space<vmem>>, vector<1x16xf32>,
        %swap3A_403 = vector.shape_cast %swap3A_402 : vector<1x16xf32> to vector<16xf32>
        %swap3A_404 = vector.shape_cast %bitcast_convert_type3A_392 : vector<16xf32> to vector<1x16xf32>
        tpu.vector_store %arg7[%swap3A_400, %swap3A_401], %swap3A_404 {add = true, strides = array<i32>} : memref<16x1024xf32, #tpu.memory_space<vmem>>, vector<1x16xf32>,
        %swap3A_405 = arith.index_cast %scan3A_213 : i32 to index
        %swap3A_406 = arith.constant 240 : index
        %swap3A_407 = tpu.vector_load %arg7[%swap3A_405, %swap3A_406] {strides = array<i32>} : memref<16x1024xf32, #tpu.memory_space<vmem>>, vector<1x16xf32>,
        %swap3A_408 = vector.shape_cast %swap3A_407 : vector<1x16xf32> to vector<16xf32>
        %swap3A_409 = vector.shape_cast %bitcast_convert_type3A_399 : vector<16xf32> to vector<1x16xf32>
        tpu.vector_store %arg7[%swap3A_405, %swap3A_406], %swap3A_409 {add = true, strides = array<i32>} : memref<16x1024xf32, #tpu.memory_space<vmem>>, vector<1x16xf32>,
        %get3A_410 = arith.index_cast %scan3A_213 : i32 to index
        %get3A_411 = arith.constant 128 : index
        %get3A_412 = tpu.vector_load %arg8[%get3A_410, %get3A_411] {strides = array<i32>} : memref<16x512xi32, #tpu.memory_space<vmem>>, vector<1x16xi32>,
        %get3A_413 = vector.shape_cast %get3A_412 : vector<1x16xi32> to vector<16xi32>
        %get3A_414 = arith.index_cast %scan3A_213 : i32 to index
        %get3A_415 = arith.constant 144 : index
        %get3A_416 = tpu.vector_load %arg8[%get3A_414, %get3A_415] {strides = array<i32>} : memref<16x512xi32, #tpu.memory_space<vmem>>, vector<1x16xi32>,
        %get3A_417 = vector.shape_cast %get3A_416 : vector<1x16xi32> to vector<16xi32>
        %get3A_418 = arith.index_cast %scan3A_213 : i32 to index
        %get3A_419 = arith.constant 160 : index
        %get3A_420 = tpu.vector_load %arg8[%get3A_418, %get3A_419] {strides = array<i32>} : memref<16x512xi32, #tpu.memory_space<vmem>>, vector<1x16xi32>,
        %get3A_421 = vector.shape_cast %get3A_420 : vector<1x16xi32> to vector<16xi32>
        %get3A_422 = arith.index_cast %scan3A_213 : i32 to index
        %get3A_423 = arith.constant 176 : index
        %get3A_424 = tpu.vector_load %arg8[%get3A_422, %get3A_423] {strides = array<i32>} : memref<16x512xi32, #tpu.memory_space<vmem>>, vector<1x16xi32>,
        %get3A_425 = vector.shape_cast %get3A_424 : vector<1x16xi32> to vector<16xi32>
        %get3A_426 = arith.index_cast %scan3A_213 : i32 to index
        %get3A_427 = arith.constant 192 : index
        %get3A_428 = tpu.vector_load %arg8[%get3A_426, %get3A_427] {strides = array<i32>} : memref<16x512xi32, #tpu.memory_space<vmem>>, vector<1x16xi32>,
        %get3A_429 = vector.shape_cast %get3A_428 : vector<1x16xi32> to vector<16xi32>
        %get3A_430 = arith.index_cast %scan3A_213 : i32 to index
        %get3A_431 = arith.constant 208 : index
        %get3A_432 = tpu.vector_load %arg8[%get3A_430, %get3A_431] {strides = array<i32>} : memref<16x512xi32, #tpu.memory_space<vmem>>, vector<1x16xi32>,
        %get3A_433 = vector.shape_cast %get3A_432 : vector<1x16xi32> to vector<16xi32>
        %get3A_434 = arith.index_cast %scan3A_213 : i32 to index
        %get3A_435 = arith.constant 224 : index
        %get3A_436 = tpu.vector_load %arg8[%get3A_434, %get3A_435] {strides = array<i32>} : memref<16x512xi32, #tpu.memory_space<vmem>>, vector<1x16xi32>,
        %get3A_437 = vector.shape_cast %get3A_436 : vector<1x16xi32> to vector<16xi32>
        %get3A_438 = arith.index_cast %scan3A_213 : i32 to index
        %get3A_439 = arith.constant 240 : index
        %get3A_440 = tpu.vector_load %arg8[%get3A_438, %get3A_439] {strides = array<i32>} : memref<16x512xi32, #tpu.memory_space<vmem>>, vector<1x16xi32>,
        %get3A_441 = vector.shape_cast %get3A_440 : vector<1x16xi32> to vector<16xi32>
        %shift_left3A_442 = arith.constant 16 : i32
        %shift_left3A_443 = vector.broadcast %shift_left3A_442 : i32 to vector<16xi32>
        %shift_left3A_444 = arith.shli %get3A_413, %shift_left3A_443 : vector<16xi32>
        %bitcast_convert_type3A_445 = tpu.bitcast %shift_left3A_444 : vector<16xi32> -> vector<16xf32>
        %shift_right_logical3A_446 = arith.constant 16 : i32
        %shift_right_logical3A_447 = vector.broadcast %shift_right_logical3A_446 : i32 to vector<16xi32>
        %shift_right_logical3A_448 = arith.shrui %get3A_413, %shift_right_logical3A_447 : vector<16xi32>
        %shift_left3A_449 = arith.constant 16 : i32
        %shift_left3A_450 = vector.broadcast %shift_left3A_449 : i32 to vector<16xi32>
        %shift_left3A_451 = arith.shli %shift_right_logical3A_448, %shift_left3A_450 : vector<16xi32>
        %bitcast_convert_type3A_452 = tpu.bitcast %shift_left3A_451 : vector<16xi32> -> vector<16xf32>
        %swap3A_453 = arith.index_cast %scan3A_213 : i32 to index
        %swap3A_454 = arith.constant 256 : index
        %swap3A_455 = tpu.vector_load %arg7[%swap3A_453, %swap3A_454] {strides = array<i32>} : memref<16x1024xf32, #tpu.memory_space<vmem>>, vector<1x16xf32>,
        %swap3A_456 = vector.shape_cast %swap3A_455 : vector<1x16xf32> to vector<16xf32>
        %swap3A_457 = vector.shape_cast %bitcast_convert_type3A_445 : vector<16xf32> to vector<1x16xf32>
        tpu.vector_store %arg7[%swap3A_453, %swap3A_454], %swap3A_457 {add = true, strides = array<i32>} : memref<16x1024xf32, #tpu.memory_space<vmem>>, vector<1x16xf32>,
        %swap3A_458 = arith.index_cast %scan3A_213 : i32 to index
        %swap3A_459 = arith.constant 272 : index
        %swap3A_460 = tpu.vector_load %arg7[%swap3A_458, %swap3A_459] {strides = array<i32>} : memref<16x1024xf32, #tpu.memory_space<vmem>>, vector<1x16xf32>,
        %swap3A_461 = vector.shape_cast %swap3A_460 : vector<1x16xf32> to vector<16xf32>
        %swap3A_462 = vector.shape_cast %bitcast_convert_type3A_452 : vector<16xf32> to vector<1x16xf32>
        tpu.vector_store %arg7[%swap3A_458, %swap3A_459], %swap3A_462 {add = true, strides = array<i32>} : memref<16x1024xf32, #tpu.memory_space<vmem>>, vector<1x16xf32>,
        %shift_left3A_463 = arith.constant 16 : i32
        %shift_left3A_464 = vector.broadcast %shift_left3A_463 : i32 to vector<16xi32>
        %shift_left3A_465 = arith.shli %get3A_417, %shift_left3A_464 : vector<16xi32>
        %bitcast_convert_type3A_466 = tpu.bitcast %shift_left3A_465 : vector<16xi32> -> vector<16xf32>
        %shift_right_logical3A_467 = arith.constant 16 : i32
        %shift_right_logical3A_468 = vector.broadcast %shift_right_logical3A_467 : i32 to vector<16xi32>
        %shift_right_logical3A_469 = arith.shrui %get3A_417, %shift_right_logical3A_468 : vector<16xi32>
        %shift_left3A_470 = arith.constant 16 : i32
        %shift_left3A_471 = vector.broadcast %shift_left3A_470 : i32 to vector<16xi32>
        %shift_left3A_472 = arith.shli %shift_right_logical3A_469, %shift_left3A_471 : vector<16xi32>
        %bitcast_convert_type3A_473 = tpu.bitcast %shift_left3A_472 : vector<16xi32> -> vector<16xf32>
        %swap3A_474 = arith.index_cast %scan3A_213 : i32 to index
        %swap3A_475 = arith.constant 288 : index
        %swap3A_476 = tpu.vector_load %arg7[%swap3A_474, %swap3A_475] {strides = array<i32>} : memref<16x1024xf32, #tpu.memory_space<vmem>>, vector<1x16xf32>,
        %swap3A_477 = vector.shape_cast %swap3A_476 : vector<1x16xf32> to vector<16xf32>
        %swap3A_478 = vector.shape_cast %bitcast_convert_type3A_466 : vector<16xf32> to vector<1x16xf32>
        tpu.vector_store %arg7[%swap3A_474, %swap3A_475], %swap3A_478 {add = true, strides = array<i32>} : memref<16x1024xf32, #tpu.memory_space<vmem>>, vector<1x16xf32>,
        %swap3A_479 = arith.index_cast %scan3A_213 : i32 to index
        %swap3A_480 = arith.constant 304 : index
        %swap3A_481 = tpu.vector_load %arg7[%swap3A_479, %swap3A_480] {strides = array<i32>} : memref<16x1024xf32, #tpu.memory_space<vmem>>, vector<1x16xf32>,
        %swap3A_482 = vector.shape_cast %swap3A_481 : vector<1x16xf32> to vector<16xf32>
        %swap3A_483 = vector.shape_cast %bitcast_convert_type3A_473 : vector<16xf32> to vector<1x16xf32>
        tpu.vector_store %arg7[%swap3A_479, %swap3A_480], %swap3A_483 {add = true, strides = array<i32>} : memref<16x1024xf32, #tpu.memory_space<vmem>>, vector<1x16xf32>,
        %shift_left3A_484 = arith.constant 16 : i32
        %shift_left3A_485 = vector.broadcast %shift_left3A_484 : i32 to vector<16xi32>
        %shift_left3A_486 = arith.shli %get3A_421, %shift_left3A_485 : vector<16xi32>
        %bitcast_convert_type3A_487 = tpu.bitcast %shift_left3A_486 : vector<16xi32> -> vector<16xf32>
        %shift_right_logical3A_488 = arith.constant 16 : i32
        %shift_right_logical3A_489 = vector.broadcast %shift_right_logical3A_488 : i32 to vector<16xi32>
        %shift_right_logical3A_490 = arith.shrui %get3A_421, %shift_right_logical3A_489 : vector<16xi32>
        %shift_left3A_491 = arith.constant 16 : i32
        %shift_left3A_492 = vector.broadcast %shift_left3A_491 : i32 to vector<16xi32>
        %shift_left3A_493 = arith.shli %shift_right_logical3A_490, %shift_left3A_492 : vector<16xi32>
        %bitcast_convert_type3A_494 = tpu.bitcast %shift_left3A_493 : vector<16xi32> -> vector<16xf32>
        %swap3A_495 = arith.index_cast %scan3A_213 : i32 to index
        %swap3A_496 = arith.constant 320 : index
        %swap3A_497 = tpu.vector_load %arg7[%swap3A_495, %swap3A_496] {strides = array<i32>} : memref<16x1024xf32, #tpu.memory_space<vmem>>, vector<1x16xf32>,
        %swap3A_498 = vector.shape_cast %swap3A_497 : vector<1x16xf32> to vector<16xf32>
        %swap3A_499 = vector.shape_cast %bitcast_convert_type3A_487 : vector<16xf32> to vector<1x16xf32>
        tpu.vector_store %arg7[%swap3A_495, %swap3A_496], %swap3A_499 {add = true, strides = array<i32>} : memref<16x1024xf32, #tpu.memory_space<vmem>>, vector<1x16xf32>,
        %swap3A_500 = arith.index_cast %scan3A_213 : i32 to index
        %swap3A_501 = arith.constant 336 : index
        %swap3A_502 = tpu.vector_load %arg7[%swap3A_500, %swap3A_501] {strides = array<i32>} : memref<16x1024xf32, #tpu.memory_space<vmem>>, vector<1x16xf32>,
        %swap3A_503 = vector.shape_cast %swap3A_502 : vector<1x16xf32> to vector<16xf32>
        %swap3A_504 = vector.shape_cast %bitcast_convert_type3A_494 : vector<16xf32> to vector<1x16xf32>
        tpu.vector_store %arg7[%swap3A_500, %swap3A_501], %swap3A_504 {add = true, strides = array<i32>} : memref<16x1024xf32, #tpu.memory_space<vmem>>, vector<1x16xf32>,
        %shift_left3A_505 = arith.constant 16 : i32
        %shift_left3A_506 = vector.broadcast %shift_left3A_505 : i32 to vector<16xi32>
        %shift_left3A_507 = arith.shli %get3A_425, %shift_left3A_506 : vector<16xi32>
        %bitcast_convert_type3A_508 = tpu.bitcast %shift_left3A_507 : vector<16xi32> -> vector<16xf32>
        %shift_right_logical3A_509 = arith.constant 16 : i32
        %shift_right_logical3A_510 = vector.broadcast %shift_right_logical3A_509 : i32 to vector<16xi32>
        %shift_right_logical3A_511 = arith.shrui %get3A_425, %shift_right_logical3A_510 : vector<16xi32>
        %shift_left3A_512 = arith.constant 16 : i32
        %shift_left3A_513 = vector.broadcast %shift_left3A_512 : i32 to vector<16xi32>
        %shift_left3A_514 = arith.shli %shift_right_logical3A_511, %shift_left3A_513 : vector<16xi32>
        %bitcast_convert_type3A_515 = tpu.bitcast %shift_left3A_514 : vector<16xi32> -> vector<16xf32>
        %swap3A_516 = arith.index_cast %scan3A_213 : i32 to index
        %swap3A_517 = arith.constant 352 : index
        %swap3A_518 = tpu.vector_load %arg7[%swap3A_516, %swap3A_517] {strides = array<i32>} : memref<16x1024xf32, #tpu.memory_space<vmem>>, vector<1x16xf32>,
        %swap3A_519 = vector.shape_cast %swap3A_518 : vector<1x16xf32> to vector<16xf32>
        %swap3A_520 = vector.shape_cast %bitcast_convert_type3A_508 : vector<16xf32> to vector<1x16xf32>
        tpu.vector_store %arg7[%swap3A_516, %swap3A_517], %swap3A_520 {add = true, strides = array<i32>} : memref<16x1024xf32, #tpu.memory_space<vmem>>, vector<1x16xf32>,
        %swap3A_521 = arith.index_cast %scan3A_213 : i32 to index
        %swap3A_522 = arith.constant 368 : index
        %swap3A_523 = tpu.vector_load %arg7[%swap3A_521, %swap3A_522] {strides = array<i32>} : memref<16x1024xf32, #tpu.memory_space<vmem>>, vector<1x16xf32>,
        %swap3A_524 = vector.shape_cast %swap3A_523 : vector<1x16xf32> to vector<16xf32>
        %swap3A_525 = vector.shape_cast %bitcast_convert_type3A_515 : vector<16xf32> to vector<1x16xf32>
        tpu.vector_store %arg7[%swap3A_521, %swap3A_522], %swap3A_525 {add = true, strides = array<i32>} : memref<16x1024xf32, #tpu.memory_space<vmem>>, vector<1x16xf32>,
        %shift_left3A_526 = arith.constant 16 : i32
        %shift_left3A_527 = vector.broadcast %shift_left3A_526 : i32 to vector<16xi32>
        %shift_left3A_528 = arith.shli %get3A_429, %shift_left3A_527 : vector<16xi32>
        %bitcast_convert_type3A_529 = tpu.bitcast %shift_left3A_528 : vector<16xi32> -> vector<16xf32>
        %shift_right_logical3A_530 = arith.constant 16 : i32
        %shift_right_logical3A_531 = vector.broadcast %shift_right_logical3A_530 : i32 to vector<16xi32>
        %shift_right_logical3A_532 = arith.shrui %get3A_429, %shift_right_logical3A_531 : vector<16xi32>
        %shift_left3A_533 = arith.constant 16 : i32
        %shift_left3A_534 = vector.broadcast %shift_left3A_533 : i32 to vector<16xi32>
        %shift_left3A_535 = arith.shli %shift_right_logical3A_532, %shift_left3A_534 : vector<16xi32>
        %bitcast_convert_type3A_536 = tpu.bitcast %shift_left3A_535 : vector<16xi32> -> vector<16xf32>
        %swap3A_537 = arith.index_cast %scan3A_213 : i32 to index
        %swap3A_538 = arith.constant 384 : index
        %swap3A_539 = tpu.vector_load %arg7[%swap3A_537, %swap3A_538] {strides = array<i32>} : memref<16x1024xf32, #tpu.memory_space<vmem>>, vector<1x16xf32>,
        %swap3A_540 = vector.shape_cast %swap3A_539 : vector<1x16xf32> to vector<16xf32>
        %swap3A_541 = vector.shape_cast %bitcast_convert_type3A_529 : vector<16xf32> to vector<1x16xf32>
        tpu.vector_store %arg7[%swap3A_537, %swap3A_538], %swap3A_541 {add = true, strides = array<i32>} : memref<16x1024xf32, #tpu.memory_space<vmem>>, vector<1x16xf32>,
        %swap3A_542 = arith.index_cast %scan3A_213 : i32 to index
        %swap3A_543 = arith.constant 400 : index
        %swap3A_544 = tpu.vector_load %arg7[%swap3A_542, %swap3A_543] {strides = array<i32>} : memref<16x1024xf32, #tpu.memory_space<vmem>>, vector<1x16xf32>,
        %swap3A_545 = vector.shape_cast %swap3A_544 : vector<1x16xf32> to vector<16xf32>
        %swap3A_546 = vector.shape_cast %bitcast_convert_type3A_536 : vector<16xf32> to vector<1x16xf32>
        tpu.vector_store %arg7[%swap3A_542, %swap3A_543], %swap3A_546 {add = true, strides = array<i32>} : memref<16x1024xf32, #tpu.memory_space<vmem>>, vector<1x16xf32>,
        %shift_left3A_547 = arith.constant 16 : i32
        %shift_left3A_548 = vector.broadcast %shift_left3A_547 : i32 to vector<16xi32>
        %shift_left3A_549 = arith.shli %get3A_433, %shift_left3A_548 : vector<16xi32>
        %bitcast_convert_type3A_550 = tpu.bitcast %shift_left3A_549 : vector<16xi32> -> vector<16xf32>
        %shift_right_logical3A_551 = arith.constant 16 : i32
        %shift_right_logical3A_552 = vector.broadcast %shift_right_logical3A_551 : i32 to vector<16xi32>
        %shift_right_logical3A_553 = arith.shrui %get3A_433, %shift_right_logical3A_552 : vector<16xi32>
        %shift_left3A_554 = arith.constant 16 : i32
        %shift_left3A_555 = vector.broadcast %shift_left3A_554 : i32 to vector<16xi32>
        %shift_left3A_556 = arith.shli %shift_right_logical3A_553, %shift_left3A_555 : vector<16xi32>
        %bitcast_convert_type3A_557 = tpu.bitcast %shift_left3A_556 : vector<16xi32> -> vector<16xf32>
        %swap3A_558 = arith.index_cast %scan3A_213 : i32 to index
        %swap3A_559 = arith.constant 416 : index
        %swap3A_560 = tpu.vector_load %arg7[%swap3A_558, %swap3A_559] {strides = array<i32>} : memref<16x1024xf32, #tpu.memory_space<vmem>>, vector<1x16xf32>,
        %swap3A_561 = vector.shape_cast %swap3A_560 : vector<1x16xf32> to vector<16xf32>
        %swap3A_562 = vector.shape_cast %bitcast_convert_type3A_550 : vector<16xf32> to vector<1x16xf32>
        tpu.vector_store %arg7[%swap3A_558, %swap3A_559], %swap3A_562 {add = true, strides = array<i32>} : memref<16x1024xf32, #tpu.memory_space<vmem>>, vector<1x16xf32>,
        %swap3A_563 = arith.index_cast %scan3A_213 : i32 to index
        %swap3A_564 = arith.constant 432 : index
        %swap3A_565 = tpu.vector_load %arg7[%swap3A_563, %swap3A_564] {strides = array<i32>} : memref<16x1024xf32, #tpu.memory_space<vmem>>, vector<1x16xf32>,
        %swap3A_566 = vector.shape_cast %swap3A_565 : vector<1x16xf32> to vector<16xf32>
        %swap3A_567 = vector.shape_cast %bitcast_convert_type3A_557 : vector<16xf32> to vector<1x16xf32>
        tpu.vector_store %arg7[%swap3A_563, %swap3A_564], %swap3A_567 {add = true, strides = array<i32>} : memref<16x1024xf32, #tpu.memory_space<vmem>>, vector<1x16xf32>,
        %shift_left3A_568 = arith.constant 16 : i32
        %shift_left3A_569 = vector.broadcast %shift_left3A_568 : i32 to vector<16xi32>
        %shift_left3A_570 = arith.shli %get3A_437, %shift_left3A_569 : vector<16xi32>
        %bitcast_convert_type3A_571 = tpu.bitcast %shift_left3A_570 : vector<16xi32> -> vector<16xf32>
        %shift_right_logical3A_572 = arith.constant 16 : i32
        %shift_right_logical3A_573 = vector.broadcast %shift_right_logical3A_572 : i32 to vector<16xi32>
        %shift_right_logical3A_574 = arith.shrui %get3A_437, %shift_right_logical3A_573 : vector<16xi32>
        %shift_left3A_575 = arith.constant 16 : i32
        %shift_left3A_576 = vector.broadcast %shift_left3A_575 : i32 to vector<16xi32>
        %shift_left3A_577 = arith.shli %shift_right_logical3A_574, %shift_left3A_576 : vector<16xi32>
        %bitcast_convert_type3A_578 = tpu.bitcast %shift_left3A_577 : vector<16xi32> -> vector<16xf32>
        %swap3A_579 = arith.index_cast %scan3A_213 : i32 to index
        %swap3A_580 = arith.constant 448 : index
        %swap3A_581 = tpu.vector_load %arg7[%swap3A_579, %swap3A_580] {strides = array<i32>} : memref<16x1024xf32, #tpu.memory_space<vmem>>, vector<1x16xf32>,
        %swap3A_582 = vector.shape_cast %swap3A_581 : vector<1x16xf32> to vector<16xf32>
        %swap3A_583 = vector.shape_cast %bitcast_convert_type3A_571 : vector<16xf32> to vector<1x16xf32>
        tpu.vector_store %arg7[%swap3A_579, %swap3A_580], %swap3A_583 {add = true, strides = array<i32>} : memref<16x1024xf32, #tpu.memory_space<vmem>>, vector<1x16xf32>,
        %swap3A_584 = arith.index_cast %scan3A_213 : i32 to index
        %swap3A_585 = arith.constant 464 : index
        %swap3A_586 = tpu.vector_load %arg7[%swap3A_584, %swap3A_585] {strides = array<i32>} : memref<16x1024xf32, #tpu.memory_space<vmem>>, vector<1x16xf32>,
        %swap3A_587 = vector.shape_cast %swap3A_586 : vector<1x16xf32> to vector<16xf32>
        %swap3A_588 = vector.shape_cast %bitcast_convert_type3A_578 : vector<16xf32> to vector<1x16xf32>
        tpu.vector_store %arg7[%swap3A_584, %swap3A_585], %swap3A_588 {add = true, strides = array<i32>} : memref<16x1024xf32, #tpu.memory_space<vmem>>, vector<1x16xf32>,
        %shift_left3A_589 = arith.constant 16 : i32
        %shift_left3A_590 = vector.broadcast %shift_left3A_589 : i32 to vector<16xi32>
        %shift_left3A_591 = arith.shli %get3A_441, %shift_left3A_590 : vector<16xi32>
        %bitcast_convert_type3A_592 = tpu.bitcast %shift_left3A_591 : vector<16xi32> -> vector<16xf32>
        %shift_right_logical3A_593 = arith.constant 16 : i32
        %shift_right_logical3A_594 = vector.broadcast %shift_right_logical3A_593 : i32 to vector<16xi32>
        %shift_right_logical3A_595 = arith.shrui %get3A_441, %shift_right_logical3A_594 : vector<16xi32>
        %shift_left3A_596 = arith.constant 16 : i32
        %shift_left3A_597 = vector.broadcast %shift_left3A_596 : i32 to vector<16xi32>
        %shift_left3A_598 = arith.shli %shift_right_logical3A_595, %shift_left3A_597 : vector<16xi32>
        %bitcast_convert_type3A_599 = tpu.bitcast %shift_left3A_598 : vector<16xi32> -> vector<16xf32>
        %swap3A_600 = arith.index_cast %scan3A_213 : i32 to index
        %swap3A_601 = arith.constant 480 : index
        %swap3A_602 = tpu.vector_load %arg7[%swap3A_600, %swap3A_601] {strides = array<i32>} : memref<16x1024xf32, #tpu.memory_space<vmem>>, vector<1x16xf32>,
        %swap3A_603 = vector.shape_cast %swap3A_602 : vector<1x16xf32> to vector<16xf32>
        %swap3A_604 = vector.shape_cast %bitcast_convert_type3A_592 : vector<16xf32> to vector<1x16xf32>
        tpu.vector_store %arg7[%swap3A_600, %swap3A_601], %swap3A_604 {add = true, strides = array<i32>} : memref<16x1024xf32, #tpu.memory_space<vmem>>, vector<1x16xf32>,
        %swap3A_605 = arith.index_cast %scan3A_213 : i32 to index
        %swap3A_606 = arith.constant 496 : index
        %swap3A_607 = tpu.vector_load %arg7[%swap3A_605, %swap3A_606] {strides = array<i32>} : memref<16x1024xf32, #tpu.memory_space<vmem>>, vector<1x16xf32>,
        %swap3A_608 = vector.shape_cast %swap3A_607 : vector<1x16xf32> to vector<16xf32>
        %swap3A_609 = vector.shape_cast %bitcast_convert_type3A_599 : vector<16xf32> to vector<1x16xf32>
        tpu.vector_store %arg7[%swap3A_605, %swap3A_606], %swap3A_609 {add = true, strides = array<i32>} : memref<16x1024xf32, #tpu.memory_space<vmem>>, vector<1x16xf32>,
        %get3A_610 = arith.index_cast %scan3A_213 : i32 to index
        %get3A_611 = arith.constant 256 : index
        %get3A_612 = tpu.vector_load %arg8[%get3A_610, %get3A_611] {strides = array<i32>} : memref<16x512xi32, #tpu.memory_space<vmem>>, vector<1x16xi32>,
        %get3A_613 = vector.shape_cast %get3A_612 : vector<1x16xi32> to vector<16xi32>
        %get3A_614 = arith.index_cast %scan3A_213 : i32 to index
        %get3A_615 = arith.constant 272 : index
        %get3A_616 = tpu.vector_load %arg8[%get3A_614, %get3A_615] {strides = array<i32>} : memref<16x512xi32, #tpu.memory_space<vmem>>, vector<1x16xi32>,
        %get3A_617 = vector.shape_cast %get3A_616 : vector<1x16xi32> to vector<16xi32>
        %get3A_618 = arith.index_cast %scan3A_213 : i32 to index
        %get3A_619 = arith.constant 288 : index
        %get3A_620 = tpu.vector_load %arg8[%get3A_618, %get3A_619] {strides = array<i32>} : memref<16x512xi32, #tpu.memory_space<vmem>>, vector<1x16xi32>,
        %get3A_621 = vector.shape_cast %get3A_620 : vector<1x16xi32> to vector<16xi32>
        %get3A_622 = arith.index_cast %scan3A_213 : i32 to index
        %get3A_623 = arith.constant 304 : index
        %get3A_624 = tpu.vector_load %arg8[%get3A_622, %get3A_623] {strides = array<i32>} : memref<16x512xi32, #tpu.memory_space<vmem>>, vector<1x16xi32>,
        %get3A_625 = vector.shape_cast %get3A_624 : vector<1x16xi32> to vector<16xi32>
        %get3A_626 = arith.index_cast %scan3A_213 : i32 to index
        %get3A_627 = arith.constant 320 : index
        %get3A_628 = tpu.vector_load %arg8[%get3A_626, %get3A_627] {strides = array<i32>} : memref<16x512xi32, #tpu.memory_space<vmem>>, vector<1x16xi32>,
        %get3A_629 = vector.shape_cast %get3A_628 : vector<1x16xi32> to vector<16xi32>
        %get3A_630 = arith.index_cast %scan3A_213 : i32 to index
        %get3A_631 = arith.constant 336 : index
        %get3A_632 = tpu.vector_load %arg8[%get3A_630, %get3A_631] {strides = array<i32>} : memref<16x512xi32, #tpu.memory_space<vmem>>, vector<1x16xi32>,
        %get3A_633 = vector.shape_cast %get3A_632 : vector<1x16xi32> to vector<16xi32>
        %get3A_634 = arith.index_cast %scan3A_213 : i32 to index
        %get3A_635 = arith.constant 352 : index
        %get3A_636 = tpu.vector_load %arg8[%get3A_634, %get3A_635] {strides = array<i32>} : memref<16x512xi32, #tpu.memory_space<vmem>>, vector<1x16xi32>,
        %get3A_637 = vector.shape_cast %get3A_636 : vector<1x16xi32> to vector<16xi32>
        %get3A_638 = arith.index_cast %scan3A_213 : i32 to index
        %get3A_639 = arith.constant 368 : index
        %get3A_640 = tpu.vector_load %arg8[%get3A_638, %get3A_639] {strides = array<i32>} : memref<16x512xi32, #tpu.memory_space<vmem>>, vector<1x16xi32>,
        %get3A_641 = vector.shape_cast %get3A_640 : vector<1x16xi32> to vector<16xi32>
        %shift_left3A_642 = arith.constant 16 : i32
        %shift_left3A_643 = vector.broadcast %shift_left3A_642 : i32 to vector<16xi32>
        %shift_left3A_644 = arith.shli %get3A_613, %shift_left3A_643 : vector<16xi32>
        %bitcast_convert_type3A_645 = tpu.bitcast %shift_left3A_644 : vector<16xi32> -> vector<16xf32>
        %shift_right_logical3A_646 = arith.constant 16 : i32
        %shift_right_logical3A_647 = vector.broadcast %shift_right_logical3A_646 : i32 to vector<16xi32>
        %shift_right_logical3A_648 = arith.shrui %get3A_613, %shift_right_logical3A_647 : vector<16xi32>
        %shift_left3A_649 = arith.constant 16 : i32
        %shift_left3A_650 = vector.broadcast %shift_left3A_649 : i32 to vector<16xi32>
        %shift_left3A_651 = arith.shli %shift_right_logical3A_648, %shift_left3A_650 : vector<16xi32>
        %bitcast_convert_type3A_652 = tpu.bitcast %shift_left3A_651 : vector<16xi32> -> vector<16xf32>
        %swap3A_653 = arith.index_cast %scan3A_213 : i32 to index
        %swap3A_654 = arith.constant 512 : index
        %swap3A_655 = tpu.vector_load %arg7[%swap3A_653, %swap3A_654] {strides = array<i32>} : memref<16x1024xf32, #tpu.memory_space<vmem>>, vector<1x16xf32>,
        %swap3A_656 = vector.shape_cast %swap3A_655 : vector<1x16xf32> to vector<16xf32>
        %swap3A_657 = vector.shape_cast %bitcast_convert_type3A_645 : vector<16xf32> to vector<1x16xf32>
        tpu.vector_store %arg7[%swap3A_653, %swap3A_654], %swap3A_657 {add = true, strides = array<i32>} : memref<16x1024xf32, #tpu.memory_space<vmem>>, vector<1x16xf32>,
        %swap3A_658 = arith.index_cast %scan3A_213 : i32 to index
        %swap3A_659 = arith.constant 528 : index
        %swap3A_660 = tpu.vector_load %arg7[%swap3A_658, %swap3A_659] {strides = array<i32>} : memref<16x1024xf32, #tpu.memory_space<vmem>>, vector<1x16xf32>,
        %swap3A_661 = vector.shape_cast %swap3A_660 : vector<1x16xf32> to vector<16xf32>
        %swap3A_662 = vector.shape_cast %bitcast_convert_type3A_652 : vector<16xf32> to vector<1x16xf32>
        tpu.vector_store %arg7[%swap3A_658, %swap3A_659], %swap3A_662 {add = true, strides = array<i32>} : memref<16x1024xf32, #tpu.memory_space<vmem>>, vector<1x16xf32>,
        %shift_left3A_663 = arith.constant 16 : i32
        %shift_left3A_664 = vector.broadcast %shift_left3A_663 : i32 to vector<16xi32>
        %shift_left3A_665 = arith.shli %get3A_617, %shift_left3A_664 : vector<16xi32>
        %bitcast_convert_type3A_666 = tpu.bitcast %shift_left3A_665 : vector<16xi32> -> vector<16xf32>
        %shift_right_logical3A_667 = arith.constant 16 : i32
        %shift_right_logical3A_668 = vector.broadcast %shift_right_logical3A_667 : i32 to vector<16xi32>
        %shift_right_logical3A_669 = arith.shrui %get3A_617, %shift_right_logical3A_668 : vector<16xi32>
        %shift_left3A_670 = arith.constant 16 : i32
        %shift_left3A_671 = vector.broadcast %shift_left3A_670 : i32 to vector<16xi32>
        %shift_left3A_672 = arith.shli %shift_right_logical3A_669, %shift_left3A_671 : vector<16xi32>
        %bitcast_convert_type3A_673 = tpu.bitcast %shift_left3A_672 : vector<16xi32> -> vector<16xf32>
        %swap3A_674 = arith.index_cast %scan3A_213 : i32 to index
        %swap3A_675 = arith.constant 544 : index
        %swap3A_676 = tpu.vector_load %arg7[%swap3A_674, %swap3A_675] {strides = array<i32>} : memref<16x1024xf32, #tpu.memory_space<vmem>>, vector<1x16xf32>,
        %swap3A_677 = vector.shape_cast %swap3A_676 : vector<1x16xf32> to vector<16xf32>
        %swap3A_678 = vector.shape_cast %bitcast_convert_type3A_666 : vector<16xf32> to vector<1x16xf32>
        tpu.vector_store %arg7[%swap3A_674, %swap3A_675], %swap3A_678 {add = true, strides = array<i32>} : memref<16x1024xf32, #tpu.memory_space<vmem>>, vector<1x16xf32>,
        %swap3A_679 = arith.index_cast %scan3A_213 : i32 to index
        %swap3A_680 = arith.constant 560 : index
        %swap3A_681 = tpu.vector_load %arg7[%swap3A_679, %swap3A_680] {strides = array<i32>} : memref<16x1024xf32, #tpu.memory_space<vmem>>, vector<1x16xf32>,
        %swap3A_682 = vector.shape_cast %swap3A_681 : vector<1x16xf32> to vector<16xf32>
        %swap3A_683 = vector.shape_cast %bitcast_convert_type3A_673 : vector<16xf32> to vector<1x16xf32>
        tpu.vector_store %arg7[%swap3A_679, %swap3A_680], %swap3A_683 {add = true, strides = array<i32>} : memref<16x1024xf32, #tpu.memory_space<vmem>>, vector<1x16xf32>,
        %shift_left3A_684 = arith.constant 16 : i32
        %shift_left3A_685 = vector.broadcast %shift_left3A_684 : i32 to vector<16xi32>
        %shift_left3A_686 = arith.shli %get3A_621, %shift_left3A_685 : vector<16xi32>
        %bitcast_convert_type3A_687 = tpu.bitcast %shift_left3A_686 : vector<16xi32> -> vector<16xf32>
        %shift_right_logical3A_688 = arith.constant 16 : i32
        %shift_right_logical3A_689 = vector.broadcast %shift_right_logical3A_688 : i32 to vector<16xi32>
        %shift_right_logical3A_690 = arith.shrui %get3A_621, %shift_right_logical3A_689 : vector<16xi32>
        %shift_left3A_691 = arith.constant 16 : i32
        %shift_left3A_692 = vector.broadcast %shift_left3A_691 : i32 to vector<16xi32>
        %shift_left3A_693 = arith.shli %shift_right_logical3A_690, %shift_left3A_692 : vector<16xi32>
        %bitcast_convert_type3A_694 = tpu.bitcast %shift_left3A_693 : vector<16xi32> -> vector<16xf32>
        %swap3A_695 = arith.index_cast %scan3A_213 : i32 to index
        %swap3A_696 = arith.constant 576 : index
        %swap3A_697 = tpu.vector_load %arg7[%swap3A_695, %swap3A_696] {strides = array<i32>} : memref<16x1024xf32, #tpu.memory_space<vmem>>, vector<1x16xf32>,
        %swap3A_698 = vector.shape_cast %swap3A_697 : vector<1x16xf32> to vector<16xf32>
        %swap3A_699 = vector.shape_cast %bitcast_convert_type3A_687 : vector<16xf32> to vector<1x16xf32>
        tpu.vector_store %arg7[%swap3A_695, %swap3A_696], %swap3A_699 {add = true, strides = array<i32>} : memref<16x1024xf32, #tpu.memory_space<vmem>>, vector<1x16xf32>,
        %swap3A_700 = arith.index_cast %scan3A_213 : i32 to index
        %swap3A_701 = arith.constant 592 : index
        %swap3A_702 = tpu.vector_load %arg7[%swap3A_700, %swap3A_701] {strides = array<i32>} : memref<16x1024xf32, #tpu.memory_space<vmem>>, vector<1x16xf32>,
        %swap3A_703 = vector.shape_cast %swap3A_702 : vector<1x16xf32> to vector<16xf32>
        %swap3A_704 = vector.shape_cast %bitcast_convert_type3A_694 : vector<16xf32> to vector<1x16xf32>
        tpu.vector_store %arg7[%swap3A_700, %swap3A_701], %swap3A_704 {add = true, strides = array<i32>} : memref<16x1024xf32, #tpu.memory_space<vmem>>, vector<1x16xf32>,
        %shift_left3A_705 = arith.constant 16 : i32
        %shift_left3A_706 = vector.broadcast %shift_left3A_705 : i32 to vector<16xi32>
        %shift_left3A_707 = arith.shli %get3A_625, %shift_left3A_706 : vector<16xi32>
        %bitcast_convert_type3A_708 = tpu.bitcast %shift_left3A_707 : vector<16xi32> -> vector<16xf32>
        %shift_right_logical3A_709 = arith.constant 16 : i32
        %shift_right_logical3A_710 = vector.broadcast %shift_right_logical3A_709 : i32 to vector<16xi32>
        %shift_right_logical3A_711 = arith.shrui %get3A_625, %shift_right_logical3A_710 : vector<16xi32>
        %shift_left3A_712 = arith.constant 16 : i32
        %shift_left3A_713 = vector.broadcast %shift_left3A_712 : i32 to vector<16xi32>
        %shift_left3A_714 = arith.shli %shift_right_logical3A_711, %shift_left3A_713 : vector<16xi32>
        %bitcast_convert_type3A_715 = tpu.bitcast %shift_left3A_714 : vector<16xi32> -> vector<16xf32>
        %swap3A_716 = arith.index_cast %scan3A_213 : i32 to index
        %swap3A_717 = arith.constant 608 : index
        %swap3A_718 = tpu.vector_load %arg7[%swap3A_716, %swap3A_717] {strides = array<i32>} : memref<16x1024xf32, #tpu.memory_space<vmem>>, vector<1x16xf32>,
        %swap3A_719 = vector.shape_cast %swap3A_718 : vector<1x16xf32> to vector<16xf32>
        %swap3A_720 = vector.shape_cast %bitcast_convert_type3A_708 : vector<16xf32> to vector<1x16xf32>
        tpu.vector_store %arg7[%swap3A_716, %swap3A_717], %swap3A_720 {add = true, strides = array<i32>} : memref<16x1024xf32, #tpu.memory_space<vmem>>, vector<1x16xf32>,
        %swap3A_721 = arith.index_cast %scan3A_213 : i32 to index
        %swap3A_722 = arith.constant 624 : index
        %swap3A_723 = tpu.vector_load %arg7[%swap3A_721, %swap3A_722] {strides = array<i32>} : memref<16x1024xf32, #tpu.memory_space<vmem>>, vector<1x16xf32>,
        %swap3A_724 = vector.shape_cast %swap3A_723 : vector<1x16xf32> to vector<16xf32>
        %swap3A_725 = vector.shape_cast %bitcast_convert_type3A_715 : vector<16xf32> to vector<1x16xf32>
        tpu.vector_store %arg7[%swap3A_721, %swap3A_722], %swap3A_725 {add = true, strides = array<i32>} : memref<16x1024xf32, #tpu.memory_space<vmem>>, vector<1x16xf32>,
        %shift_left3A_726 = arith.constant 16 : i32
        %shift_left3A_727 = vector.broadcast %shift_left3A_726 : i32 to vector<16xi32>
        %shift_left3A_728 = arith.shli %get3A_629, %shift_left3A_727 : vector<16xi32>
        %bitcast_convert_type3A_729 = tpu.bitcast %shift_left3A_728 : vector<16xi32> -> vector<16xf32>
        %shift_right_logical3A_730 = arith.constant 16 : i32
        %shift_right_logical3A_731 = vector.broadcast %shift_right_logical3A_730 : i32 to vector<16xi32>
        %shift_right_logical3A_732 = arith.shrui %get3A_629, %shift_right_logical3A_731 : vector<16xi32>
        %shift_left3A_733 = arith.constant 16 : i32
        %shift_left3A_734 = vector.broadcast %shift_left3A_733 : i32 to vector<16xi32>
        %shift_left3A_735 = arith.shli %shift_right_logical3A_732, %shift_left3A_734 : vector<16xi32>
        %bitcast_convert_type3A_736 = tpu.bitcast %shift_left3A_735 : vector<16xi32> -> vector<16xf32>
        %swap3A_737 = arith.index_cast %scan3A_213 : i32 to index
        %swap3A_738 = arith.constant 640 : index
        %swap3A_739 = tpu.vector_load %arg7[%swap3A_737, %swap3A_738] {strides = array<i32>} : memref<16x1024xf32, #tpu.memory_space<vmem>>, vector<1x16xf32>,
        %swap3A_740 = vector.shape_cast %swap3A_739 : vector<1x16xf32> to vector<16xf32>
        %swap3A_741 = vector.shape_cast %bitcast_convert_type3A_729 : vector<16xf32> to vector<1x16xf32>
        tpu.vector_store %arg7[%swap3A_737, %swap3A_738], %swap3A_741 {add = true, strides = array<i32>} : memref<16x1024xf32, #tpu.memory_space<vmem>>, vector<1x16xf32>,
        %swap3A_742 = arith.index_cast %scan3A_213 : i32 to index
        %swap3A_743 = arith.constant 656 : index
        %swap3A_744 = tpu.vector_load %arg7[%swap3A_742, %swap3A_743] {strides = array<i32>} : memref<16x1024xf32, #tpu.memory_space<vmem>>, vector<1x16xf32>,
        %swap3A_745 = vector.shape_cast %swap3A_744 : vector<1x16xf32> to vector<16xf32>
        %swap3A_746 = vector.shape_cast %bitcast_convert_type3A_736 : vector<16xf32> to vector<1x16xf32>
        tpu.vector_store %arg7[%swap3A_742, %swap3A_743], %swap3A_746 {add = true, strides = array<i32>} : memref<16x1024xf32, #tpu.memory_space<vmem>>, vector<1x16xf32>,
        %shift_left3A_747 = arith.constant 16 : i32
        %shift_left3A_748 = vector.broadcast %shift_left3A_747 : i32 to vector<16xi32>
        %shift_left3A_749 = arith.shli %get3A_633, %shift_left3A_748 : vector<16xi32>
        %bitcast_convert_type3A_750 = tpu.bitcast %shift_left3A_749 : vector<16xi32> -> vector<16xf32>
        %shift_right_logical3A_751 = arith.constant 16 : i32
        %shift_right_logical3A_752 = vector.broadcast %shift_right_logical3A_751 : i32 to vector<16xi32>
        %shift_right_logical3A_753 = arith.shrui %get3A_633, %shift_right_logical3A_752 : vector<16xi32>
        %shift_left3A_754 = arith.constant 16 : i32
        %shift_left3A_755 = vector.broadcast %shift_left3A_754 : i32 to vector<16xi32>
        %shift_left3A_756 = arith.shli %shift_right_logical3A_753, %shift_left3A_755 : vector<16xi32>
        %bitcast_convert_type3A_757 = tpu.bitcast %shift_left3A_756 : vector<16xi32> -> vector<16xf32>
        %swap3A_758 = arith.index_cast %scan3A_213 : i32 to index
        %swap3A_759 = arith.constant 672 : index
        %swap3A_760 = tpu.vector_load %arg7[%swap3A_758, %swap3A_759] {strides = array<i32>} : memref<16x1024xf32, #tpu.memory_space<vmem>>, vector<1x16xf32>,
        %swap3A_761 = vector.shape_cast %swap3A_760 : vector<1x16xf32> to vector<16xf32>
        %swap3A_762 = vector.shape_cast %bitcast_convert_type3A_750 : vector<16xf32> to vector<1x16xf32>
        tpu.vector_store %arg7[%swap3A_758, %swap3A_759], %swap3A_762 {add = true, strides = array<i32>} : memref<16x1024xf32, #tpu.memory_space<vmem>>, vector<1x16xf32>,
        %swap3A_763 = arith.index_cast %scan3A_213 : i32 to index
        %swap3A_764 = arith.constant 688 : index
        %swap3A_765 = tpu.vector_load %arg7[%swap3A_763, %swap3A_764] {strides = array<i32>} : memref<16x1024xf32, #tpu.memory_space<vmem>>, vector<1x16xf32>,
        %swap3A_766 = vector.shape_cast %swap3A_765 : vector<1x16xf32> to vector<16xf32>
        %swap3A_767 = vector.shape_cast %bitcast_convert_type3A_757 : vector<16xf32> to vector<1x16xf32>
        tpu.vector_store %arg7[%swap3A_763, %swap3A_764], %swap3A_767 {add = true, strides = array<i32>} : memref<16x1024xf32, #tpu.memory_space<vmem>>, vector<1x16xf32>,
        %shift_left3A_768 = arith.constant 16 : i32
        %shift_left3A_769 = vector.broadcast %shift_left3A_768 : i32 to vector<16xi32>
        %shift_left3A_770 = arith.shli %get3A_637, %shift_left3A_769 : vector<16xi32>
        %bitcast_convert_type3A_771 = tpu.bitcast %shift_left3A_770 : vector<16xi32> -> vector<16xf32>
        %shift_right_logical3A_772 = arith.constant 16 : i32
        %shift_right_logical3A_773 = vector.broadcast %shift_right_logical3A_772 : i32 to vector<16xi32>
        %shift_right_logical3A_774 = arith.shrui %get3A_637, %shift_right_logical3A_773 : vector<16xi32>
        %shift_left3A_775 = arith.constant 16 : i32
        %shift_left3A_776 = vector.broadcast %shift_left3A_775 : i32 to vector<16xi32>
        %shift_left3A_777 = arith.shli %shift_right_logical3A_774, %shift_left3A_776 : vector<16xi32>
        %bitcast_convert_type3A_778 = tpu.bitcast %shift_left3A_777 : vector<16xi32> -> vector<16xf32>
        %swap3A_779 = arith.index_cast %scan3A_213 : i32 to index
        %swap3A_780 = arith.constant 704 : index
        %swap3A_781 = tpu.vector_load %arg7[%swap3A_779, %swap3A_780] {strides = array<i32>} : memref<16x1024xf32, #tpu.memory_space<vmem>>, vector<1x16xf32>,
        %swap3A_782 = vector.shape_cast %swap3A_781 : vector<1x16xf32> to vector<16xf32>
        %swap3A_783 = vector.shape_cast %bitcast_convert_type3A_771 : vector<16xf32> to vector<1x16xf32>
        tpu.vector_store %arg7[%swap3A_779, %swap3A_780], %swap3A_783 {add = true, strides = array<i32>} : memref<16x1024xf32, #tpu.memory_space<vmem>>, vector<1x16xf32>,
        %swap3A_784 = arith.index_cast %scan3A_213 : i32 to index
        %swap3A_785 = arith.constant 720 : index
        %swap3A_786 = tpu.vector_load %arg7[%swap3A_784, %swap3A_785] {strides = array<i32>} : memref<16x1024xf32, #tpu.memory_space<vmem>>, vector<1x16xf32>,
        %swap3A_787 = vector.shape_cast %swap3A_786 : vector<1x16xf32> to vector<16xf32>
        %swap3A_788 = vector.shape_cast %bitcast_convert_type3A_778 : vector<16xf32> to vector<1x16xf32>
        tpu.vector_store %arg7[%swap3A_784, %swap3A_785], %swap3A_788 {add = true, strides = array<i32>} : memref<16x1024xf32, #tpu.memory_space<vmem>>, vector<1x16xf32>,
        %shift_left3A_789 = arith.constant 16 : i32
        %shift_left3A_790 = vector.broadcast %shift_left3A_789 : i32 to vector<16xi32>
        %shift_left3A_791 = arith.shli %get3A_641, %shift_left3A_790 : vector<16xi32>
        %bitcast_convert_type3A_792 = tpu.bitcast %shift_left3A_791 : vector<16xi32> -> vector<16xf32>
        %shift_right_logical3A_793 = arith.constant 16 : i32
        %shift_right_logical3A_794 = vector.broadcast %shift_right_logical3A_793 : i32 to vector<16xi32>
        %shift_right_logical3A_795 = arith.shrui %get3A_641, %shift_right_logical3A_794 : vector<16xi32>
        %shift_left3A_796 = arith.constant 16 : i32
        %shift_left3A_797 = vector.broadcast %shift_left3A_796 : i32 to vector<16xi32>
        %shift_left3A_798 = arith.shli %shift_right_logical3A_795, %shift_left3A_797 : vector<16xi32>
        %bitcast_convert_type3A_799 = tpu.bitcast %shift_left3A_798 : vector<16xi32> -> vector<16xf32>
        %swap3A_800 = arith.index_cast %scan3A_213 : i32 to index
        %swap3A_801 = arith.constant 736 : index
        %swap3A_802 = tpu.vector_load %arg7[%swap3A_800, %swap3A_801] {strides = array<i32>} : memref<16x1024xf32, #tpu.memory_space<vmem>>, vector<1x16xf32>,
        %swap3A_803 = vector.shape_cast %swap3A_802 : vector<1x16xf32> to vector<16xf32>
        %swap3A_804 = vector.shape_cast %bitcast_convert_type3A_792 : vector<16xf32> to vector<1x16xf32>
        tpu.vector_store %arg7[%swap3A_800, %swap3A_801], %swap3A_804 {add = true, strides = array<i32>} : memref<16x1024xf32, #tpu.memory_space<vmem>>, vector<1x16xf32>,
        %swap3A_805 = arith.index_cast %scan3A_213 : i32 to index
        %swap3A_806 = arith.constant 752 : index
        %swap3A_807 = tpu.vector_load %arg7[%swap3A_805, %swap3A_806] {strides = array<i32>} : memref<16x1024xf32, #tpu.memory_space<vmem>>, vector<1x16xf32>,
        %swap3A_808 = vector.shape_cast %swap3A_807 : vector<1x16xf32> to vector<16xf32>
        %swap3A_809 = vector.shape_cast %bitcast_convert_type3A_799 : vector<16xf32> to vector<1x16xf32>
        tpu.vector_store %arg7[%swap3A_805, %swap3A_806], %swap3A_809 {add = true, strides = array<i32>} : memref<16x1024xf32, #tpu.memory_space<vmem>>, vector<1x16xf32>,
        %get3A_810 = arith.index_cast %scan3A_213 : i32 to index
        %get3A_811 = arith.constant 384 : index
        %get3A_812 = tpu.vector_load %arg8[%get3A_810, %get3A_811] {strides = array<i32>} : memref<16x512xi32, #tpu.memory_space<vmem>>, vector<1x16xi32>,
        %get3A_813 = vector.shape_cast %get3A_812 : vector<1x16xi32> to vector<16xi32>
        %get3A_814 = arith.index_cast %scan3A_213 : i32 to index
        %get3A_815 = arith.constant 400 : index
        %get3A_816 = tpu.vector_load %arg8[%get3A_814, %get3A_815] {strides = array<i32>} : memref<16x512xi32, #tpu.memory_space<vmem>>, vector<1x16xi32>,
        %get3A_817 = vector.shape_cast %get3A_816 : vector<1x16xi32> to vector<16xi32>
        %get3A_818 = arith.index_cast %scan3A_213 : i32 to index
        %get3A_819 = arith.constant 416 : index
        %get3A_820 = tpu.vector_load %arg8[%get3A_818, %get3A_819] {strides = array<i32>} : memref<16x512xi32, #tpu.memory_space<vmem>>, vector<1x16xi32>,
        %get3A_821 = vector.shape_cast %get3A_820 : vector<1x16xi32> to vector<16xi32>
        %get3A_822 = arith.index_cast %scan3A_213 : i32 to index
        %get3A_823 = arith.constant 432 : index
        %get3A_824 = tpu.vector_load %arg8[%get3A_822, %get3A_823] {strides = array<i32>} : memref<16x512xi32, #tpu.memory_space<vmem>>, vector<1x16xi32>,
        %get3A_825 = vector.shape_cast %get3A_824 : vector<1x16xi32> to vector<16xi32>
        %get3A_826 = arith.index_cast %scan3A_213 : i32 to index
        %get3A_827 = arith.constant 448 : index
        %get3A_828 = tpu.vector_load %arg8[%get3A_826, %get3A_827] {strides = array<i32>} : memref<16x512xi32, #tpu.memory_space<vmem>>, vector<1x16xi32>,
        %get3A_829 = vector.shape_cast %get3A_828 : vector<1x16xi32> to vector<16xi32>
        %get3A_830 = arith.index_cast %scan3A_213 : i32 to index
        %get3A_831 = arith.constant 464 : index
        %get3A_832 = tpu.vector_load %arg8[%get3A_830, %get3A_831] {strides = array<i32>} : memref<16x512xi32, #tpu.memory_space<vmem>>, vector<1x16xi32>,
        %get3A_833 = vector.shape_cast %get3A_832 : vector<1x16xi32> to vector<16xi32>
        %get3A_834 = arith.index_cast %scan3A_213 : i32 to index
        %get3A_835 = arith.constant 480 : index
        %get3A_836 = tpu.vector_load %arg8[%get3A_834, %get3A_835] {strides = array<i32>} : memref<16x512xi32, #tpu.memory_space<vmem>>, vector<1x16xi32>,
        %get3A_837 = vector.shape_cast %get3A_836 : vector<1x16xi32> to vector<16xi32>
        %get3A_838 = arith.index_cast %scan3A_213 : i32 to index
        %get3A_839 = arith.constant 496 : index
        %get3A_840 = tpu.vector_load %arg8[%get3A_838, %get3A_839] {strides = array<i32>} : memref<16x512xi32, #tpu.memory_space<vmem>>, vector<1x16xi32>,
        %get3A_841 = vector.shape_cast %get3A_840 : vector<1x16xi32> to vector<16xi32>
        %shift_left3A_842 = arith.constant 16 : i32
        %shift_left3A_843 = vector.broadcast %shift_left3A_842 : i32 to vector<16xi32>
        %shift_left3A_844 = arith.shli %get3A_813, %shift_left3A_843 : vector<16xi32>
        %bitcast_convert_type3A_845 = tpu.bitcast %shift_left3A_844 : vector<16xi32> -> vector<16xf32>
        %shift_right_logical3A_846 = arith.constant 16 : i32
        %shift_right_logical3A_847 = vector.broadcast %shift_right_logical3A_846 : i32 to vector<16xi32>
        %shift_right_logical3A_848 = arith.shrui %get3A_813, %shift_right_logical3A_847 : vector<16xi32>
        %shift_left3A_849 = arith.constant 16 : i32
        %shift_left3A_850 = vector.broadcast %shift_left3A_849 : i32 to vector<16xi32>
        %shift_left3A_851 = arith.shli %shift_right_logical3A_848, %shift_left3A_850 : vector<16xi32>
        %bitcast_convert_type3A_852 = tpu.bitcast %shift_left3A_851 : vector<16xi32> -> vector<16xf32>
        %swap3A_853 = arith.index_cast %scan3A_213 : i32 to index
        %swap3A_854 = arith.constant 768 : index
        %swap3A_855 = tpu.vector_load %arg7[%swap3A_853, %swap3A_854] {strides = array<i32>} : memref<16x1024xf32, #tpu.memory_space<vmem>>, vector<1x16xf32>,
        %swap3A_856 = vector.shape_cast %swap3A_855 : vector<1x16xf32> to vector<16xf32>
        %swap3A_857 = vector.shape_cast %bitcast_convert_type3A_845 : vector<16xf32> to vector<1x16xf32>
        tpu.vector_store %arg7[%swap3A_853, %swap3A_854], %swap3A_857 {add = true, strides = array<i32>} : memref<16x1024xf32, #tpu.memory_space<vmem>>, vector<1x16xf32>,
        %swap3A_858 = arith.index_cast %scan3A_213 : i32 to index
        %swap3A_859 = arith.constant 784 : index
        %swap3A_860 = tpu.vector_load %arg7[%swap3A_858, %swap3A_859] {strides = array<i32>} : memref<16x1024xf32, #tpu.memory_space<vmem>>, vector<1x16xf32>,
        %swap3A_861 = vector.shape_cast %swap3A_860 : vector<1x16xf32> to vector<16xf32>
        %swap3A_862 = vector.shape_cast %bitcast_convert_type3A_852 : vector<16xf32> to vector<1x16xf32>
        tpu.vector_store %arg7[%swap3A_858, %swap3A_859], %swap3A_862 {add = true, strides = array<i32>} : memref<16x1024xf32, #tpu.memory_space<vmem>>, vector<1x16xf32>,
        %shift_left3A_863 = arith.constant 16 : i32
        %shift_left3A_864 = vector.broadcast %shift_left3A_863 : i32 to vector<16xi32>
        %shift_left3A_865 = arith.shli %get3A_817, %shift_left3A_864 : vector<16xi32>
        %bitcast_convert_type3A_866 = tpu.bitcast %shift_left3A_865 : vector<16xi32> -> vector<16xf32>
        %shift_right_logical3A_867 = arith.constant 16 : i32
        %shift_right_logical3A_868 = vector.broadcast %shift_right_logical3A_867 : i32 to vector<16xi32>
        %shift_right_logical3A_869 = arith.shrui %get3A_817, %shift_right_logical3A_868 : vector<16xi32>
        %shift_left3A_870 = arith.constant 16 : i32
        %shift_left3A_871 = vector.broadcast %shift_left3A_870 : i32 to vector<16xi32>
        %shift_left3A_872 = arith.shli %shift_right_logical3A_869, %shift_left3A_871 : vector<16xi32>
        %bitcast_convert_type3A_873 = tpu.bitcast %shift_left3A_872 : vector<16xi32> -> vector<16xf32>
        %swap3A_874 = arith.index_cast %scan3A_213 : i32 to index
        %swap3A_875 = arith.constant 800 : index
        %swap3A_876 = tpu.vector_load %arg7[%swap3A_874, %swap3A_875] {strides = array<i32>} : memref<16x1024xf32, #tpu.memory_space<vmem>>, vector<1x16xf32>,
        %swap3A_877 = vector.shape_cast %swap3A_876 : vector<1x16xf32> to vector<16xf32>
        %swap3A_878 = vector.shape_cast %bitcast_convert_type3A_866 : vector<16xf32> to vector<1x16xf32>
        tpu.vector_store %arg7[%swap3A_874, %swap3A_875], %swap3A_878 {add = true, strides = array<i32>} : memref<16x1024xf32, #tpu.memory_space<vmem>>, vector<1x16xf32>,
        %swap3A_879 = arith.index_cast %scan3A_213 : i32 to index
        %swap3A_880 = arith.constant 816 : index
        %swap3A_881 = tpu.vector_load %arg7[%swap3A_879, %swap3A_880] {strides = array<i32>} : memref<16x1024xf32, #tpu.memory_space<vmem>>, vector<1x16xf32>,
        %swap3A_882 = vector.shape_cast %swap3A_881 : vector<1x16xf32> to vector<16xf32>
        %swap3A_883 = vector.shape_cast %bitcast_convert_type3A_873 : vector<16xf32> to vector<1x16xf32>
        tpu.vector_store %arg7[%swap3A_879, %swap3A_880], %swap3A_883 {add = true, strides = array<i32>} : memref<16x1024xf32, #tpu.memory_space<vmem>>, vector<1x16xf32>,
        %shift_left3A_884 = arith.constant 16 : i32
        %shift_left3A_885 = vector.broadcast %shift_left3A_884 : i32 to vector<16xi32>
        %shift_left3A_886 = arith.shli %get3A_821, %shift_left3A_885 : vector<16xi32>
        %bitcast_convert_type3A_887 = tpu.bitcast %shift_left3A_886 : vector<16xi32> -> vector<16xf32>
        %shift_right_logical3A_888 = arith.constant 16 : i32
        %shift_right_logical3A_889 = vector.broadcast %shift_right_logical3A_888 : i32 to vector<16xi32>
        %shift_right_logical3A_890 = arith.shrui %get3A_821, %shift_right_logical3A_889 : vector<16xi32>
        %shift_left3A_891 = arith.constant 16 : i32
        %shift_left3A_892 = vector.broadcast %shift_left3A_891 : i32 to vector<16xi32>
        %shift_left3A_893 = arith.shli %shift_right_logical3A_890, %shift_left3A_892 : vector<16xi32>
        %bitcast_convert_type3A_894 = tpu.bitcast %shift_left3A_893 : vector<16xi32> -> vector<16xf32>
        %swap3A_895 = arith.index_cast %scan3A_213 : i32 to index
        %swap3A_896 = arith.constant 832 : index
        %swap3A_897 = tpu.vector_load %arg7[%swap3A_895, %swap3A_896] {strides = array<i32>} : memref<16x1024xf32, #tpu.memory_space<vmem>>, vector<1x16xf32>,
        %swap3A_898 = vector.shape_cast %swap3A_897 : vector<1x16xf32> to vector<16xf32>
        %swap3A_899 = vector.shape_cast %bitcast_convert_type3A_887 : vector<16xf32> to vector<1x16xf32>
        tpu.vector_store %arg7[%swap3A_895, %swap3A_896], %swap3A_899 {add = true, strides = array<i32>} : memref<16x1024xf32, #tpu.memory_space<vmem>>, vector<1x16xf32>,
        %swap3A_900 = arith.index_cast %scan3A_213 : i32 to index
        %swap3A_901 = arith.constant 848 : index
        %swap3A_902 = tpu.vector_load %arg7[%swap3A_900, %swap3A_901] {strides = array<i32>} : memref<16x1024xf32, #tpu.memory_space<vmem>>, vector<1x16xf32>,
        %swap3A_903 = vector.shape_cast %swap3A_902 : vector<1x16xf32> to vector<16xf32>
        %swap3A_904 = vector.shape_cast %bitcast_convert_type3A_894 : vector<16xf32> to vector<1x16xf32>
        tpu.vector_store %arg7[%swap3A_900, %swap3A_901], %swap3A_904 {add = true, strides = array<i32>} : memref<16x1024xf32, #tpu.memory_space<vmem>>, vector<1x16xf32>,
        %shift_left3A_905 = arith.constant 16 : i32
        %shift_left3A_906 = vector.broadcast %shift_left3A_905 : i32 to vector<16xi32>
        %shift_left3A_907 = arith.shli %get3A_825, %shift_left3A_906 : vector<16xi32>
        %bitcast_convert_type3A_908 = tpu.bitcast %shift_left3A_907 : vector<16xi32> -> vector<16xf32>
        %shift_right_logical3A_909 = arith.constant 16 : i32
        %shift_right_logical3A_910 = vector.broadcast %shift_right_logical3A_909 : i32 to vector<16xi32>
        %shift_right_logical3A_911 = arith.shrui %get3A_825, %shift_right_logical3A_910 : vector<16xi32>
        %shift_left3A_912 = arith.constant 16 : i32
        %shift_left3A_913 = vector.broadcast %shift_left3A_912 : i32 to vector<16xi32>
        %shift_left3A_914 = arith.shli %shift_right_logical3A_911, %shift_left3A_913 : vector<16xi32>
        %bitcast_convert_type3A_915 = tpu.bitcast %shift_left3A_914 : vector<16xi32> -> vector<16xf32>
        %swap3A_916 = arith.index_cast %scan3A_213 : i32 to index
        %swap3A_917 = arith.constant 864 : index
        %swap3A_918 = tpu.vector_load %arg7[%swap3A_916, %swap3A_917] {strides = array<i32>} : memref<16x1024xf32, #tpu.memory_space<vmem>>, vector<1x16xf32>,
        %swap3A_919 = vector.shape_cast %swap3A_918 : vector<1x16xf32> to vector<16xf32>
        %swap3A_920 = vector.shape_cast %bitcast_convert_type3A_908 : vector<16xf32> to vector<1x16xf32>
        tpu.vector_store %arg7[%swap3A_916, %swap3A_917], %swap3A_920 {add = true, strides = array<i32>} : memref<16x1024xf32, #tpu.memory_space<vmem>>, vector<1x16xf32>,
        %swap3A_921 = arith.index_cast %scan3A_213 : i32 to index
        %swap3A_922 = arith.constant 880 : index
        %swap3A_923 = tpu.vector_load %arg7[%swap3A_921, %swap3A_922] {strides = array<i32>} : memref<16x1024xf32, #tpu.memory_space<vmem>>, vector<1x16xf32>,
        %swap3A_924 = vector.shape_cast %swap3A_923 : vector<1x16xf32> to vector<16xf32>
        %swap3A_925 = vector.shape_cast %bitcast_convert_type3A_915 : vector<16xf32> to vector<1x16xf32>
        tpu.vector_store %arg7[%swap3A_921, %swap3A_922], %swap3A_925 {add = true, strides = array<i32>} : memref<16x1024xf32, #tpu.memory_space<vmem>>, vector<1x16xf32>,
        %shift_left3A_926 = arith.constant 16 : i32
        %shift_left3A_927 = vector.broadcast %shift_left3A_926 : i32 to vector<16xi32>
        %shift_left3A_928 = arith.shli %get3A_829, %shift_left3A_927 : vector<16xi32>
        %bitcast_convert_type3A_929 = tpu.bitcast %shift_left3A_928 : vector<16xi32> -> vector<16xf32>
        %shift_right_logical3A_930 = arith.constant 16 : i32
        %shift_right_logical3A_931 = vector.broadcast %shift_right_logical3A_930 : i32 to vector<16xi32>
        %shift_right_logical3A_932 = arith.shrui %get3A_829, %shift_right_logical3A_931 : vector<16xi32>
        %shift_left3A_933 = arith.constant 16 : i32
        %shift_left3A_934 = vector.broadcast %shift_left3A_933 : i32 to vector<16xi32>
        %shift_left3A_935 = arith.shli %shift_right_logical3A_932, %shift_left3A_934 : vector<16xi32>
        %bitcast_convert_type3A_936 = tpu.bitcast %shift_left3A_935 : vector<16xi32> -> vector<16xf32>
        %swap3A_937 = arith.index_cast %scan3A_213 : i32 to index
        %swap3A_938 = arith.constant 896 : index
        %swap3A_939 = tpu.vector_load %arg7[%swap3A_937, %swap3A_938] {strides = array<i32>} : memref<16x1024xf32, #tpu.memory_space<vmem>>, vector<1x16xf32>,
        %swap3A_940 = vector.shape_cast %swap3A_939 : vector<1x16xf32> to vector<16xf32>
        %swap3A_941 = vector.shape_cast %bitcast_convert_type3A_929 : vector<16xf32> to vector<1x16xf32>
        tpu.vector_store %arg7[%swap3A_937, %swap3A_938], %swap3A_941 {add = true, strides = array<i32>} : memref<16x1024xf32, #tpu.memory_space<vmem>>, vector<1x16xf32>,
        %swap3A_942 = arith.index_cast %scan3A_213 : i32 to index
        %swap3A_943 = arith.constant 912 : index
        %swap3A_944 = tpu.vector_load %arg7[%swap3A_942, %swap3A_943] {strides = array<i32>} : memref<16x1024xf32, #tpu.memory_space<vmem>>, vector<1x16xf32>,
        %swap3A_945 = vector.shape_cast %swap3A_944 : vector<1x16xf32> to vector<16xf32>
        %swap3A_946 = vector.shape_cast %bitcast_convert_type3A_936 : vector<16xf32> to vector<1x16xf32>
        tpu.vector_store %arg7[%swap3A_942, %swap3A_943], %swap3A_946 {add = true, strides = array<i32>} : memref<16x1024xf32, #tpu.memory_space<vmem>>, vector<1x16xf32>,
        %shift_left3A_947 = arith.constant 16 : i32
        %shift_left3A_948 = vector.broadcast %shift_left3A_947 : i32 to vector<16xi32>
        %shift_left3A_949 = arith.shli %get3A_833, %shift_left3A_948 : vector<16xi32>
        %bitcast_convert_type3A_950 = tpu.bitcast %shift_left3A_949 : vector<16xi32> -> vector<16xf32>
        %shift_right_logical3A_951 = arith.constant 16 : i32
        %shift_right_logical3A_952 = vector.broadcast %shift_right_logical3A_951 : i32 to vector<16xi32>
        %shift_right_logical3A_953 = arith.shrui %get3A_833, %shift_right_logical3A_952 : vector<16xi32>
        %shift_left3A_954 = arith.constant 16 : i32
        %shift_left3A_955 = vector.broadcast %shift_left3A_954 : i32 to vector<16xi32>
        %shift_left3A_956 = arith.shli %shift_right_logical3A_953, %shift_left3A_955 : vector<16xi32>
        %bitcast_convert_type3A_957 = tpu.bitcast %shift_left3A_956 : vector<16xi32> -> vector<16xf32>
        %swap3A_958 = arith.index_cast %scan3A_213 : i32 to index
        %swap3A_959 = arith.constant 928 : index
        %swap3A_960 = tpu.vector_load %arg7[%swap3A_958, %swap3A_959] {strides = array<i32>} : memref<16x1024xf32, #tpu.memory_space<vmem>>, vector<1x16xf32>,
        %swap3A_961 = vector.shape_cast %swap3A_960 : vector<1x16xf32> to vector<16xf32>
        %swap3A_962 = vector.shape_cast %bitcast_convert_type3A_950 : vector<16xf32> to vector<1x16xf32>
        tpu.vector_store %arg7[%swap3A_958, %swap3A_959], %swap3A_962 {add = true, strides = array<i32>} : memref<16x1024xf32, #tpu.memory_space<vmem>>, vector<1x16xf32>,
        %swap3A_963 = arith.index_cast %scan3A_213 : i32 to index
        %swap3A_964 = arith.constant 944 : index
        %swap3A_965 = tpu.vector_load %arg7[%swap3A_963, %swap3A_964] {strides = array<i32>} : memref<16x1024xf32, #tpu.memory_space<vmem>>, vector<1x16xf32>,
        %swap3A_966 = vector.shape_cast %swap3A_965 : vector<1x16xf32> to vector<16xf32>
        %swap3A_967 = vector.shape_cast %bitcast_convert_type3A_957 : vector<16xf32> to vector<1x16xf32>
        tpu.vector_store %arg7[%swap3A_963, %swap3A_964], %swap3A_967 {add = true, strides = array<i32>} : memref<16x1024xf32, #tpu.memory_space<vmem>>, vector<1x16xf32>,
        %shift_left3A_968 = arith.constant 16 : i32
        %shift_left3A_969 = vector.broadcast %shift_left3A_968 : i32 to vector<16xi32>
        %shift_left3A_970 = arith.shli %get3A_837, %shift_left3A_969 : vector<16xi32>
        %bitcast_convert_type3A_971 = tpu.bitcast %shift_left3A_970 : vector<16xi32> -> vector<16xf32>
        %shift_right_logical3A_972 = arith.constant 16 : i32
        %shift_right_logical3A_973 = vector.broadcast %shift_right_logical3A_972 : i32 to vector<16xi32>
        %shift_right_logical3A_974 = arith.shrui %get3A_837, %shift_right_logical3A_973 : vector<16xi32>
        %shift_left3A_975 = arith.constant 16 : i32
        %shift_left3A_976 = vector.broadcast %shift_left3A_975 : i32 to vector<16xi32>
        %shift_left3A_977 = arith.shli %shift_right_logical3A_974, %shift_left3A_976 : vector<16xi32>
        %bitcast_convert_type3A_978 = tpu.bitcast %shift_left3A_977 : vector<16xi32> -> vector<16xf32>
        %swap3A_979 = arith.index_cast %scan3A_213 : i32 to index
        %swap3A_980 = arith.constant 960 : index
        %swap3A_981 = tpu.vector_load %arg7[%swap3A_979, %swap3A_980] {strides = array<i32>} : memref<16x1024xf32, #tpu.memory_space<vmem>>, vector<1x16xf32>,
        %swap3A_982 = vector.shape_cast %swap3A_981 : vector<1x16xf32> to vector<16xf32>
        %swap3A_983 = vector.shape_cast %bitcast_convert_type3A_971 : vector<16xf32> to vector<1x16xf32>
        tpu.vector_store %arg7[%swap3A_979, %swap3A_980], %swap3A_983 {add = true, strides = array<i32>} : memref<16x1024xf32, #tpu.memory_space<vmem>>, vector<1x16xf32>,
        %swap3A_984 = arith.index_cast %scan3A_213 : i32 to index
        %swap3A_985 = arith.constant 976 : index
        %swap3A_986 = tpu.vector_load %arg7[%swap3A_984, %swap3A_985] {strides = array<i32>} : memref<16x1024xf32, #tpu.memory_space<vmem>>, vector<1x16xf32>,
        %swap3A_987 = vector.shape_cast %swap3A_986 : vector<1x16xf32> to vector<16xf32>
        %swap3A_988 = vector.shape_cast %bitcast_convert_type3A_978 : vector<16xf32> to vector<1x16xf32>
        tpu.vector_store %arg7[%swap3A_984, %swap3A_985], %swap3A_988 {add = true, strides = array<i32>} : memref<16x1024xf32, #tpu.memory_space<vmem>>, vector<1x16xf32>,
        %shift_left3A_989 = arith.constant 16 : i32
        %shift_left3A_990 = vector.broadcast %shift_left3A_989 : i32 to vector<16xi32>
        %shift_left3A_991 = arith.shli %get3A_841, %shift_left3A_990 : vector<16xi32>
        %bitcast_convert_type3A_992 = tpu.bitcast %shift_left3A_991 : vector<16xi32> -> vector<16xf32>
        %shift_right_logical3A_993 = arith.constant 16 : i32
        %shift_right_logical3A_994 = vector.broadcast %shift_right_logical3A_993 : i32 to vector<16xi32>
        %shift_right_logical3A_995 = arith.shrui %get3A_841, %shift_right_logical3A_994 : vector<16xi32>
        %shift_left3A_996 = arith.constant 16 : i32
        %shift_left3A_997 = vector.broadcast %shift_left3A_996 : i32 to vector<16xi32>
        %shift_left3A_998 = arith.shli %shift_right_logical3A_995, %shift_left3A_997 : vector<16xi32>
        %bitcast_convert_type3A_999 = tpu.bitcast %shift_left3A_998 : vector<16xi32> -> vector<16xf32>
        %swap3A_1000 = arith.index_cast %scan3A_213 : i32 to index
        %swap3A_1001 = arith.constant 992 : index
        %swap3A_1002 = tpu.vector_load %arg7[%swap3A_1000, %swap3A_1001] {strides = array<i32>} : memref<16x1024xf32, #tpu.memory_space<vmem>>, vector<1x16xf32>,
        %swap3A_1003 = vector.shape_cast %swap3A_1002 : vector<1x16xf32> to vector<16xf32>
        %swap3A_1004 = vector.shape_cast %bitcast_convert_type3A_992 : vector<16xf32> to vector<1x16xf32>
        tpu.vector_store %arg7[%swap3A_1000, %swap3A_1001], %swap3A_1004 {add = true, strides = array<i32>} : memref<16x1024xf32, #tpu.memory_space<vmem>>, vector<1x16xf32>,
        %swap3A_1005 = arith.index_cast %scan3A_213 : i32 to index
        %swap3A_1006 = arith.constant 1008 : index
        %swap3A_1007 = tpu.vector_load %arg7[%swap3A_1005, %swap3A_1006] {strides = array<i32>} : memref<16x1024xf32, #tpu.memory_space<vmem>>, vector<1x16xf32>,
        %swap3A_1008 = vector.shape_cast %swap3A_1007 : vector<1x16xf32> to vector<16xf32>
        %swap3A_1009 = vector.shape_cast %bitcast_convert_type3A_999 : vector<16xf32> to vector<1x16xf32>
        tpu.vector_store %arg7[%swap3A_1005, %swap3A_1006], %swap3A_1009 {add = true, strides = array<i32>} : memref<16x1024xf32, #tpu.memory_space<vmem>>, vector<1x16xf32>,
        %scan3A_1010 = arith.constant 0 : i32
        scf.yield %scan3A_1010 : i32
      }
      %scan3A_75 = arith.constant 16 : i32
      %mul3A_76 = arith.constant 16 : i32
      %mul3A_77 = arith.muli %add3A_47, %mul3A_76 : i32
      %add3A_78 = arith.addi %mul3A_2, %mul3A_77 : i32
      %dma_start3A_79 = arith.constant 0 : i32
      %dma_start3A_80 = tpu.memref_slice %arg5[%add3A_78, %dma_start3A_79] : memref<16384x1024xf32, #tpu.memory_space<hbm>> -> memref<16x1024xf32, #tpu.memory_space<hbm>>
      %dma_start3A_81 = arith.constant 0 : i32
      %dma_start3A_82 = tpu.memref_slice %arg5[%add3A_78, %dma_start3A_81] : memref<16384x1024xf32, #tpu.memory_space<hbm>> -> memref<16x1024xf32, #tpu.memory_space<hbm>>
      tpu.enqueue_dma source(%arg7 : memref<16x1024xf32, #tpu.memory_space<vmem>>) target(%dma_start3A_82 : memref<16x1024xf32, #tpu.memory_space<hbm>>) target_semaphore(%arg10 : memref<!tpu.dma_semaphore, #tpu.memory_space<semaphore_mem>>)
      %mul3A_83 = arith.constant 4 : i32
      %mul3A_84 = arith.muli %mul3A_83, %scan3A_42 : i32
      %add3A_85 = arith.constant 1 : i32
      %add3A_86 = arith.addi %mul3A_84, %add3A_85 : i32
      %add3A_87 = arith.constant 2 : i32
      %add3A_88 = arith.addi %add3A_86, %add3A_87 : i32
      %ge3A_89 = arith.constant 4 : i32
      %ge3A_90 = arith.cmpi sge, %add3A_88, %ge3A_89 : i32
      %convert_element_type3A_91 = arith.extui %ge3A_90 : i1 to i32
      %cond3A_92 = arith.constant 0 : i32
      %cond3A_93 = arith.cmpi ne, %convert_element_type3A_91, %cond3A_92 : i32
      scf.if %cond3A_93 {
        %add3A_213 = arith.constant 2 : i32
        %add3A_214 = arith.addi %add3A_86, %add3A_213 : i32
        %sub3A = arith.constant 4 : i32
        %sub3A_215 = arith.subi %add3A_214, %sub3A : i32
        %mul3A_216 = arith.constant 16 : i32
        %mul3A_217 = arith.muli %sub3A_215, %mul3A_216 : i32
        %add3A_218 = arith.addi %mul3A_2, %mul3A_217 : i32
        %dma_wait3A_219 = arith.constant 0 : i32
        %dma_wait3A_220 = tpu.memref_slice %arg5[%add3A_218, %dma_wait3A_219] : memref<16384x1024xf32, #tpu.memory_space<hbm>> -> memref<16x1024xf32, #tpu.memory_space<hbm>>
        %dma_wait3A_221 = arith.constant 0 : i32
        %dma_wait3A_222 = tpu.memref_slice %arg5[%add3A_218, %dma_wait3A_221] : memref<16384x1024xf32, #tpu.memory_space<hbm>> -> memref<16x1024xf32, #tpu.memory_space<hbm>>
        tpu.wait_dma2 semaphore(%arg22 : memref<!tpu.dma_semaphore, #tpu.memory_space<semaphore_mem>>) src(%arg19 : memref<16x1024xf32, #tpu.memory_space<vmem>>) dst(%dma_wait3A_222 : memref<16x1024xf32, #tpu.memory_space<hbm>>)
      } else {
      }
      %add3A_94 = arith.constant 2 : i32
      %add3A_95 = arith.addi %add3A_86, %add3A_94 : i32
      %lt3A_96 = arith.constant 32 : i32
      %lt3A_97 = arith.cmpi slt, %add3A_95, %lt3A_96 : i32
      %convert_element_type3A_98 = arith.extui %lt3A_97 : i1 to i32
      %cond3A_99 = arith.constant 0 : i32
      %cond3A_100 = arith.cmpi ne, %convert_element_type3A_98, %cond3A_99 : i32
      scf.if %cond3A_100 {
        %add3A_213 = arith.constant 2 : i32
        %add3A_214 = arith.addi %add3A_86, %add3A_213 : i32
        %mul3A_215 = arith.constant 16 : i32
        %mul3A_216 = arith.muli %add3A_214, %mul3A_215 : i32
        %add3A_217 = arith.addi %rem3A_3, %mul3A_216 : i32
        %dma_start3A_218 = tpu.memref_slice %arg6[%mul3A_216] : memref<512xi32, #tpu.memory_space<vmem>> -> memref<16xi32, #tpu.memory_space<vmem>>
        %dma_start3A_219 = arith.constant 0 : i32
        %dma_start3A_220 = arith.constant 0 : i32
        %dma_start3A_221 = tpu.memref_slice %arg3[%dma_start3A_219, %dma_start3A_220] : memref<100000x1024xf32, #tpu.memory_space<hbm>> -> memref<100000x1024xf32, #tpu.memory_space<hbm>>
        tpu.enqueue_indirect_dma source(%dma_start3A_221 : memref<100000x1024xf32, #tpu.memory_space<hbm>>) target(%arg19 : memref<16x1024xf32, #tpu.memory_space<vmem>>) offsets(%dma_start3A_218 : memref<16xi32, #tpu.memory_space<vmem>>) semaphore(%arg21 : memref<!tpu.dma_semaphore, #tpu.memory_space<semaphore_mem>>)
        %dma_start3A_222 = arith.constant 0 : i32
        %dma_start3A_223 = tpu.memref_slice %arg4[%add3A_217, %dma_start3A_222] : memref<4096x512xi32, #tpu.memory_space<hbm>> -> memref<16x512xi32, #tpu.memory_space<hbm>>
        %dma_start3A_224 = arith.constant 0 : i32
        %dma_start3A_225 = tpu.memref_slice %arg4[%add3A_217, %dma_start3A_224] : memref<4096x512xi32, #tpu.memory_space<hbm>> -> memref<16x512xi32, #tpu.memory_space<hbm>>
        tpu.enqueue_dma source(%dma_start3A_225 : memref<16x512xi32, #tpu.memory_space<hbm>>) target(%arg20 : memref<16x512xi32, #tpu.memory_space<vmem>>) target_semaphore(%arg21 : memref<!tpu.dma_semaphore, #tpu.memory_space<semaphore_mem>>)
      } else {
      }
      %mul3A_101 = arith.constant 16 : i32
      %mul3A_102 = arith.muli %add3A_86, %mul3A_101 : i32
      %add3A_103 = arith.addi %rem3A_3, %mul3A_102 : i32
      %dma_wait3A_104 = tpu.memref_slice %arg6[%mul3A_102] : memref<512xi32, #tpu.memory_space<vmem>> -> memref<16xi32, #tpu.memory_space<vmem>>
      %dma_wait3A_105 = arith.constant 0 : i32
      %dma_wait3A_106 = arith.constant 0 : i32
      %dma_wait3A_107 = tpu.memref_slice %arg3[%dma_wait3A_105, %dma_wait3A_106] : memref<100000x1024xf32, #tpu.memory_space<hbm>> -> memref<100000x1024xf32, #tpu.memory_space<hbm>>
      tpu.wait_indirect_dma semaphore(%arg13 : memref<!tpu.dma_semaphore, #tpu.memory_space<semaphore_mem>>) src(%dma_wait3A_107 : memref<100000x1024xf32, #tpu.memory_space<hbm>>) dst(%arg11 : memref<16x1024xf32, #tpu.memory_space<vmem>>)
      %dma_wait3A_108 = arith.constant 0 : i32
      %dma_wait3A_109 = tpu.memref_slice %arg4[%add3A_103, %dma_wait3A_108] : memref<4096x512xi32, #tpu.memory_space<hbm>> -> memref<16x512xi32, #tpu.memory_space<hbm>>
      %dma_wait3A_110 = arith.constant 0 : i32
      %dma_wait3A_111 = tpu.memref_slice %arg4[%add3A_103, %dma_wait3A_110] : memref<4096x512xi32, #tpu.memory_space<hbm>> -> memref<16x512xi32, #tpu.memory_space<hbm>>
      tpu.wait_dma2 semaphore(%arg13 : memref<!tpu.dma_semaphore, #tpu.memory_space<semaphore_mem>>) src(%dma_wait3A_111 : memref<16x512xi32, #tpu.memory_space<hbm>>) dst(%arg12 : memref<16x512xi32, #tpu.memory_space<vmem>>)
      %scan3A_112 = arith.constant 0 : i32
      %scan3A_113 = arith.constant 0 : i32
      %scan3A_114 = arith.constant 16 : i32
      %scan3A_115 = arith.addi %scan3A_113, %scan3A_114 : i32
      %scan3A_116 = arith.constant 1 : i32
      %scan3A_117 = scf.for %scan3A_213 = %scan3A_113 to %scan3A_115 step %scan3A_116 iter_args(%scan3A_214 = %scan3A_112) -> (i32)  : i32 {
        %get3A = arith.index_cast %scan3A_213 : i32 to index
        %get3A_215 = arith.constant 0 : index
        %get3A_216 = tpu.vector_load %arg12[%get3A, %get3A_215] {strides = array<i32>} : memref<16x512xi32, #tpu.memory_space<vmem>>, vector<1x16xi32>,
        %get3A_217 = vector.shape_cast %get3A_216 : vector<1x16xi32> to vector<16xi32>
        %get3A_218 = arith.index_cast %scan3A_213 : i32 to index
        %get3A_219 = arith.constant 16 : index
        %get3A_220 = tpu.vector_load %arg12[%get3A_218, %get3A_219] {strides = array<i32>} : memref<16x512xi32, #tpu.memory_space<vmem>>, vector<1x16xi32>,
        %get3A_221 = vector.shape_cast %get3A_220 : vector<1x16xi32> to vector<16xi32>
        %get3A_222 = arith.index_cast %scan3A_213 : i32 to index
        %get3A_223 = arith.constant 32 : index
        %get3A_224 = tpu.vector_load %arg12[%get3A_222, %get3A_223] {strides = array<i32>} : memref<16x512xi32, #tpu.memory_space<vmem>>, vector<1x16xi32>,
        %get3A_225 = vector.shape_cast %get3A_224 : vector<1x16xi32> to vector<16xi32>
        %get3A_226 = arith.index_cast %scan3A_213 : i32 to index
        %get3A_227 = arith.constant 48 : index
        %get3A_228 = tpu.vector_load %arg12[%get3A_226, %get3A_227] {strides = array<i32>} : memref<16x512xi32, #tpu.memory_space<vmem>>, vector<1x16xi32>,
        %get3A_229 = vector.shape_cast %get3A_228 : vector<1x16xi32> to vector<16xi32>
        %get3A_230 = arith.index_cast %scan3A_213 : i32 to index
        %get3A_231 = arith.constant 64 : index
        %get3A_232 = tpu.vector_load %arg12[%get3A_230, %get3A_231] {strides = array<i32>} : memref<16x512xi32, #tpu.memory_space<vmem>>, vector<1x16xi32>,
        %get3A_233 = vector.shape_cast %get3A_232 : vector<1x16xi32> to vector<16xi32>
        %get3A_234 = arith.index_cast %scan3A_213 : i32 to index
        %get3A_235 = arith.constant 80 : index
        %get3A_236 = tpu.vector_load %arg12[%get3A_234, %get3A_235] {strides = array<i32>} : memref<16x512xi32, #tpu.memory_space<vmem>>, vector<1x16xi32>,
        %get3A_237 = vector.shape_cast %get3A_236 : vector<1x16xi32> to vector<16xi32>
        %get3A_238 = arith.index_cast %scan3A_213 : i32 to index
        %get3A_239 = arith.constant 96 : index
        %get3A_240 = tpu.vector_load %arg12[%get3A_238, %get3A_239] {strides = array<i32>} : memref<16x512xi32, #tpu.memory_space<vmem>>, vector<1x16xi32>,
        %get3A_241 = vector.shape_cast %get3A_240 : vector<1x16xi32> to vector<16xi32>
        %get3A_242 = arith.index_cast %scan3A_213 : i32 to index
        %get3A_243 = arith.constant 112 : index
        %get3A_244 = tpu.vector_load %arg12[%get3A_242, %get3A_243] {strides = array<i32>} : memref<16x512xi32, #tpu.memory_space<vmem>>, vector<1x16xi32>,
        %get3A_245 = vector.shape_cast %get3A_244 : vector<1x16xi32> to vector<16xi32>
        %shift_left3A = arith.constant 16 : i32
        %shift_left3A_246 = vector.broadcast %shift_left3A : i32 to vector<16xi32>
        %shift_left3A_247 = arith.shli %get3A_217, %shift_left3A_246 : vector<16xi32>
        %bitcast_convert_type3A = tpu.bitcast %shift_left3A_247 : vector<16xi32> -> vector<16xf32>
        %shift_right_logical3A = arith.constant 16 : i32
        %shift_right_logical3A_248 = vector.broadcast %shift_right_logical3A : i32 to vector<16xi32>
        %shift_right_logical3A_249 = arith.shrui %get3A_217, %shift_right_logical3A_248 : vector<16xi32>
        %shift_left3A_250 = arith.constant 16 : i32
        %shift_left3A_251 = vector.broadcast %shift_left3A_250 : i32 to vector<16xi32>
        %shift_left3A_252 = arith.shli %shift_right_logical3A_249, %shift_left3A_251 : vector<16xi32>
        %bitcast_convert_type3A_253 = tpu.bitcast %shift_left3A_252 : vector<16xi32> -> vector<16xf32>
        %swap3A = arith.index_cast %scan3A_213 : i32 to index
        %swap3A_254 = arith.constant 0 : index
        %swap3A_255 = tpu.vector_load %arg11[%swap3A, %swap3A_254] {strides = array<i32>} : memref<16x1024xf32, #tpu.memory_space<vmem>>, vector<1x16xf32>,
        %swap3A_256 = vector.shape_cast %swap3A_255 : vector<1x16xf32> to vector<16xf32>
        %swap3A_257 = vector.shape_cast %bitcast_convert_type3A : vector<16xf32> to vector<1x16xf32>
        tpu.vector_store %arg11[%swap3A, %swap3A_254], %swap3A_257 {add = true, strides = array<i32>} : memref<16x1024xf32, #tpu.memory_space<vmem>>, vector<1x16xf32>,
        %swap3A_258 = arith.index_cast %scan3A_213 : i32 to index
        %swap3A_259 = arith.constant 16 : index
        %swap3A_260 = tpu.vector_load %arg11[%swap3A_258, %swap3A_259] {strides = array<i32>} : memref<16x1024xf32, #tpu.memory_space<vmem>>, vector<1x16xf32>,
        %swap3A_261 = vector.shape_cast %swap3A_260 : vector<1x16xf32> to vector<16xf32>
        %swap3A_262 = vector.shape_cast %bitcast_convert_type3A_253 : vector<16xf32> to vector<1x16xf32>
        tpu.vector_store %arg11[%swap3A_258, %swap3A_259], %swap3A_262 {add = true, strides = array<i32>} : memref<16x1024xf32, #tpu.memory_space<vmem>>, vector<1x16xf32>,
        %shift_left3A_263 = arith.constant 16 : i32
        %shift_left3A_264 = vector.broadcast %shift_left3A_263 : i32 to vector<16xi32>
        %shift_left3A_265 = arith.shli %get3A_221, %shift_left3A_264 : vector<16xi32>
        %bitcast_convert_type3A_266 = tpu.bitcast %shift_left3A_265 : vector<16xi32> -> vector<16xf32>
        %shift_right_logical3A_267 = arith.constant 16 : i32
        %shift_right_logical3A_268 = vector.broadcast %shift_right_logical3A_267 : i32 to vector<16xi32>
        %shift_right_logical3A_269 = arith.shrui %get3A_221, %shift_right_logical3A_268 : vector<16xi32>
        %shift_left3A_270 = arith.constant 16 : i32
        %shift_left3A_271 = vector.broadcast %shift_left3A_270 : i32 to vector<16xi32>
        %shift_left3A_272 = arith.shli %shift_right_logical3A_269, %shift_left3A_271 : vector<16xi32>
        %bitcast_convert_type3A_273 = tpu.bitcast %shift_left3A_272 : vector<16xi32> -> vector<16xf32>
        %swap3A_274 = arith.index_cast %scan3A_213 : i32 to index
        %swap3A_275 = arith.constant 32 : index
        %swap3A_276 = tpu.vector_load %arg11[%swap3A_274, %swap3A_275] {strides = array<i32>} : memref<16x1024xf32, #tpu.memory_space<vmem>>, vector<1x16xf32>,
        %swap3A_277 = vector.shape_cast %swap3A_276 : vector<1x16xf32> to vector<16xf32>
        %swap3A_278 = vector.shape_cast %bitcast_convert_type3A_266 : vector<16xf32> to vector<1x16xf32>
        tpu.vector_store %arg11[%swap3A_274, %swap3A_275], %swap3A_278 {add = true, strides = array<i32>} : memref<16x1024xf32, #tpu.memory_space<vmem>>, vector<1x16xf32>,
        %swap3A_279 = arith.index_cast %scan3A_213 : i32 to index
        %swap3A_280 = arith.constant 48 : index
        %swap3A_281 = tpu.vector_load %arg11[%swap3A_279, %swap3A_280] {strides = array<i32>} : memref<16x1024xf32, #tpu.memory_space<vmem>>, vector<1x16xf32>,
        %swap3A_282 = vector.shape_cast %swap3A_281 : vector<1x16xf32> to vector<16xf32>
        %swap3A_283 = vector.shape_cast %bitcast_convert_type3A_273 : vector<16xf32> to vector<1x16xf32>
        tpu.vector_store %arg11[%swap3A_279, %swap3A_280], %swap3A_283 {add = true, strides = array<i32>} : memref<16x1024xf32, #tpu.memory_space<vmem>>, vector<1x16xf32>,
        %shift_left3A_284 = arith.constant 16 : i32
        %shift_left3A_285 = vector.broadcast %shift_left3A_284 : i32 to vector<16xi32>
        %shift_left3A_286 = arith.shli %get3A_225, %shift_left3A_285 : vector<16xi32>
        %bitcast_convert_type3A_287 = tpu.bitcast %shift_left3A_286 : vector<16xi32> -> vector<16xf32>
        %shift_right_logical3A_288 = arith.constant 16 : i32
        %shift_right_logical3A_289 = vector.broadcast %shift_right_logical3A_288 : i32 to vector<16xi32>
        %shift_right_logical3A_290 = arith.shrui %get3A_225, %shift_right_logical3A_289 : vector<16xi32>
        %shift_left3A_291 = arith.constant 16 : i32
        %shift_left3A_292 = vector.broadcast %shift_left3A_291 : i32 to vector<16xi32>
        %shift_left3A_293 = arith.shli %shift_right_logical3A_290, %shift_left3A_292 : vector<16xi32>
        %bitcast_convert_type3A_294 = tpu.bitcast %shift_left3A_293 : vector<16xi32> -> vector<16xf32>
        %swap3A_295 = arith.index_cast %scan3A_213 : i32 to index
        %swap3A_296 = arith.constant 64 : index
        %swap3A_297 = tpu.vector_load %arg11[%swap3A_295, %swap3A_296] {strides = array<i32>} : memref<16x1024xf32, #tpu.memory_space<vmem>>, vector<1x16xf32>,
        %swap3A_298 = vector.shape_cast %swap3A_297 : vector<1x16xf32> to vector<16xf32>
        %swap3A_299 = vector.shape_cast %bitcast_convert_type3A_287 : vector<16xf32> to vector<1x16xf32>
        tpu.vector_store %arg11[%swap3A_295, %swap3A_296], %swap3A_299 {add = true, strides = array<i32>} : memref<16x1024xf32, #tpu.memory_space<vmem>>, vector<1x16xf32>,
        %swap3A_300 = arith.index_cast %scan3A_213 : i32 to index
        %swap3A_301 = arith.constant 80 : index
        %swap3A_302 = tpu.vector_load %arg11[%swap3A_300, %swap3A_301] {strides = array<i32>} : memref<16x1024xf32, #tpu.memory_space<vmem>>, vector<1x16xf32>,
        %swap3A_303 = vector.shape_cast %swap3A_302 : vector<1x16xf32> to vector<16xf32>
        %swap3A_304 = vector.shape_cast %bitcast_convert_type3A_294 : vector<16xf32> to vector<1x16xf32>
        tpu.vector_store %arg11[%swap3A_300, %swap3A_301], %swap3A_304 {add = true, strides = array<i32>} : memref<16x1024xf32, #tpu.memory_space<vmem>>, vector<1x16xf32>,
        %shift_left3A_305 = arith.constant 16 : i32
        %shift_left3A_306 = vector.broadcast %shift_left3A_305 : i32 to vector<16xi32>
        %shift_left3A_307 = arith.shli %get3A_229, %shift_left3A_306 : vector<16xi32>
        %bitcast_convert_type3A_308 = tpu.bitcast %shift_left3A_307 : vector<16xi32> -> vector<16xf32>
        %shift_right_logical3A_309 = arith.constant 16 : i32
        %shift_right_logical3A_310 = vector.broadcast %shift_right_logical3A_309 : i32 to vector<16xi32>
        %shift_right_logical3A_311 = arith.shrui %get3A_229, %shift_right_logical3A_310 : vector<16xi32>
        %shift_left3A_312 = arith.constant 16 : i32
        %shift_left3A_313 = vector.broadcast %shift_left3A_312 : i32 to vector<16xi32>
        %shift_left3A_314 = arith.shli %shift_right_logical3A_311, %shift_left3A_313 : vector<16xi32>
        %bitcast_convert_type3A_315 = tpu.bitcast %shift_left3A_314 : vector<16xi32> -> vector<16xf32>
        %swap3A_316 = arith.index_cast %scan3A_213 : i32 to index
        %swap3A_317 = arith.constant 96 : index
        %swap3A_318 = tpu.vector_load %arg11[%swap3A_316, %swap3A_317] {strides = array<i32>} : memref<16x1024xf32, #tpu.memory_space<vmem>>, vector<1x16xf32>,
        %swap3A_319 = vector.shape_cast %swap3A_318 : vector<1x16xf32> to vector<16xf32>
        %swap3A_320 = vector.shape_cast %bitcast_convert_type3A_308 : vector<16xf32> to vector<1x16xf32>
        tpu.vector_store %arg11[%swap3A_316, %swap3A_317], %swap3A_320 {add = true, strides = array<i32>} : memref<16x1024xf32, #tpu.memory_space<vmem>>, vector<1x16xf32>,
        %swap3A_321 = arith.index_cast %scan3A_213 : i32 to index
        %swap3A_322 = arith.constant 112 : index
        %swap3A_323 = tpu.vector_load %arg11[%swap3A_321, %swap3A_322] {strides = array<i32>} : memref<16x1024xf32, #tpu.memory_space<vmem>>, vector<1x16xf32>,
        %swap3A_324 = vector.shape_cast %swap3A_323 : vector<1x16xf32> to vector<16xf32>
        %swap3A_325 = vector.shape_cast %bitcast_convert_type3A_315 : vector<16xf32> to vector<1x16xf32>
        tpu.vector_store %arg11[%swap3A_321, %swap3A_322], %swap3A_325 {add = true, strides = array<i32>} : memref<16x1024xf32, #tpu.memory_space<vmem>>, vector<1x16xf32>,
        %shift_left3A_326 = arith.constant 16 : i32
        %shift_left3A_327 = vector.broadcast %shift_left3A_326 : i32 to vector<16xi32>
        %shift_left3A_328 = arith.shli %get3A_233, %shift_left3A_327 : vector<16xi32>
        %bitcast_convert_type3A_329 = tpu.bitcast %shift_left3A_328 : vector<16xi32> -> vector<16xf32>
        %shift_right_logical3A_330 = arith.constant 16 : i32
        %shift_right_logical3A_331 = vector.broadcast %shift_right_logical3A_330 : i32 to vector<16xi32>
        %shift_right_logical3A_332 = arith.shrui %get3A_233, %shift_right_logical3A_331 : vector<16xi32>
        %shift_left3A_333 = arith.constant 16 : i32
        %shift_left3A_334 = vector.broadcast %shift_left3A_333 : i32 to vector<16xi32>
        %shift_left3A_335 = arith.shli %shift_right_logical3A_332, %shift_left3A_334 : vector<16xi32>
        %bitcast_convert_type3A_336 = tpu.bitcast %shift_left3A_335 : vector<16xi32> -> vector<16xf32>
        %swap3A_337 = arith.index_cast %scan3A_213 : i32 to index
        %swap3A_338 = arith.constant 128 : index
        %swap3A_339 = tpu.vector_load %arg11[%swap3A_337, %swap3A_338] {strides = array<i32>} : memref<16x1024xf32, #tpu.memory_space<vmem>>, vector<1x16xf32>,
        %swap3A_340 = vector.shape_cast %swap3A_339 : vector<1x16xf32> to vector<16xf32>
        %swap3A_341 = vector.shape_cast %bitcast_convert_type3A_329 : vector<16xf32> to vector<1x16xf32>
        tpu.vector_store %arg11[%swap3A_337, %swap3A_338], %swap3A_341 {add = true, strides = array<i32>} : memref<16x1024xf32, #tpu.memory_space<vmem>>, vector<1x16xf32>,
        %swap3A_342 = arith.index_cast %scan3A_213 : i32 to index
        %swap3A_343 = arith.constant 144 : index
        %swap3A_344 = tpu.vector_load %arg11[%swap3A_342, %swap3A_343] {strides = array<i32>} : memref<16x1024xf32, #tpu.memory_space<vmem>>, vector<1x16xf32>,
        %swap3A_345 = vector.shape_cast %swap3A_344 : vector<1x16xf32> to vector<16xf32>
        %swap3A_346 = vector.shape_cast %bitcast_convert_type3A_336 : vector<16xf32> to vector<1x16xf32>
        tpu.vector_store %arg11[%swap3A_342, %swap3A_343], %swap3A_346 {add = true, strides = array<i32>} : memref<16x1024xf32, #tpu.memory_space<vmem>>, vector<1x16xf32>,
        %shift_left3A_347 = arith.constant 16 : i32
        %shift_left3A_348 = vector.broadcast %shift_left3A_347 : i32 to vector<16xi32>
        %shift_left3A_349 = arith.shli %get3A_237, %shift_left3A_348 : vector<16xi32>
        %bitcast_convert_type3A_350 = tpu.bitcast %shift_left3A_349 : vector<16xi32> -> vector<16xf32>
        %shift_right_logical3A_351 = arith.constant 16 : i32
        %shift_right_logical3A_352 = vector.broadcast %shift_right_logical3A_351 : i32 to vector<16xi32>
        %shift_right_logical3A_353 = arith.shrui %get3A_237, %shift_right_logical3A_352 : vector<16xi32>
        %shift_left3A_354 = arith.constant 16 : i32
        %shift_left3A_355 = vector.broadcast %shift_left3A_354 : i32 to vector<16xi32>
        %shift_left3A_356 = arith.shli %shift_right_logical3A_353, %shift_left3A_355 : vector<16xi32>
        %bitcast_convert_type3A_357 = tpu.bitcast %shift_left3A_356 : vector<16xi32> -> vector<16xf32>
        %swap3A_358 = arith.index_cast %scan3A_213 : i32 to index
        %swap3A_359 = arith.constant 160 : index
        %swap3A_360 = tpu.vector_load %arg11[%swap3A_358, %swap3A_359] {strides = array<i32>} : memref<16x1024xf32, #tpu.memory_space<vmem>>, vector<1x16xf32>,
        %swap3A_361 = vector.shape_cast %swap3A_360 : vector<1x16xf32> to vector<16xf32>
        %swap3A_362 = vector.shape_cast %bitcast_convert_type3A_350 : vector<16xf32> to vector<1x16xf32>
        tpu.vector_store %arg11[%swap3A_358, %swap3A_359], %swap3A_362 {add = true, strides = array<i32>} : memref<16x1024xf32, #tpu.memory_space<vmem>>, vector<1x16xf32>,
        %swap3A_363 = arith.index_cast %scan3A_213 : i32 to index
        %swap3A_364 = arith.constant 176 : index
        %swap3A_365 = tpu.vector_load %arg11[%swap3A_363, %swap3A_364] {strides = array<i32>} : memref<16x1024xf32, #tpu.memory_space<vmem>>, vector<1x16xf32>,
        %swap3A_366 = vector.shape_cast %swap3A_365 : vector<1x16xf32> to vector<16xf32>
        %swap3A_367 = vector.shape_cast %bitcast_convert_type3A_357 : vector<16xf32> to vector<1x16xf32>
        tpu.vector_store %arg11[%swap3A_363, %swap3A_364], %swap3A_367 {add = true, strides = array<i32>} : memref<16x1024xf32, #tpu.memory_space<vmem>>, vector<1x16xf32>,
        %shift_left3A_368 = arith.constant 16 : i32
        %shift_left3A_369 = vector.broadcast %shift_left3A_368 : i32 to vector<16xi32>
        %shift_left3A_370 = arith.shli %get3A_241, %shift_left3A_369 : vector<16xi32>
        %bitcast_convert_type3A_371 = tpu.bitcast %shift_left3A_370 : vector<16xi32> -> vector<16xf32>
        %shift_right_logical3A_372 = arith.constant 16 : i32
        %shift_right_logical3A_373 = vector.broadcast %shift_right_logical3A_372 : i32 to vector<16xi32>
        %shift_right_logical3A_374 = arith.shrui %get3A_241, %shift_right_logical3A_373 : vector<16xi32>
        %shift_left3A_375 = arith.constant 16 : i32
        %shift_left3A_376 = vector.broadcast %shift_left3A_375 : i32 to vector<16xi32>
        %shift_left3A_377 = arith.shli %shift_right_logical3A_374, %shift_left3A_376 : vector<16xi32>
        %bitcast_convert_type3A_378 = tpu.bitcast %shift_left3A_377 : vector<16xi32> -> vector<16xf32>
        %swap3A_379 = arith.index_cast %scan3A_213 : i32 to index
        %swap3A_380 = arith.constant 192 : index
        %swap3A_381 = tpu.vector_load %arg11[%swap3A_379, %swap3A_380] {strides = array<i32>} : memref<16x1024xf32, #tpu.memory_space<vmem>>, vector<1x16xf32>,
        %swap3A_382 = vector.shape_cast %swap3A_381 : vector<1x16xf32> to vector<16xf32>
        %swap3A_383 = vector.shape_cast %bitcast_convert_type3A_371 : vector<16xf32> to vector<1x16xf32>
        tpu.vector_store %arg11[%swap3A_379, %swap3A_380], %swap3A_383 {add = true, strides = array<i32>} : memref<16x1024xf32, #tpu.memory_space<vmem>>, vector<1x16xf32>,
        %swap3A_384 = arith.index_cast %scan3A_213 : i32 to index
        %swap3A_385 = arith.constant 208 : index
        %swap3A_386 = tpu.vector_load %arg11[%swap3A_384, %swap3A_385] {strides = array<i32>} : memref<16x1024xf32, #tpu.memory_space<vmem>>, vector<1x16xf32>,
        %swap3A_387 = vector.shape_cast %swap3A_386 : vector<1x16xf32> to vector<16xf32>
        %swap3A_388 = vector.shape_cast %bitcast_convert_type3A_378 : vector<16xf32> to vector<1x16xf32>
        tpu.vector_store %arg11[%swap3A_384, %swap3A_385], %swap3A_388 {add = true, strides = array<i32>} : memref<16x1024xf32, #tpu.memory_space<vmem>>, vector<1x16xf32>,
        %shift_left3A_389 = arith.constant 16 : i32
        %shift_left3A_390 = vector.broadcast %shift_left3A_389 : i32 to vector<16xi32>
        %shift_left3A_391 = arith.shli %get3A_245, %shift_left3A_390 : vector<16xi32>
        %bitcast_convert_type3A_392 = tpu.bitcast %shift_left3A_391 : vector<16xi32> -> vector<16xf32>
        %shift_right_logical3A_393 = arith.constant 16 : i32
        %shift_right_logical3A_394 = vector.broadcast %shift_right_logical3A_393 : i32 to vector<16xi32>
        %shift_right_logical3A_395 = arith.shrui %get3A_245, %shift_right_logical3A_394 : vector<16xi32>
        %shift_left3A_396 = arith.constant 16 : i32
        %shift_left3A_397 = vector.broadcast %shift_left3A_396 : i32 to vector<16xi32>
        %shift_left3A_398 = arith.shli %shift_right_logical3A_395, %shift_left3A_397 : vector<16xi32>
        %bitcast_convert_type3A_399 = tpu.bitcast %shift_left3A_398 : vector<16xi32> -> vector<16xf32>
        %swap3A_400 = arith.index_cast %scan3A_213 : i32 to index
        %swap3A_401 = arith.constant 224 : index
        %swap3A_402 = tpu.vector_load %arg11[%swap3A_400, %swap3A_401] {strides = array<i32>} : memref<16x1024xf32, #tpu.memory_space<vmem>>, vector<1x16xf32>,
        %swap3A_403 = vector.shape_cast %swap3A_402 : vector<1x16xf32> to vector<16xf32>
        %swap3A_404 = vector.shape_cast %bitcast_convert_type3A_392 : vector<16xf32> to vector<1x16xf32>
        tpu.vector_store %arg11[%swap3A_400, %swap3A_401], %swap3A_404 {add = true, strides = array<i32>} : memref<16x1024xf32, #tpu.memory_space<vmem>>, vector<1x16xf32>,
        %swap3A_405 = arith.index_cast %scan3A_213 : i32 to index
        %swap3A_406 = arith.constant 240 : index
        %swap3A_407 = tpu.vector_load %arg11[%swap3A_405, %swap3A_406] {strides = array<i32>} : memref<16x1024xf32, #tpu.memory_space<vmem>>, vector<1x16xf32>,
        %swap3A_408 = vector.shape_cast %swap3A_407 : vector<1x16xf32> to vector<16xf32>
        %swap3A_409 = vector.shape_cast %bitcast_convert_type3A_399 : vector<16xf32> to vector<1x16xf32>
        tpu.vector_store %arg11[%swap3A_405, %swap3A_406], %swap3A_409 {add = true, strides = array<i32>} : memref<16x1024xf32, #tpu.memory_space<vmem>>, vector<1x16xf32>,
        %get3A_410 = arith.index_cast %scan3A_213 : i32 to index
        %get3A_411 = arith.constant 128 : index
        %get3A_412 = tpu.vector_load %arg12[%get3A_410, %get3A_411] {strides = array<i32>} : memref<16x512xi32, #tpu.memory_space<vmem>>, vector<1x16xi32>,
        %get3A_413 = vector.shape_cast %get3A_412 : vector<1x16xi32> to vector<16xi32>
        %get3A_414 = arith.index_cast %scan3A_213 : i32 to index
        %get3A_415 = arith.constant 144 : index
        %get3A_416 = tpu.vector_load %arg12[%get3A_414, %get3A_415] {strides = array<i32>} : memref<16x512xi32, #tpu.memory_space<vmem>>, vector<1x16xi32>,
        %get3A_417 = vector.shape_cast %get3A_416 : vector<1x16xi32> to vector<16xi32>
        %get3A_418 = arith.index_cast %scan3A_213 : i32 to index
        %get3A_419 = arith.constant 160 : index
        %get3A_420 = tpu.vector_load %arg12[%get3A_418, %get3A_419] {strides = array<i32>} : memref<16x512xi32, #tpu.memory_space<vmem>>, vector<1x16xi32>,
        %get3A_421 = vector.shape_cast %get3A_420 : vector<1x16xi32> to vector<16xi32>
        %get3A_422 = arith.index_cast %scan3A_213 : i32 to index
        %get3A_423 = arith.constant 176 : index
        %get3A_424 = tpu.vector_load %arg12[%get3A_422, %get3A_423] {strides = array<i32>} : memref<16x512xi32, #tpu.memory_space<vmem>>, vector<1x16xi32>,
        %get3A_425 = vector.shape_cast %get3A_424 : vector<1x16xi32> to vector<16xi32>
        %get3A_426 = arith.index_cast %scan3A_213 : i32 to index
        %get3A_427 = arith.constant 192 : index
        %get3A_428 = tpu.vector_load %arg12[%get3A_426, %get3A_427] {strides = array<i32>} : memref<16x512xi32, #tpu.memory_space<vmem>>, vector<1x16xi32>,
        %get3A_429 = vector.shape_cast %get3A_428 : vector<1x16xi32> to vector<16xi32>
        %get3A_430 = arith.index_cast %scan3A_213 : i32 to index
        %get3A_431 = arith.constant 208 : index
        %get3A_432 = tpu.vector_load %arg12[%get3A_430, %get3A_431] {strides = array<i32>} : memref<16x512xi32, #tpu.memory_space<vmem>>, vector<1x16xi32>,
        %get3A_433 = vector.shape_cast %get3A_432 : vector<1x16xi32> to vector<16xi32>
        %get3A_434 = arith.index_cast %scan3A_213 : i32 to index
        %get3A_435 = arith.constant 224 : index
        %get3A_436 = tpu.vector_load %arg12[%get3A_434, %get3A_435] {strides = array<i32>} : memref<16x512xi32, #tpu.memory_space<vmem>>, vector<1x16xi32>,
        %get3A_437 = vector.shape_cast %get3A_436 : vector<1x16xi32> to vector<16xi32>
        %get3A_438 = arith.index_cast %scan3A_213 : i32 to index
        %get3A_439 = arith.constant 240 : index
        %get3A_440 = tpu.vector_load %arg12[%get3A_438, %get3A_439] {strides = array<i32>} : memref<16x512xi32, #tpu.memory_space<vmem>>, vector<1x16xi32>,
        %get3A_441 = vector.shape_cast %get3A_440 : vector<1x16xi32> to vector<16xi32>
        %shift_left3A_442 = arith.constant 16 : i32
        %shift_left3A_443 = vector.broadcast %shift_left3A_442 : i32 to vector<16xi32>
        %shift_left3A_444 = arith.shli %get3A_413, %shift_left3A_443 : vector<16xi32>
        %bitcast_convert_type3A_445 = tpu.bitcast %shift_left3A_444 : vector<16xi32> -> vector<16xf32>
        %shift_right_logical3A_446 = arith.constant 16 : i32
        %shift_right_logical3A_447 = vector.broadcast %shift_right_logical3A_446 : i32 to vector<16xi32>
        %shift_right_logical3A_448 = arith.shrui %get3A_413, %shift_right_logical3A_447 : vector<16xi32>
        %shift_left3A_449 = arith.constant 16 : i32
        %shift_left3A_450 = vector.broadcast %shift_left3A_449 : i32 to vector<16xi32>
        %shift_left3A_451 = arith.shli %shift_right_logical3A_448, %shift_left3A_450 : vector<16xi32>
        %bitcast_convert_type3A_452 = tpu.bitcast %shift_left3A_451 : vector<16xi32> -> vector<16xf32>
        %swap3A_453 = arith.index_cast %scan3A_213 : i32 to index
        %swap3A_454 = arith.constant 256 : index
        %swap3A_455 = tpu.vector_load %arg11[%swap3A_453, %swap3A_454] {strides = array<i32>} : memref<16x1024xf32, #tpu.memory_space<vmem>>, vector<1x16xf32>,
        %swap3A_456 = vector.shape_cast %swap3A_455 : vector<1x16xf32> to vector<16xf32>
        %swap3A_457 = vector.shape_cast %bitcast_convert_type3A_445 : vector<16xf32> to vector<1x16xf32>
        tpu.vector_store %arg11[%swap3A_453, %swap3A_454], %swap3A_457 {add = true, strides = array<i32>} : memref<16x1024xf32, #tpu.memory_space<vmem>>, vector<1x16xf32>,
        %swap3A_458 = arith.index_cast %scan3A_213 : i32 to index
        %swap3A_459 = arith.constant 272 : index
        %swap3A_460 = tpu.vector_load %arg11[%swap3A_458, %swap3A_459] {strides = array<i32>} : memref<16x1024xf32, #tpu.memory_space<vmem>>, vector<1x16xf32>,
        %swap3A_461 = vector.shape_cast %swap3A_460 : vector<1x16xf32> to vector<16xf32>
        %swap3A_462 = vector.shape_cast %bitcast_convert_type3A_452 : vector<16xf32> to vector<1x16xf32>
        tpu.vector_store %arg11[%swap3A_458, %swap3A_459], %swap3A_462 {add = true, strides = array<i32>} : memref<16x1024xf32, #tpu.memory_space<vmem>>, vector<1x16xf32>,
        %shift_left3A_463 = arith.constant 16 : i32
        %shift_left3A_464 = vector.broadcast %shift_left3A_463 : i32 to vector<16xi32>
        %shift_left3A_465 = arith.shli %get3A_417, %shift_left3A_464 : vector<16xi32>
        %bitcast_convert_type3A_466 = tpu.bitcast %shift_left3A_465 : vector<16xi32> -> vector<16xf32>
        %shift_right_logical3A_467 = arith.constant 16 : i32
        %shift_right_logical3A_468 = vector.broadcast %shift_right_logical3A_467 : i32 to vector<16xi32>
        %shift_right_logical3A_469 = arith.shrui %get3A_417, %shift_right_logical3A_468 : vector<16xi32>
        %shift_left3A_470 = arith.constant 16 : i32
        %shift_left3A_471 = vector.broadcast %shift_left3A_470 : i32 to vector<16xi32>
        %shift_left3A_472 = arith.shli %shift_right_logical3A_469, %shift_left3A_471 : vector<16xi32>
        %bitcast_convert_type3A_473 = tpu.bitcast %shift_left3A_472 : vector<16xi32> -> vector<16xf32>
        %swap3A_474 = arith.index_cast %scan3A_213 : i32 to index
        %swap3A_475 = arith.constant 288 : index
        %swap3A_476 = tpu.vector_load %arg11[%swap3A_474, %swap3A_475] {strides = array<i32>} : memref<16x1024xf32, #tpu.memory_space<vmem>>, vector<1x16xf32>,
        %swap3A_477 = vector.shape_cast %swap3A_476 : vector<1x16xf32> to vector<16xf32>
        %swap3A_478 = vector.shape_cast %bitcast_convert_type3A_466 : vector<16xf32> to vector<1x16xf32>
        tpu.vector_store %arg11[%swap3A_474, %swap3A_475], %swap3A_478 {add = true, strides = array<i32>} : memref<16x1024xf32, #tpu.memory_space<vmem>>, vector<1x16xf32>,
        %swap3A_479 = arith.index_cast %scan3A_213 : i32 to index
        %swap3A_480 = arith.constant 304 : index
        %swap3A_481 = tpu.vector_load %arg11[%swap3A_479, %swap3A_480] {strides = array<i32>} : memref<16x1024xf32, #tpu.memory_space<vmem>>, vector<1x16xf32>,
        %swap3A_482 = vector.shape_cast %swap3A_481 : vector<1x16xf32> to vector<16xf32>
        %swap3A_483 = vector.shape_cast %bitcast_convert_type3A_473 : vector<16xf32> to vector<1x16xf32>
        tpu.vector_store %arg11[%swap3A_479, %swap3A_480], %swap3A_483 {add = true, strides = array<i32>} : memref<16x1024xf32, #tpu.memory_space<vmem>>, vector<1x16xf32>,
        %shift_left3A_484 = arith.constant 16 : i32
        %shift_left3A_485 = vector.broadcast %shift_left3A_484 : i32 to vector<16xi32>
        %shift_left3A_486 = arith.shli %get3A_421, %shift_left3A_485 : vector<16xi32>
        %bitcast_convert_type3A_487 = tpu.bitcast %shift_left3A_486 : vector<16xi32> -> vector<16xf32>
        %shift_right_logical3A_488 = arith.constant 16 : i32
        %shift_right_logical3A_489 = vector.broadcast %shift_right_logical3A_488 : i32 to vector<16xi32>
        %shift_right_logical3A_490 = arith.shrui %get3A_421, %shift_right_logical3A_489 : vector<16xi32>
        %shift_left3A_491 = arith.constant 16 : i32
        %shift_left3A_492 = vector.broadcast %shift_left3A_491 : i32 to vector<16xi32>
        %shift_left3A_493 = arith.shli %shift_right_logical3A_490, %shift_left3A_492 : vector<16xi32>
        %bitcast_convert_type3A_494 = tpu.bitcast %shift_left3A_493 : vector<16xi32> -> vector<16xf32>
        %swap3A_495 = arith.index_cast %scan3A_213 : i32 to index
        %swap3A_496 = arith.constant 320 : index
        %swap3A_497 = tpu.vector_load %arg11[%swap3A_495, %swap3A_496] {strides = array<i32>} : memref<16x1024xf32, #tpu.memory_space<vmem>>, vector<1x16xf32>,
        %swap3A_498 = vector.shape_cast %swap3A_497 : vector<1x16xf32> to vector<16xf32>
        %swap3A_499 = vector.shape_cast %bitcast_convert_type3A_487 : vector<16xf32> to vector<1x16xf32>
        tpu.vector_store %arg11[%swap3A_495, %swap3A_496], %swap3A_499 {add = true, strides = array<i32>} : memref<16x1024xf32, #tpu.memory_space<vmem>>, vector<1x16xf32>,
        %swap3A_500 = arith.index_cast %scan3A_213 : i32 to index
        %swap3A_501 = arith.constant 336 : index
        %swap3A_502 = tpu.vector_load %arg11[%swap3A_500, %swap3A_501] {strides = array<i32>} : memref<16x1024xf32, #tpu.memory_space<vmem>>, vector<1x16xf32>,
        %swap3A_503 = vector.shape_cast %swap3A_502 : vector<1x16xf32> to vector<16xf32>
        %swap3A_504 = vector.shape_cast %bitcast_convert_type3A_494 : vector<16xf32> to vector<1x16xf32>
        tpu.vector_store %arg11[%swap3A_500, %swap3A_501], %swap3A_504 {add = true, strides = array<i32>} : memref<16x1024xf32, #tpu.memory_space<vmem>>, vector<1x16xf32>,
        %shift_left3A_505 = arith.constant 16 : i32
        %shift_left3A_506 = vector.broadcast %shift_left3A_505 : i32 to vector<16xi32>
        %shift_left3A_507 = arith.shli %get3A_425, %shift_left3A_506 : vector<16xi32>
        %bitcast_convert_type3A_508 = tpu.bitcast %shift_left3A_507 : vector<16xi32> -> vector<16xf32>
        %shift_right_logical3A_509 = arith.constant 16 : i32
        %shift_right_logical3A_510 = vector.broadcast %shift_right_logical3A_509 : i32 to vector<16xi32>
        %shift_right_logical3A_511 = arith.shrui %get3A_425, %shift_right_logical3A_510 : vector<16xi32>
        %shift_left3A_512 = arith.constant 16 : i32
        %shift_left3A_513 = vector.broadcast %shift_left3A_512 : i32 to vector<16xi32>
        %shift_left3A_514 = arith.shli %shift_right_logical3A_511, %shift_left3A_513 : vector<16xi32>
        %bitcast_convert_type3A_515 = tpu.bitcast %shift_left3A_514 : vector<16xi32> -> vector<16xf32>
        %swap3A_516 = arith.index_cast %scan3A_213 : i32 to index
        %swap3A_517 = arith.constant 352 : index
        %swap3A_518 = tpu.vector_load %arg11[%swap3A_516, %swap3A_517] {strides = array<i32>} : memref<16x1024xf32, #tpu.memory_space<vmem>>, vector<1x16xf32>,
        %swap3A_519 = vector.shape_cast %swap3A_518 : vector<1x16xf32> to vector<16xf32>
        %swap3A_520 = vector.shape_cast %bitcast_convert_type3A_508 : vector<16xf32> to vector<1x16xf32>
        tpu.vector_store %arg11[%swap3A_516, %swap3A_517], %swap3A_520 {add = true, strides = array<i32>} : memref<16x1024xf32, #tpu.memory_space<vmem>>, vector<1x16xf32>,
        %swap3A_521 = arith.index_cast %scan3A_213 : i32 to index
        %swap3A_522 = arith.constant 368 : index
        %swap3A_523 = tpu.vector_load %arg11[%swap3A_521, %swap3A_522] {strides = array<i32>} : memref<16x1024xf32, #tpu.memory_space<vmem>>, vector<1x16xf32>,
        %swap3A_524 = vector.shape_cast %swap3A_523 : vector<1x16xf32> to vector<16xf32>
        %swap3A_525 = vector.shape_cast %bitcast_convert_type3A_515 : vector<16xf32> to vector<1x16xf32>
        tpu.vector_store %arg11[%swap3A_521, %swap3A_522], %swap3A_525 {add = true, strides = array<i32>} : memref<16x1024xf32, #tpu.memory_space<vmem>>, vector<1x16xf32>,
        %shift_left3A_526 = arith.constant 16 : i32
        %shift_left3A_527 = vector.broadcast %shift_left3A_526 : i32 to vector<16xi32>
        %shift_left3A_528 = arith.shli %get3A_429, %shift_left3A_527 : vector<16xi32>
        %bitcast_convert_type3A_529 = tpu.bitcast %shift_left3A_528 : vector<16xi32> -> vector<16xf32>
        %shift_right_logical3A_530 = arith.constant 16 : i32
        %shift_right_logical3A_531 = vector.broadcast %shift_right_logical3A_530 : i32 to vector<16xi32>
        %shift_right_logical3A_532 = arith.shrui %get3A_429, %shift_right_logical3A_531 : vector<16xi32>
        %shift_left3A_533 = arith.constant 16 : i32
        %shift_left3A_534 = vector.broadcast %shift_left3A_533 : i32 to vector<16xi32>
        %shift_left3A_535 = arith.shli %shift_right_logical3A_532, %shift_left3A_534 : vector<16xi32>
        %bitcast_convert_type3A_536 = tpu.bitcast %shift_left3A_535 : vector<16xi32> -> vector<16xf32>
        %swap3A_537 = arith.index_cast %scan3A_213 : i32 to index
        %swap3A_538 = arith.constant 384 : index
        %swap3A_539 = tpu.vector_load %arg11[%swap3A_537, %swap3A_538] {strides = array<i32>} : memref<16x1024xf32, #tpu.memory_space<vmem>>, vector<1x16xf32>,
        %swap3A_540 = vector.shape_cast %swap3A_539 : vector<1x16xf32> to vector<16xf32>
        %swap3A_541 = vector.shape_cast %bitcast_convert_type3A_529 : vector<16xf32> to vector<1x16xf32>
        tpu.vector_store %arg11[%swap3A_537, %swap3A_538], %swap3A_541 {add = true, strides = array<i32>} : memref<16x1024xf32, #tpu.memory_space<vmem>>, vector<1x16xf32>,
        %swap3A_542 = arith.index_cast %scan3A_213 : i32 to index
        %swap3A_543 = arith.constant 400 : index
        %swap3A_544 = tpu.vector_load %arg11[%swap3A_542, %swap3A_543] {strides = array<i32>} : memref<16x1024xf32, #tpu.memory_space<vmem>>, vector<1x16xf32>,
        %swap3A_545 = vector.shape_cast %swap3A_544 : vector<1x16xf32> to vector<16xf32>
        %swap3A_546 = vector.shape_cast %bitcast_convert_type3A_536 : vector<16xf32> to vector<1x16xf32>
        tpu.vector_store %arg11[%swap3A_542, %swap3A_543], %swap3A_546 {add = true, strides = array<i32>} : memref<16x1024xf32, #tpu.memory_space<vmem>>, vector<1x16xf32>,
        %shift_left3A_547 = arith.constant 16 : i32
        %shift_left3A_548 = vector.broadcast %shift_left3A_547 : i32 to vector<16xi32>
        %shift_left3A_549 = arith.shli %get3A_433, %shift_left3A_548 : vector<16xi32>
        %bitcast_convert_type3A_550 = tpu.bitcast %shift_left3A_549 : vector<16xi32> -> vector<16xf32>
        %shift_right_logical3A_551 = arith.constant 16 : i32
        %shift_right_logical3A_552 = vector.broadcast %shift_right_logical3A_551 : i32 to vector<16xi32>
        %shift_right_logical3A_553 = arith.shrui %get3A_433, %shift_right_logical3A_552 : vector<16xi32>
        %shift_left3A_554 = arith.constant 16 : i32
        %shift_left3A_555 = vector.broadcast %shift_left3A_554 : i32 to vector<16xi32>
        %shift_left3A_556 = arith.shli %shift_right_logical3A_553, %shift_left3A_555 : vector<16xi32>
        %bitcast_convert_type3A_557 = tpu.bitcast %shift_left3A_556 : vector<16xi32> -> vector<16xf32>
        %swap3A_558 = arith.index_cast %scan3A_213 : i32 to index
        %swap3A_559 = arith.constant 416 : index
        %swap3A_560 = tpu.vector_load %arg11[%swap3A_558, %swap3A_559] {strides = array<i32>} : memref<16x1024xf32, #tpu.memory_space<vmem>>, vector<1x16xf32>,
        %swap3A_561 = vector.shape_cast %swap3A_560 : vector<1x16xf32> to vector<16xf32>
        %swap3A_562 = vector.shape_cast %bitcast_convert_type3A_550 : vector<16xf32> to vector<1x16xf32>
        tpu.vector_store %arg11[%swap3A_558, %swap3A_559], %swap3A_562 {add = true, strides = array<i32>} : memref<16x1024xf32, #tpu.memory_space<vmem>>, vector<1x16xf32>,
        %swap3A_563 = arith.index_cast %scan3A_213 : i32 to index
        %swap3A_564 = arith.constant 432 : index
        %swap3A_565 = tpu.vector_load %arg11[%swap3A_563, %swap3A_564] {strides = array<i32>} : memref<16x1024xf32, #tpu.memory_space<vmem>>, vector<1x16xf32>,
        %swap3A_566 = vector.shape_cast %swap3A_565 : vector<1x16xf32> to vector<16xf32>
        %swap3A_567 = vector.shape_cast %bitcast_convert_type3A_557 : vector<16xf32> to vector<1x16xf32>
        tpu.vector_store %arg11[%swap3A_563, %swap3A_564], %swap3A_567 {add = true, strides = array<i32>} : memref<16x1024xf32, #tpu.memory_space<vmem>>, vector<1x16xf32>,
        %shift_left3A_568 = arith.constant 16 : i32
        %shift_left3A_569 = vector.broadcast %shift_left3A_568 : i32 to vector<16xi32>
        %shift_left3A_570 = arith.shli %get3A_437, %shift_left3A_569 : vector<16xi32>
        %bitcast_convert_type3A_571 = tpu.bitcast %shift_left3A_570 : vector<16xi32> -> vector<16xf32>
        %shift_right_logical3A_572 = arith.constant 16 : i32
        %shift_right_logical3A_573 = vector.broadcast %shift_right_logical3A_572 : i32 to vector<16xi32>
        %shift_right_logical3A_574 = arith.shrui %get3A_437, %shift_right_logical3A_573 : vector<16xi32>
        %shift_left3A_575 = arith.constant 16 : i32
        %shift_left3A_576 = vector.broadcast %shift_left3A_575 : i32 to vector<16xi32>
        %shift_left3A_577 = arith.shli %shift_right_logical3A_574, %shift_left3A_576 : vector<16xi32>
        %bitcast_convert_type3A_578 = tpu.bitcast %shift_left3A_577 : vector<16xi32> -> vector<16xf32>
        %swap3A_579 = arith.index_cast %scan3A_213 : i32 to index
        %swap3A_580 = arith.constant 448 : index
        %swap3A_581 = tpu.vector_load %arg11[%swap3A_579, %swap3A_580] {strides = array<i32>} : memref<16x1024xf32, #tpu.memory_space<vmem>>, vector<1x16xf32>,
        %swap3A_582 = vector.shape_cast %swap3A_581 : vector<1x16xf32> to vector<16xf32>
        %swap3A_583 = vector.shape_cast %bitcast_convert_type3A_571 : vector<16xf32> to vector<1x16xf32>
        tpu.vector_store %arg11[%swap3A_579, %swap3A_580], %swap3A_583 {add = true, strides = array<i32>} : memref<16x1024xf32, #tpu.memory_space<vmem>>, vector<1x16xf32>,
        %swap3A_584 = arith.index_cast %scan3A_213 : i32 to index
        %swap3A_585 = arith.constant 464 : index
        %swap3A_586 = tpu.vector_load %arg11[%swap3A_584, %swap3A_585] {strides = array<i32>} : memref<16x1024xf32, #tpu.memory_space<vmem>>, vector<1x16xf32>,
        %swap3A_587 = vector.shape_cast %swap3A_586 : vector<1x16xf32> to vector<16xf32>
        %swap3A_588 = vector.shape_cast %bitcast_convert_type3A_578 : vector<16xf32> to vector<1x16xf32>
        tpu.vector_store %arg11[%swap3A_584, %swap3A_585], %swap3A_588 {add = true, strides = array<i32>} : memref<16x1024xf32, #tpu.memory_space<vmem>>, vector<1x16xf32>,
        %shift_left3A_589 = arith.constant 16 : i32
        %shift_left3A_590 = vector.broadcast %shift_left3A_589 : i32 to vector<16xi32>
        %shift_left3A_591 = arith.shli %get3A_441, %shift_left3A_590 : vector<16xi32>
        %bitcast_convert_type3A_592 = tpu.bitcast %shift_left3A_591 : vector<16xi32> -> vector<16xf32>
        %shift_right_logical3A_593 = arith.constant 16 : i32
        %shift_right_logical3A_594 = vector.broadcast %shift_right_logical3A_593 : i32 to vector<16xi32>
        %shift_right_logical3A_595 = arith.shrui %get3A_441, %shift_right_logical3A_594 : vector<16xi32>
        %shift_left3A_596 = arith.constant 16 : i32
        %shift_left3A_597 = vector.broadcast %shift_left3A_596 : i32 to vector<16xi32>
        %shift_left3A_598 = arith.shli %shift_right_logical3A_595, %shift_left3A_597 : vector<16xi32>
        %bitcast_convert_type3A_599 = tpu.bitcast %shift_left3A_598 : vector<16xi32> -> vector<16xf32>
        %swap3A_600 = arith.index_cast %scan3A_213 : i32 to index
        %swap3A_601 = arith.constant 480 : index
        %swap3A_602 = tpu.vector_load %arg11[%swap3A_600, %swap3A_601] {strides = array<i32>} : memref<16x1024xf32, #tpu.memory_space<vmem>>, vector<1x16xf32>,
        %swap3A_603 = vector.shape_cast %swap3A_602 : vector<1x16xf32> to vector<16xf32>
        %swap3A_604 = vector.shape_cast %bitcast_convert_type3A_592 : vector<16xf32> to vector<1x16xf32>
        tpu.vector_store %arg11[%swap3A_600, %swap3A_601], %swap3A_604 {add = true, strides = array<i32>} : memref<16x1024xf32, #tpu.memory_space<vmem>>, vector<1x16xf32>,
        %swap3A_605 = arith.index_cast %scan3A_213 : i32 to index
        %swap3A_606 = arith.constant 496 : index
        %swap3A_607 = tpu.vector_load %arg11[%swap3A_605, %swap3A_606] {strides = array<i32>} : memref<16x1024xf32, #tpu.memory_space<vmem>>, vector<1x16xf32>,
        %swap3A_608 = vector.shape_cast %swap3A_607 : vector<1x16xf32> to vector<16xf32>
        %swap3A_609 = vector.shape_cast %bitcast_convert_type3A_599 : vector<16xf32> to vector<1x16xf32>
        tpu.vector_store %arg11[%swap3A_605, %swap3A_606], %swap3A_609 {add = true, strides = array<i32>} : memref<16x1024xf32, #tpu.memory_space<vmem>>, vector<1x16xf32>,
        %get3A_610 = arith.index_cast %scan3A_213 : i32 to index
        %get3A_611 = arith.constant 256 : index
        %get3A_612 = tpu.vector_load %arg12[%get3A_610, %get3A_611] {strides = array<i32>} : memref<16x512xi32, #tpu.memory_space<vmem>>, vector<1x16xi32>,
        %get3A_613 = vector.shape_cast %get3A_612 : vector<1x16xi32> to vector<16xi32>
        %get3A_614 = arith.index_cast %scan3A_213 : i32 to index
        %get3A_615 = arith.constant 272 : index
        %get3A_616 = tpu.vector_load %arg12[%get3A_614, %get3A_615] {strides = array<i32>} : memref<16x512xi32, #tpu.memory_space<vmem>>, vector<1x16xi32>,
        %get3A_617 = vector.shape_cast %get3A_616 : vector<1x16xi32> to vector<16xi32>
        %get3A_618 = arith.index_cast %scan3A_213 : i32 to index
        %get3A_619 = arith.constant 288 : index
        %get3A_620 = tpu.vector_load %arg12[%get3A_618, %get3A_619] {strides = array<i32>} : memref<16x512xi32, #tpu.memory_space<vmem>>, vector<1x16xi32>,
        %get3A_621 = vector.shape_cast %get3A_620 : vector<1x16xi32> to vector<16xi32>
        %get3A_622 = arith.index_cast %scan3A_213 : i32 to index
        %get3A_623 = arith.constant 304 : index
        %get3A_624 = tpu.vector_load %arg12[%get3A_622, %get3A_623] {strides = array<i32>} : memref<16x512xi32, #tpu.memory_space<vmem>>, vector<1x16xi32>,
        %get3A_625 = vector.shape_cast %get3A_624 : vector<1x16xi32> to vector<16xi32>
        %get3A_626 = arith.index_cast %scan3A_213 : i32 to index
        %get3A_627 = arith.constant 320 : index
        %get3A_628 = tpu.vector_load %arg12[%get3A_626, %get3A_627] {strides = array<i32>} : memref<16x512xi32, #tpu.memory_space<vmem>>, vector<1x16xi32>,
        %get3A_629 = vector.shape_cast %get3A_628 : vector<1x16xi32> to vector<16xi32>
        %get3A_630 = arith.index_cast %scan3A_213 : i32 to index
        %get3A_631 = arith.constant 336 : index
        %get3A_632 = tpu.vector_load %arg12[%get3A_630, %get3A_631] {strides = array<i32>} : memref<16x512xi32, #tpu.memory_space<vmem>>, vector<1x16xi32>,
        %get3A_633 = vector.shape_cast %get3A_632 : vector<1x16xi32> to vector<16xi32>
        %get3A_634 = arith.index_cast %scan3A_213 : i32 to index
        %get3A_635 = arith.constant 352 : index
        %get3A_636 = tpu.vector_load %arg12[%get3A_634, %get3A_635] {strides = array<i32>} : memref<16x512xi32, #tpu.memory_space<vmem>>, vector<1x16xi32>,
        %get3A_637 = vector.shape_cast %get3A_636 : vector<1x16xi32> to vector<16xi32>
        %get3A_638 = arith.index_cast %scan3A_213 : i32 to index
        %get3A_639 = arith.constant 368 : index
        %get3A_640 = tpu.vector_load %arg12[%get3A_638, %get3A_639] {strides = array<i32>} : memref<16x512xi32, #tpu.memory_space<vmem>>, vector<1x16xi32>,
        %get3A_641 = vector.shape_cast %get3A_640 : vector<1x16xi32> to vector<16xi32>
        %shift_left3A_642 = arith.constant 16 : i32
        %shift_left3A_643 = vector.broadcast %shift_left3A_642 : i32 to vector<16xi32>
        %shift_left3A_644 = arith.shli %get3A_613, %shift_left3A_643 : vector<16xi32>
        %bitcast_convert_type3A_645 = tpu.bitcast %shift_left3A_644 : vector<16xi32> -> vector<16xf32>
        %shift_right_logical3A_646 = arith.constant 16 : i32
        %shift_right_logical3A_647 = vector.broadcast %shift_right_logical3A_646 : i32 to vector<16xi32>
        %shift_right_logical3A_648 = arith.shrui %get3A_613, %shift_right_logical3A_647 : vector<16xi32>
        %shift_left3A_649 = arith.constant 16 : i32
        %shift_left3A_650 = vector.broadcast %shift_left3A_649 : i32 to vector<16xi32>
        %shift_left3A_651 = arith.shli %shift_right_logical3A_648, %shift_left3A_650 : vector<16xi32>
        %bitcast_convert_type3A_652 = tpu.bitcast %shift_left3A_651 : vector<16xi32> -> vector<16xf32>
        %swap3A_653 = arith.index_cast %scan3A_213 : i32 to index
        %swap3A_654 = arith.constant 512 : index
        %swap3A_655 = tpu.vector_load %arg11[%swap3A_653, %swap3A_654] {strides = array<i32>} : memref<16x1024xf32, #tpu.memory_space<vmem>>, vector<1x16xf32>,
        %swap3A_656 = vector.shape_cast %swap3A_655 : vector<1x16xf32> to vector<16xf32>
        %swap3A_657 = vector.shape_cast %bitcast_convert_type3A_645 : vector<16xf32> to vector<1x16xf32>
        tpu.vector_store %arg11[%swap3A_653, %swap3A_654], %swap3A_657 {add = true, strides = array<i32>} : memref<16x1024xf32, #tpu.memory_space<vmem>>, vector<1x16xf32>,
        %swap3A_658 = arith.index_cast %scan3A_213 : i32 to index
        %swap3A_659 = arith.constant 528 : index
        %swap3A_660 = tpu.vector_load %arg11[%swap3A_658, %swap3A_659] {strides = array<i32>} : memref<16x1024xf32, #tpu.memory_space<vmem>>, vector<1x16xf32>,
        %swap3A_661 = vector.shape_cast %swap3A_660 : vector<1x16xf32> to vector<16xf32>
        %swap3A_662 = vector.shape_cast %bitcast_convert_type3A_652 : vector<16xf32> to vector<1x16xf32>
        tpu.vector_store %arg11[%swap3A_658, %swap3A_659], %swap3A_662 {add = true, strides = array<i32>} : memref<16x1024xf32, #tpu.memory_space<vmem>>, vector<1x16xf32>,
        %shift_left3A_663 = arith.constant 16 : i32
        %shift_left3A_664 = vector.broadcast %shift_left3A_663 : i32 to vector<16xi32>
        %shift_left3A_665 = arith.shli %get3A_617, %shift_left3A_664 : vector<16xi32>
        %bitcast_convert_type3A_666 = tpu.bitcast %shift_left3A_665 : vector<16xi32> -> vector<16xf32>
        %shift_right_logical3A_667 = arith.constant 16 : i32
        %shift_right_logical3A_668 = vector.broadcast %shift_right_logical3A_667 : i32 to vector<16xi32>
        %shift_right_logical3A_669 = arith.shrui %get3A_617, %shift_right_logical3A_668 : vector<16xi32>
        %shift_left3A_670 = arith.constant 16 : i32
        %shift_left3A_671 = vector.broadcast %shift_left3A_670 : i32 to vector<16xi32>
        %shift_left3A_672 = arith.shli %shift_right_logical3A_669, %shift_left3A_671 : vector<16xi32>
        %bitcast_convert_type3A_673 = tpu.bitcast %shift_left3A_672 : vector<16xi32> -> vector<16xf32>
        %swap3A_674 = arith.index_cast %scan3A_213 : i32 to index
        %swap3A_675 = arith.constant 544 : index
        %swap3A_676 = tpu.vector_load %arg11[%swap3A_674, %swap3A_675] {strides = array<i32>} : memref<16x1024xf32, #tpu.memory_space<vmem>>, vector<1x16xf32>,
        %swap3A_677 = vector.shape_cast %swap3A_676 : vector<1x16xf32> to vector<16xf32>
        %swap3A_678 = vector.shape_cast %bitcast_convert_type3A_666 : vector<16xf32> to vector<1x16xf32>
        tpu.vector_store %arg11[%swap3A_674, %swap3A_675], %swap3A_678 {add = true, strides = array<i32>} : memref<16x1024xf32, #tpu.memory_space<vmem>>, vector<1x16xf32>,
        %swap3A_679 = arith.index_cast %scan3A_213 : i32 to index
        %swap3A_680 = arith.constant 560 : index
        %swap3A_681 = tpu.vector_load %arg11[%swap3A_679, %swap3A_680] {strides = array<i32>} : memref<16x1024xf32, #tpu.memory_space<vmem>>, vector<1x16xf32>,
        %swap3A_682 = vector.shape_cast %swap3A_681 : vector<1x16xf32> to vector<16xf32>
        %swap3A_683 = vector.shape_cast %bitcast_convert_type3A_673 : vector<16xf32> to vector<1x16xf32>
        tpu.vector_store %arg11[%swap3A_679, %swap3A_680], %swap3A_683 {add = true, strides = array<i32>} : memref<16x1024xf32, #tpu.memory_space<vmem>>, vector<1x16xf32>,
        %shift_left3A_684 = arith.constant 16 : i32
        %shift_left3A_685 = vector.broadcast %shift_left3A_684 : i32 to vector<16xi32>
        %shift_left3A_686 = arith.shli %get3A_621, %shift_left3A_685 : vector<16xi32>
        %bitcast_convert_type3A_687 = tpu.bitcast %shift_left3A_686 : vector<16xi32> -> vector<16xf32>
        %shift_right_logical3A_688 = arith.constant 16 : i32
        %shift_right_logical3A_689 = vector.broadcast %shift_right_logical3A_688 : i32 to vector<16xi32>
        %shift_right_logical3A_690 = arith.shrui %get3A_621, %shift_right_logical3A_689 : vector<16xi32>
        %shift_left3A_691 = arith.constant 16 : i32
        %shift_left3A_692 = vector.broadcast %shift_left3A_691 : i32 to vector<16xi32>
        %shift_left3A_693 = arith.shli %shift_right_logical3A_690, %shift_left3A_692 : vector<16xi32>
        %bitcast_convert_type3A_694 = tpu.bitcast %shift_left3A_693 : vector<16xi32> -> vector<16xf32>
        %swap3A_695 = arith.index_cast %scan3A_213 : i32 to index
        %swap3A_696 = arith.constant 576 : index
        %swap3A_697 = tpu.vector_load %arg11[%swap3A_695, %swap3A_696] {strides = array<i32>} : memref<16x1024xf32, #tpu.memory_space<vmem>>, vector<1x16xf32>,
        %swap3A_698 = vector.shape_cast %swap3A_697 : vector<1x16xf32> to vector<16xf32>
        %swap3A_699 = vector.shape_cast %bitcast_convert_type3A_687 : vector<16xf32> to vector<1x16xf32>
        tpu.vector_store %arg11[%swap3A_695, %swap3A_696], %swap3A_699 {add = true, strides = array<i32>} : memref<16x1024xf32, #tpu.memory_space<vmem>>, vector<1x16xf32>,
        %swap3A_700 = arith.index_cast %scan3A_213 : i32 to index
        %swap3A_701 = arith.constant 592 : index
        %swap3A_702 = tpu.vector_load %arg11[%swap3A_700, %swap3A_701] {strides = array<i32>} : memref<16x1024xf32, #tpu.memory_space<vmem>>, vector<1x16xf32>,
        %swap3A_703 = vector.shape_cast %swap3A_702 : vector<1x16xf32> to vector<16xf32>
        %swap3A_704 = vector.shape_cast %bitcast_convert_type3A_694 : vector<16xf32> to vector<1x16xf32>
        tpu.vector_store %arg11[%swap3A_700, %swap3A_701], %swap3A_704 {add = true, strides = array<i32>} : memref<16x1024xf32, #tpu.memory_space<vmem>>, vector<1x16xf32>,
        %shift_left3A_705 = arith.constant 16 : i32
        %shift_left3A_706 = vector.broadcast %shift_left3A_705 : i32 to vector<16xi32>
        %shift_left3A_707 = arith.shli %get3A_625, %shift_left3A_706 : vector<16xi32>
        %bitcast_convert_type3A_708 = tpu.bitcast %shift_left3A_707 : vector<16xi32> -> vector<16xf32>
        %shift_right_logical3A_709 = arith.constant 16 : i32
        %shift_right_logical3A_710 = vector.broadcast %shift_right_logical3A_709 : i32 to vector<16xi32>
        %shift_right_logical3A_711 = arith.shrui %get3A_625, %shift_right_logical3A_710 : vector<16xi32>
        %shift_left3A_712 = arith.constant 16 : i32
        %shift_left3A_713 = vector.broadcast %shift_left3A_712 : i32 to vector<16xi32>
        %shift_left3A_714 = arith.shli %shift_right_logical3A_711, %shift_left3A_713 : vector<16xi32>
        %bitcast_convert_type3A_715 = tpu.bitcast %shift_left3A_714 : vector<16xi32> -> vector<16xf32>
        %swap3A_716 = arith.index_cast %scan3A_213 : i32 to index
        %swap3A_717 = arith.constant 608 : index
        %swap3A_718 = tpu.vector_load %arg11[%swap3A_716, %swap3A_717] {strides = array<i32>} : memref<16x1024xf32, #tpu.memory_space<vmem>>, vector<1x16xf32>,
        %swap3A_719 = vector.shape_cast %swap3A_718 : vector<1x16xf32> to vector<16xf32>
        %swap3A_720 = vector.shape_cast %bitcast_convert_type3A_708 : vector<16xf32> to vector<1x16xf32>
        tpu.vector_store %arg11[%swap3A_716, %swap3A_717], %swap3A_720 {add = true, strides = array<i32>} : memref<16x1024xf32, #tpu.memory_space<vmem>>, vector<1x16xf32>,
        %swap3A_721 = arith.index_cast %scan3A_213 : i32 to index
        %swap3A_722 = arith.constant 624 : index
        %swap3A_723 = tpu.vector_load %arg11[%swap3A_721, %swap3A_722] {strides = array<i32>} : memref<16x1024xf32, #tpu.memory_space<vmem>>, vector<1x16xf32>,
        %swap3A_724 = vector.shape_cast %swap3A_723 : vector<1x16xf32> to vector<16xf32>
        %swap3A_725 = vector.shape_cast %bitcast_convert_type3A_715 : vector<16xf32> to vector<1x16xf32>
        tpu.vector_store %arg11[%swap3A_721, %swap3A_722], %swap3A_725 {add = true, strides = array<i32>} : memref<16x1024xf32, #tpu.memory_space<vmem>>, vector<1x16xf32>,
        %shift_left3A_726 = arith.constant 16 : i32
        %shift_left3A_727 = vector.broadcast %shift_left3A_726 : i32 to vector<16xi32>
        %shift_left3A_728 = arith.shli %get3A_629, %shift_left3A_727 : vector<16xi32>
        %bitcast_convert_type3A_729 = tpu.bitcast %shift_left3A_728 : vector<16xi32> -> vector<16xf32>
        %shift_right_logical3A_730 = arith.constant 16 : i32
        %shift_right_logical3A_731 = vector.broadcast %shift_right_logical3A_730 : i32 to vector<16xi32>
        %shift_right_logical3A_732 = arith.shrui %get3A_629, %shift_right_logical3A_731 : vector<16xi32>
        %shift_left3A_733 = arith.constant 16 : i32
        %shift_left3A_734 = vector.broadcast %shift_left3A_733 : i32 to vector<16xi32>
        %shift_left3A_735 = arith.shli %shift_right_logical3A_732, %shift_left3A_734 : vector<16xi32>
        %bitcast_convert_type3A_736 = tpu.bitcast %shift_left3A_735 : vector<16xi32> -> vector<16xf32>
        %swap3A_737 = arith.index_cast %scan3A_213 : i32 to index
        %swap3A_738 = arith.constant 640 : index
        %swap3A_739 = tpu.vector_load %arg11[%swap3A_737, %swap3A_738] {strides = array<i32>} : memref<16x1024xf32, #tpu.memory_space<vmem>>, vector<1x16xf32>,
        %swap3A_740 = vector.shape_cast %swap3A_739 : vector<1x16xf32> to vector<16xf32>
        %swap3A_741 = vector.shape_cast %bitcast_convert_type3A_729 : vector<16xf32> to vector<1x16xf32>
        tpu.vector_store %arg11[%swap3A_737, %swap3A_738], %swap3A_741 {add = true, strides = array<i32>} : memref<16x1024xf32, #tpu.memory_space<vmem>>, vector<1x16xf32>,
        %swap3A_742 = arith.index_cast %scan3A_213 : i32 to index
        %swap3A_743 = arith.constant 656 : index
        %swap3A_744 = tpu.vector_load %arg11[%swap3A_742, %swap3A_743] {strides = array<i32>} : memref<16x1024xf32, #tpu.memory_space<vmem>>, vector<1x16xf32>,
        %swap3A_745 = vector.shape_cast %swap3A_744 : vector<1x16xf32> to vector<16xf32>
        %swap3A_746 = vector.shape_cast %bitcast_convert_type3A_736 : vector<16xf32> to vector<1x16xf32>
        tpu.vector_store %arg11[%swap3A_742, %swap3A_743], %swap3A_746 {add = true, strides = array<i32>} : memref<16x1024xf32, #tpu.memory_space<vmem>>, vector<1x16xf32>,
        %shift_left3A_747 = arith.constant 16 : i32
        %shift_left3A_748 = vector.broadcast %shift_left3A_747 : i32 to vector<16xi32>
        %shift_left3A_749 = arith.shli %get3A_633, %shift_left3A_748 : vector<16xi32>
        %bitcast_convert_type3A_750 = tpu.bitcast %shift_left3A_749 : vector<16xi32> -> vector<16xf32>
        %shift_right_logical3A_751 = arith.constant 16 : i32
        %shift_right_logical3A_752 = vector.broadcast %shift_right_logical3A_751 : i32 to vector<16xi32>
        %shift_right_logical3A_753 = arith.shrui %get3A_633, %shift_right_logical3A_752 : vector<16xi32>
        %shift_left3A_754 = arith.constant 16 : i32
        %shift_left3A_755 = vector.broadcast %shift_left3A_754 : i32 to vector<16xi32>
        %shift_left3A_756 = arith.shli %shift_right_logical3A_753, %shift_left3A_755 : vector<16xi32>
        %bitcast_convert_type3A_757 = tpu.bitcast %shift_left3A_756 : vector<16xi32> -> vector<16xf32>
        %swap3A_758 = arith.index_cast %scan3A_213 : i32 to index
        %swap3A_759 = arith.constant 672 : index
        %swap3A_760 = tpu.vector_load %arg11[%swap3A_758, %swap3A_759] {strides = array<i32>} : memref<16x1024xf32, #tpu.memory_space<vmem>>, vector<1x16xf32>,
        %swap3A_761 = vector.shape_cast %swap3A_760 : vector<1x16xf32> to vector<16xf32>
        %swap3A_762 = vector.shape_cast %bitcast_convert_type3A_750 : vector<16xf32> to vector<1x16xf32>
        tpu.vector_store %arg11[%swap3A_758, %swap3A_759], %swap3A_762 {add = true, strides = array<i32>} : memref<16x1024xf32, #tpu.memory_space<vmem>>, vector<1x16xf32>,
        %swap3A_763 = arith.index_cast %scan3A_213 : i32 to index
        %swap3A_764 = arith.constant 688 : index
        %swap3A_765 = tpu.vector_load %arg11[%swap3A_763, %swap3A_764] {strides = array<i32>} : memref<16x1024xf32, #tpu.memory_space<vmem>>, vector<1x16xf32>,
        %swap3A_766 = vector.shape_cast %swap3A_765 : vector<1x16xf32> to vector<16xf32>
        %swap3A_767 = vector.shape_cast %bitcast_convert_type3A_757 : vector<16xf32> to vector<1x16xf32>
        tpu.vector_store %arg11[%swap3A_763, %swap3A_764], %swap3A_767 {add = true, strides = array<i32>} : memref<16x1024xf32, #tpu.memory_space<vmem>>, vector<1x16xf32>,
        %shift_left3A_768 = arith.constant 16 : i32
        %shift_left3A_769 = vector.broadcast %shift_left3A_768 : i32 to vector<16xi32>
        %shift_left3A_770 = arith.shli %get3A_637, %shift_left3A_769 : vector<16xi32>
        %bitcast_convert_type3A_771 = tpu.bitcast %shift_left3A_770 : vector<16xi32> -> vector<16xf32>
        %shift_right_logical3A_772 = arith.constant 16 : i32
        %shift_right_logical3A_773 = vector.broadcast %shift_right_logical3A_772 : i32 to vector<16xi32>
        %shift_right_logical3A_774 = arith.shrui %get3A_637, %shift_right_logical3A_773 : vector<16xi32>
        %shift_left3A_775 = arith.constant 16 : i32
        %shift_left3A_776 = vector.broadcast %shift_left3A_775 : i32 to vector<16xi32>
        %shift_left3A_777 = arith.shli %shift_right_logical3A_774, %shift_left3A_776 : vector<16xi32>
        %bitcast_convert_type3A_778 = tpu.bitcast %shift_left3A_777 : vector<16xi32> -> vector<16xf32>
        %swap3A_779 = arith.index_cast %scan3A_213 : i32 to index
        %swap3A_780 = arith.constant 704 : index
        %swap3A_781 = tpu.vector_load %arg11[%swap3A_779, %swap3A_780] {strides = array<i32>} : memref<16x1024xf32, #tpu.memory_space<vmem>>, vector<1x16xf32>,
        %swap3A_782 = vector.shape_cast %swap3A_781 : vector<1x16xf32> to vector<16xf32>
        %swap3A_783 = vector.shape_cast %bitcast_convert_type3A_771 : vector<16xf32> to vector<1x16xf32>
        tpu.vector_store %arg11[%swap3A_779, %swap3A_780], %swap3A_783 {add = true, strides = array<i32>} : memref<16x1024xf32, #tpu.memory_space<vmem>>, vector<1x16xf32>,
        %swap3A_784 = arith.index_cast %scan3A_213 : i32 to index
        %swap3A_785 = arith.constant 720 : index
        %swap3A_786 = tpu.vector_load %arg11[%swap3A_784, %swap3A_785] {strides = array<i32>} : memref<16x1024xf32, #tpu.memory_space<vmem>>, vector<1x16xf32>,
        %swap3A_787 = vector.shape_cast %swap3A_786 : vector<1x16xf32> to vector<16xf32>
        %swap3A_788 = vector.shape_cast %bitcast_convert_type3A_778 : vector<16xf32> to vector<1x16xf32>
        tpu.vector_store %arg11[%swap3A_784, %swap3A_785], %swap3A_788 {add = true, strides = array<i32>} : memref<16x1024xf32, #tpu.memory_space<vmem>>, vector<1x16xf32>,
        %shift_left3A_789 = arith.constant 16 : i32
        %shift_left3A_790 = vector.broadcast %shift_left3A_789 : i32 to vector<16xi32>
        %shift_left3A_791 = arith.shli %get3A_641, %shift_left3A_790 : vector<16xi32>
        %bitcast_convert_type3A_792 = tpu.bitcast %shift_left3A_791 : vector<16xi32> -> vector<16xf32>
        %shift_right_logical3A_793 = arith.constant 16 : i32
        %shift_right_logical3A_794 = vector.broadcast %shift_right_logical3A_793 : i32 to vector<16xi32>
        %shift_right_logical3A_795 = arith.shrui %get3A_641, %shift_right_logical3A_794 : vector<16xi32>
        %shift_left3A_796 = arith.constant 16 : i32
        %shift_left3A_797 = vector.broadcast %shift_left3A_796 : i32 to vector<16xi32>
        %shift_left3A_798 = arith.shli %shift_right_logical3A_795, %shift_left3A_797 : vector<16xi32>
        %bitcast_convert_type3A_799 = tpu.bitcast %shift_left3A_798 : vector<16xi32> -> vector<16xf32>
        %swap3A_800 = arith.index_cast %scan3A_213 : i32 to index
        %swap3A_801 = arith.constant 736 : index
        %swap3A_802 = tpu.vector_load %arg11[%swap3A_800, %swap3A_801] {strides = array<i32>} : memref<16x1024xf32, #tpu.memory_space<vmem>>, vector<1x16xf32>,
        %swap3A_803 = vector.shape_cast %swap3A_802 : vector<1x16xf32> to vector<16xf32>
        %swap3A_804 = vector.shape_cast %bitcast_convert_type3A_792 : vector<16xf32> to vector<1x16xf32>
        tpu.vector_store %arg11[%swap3A_800, %swap3A_801], %swap3A_804 {add = true, strides = array<i32>} : memref<16x1024xf32, #tpu.memory_space<vmem>>, vector<1x16xf32>,
        %swap3A_805 = arith.index_cast %scan3A_213 : i32 to index
        %swap3A_806 = arith.constant 752 : index
        %swap3A_807 = tpu.vector_load %arg11[%swap3A_805, %swap3A_806] {strides = array<i32>} : memref<16x1024xf32, #tpu.memory_space<vmem>>, vector<1x16xf32>,
        %swap3A_808 = vector.shape_cast %swap3A_807 : vector<1x16xf32> to vector<16xf32>
        %swap3A_809 = vector.shape_cast %bitcast_convert_type3A_799 : vector<16xf32> to vector<1x16xf32>
        tpu.vector_store %arg11[%swap3A_805, %swap3A_806], %swap3A_809 {add = true, strides = array<i32>} : memref<16x1024xf32, #tpu.memory_space<vmem>>, vector<1x16xf32>,
        %get3A_810 = arith.index_cast %scan3A_213 : i32 to index
        %get3A_811 = arith.constant 384 : index
        %get3A_812 = tpu.vector_load %arg12[%get3A_810, %get3A_811] {strides = array<i32>} : memref<16x512xi32, #tpu.memory_space<vmem>>, vector<1x16xi32>,
        %get3A_813 = vector.shape_cast %get3A_812 : vector<1x16xi32> to vector<16xi32>
        %get3A_814 = arith.index_cast %scan3A_213 : i32 to index
        %get3A_815 = arith.constant 400 : index
        %get3A_816 = tpu.vector_load %arg12[%get3A_814, %get3A_815] {strides = array<i32>} : memref<16x512xi32, #tpu.memory_space<vmem>>, vector<1x16xi32>,
        %get3A_817 = vector.shape_cast %get3A_816 : vector<1x16xi32> to vector<16xi32>
        %get3A_818 = arith.index_cast %scan3A_213 : i32 to index
        %get3A_819 = arith.constant 416 : index
        %get3A_820 = tpu.vector_load %arg12[%get3A_818, %get3A_819] {strides = array<i32>} : memref<16x512xi32, #tpu.memory_space<vmem>>, vector<1x16xi32>,
        %get3A_821 = vector.shape_cast %get3A_820 : vector<1x16xi32> to vector<16xi32>
        %get3A_822 = arith.index_cast %scan3A_213 : i32 to index
        %get3A_823 = arith.constant 432 : index
        %get3A_824 = tpu.vector_load %arg12[%get3A_822, %get3A_823] {strides = array<i32>} : memref<16x512xi32, #tpu.memory_space<vmem>>, vector<1x16xi32>,
        %get3A_825 = vector.shape_cast %get3A_824 : vector<1x16xi32> to vector<16xi32>
        %get3A_826 = arith.index_cast %scan3A_213 : i32 to index
        %get3A_827 = arith.constant 448 : index
        %get3A_828 = tpu.vector_load %arg12[%get3A_826, %get3A_827] {strides = array<i32>} : memref<16x512xi32, #tpu.memory_space<vmem>>, vector<1x16xi32>,
        %get3A_829 = vector.shape_cast %get3A_828 : vector<1x16xi32> to vector<16xi32>
        %get3A_830 = arith.index_cast %scan3A_213 : i32 to index
        %get3A_831 = arith.constant 464 : index
        %get3A_832 = tpu.vector_load %arg12[%get3A_830, %get3A_831] {strides = array<i32>} : memref<16x512xi32, #tpu.memory_space<vmem>>, vector<1x16xi32>,
        %get3A_833 = vector.shape_cast %get3A_832 : vector<1x16xi32> to vector<16xi32>
        %get3A_834 = arith.index_cast %scan3A_213 : i32 to index
        %get3A_835 = arith.constant 480 : index
        %get3A_836 = tpu.vector_load %arg12[%get3A_834, %get3A_835] {strides = array<i32>} : memref<16x512xi32, #tpu.memory_space<vmem>>, vector<1x16xi32>,
        %get3A_837 = vector.shape_cast %get3A_836 : vector<1x16xi32> to vector<16xi32>
        %get3A_838 = arith.index_cast %scan3A_213 : i32 to index
        %get3A_839 = arith.constant 496 : index
        %get3A_840 = tpu.vector_load %arg12[%get3A_838, %get3A_839] {strides = array<i32>} : memref<16x512xi32, #tpu.memory_space<vmem>>, vector<1x16xi32>,
        %get3A_841 = vector.shape_cast %get3A_840 : vector<1x16xi32> to vector<16xi32>
        %shift_left3A_842 = arith.constant 16 : i32
        %shift_left3A_843 = vector.broadcast %shift_left3A_842 : i32 to vector<16xi32>
        %shift_left3A_844 = arith.shli %get3A_813, %shift_left3A_843 : vector<16xi32>
        %bitcast_convert_type3A_845 = tpu.bitcast %shift_left3A_844 : vector<16xi32> -> vector<16xf32>
        %shift_right_logical3A_846 = arith.constant 16 : i32
        %shift_right_logical3A_847 = vector.broadcast %shift_right_logical3A_846 : i32 to vector<16xi32>
        %shift_right_logical3A_848 = arith.shrui %get3A_813, %shift_right_logical3A_847 : vector<16xi32>
        %shift_left3A_849 = arith.constant 16 : i32
        %shift_left3A_850 = vector.broadcast %shift_left3A_849 : i32 to vector<16xi32>
        %shift_left3A_851 = arith.shli %shift_right_logical3A_848, %shift_left3A_850 : vector<16xi32>
        %bitcast_convert_type3A_852 = tpu.bitcast %shift_left3A_851 : vector<16xi32> -> vector<16xf32>
        %swap3A_853 = arith.index_cast %scan3A_213 : i32 to index
        %swap3A_854 = arith.constant 768 : index
        %swap3A_855 = tpu.vector_load %arg11[%swap3A_853, %swap3A_854] {strides = array<i32>} : memref<16x1024xf32, #tpu.memory_space<vmem>>, vector<1x16xf32>,
        %swap3A_856 = vector.shape_cast %swap3A_855 : vector<1x16xf32> to vector<16xf32>
        %swap3A_857 = vector.shape_cast %bitcast_convert_type3A_845 : vector<16xf32> to vector<1x16xf32>
        tpu.vector_store %arg11[%swap3A_853, %swap3A_854], %swap3A_857 {add = true, strides = array<i32>} : memref<16x1024xf32, #tpu.memory_space<vmem>>, vector<1x16xf32>,
        %swap3A_858 = arith.index_cast %scan3A_213 : i32 to index
        %swap3A_859 = arith.constant 784 : index
        %swap3A_860 = tpu.vector_load %arg11[%swap3A_858, %swap3A_859] {strides = array<i32>} : memref<16x1024xf32, #tpu.memory_space<vmem>>, vector<1x16xf32>,
        %swap3A_861 = vector.shape_cast %swap3A_860 : vector<1x16xf32> to vector<16xf32>
        %swap3A_862 = vector.shape_cast %bitcast_convert_type3A_852 : vector<16xf32> to vector<1x16xf32>
        tpu.vector_store %arg11[%swap3A_858, %swap3A_859], %swap3A_862 {add = true, strides = array<i32>} : memref<16x1024xf32, #tpu.memory_space<vmem>>, vector<1x16xf32>,
        %shift_left3A_863 = arith.constant 16 : i32
        %shift_left3A_864 = vector.broadcast %shift_left3A_863 : i32 to vector<16xi32>
        %shift_left3A_865 = arith.shli %get3A_817, %shift_left3A_864 : vector<16xi32>
        %bitcast_convert_type3A_866 = tpu.bitcast %shift_left3A_865 : vector<16xi32> -> vector<16xf32>
        %shift_right_logical3A_867 = arith.constant 16 : i32
        %shift_right_logical3A_868 = vector.broadcast %shift_right_logical3A_867 : i32 to vector<16xi32>
        %shift_right_logical3A_869 = arith.shrui %get3A_817, %shift_right_logical3A_868 : vector<16xi32>
        %shift_left3A_870 = arith.constant 16 : i32
        %shift_left3A_871 = vector.broadcast %shift_left3A_870 : i32 to vector<16xi32>
        %shift_left3A_872 = arith.shli %shift_right_logical3A_869, %shift_left3A_871 : vector<16xi32>
        %bitcast_convert_type3A_873 = tpu.bitcast %shift_left3A_872 : vector<16xi32> -> vector<16xf32>
        %swap3A_874 = arith.index_cast %scan3A_213 : i32 to index
        %swap3A_875 = arith.constant 800 : index
        %swap3A_876 = tpu.vector_load %arg11[%swap3A_874, %swap3A_875] {strides = array<i32>} : memref<16x1024xf32, #tpu.memory_space<vmem>>, vector<1x16xf32>,
        %swap3A_877 = vector.shape_cast %swap3A_876 : vector<1x16xf32> to vector<16xf32>
        %swap3A_878 = vector.shape_cast %bitcast_convert_type3A_866 : vector<16xf32> to vector<1x16xf32>
        tpu.vector_store %arg11[%swap3A_874, %swap3A_875], %swap3A_878 {add = true, strides = array<i32>} : memref<16x1024xf32, #tpu.memory_space<vmem>>, vector<1x16xf32>,
        %swap3A_879 = arith.index_cast %scan3A_213 : i32 to index
        %swap3A_880 = arith.constant 816 : index
        %swap3A_881 = tpu.vector_load %arg11[%swap3A_879, %swap3A_880] {strides = array<i32>} : memref<16x1024xf32, #tpu.memory_space<vmem>>, vector<1x16xf32>,
        %swap3A_882 = vector.shape_cast %swap3A_881 : vector<1x16xf32> to vector<16xf32>
        %swap3A_883 = vector.shape_cast %bitcast_convert_type3A_873 : vector<16xf32> to vector<1x16xf32>
        tpu.vector_store %arg11[%swap3A_879, %swap3A_880], %swap3A_883 {add = true, strides = array<i32>} : memref<16x1024xf32, #tpu.memory_space<vmem>>, vector<1x16xf32>,
        %shift_left3A_884 = arith.constant 16 : i32
        %shift_left3A_885 = vector.broadcast %shift_left3A_884 : i32 to vector<16xi32>
        %shift_left3A_886 = arith.shli %get3A_821, %shift_left3A_885 : vector<16xi32>
        %bitcast_convert_type3A_887 = tpu.bitcast %shift_left3A_886 : vector<16xi32> -> vector<16xf32>
        %shift_right_logical3A_888 = arith.constant 16 : i32
        %shift_right_logical3A_889 = vector.broadcast %shift_right_logical3A_888 : i32 to vector<16xi32>
        %shift_right_logical3A_890 = arith.shrui %get3A_821, %shift_right_logical3A_889 : vector<16xi32>
        %shift_left3A_891 = arith.constant 16 : i32
        %shift_left3A_892 = vector.broadcast %shift_left3A_891 : i32 to vector<16xi32>
        %shift_left3A_893 = arith.shli %shift_right_logical3A_890, %shift_left3A_892 : vector<16xi32>
        %bitcast_convert_type3A_894 = tpu.bitcast %shift_left3A_893 : vector<16xi32> -> vector<16xf32>
        %swap3A_895 = arith.index_cast %scan3A_213 : i32 to index
        %swap3A_896 = arith.constant 832 : index
        %swap3A_897 = tpu.vector_load %arg11[%swap3A_895, %swap3A_896] {strides = array<i32>} : memref<16x1024xf32, #tpu.memory_space<vmem>>, vector<1x16xf32>,
        %swap3A_898 = vector.shape_cast %swap3A_897 : vector<1x16xf32> to vector<16xf32>
        %swap3A_899 = vector.shape_cast %bitcast_convert_type3A_887 : vector<16xf32> to vector<1x16xf32>
        tpu.vector_store %arg11[%swap3A_895, %swap3A_896], %swap3A_899 {add = true, strides = array<i32>} : memref<16x1024xf32, #tpu.memory_space<vmem>>, vector<1x16xf32>,
        %swap3A_900 = arith.index_cast %scan3A_213 : i32 to index
        %swap3A_901 = arith.constant 848 : index
        %swap3A_902 = tpu.vector_load %arg11[%swap3A_900, %swap3A_901] {strides = array<i32>} : memref<16x1024xf32, #tpu.memory_space<vmem>>, vector<1x16xf32>,
        %swap3A_903 = vector.shape_cast %swap3A_902 : vector<1x16xf32> to vector<16xf32>
        %swap3A_904 = vector.shape_cast %bitcast_convert_type3A_894 : vector<16xf32> to vector<1x16xf32>
        tpu.vector_store %arg11[%swap3A_900, %swap3A_901], %swap3A_904 {add = true, strides = array<i32>} : memref<16x1024xf32, #tpu.memory_space<vmem>>, vector<1x16xf32>,
        %shift_left3A_905 = arith.constant 16 : i32
        %shift_left3A_906 = vector.broadcast %shift_left3A_905 : i32 to vector<16xi32>
        %shift_left3A_907 = arith.shli %get3A_825, %shift_left3A_906 : vector<16xi32>
        %bitcast_convert_type3A_908 = tpu.bitcast %shift_left3A_907 : vector<16xi32> -> vector<16xf32>
        %shift_right_logical3A_909 = arith.constant 16 : i32
        %shift_right_logical3A_910 = vector.broadcast %shift_right_logical3A_909 : i32 to vector<16xi32>
        %shift_right_logical3A_911 = arith.shrui %get3A_825, %shift_right_logical3A_910 : vector<16xi32>
        %shift_left3A_912 = arith.constant 16 : i32
        %shift_left3A_913 = vector.broadcast %shift_left3A_912 : i32 to vector<16xi32>
        %shift_left3A_914 = arith.shli %shift_right_logical3A_911, %shift_left3A_913 : vector<16xi32>
        %bitcast_convert_type3A_915 = tpu.bitcast %shift_left3A_914 : vector<16xi32> -> vector<16xf32>
        %swap3A_916 = arith.index_cast %scan3A_213 : i32 to index
        %swap3A_917 = arith.constant 864 : index
        %swap3A_918 = tpu.vector_load %arg11[%swap3A_916, %swap3A_917] {strides = array<i32>} : memref<16x1024xf32, #tpu.memory_space<vmem>>, vector<1x16xf32>,
        %swap3A_919 = vector.shape_cast %swap3A_918 : vector<1x16xf32> to vector<16xf32>
        %swap3A_920 = vector.shape_cast %bitcast_convert_type3A_908 : vector<16xf32> to vector<1x16xf32>
        tpu.vector_store %arg11[%swap3A_916, %swap3A_917], %swap3A_920 {add = true, strides = array<i32>} : memref<16x1024xf32, #tpu.memory_space<vmem>>, vector<1x16xf32>,
        %swap3A_921 = arith.index_cast %scan3A_213 : i32 to index
        %swap3A_922 = arith.constant 880 : index
        %swap3A_923 = tpu.vector_load %arg11[%swap3A_921, %swap3A_922] {strides = array<i32>} : memref<16x1024xf32, #tpu.memory_space<vmem>>, vector<1x16xf32>,
        %swap3A_924 = vector.shape_cast %swap3A_923 : vector<1x16xf32> to vector<16xf32>
        %swap3A_925 = vector.shape_cast %bitcast_convert_type3A_915 : vector<16xf32> to vector<1x16xf32>
        tpu.vector_store %arg11[%swap3A_921, %swap3A_922], %swap3A_925 {add = true, strides = array<i32>} : memref<16x1024xf32, #tpu.memory_space<vmem>>, vector<1x16xf32>,
        %shift_left3A_926 = arith.constant 16 : i32
        %shift_left3A_927 = vector.broadcast %shift_left3A_926 : i32 to vector<16xi32>
        %shift_left3A_928 = arith.shli %get3A_829, %shift_left3A_927 : vector<16xi32>
        %bitcast_convert_type3A_929 = tpu.bitcast %shift_left3A_928 : vector<16xi32> -> vector<16xf32>
        %shift_right_logical3A_930 = arith.constant 16 : i32
        %shift_right_logical3A_931 = vector.broadcast %shift_right_logical3A_930 : i32 to vector<16xi32>
        %shift_right_logical3A_932 = arith.shrui %get3A_829, %shift_right_logical3A_931 : vector<16xi32>
        %shift_left3A_933 = arith.constant 16 : i32
        %shift_left3A_934 = vector.broadcast %shift_left3A_933 : i32 to vector<16xi32>
        %shift_left3A_935 = arith.shli %shift_right_logical3A_932, %shift_left3A_934 : vector<16xi32>
        %bitcast_convert_type3A_936 = tpu.bitcast %shift_left3A_935 : vector<16xi32> -> vector<16xf32>
        %swap3A_937 = arith.index_cast %scan3A_213 : i32 to index
        %swap3A_938 = arith.constant 896 : index
        %swap3A_939 = tpu.vector_load %arg11[%swap3A_937, %swap3A_938] {strides = array<i32>} : memref<16x1024xf32, #tpu.memory_space<vmem>>, vector<1x16xf32>,
        %swap3A_940 = vector.shape_cast %swap3A_939 : vector<1x16xf32> to vector<16xf32>
        %swap3A_941 = vector.shape_cast %bitcast_convert_type3A_929 : vector<16xf32> to vector<1x16xf32>
        tpu.vector_store %arg11[%swap3A_937, %swap3A_938], %swap3A_941 {add = true, strides = array<i32>} : memref<16x1024xf32, #tpu.memory_space<vmem>>, vector<1x16xf32>,
        %swap3A_942 = arith.index_cast %scan3A_213 : i32 to index
        %swap3A_943 = arith.constant 912 : index
        %swap3A_944 = tpu.vector_load %arg11[%swap3A_942, %swap3A_943] {strides = array<i32>} : memref<16x1024xf32, #tpu.memory_space<vmem>>, vector<1x16xf32>,
        %swap3A_945 = vector.shape_cast %swap3A_944 : vector<1x16xf32> to vector<16xf32>
        %swap3A_946 = vector.shape_cast %bitcast_convert_type3A_936 : vector<16xf32> to vector<1x16xf32>
        tpu.vector_store %arg11[%swap3A_942, %swap3A_943], %swap3A_946 {add = true, strides = array<i32>} : memref<16x1024xf32, #tpu.memory_space<vmem>>, vector<1x16xf32>,
        %shift_left3A_947 = arith.constant 16 : i32
        %shift_left3A_948 = vector.broadcast %shift_left3A_947 : i32 to vector<16xi32>
        %shift_left3A_949 = arith.shli %get3A_833, %shift_left3A_948 : vector<16xi32>
        %bitcast_convert_type3A_950 = tpu.bitcast %shift_left3A_949 : vector<16xi32> -> vector<16xf32>
        %shift_right_logical3A_951 = arith.constant 16 : i32
        %shift_right_logical3A_952 = vector.broadcast %shift_right_logical3A_951 : i32 to vector<16xi32>
        %shift_right_logical3A_953 = arith.shrui %get3A_833, %shift_right_logical3A_952 : vector<16xi32>
        %shift_left3A_954 = arith.constant 16 : i32
        %shift_left3A_955 = vector.broadcast %shift_left3A_954 : i32 to vector<16xi32>
        %shift_left3A_956 = arith.shli %shift_right_logical3A_953, %shift_left3A_955 : vector<16xi32>
        %bitcast_convert_type3A_957 = tpu.bitcast %shift_left3A_956 : vector<16xi32> -> vector<16xf32>
        %swap3A_958 = arith.index_cast %scan3A_213 : i32 to index
        %swap3A_959 = arith.constant 928 : index
        %swap3A_960 = tpu.vector_load %arg11[%swap3A_958, %swap3A_959] {strides = array<i32>} : memref<16x1024xf32, #tpu.memory_space<vmem>>, vector<1x16xf32>,
        %swap3A_961 = vector.shape_cast %swap3A_960 : vector<1x16xf32> to vector<16xf32>
        %swap3A_962 = vector.shape_cast %bitcast_convert_type3A_950 : vector<16xf32> to vector<1x16xf32>
        tpu.vector_store %arg11[%swap3A_958, %swap3A_959], %swap3A_962 {add = true, strides = array<i32>} : memref<16x1024xf32, #tpu.memory_space<vmem>>, vector<1x16xf32>,
        %swap3A_963 = arith.index_cast %scan3A_213 : i32 to index
        %swap3A_964 = arith.constant 944 : index
        %swap3A_965 = tpu.vector_load %arg11[%swap3A_963, %swap3A_964] {strides = array<i32>} : memref<16x1024xf32, #tpu.memory_space<vmem>>, vector<1x16xf32>,
        %swap3A_966 = vector.shape_cast %swap3A_965 : vector<1x16xf32> to vector<16xf32>
        %swap3A_967 = vector.shape_cast %bitcast_convert_type3A_957 : vector<16xf32> to vector<1x16xf32>
        tpu.vector_store %arg11[%swap3A_963, %swap3A_964], %swap3A_967 {add = true, strides = array<i32>} : memref<16x1024xf32, #tpu.memory_space<vmem>>, vector<1x16xf32>,
        %shift_left3A_968 = arith.constant 16 : i32
        %shift_left3A_969 = vector.broadcast %shift_left3A_968 : i32 to vector<16xi32>
        %shift_left3A_970 = arith.shli %get3A_837, %shift_left3A_969 : vector<16xi32>
        %bitcast_convert_type3A_971 = tpu.bitcast %shift_left3A_970 : vector<16xi32> -> vector<16xf32>
        %shift_right_logical3A_972 = arith.constant 16 : i32
        %shift_right_logical3A_973 = vector.broadcast %shift_right_logical3A_972 : i32 to vector<16xi32>
        %shift_right_logical3A_974 = arith.shrui %get3A_837, %shift_right_logical3A_973 : vector<16xi32>
        %shift_left3A_975 = arith.constant 16 : i32
        %shift_left3A_976 = vector.broadcast %shift_left3A_975 : i32 to vector<16xi32>
        %shift_left3A_977 = arith.shli %shift_right_logical3A_974, %shift_left3A_976 : vector<16xi32>
        %bitcast_convert_type3A_978 = tpu.bitcast %shift_left3A_977 : vector<16xi32> -> vector<16xf32>
        %swap3A_979 = arith.index_cast %scan3A_213 : i32 to index
        %swap3A_980 = arith.constant 960 : index
        %swap3A_981 = tpu.vector_load %arg11[%swap3A_979, %swap3A_980] {strides = array<i32>} : memref<16x1024xf32, #tpu.memory_space<vmem>>, vector<1x16xf32>,
        %swap3A_982 = vector.shape_cast %swap3A_981 : vector<1x16xf32> to vector<16xf32>
        %swap3A_983 = vector.shape_cast %bitcast_convert_type3A_971 : vector<16xf32> to vector<1x16xf32>
        tpu.vector_store %arg11[%swap3A_979, %swap3A_980], %swap3A_983 {add = true, strides = array<i32>} : memref<16x1024xf32, #tpu.memory_space<vmem>>, vector<1x16xf32>,
        %swap3A_984 = arith.index_cast %scan3A_213 : i32 to index
        %swap3A_985 = arith.constant 976 : index
        %swap3A_986 = tpu.vector_load %arg11[%swap3A_984, %swap3A_985] {strides = array<i32>} : memref<16x1024xf32, #tpu.memory_space<vmem>>, vector<1x16xf32>,
        %swap3A_987 = vector.shape_cast %swap3A_986 : vector<1x16xf32> to vector<16xf32>
        %swap3A_988 = vector.shape_cast %bitcast_convert_type3A_978 : vector<16xf32> to vector<1x16xf32>
        tpu.vector_store %arg11[%swap3A_984, %swap3A_985], %swap3A_988 {add = true, strides = array<i32>} : memref<16x1024xf32, #tpu.memory_space<vmem>>, vector<1x16xf32>,
        %shift_left3A_989 = arith.constant 16 : i32
        %shift_left3A_990 = vector.broadcast %shift_left3A_989 : i32 to vector<16xi32>
        %shift_left3A_991 = arith.shli %get3A_841, %shift_left3A_990 : vector<16xi32>
        %bitcast_convert_type3A_992 = tpu.bitcast %shift_left3A_991 : vector<16xi32> -> vector<16xf32>
        %shift_right_logical3A_993 = arith.constant 16 : i32
        %shift_right_logical3A_994 = vector.broadcast %shift_right_logical3A_993 : i32 to vector<16xi32>
        %shift_right_logical3A_995 = arith.shrui %get3A_841, %shift_right_logical3A_994 : vector<16xi32>
        %shift_left3A_996 = arith.constant 16 : i32
        %shift_left3A_997 = vector.broadcast %shift_left3A_996 : i32 to vector<16xi32>
        %shift_left3A_998 = arith.shli %shift_right_logical3A_995, %shift_left3A_997 : vector<16xi32>
        %bitcast_convert_type3A_999 = tpu.bitcast %shift_left3A_998 : vector<16xi32> -> vector<16xf32>
        %swap3A_1000 = arith.index_cast %scan3A_213 : i32 to index
        %swap3A_1001 = arith.constant 992 : index
        %swap3A_1002 = tpu.vector_load %arg11[%swap3A_1000, %swap3A_1001] {strides = array<i32>} : memref<16x1024xf32, #tpu.memory_space<vmem>>, vector<1x16xf32>,
        %swap3A_1003 = vector.shape_cast %swap3A_1002 : vector<1x16xf32> to vector<16xf32>
        %swap3A_1004 = vector.shape_cast %bitcast_convert_type3A_992 : vector<16xf32> to vector<1x16xf32>
        tpu.vector_store %arg11[%swap3A_1000, %swap3A_1001], %swap3A_1004 {add = true, strides = array<i32>} : memref<16x1024xf32, #tpu.memory_space<vmem>>, vector<1x16xf32>,
        %swap3A_1005 = arith.index_cast %scan3A_213 : i32 to index
        %swap3A_1006 = arith.constant 1008 : index
        %swap3A_1007 = tpu.vector_load %arg11[%swap3A_1005, %swap3A_1006] {strides = array<i32>} : memref<16x1024xf32, #tpu.memory_space<vmem>>, vector<1x16xf32>,
        %swap3A_1008 = vector.shape_cast %swap3A_1007 : vector<1x16xf32> to vector<16xf32>
        %swap3A_1009 = vector.shape_cast %bitcast_convert_type3A_999 : vector<16xf32> to vector<1x16xf32>
        tpu.vector_store %arg11[%swap3A_1005, %swap3A_1006], %swap3A_1009 {add = true, strides = array<i32>} : memref<16x1024xf32, #tpu.memory_space<vmem>>, vector<1x16xf32>,
        %scan3A_1010 = arith.constant 0 : i32
        scf.yield %scan3A_1010 : i32
      }
      %scan3A_118 = arith.constant 16 : i32
      %mul3A_119 = arith.constant 16 : i32
      %mul3A_120 = arith.muli %add3A_86, %mul3A_119 : i32
      %add3A_121 = arith.addi %mul3A_2, %mul3A_120 : i32
      %dma_start3A_122 = arith.constant 0 : i32
      %dma_start3A_123 = tpu.memref_slice %arg5[%add3A_121, %dma_start3A_122] : memref<16384x1024xf32, #tpu.memory_space<hbm>> -> memref<16x1024xf32, #tpu.memory_space<hbm>>
      %dma_start3A_124 = arith.constant 0 : i32
      %dma_start3A_125 = tpu.memref_slice %arg5[%add3A_121, %dma_start3A_124] : memref<16384x1024xf32, #tpu.memory_space<hbm>> -> memref<16x1024xf32, #tpu.memory_space<hbm>>
      tpu.enqueue_dma source(%arg11 : memref<16x1024xf32, #tpu.memory_space<vmem>>) target(%dma_start3A_125 : memref<16x1024xf32, #tpu.memory_space<hbm>>) target_semaphore(%arg14 : memref<!tpu.dma_semaphore, #tpu.memory_space<semaphore_mem>>)
      %mul3A_126 = arith.constant 4 : i32
      %mul3A_127 = arith.muli %mul3A_126, %scan3A_42 : i32
      %add3A_128 = arith.constant 2 : i32
      %add3A_129 = arith.addi %mul3A_127, %add3A_128 : i32
      %add3A_130 = arith.constant 2 : i32
      %add3A_131 = arith.addi %add3A_129, %add3A_130 : i32
      %ge3A_132 = arith.constant 4 : i32
      %ge3A_133 = arith.cmpi sge, %add3A_131, %ge3A_132 : i32
      %convert_element_type3A_134 = arith.extui %ge3A_133 : i1 to i32
      %cond3A_135 = arith.constant 0 : i32
      %cond3A_136 = arith.cmpi ne, %convert_element_type3A_134, %cond3A_135 : i32
      scf.if %cond3A_136 {
        %add3A_213 = arith.constant 2 : i32
        %add3A_214 = arith.addi %add3A_129, %add3A_213 : i32
        %sub3A = arith.constant 4 : i32
        %sub3A_215 = arith.subi %add3A_214, %sub3A : i32
        %mul3A_216 = arith.constant 16 : i32
        %mul3A_217 = arith.muli %sub3A_215, %mul3A_216 : i32
        %add3A_218 = arith.addi %mul3A_2, %mul3A_217 : i32
        %dma_wait3A_219 = arith.constant 0 : i32
        %dma_wait3A_220 = tpu.memref_slice %arg5[%add3A_218, %dma_wait3A_219] : memref<16384x1024xf32, #tpu.memory_space<hbm>> -> memref<16x1024xf32, #tpu.memory_space<hbm>>
        %dma_wait3A_221 = arith.constant 0 : i32
        %dma_wait3A_222 = tpu.memref_slice %arg5[%add3A_218, %dma_wait3A_221] : memref<16384x1024xf32, #tpu.memory_space<hbm>> -> memref<16x1024xf32, #tpu.memory_space<hbm>>
        tpu.wait_dma2 semaphore(%arg10 : memref<!tpu.dma_semaphore, #tpu.memory_space<semaphore_mem>>) src(%arg7 : memref<16x1024xf32, #tpu.memory_space<vmem>>) dst(%dma_wait3A_222 : memref<16x1024xf32, #tpu.memory_space<hbm>>)
      } else {
      }
      %add3A_137 = arith.constant 2 : i32
      %add3A_138 = arith.addi %add3A_129, %add3A_137 : i32
      %lt3A_139 = arith.constant 32 : i32
      %lt3A_140 = arith.cmpi slt, %add3A_138, %lt3A_139 : i32
      %convert_element_type3A_141 = arith.extui %lt3A_140 : i1 to i32
      %cond3A_142 = arith.constant 0 : i32
      %cond3A_143 = arith.cmpi ne, %convert_element_type3A_141, %cond3A_142 : i32
      scf.if %cond3A_143 {
        %add3A_213 = arith.constant 2 : i32
        %add3A_214 = arith.addi %add3A_129, %add3A_213 : i32
        %mul3A_215 = arith.constant 16 : i32
        %mul3A_216 = arith.muli %add3A_214, %mul3A_215 : i32
        %add3A_217 = arith.addi %rem3A_3, %mul3A_216 : i32
        %dma_start3A_218 = tpu.memref_slice %arg6[%mul3A_216] : memref<512xi32, #tpu.memory_space<vmem>> -> memref<16xi32, #tpu.memory_space<vmem>>
        %dma_start3A_219 = arith.constant 0 : i32
        %dma_start3A_220 = arith.constant 0 : i32
        %dma_start3A_221 = tpu.memref_slice %arg3[%dma_start3A_219, %dma_start3A_220] : memref<100000x1024xf32, #tpu.memory_space<hbm>> -> memref<100000x1024xf32, #tpu.memory_space<hbm>>
        tpu.enqueue_indirect_dma source(%dma_start3A_221 : memref<100000x1024xf32, #tpu.memory_space<hbm>>) target(%arg7 : memref<16x1024xf32, #tpu.memory_space<vmem>>) offsets(%dma_start3A_218 : memref<16xi32, #tpu.memory_space<vmem>>) semaphore(%arg9 : memref<!tpu.dma_semaphore, #tpu.memory_space<semaphore_mem>>)
        %dma_start3A_222 = arith.constant 0 : i32
        %dma_start3A_223 = tpu.memref_slice %arg4[%add3A_217, %dma_start3A_222] : memref<4096x512xi32, #tpu.memory_space<hbm>> -> memref<16x512xi32, #tpu.memory_space<hbm>>
        %dma_start3A_224 = arith.constant 0 : i32
        %dma_start3A_225 = tpu.memref_slice %arg4[%add3A_217, %dma_start3A_224] : memref<4096x512xi32, #tpu.memory_space<hbm>> -> memref<16x512xi32, #tpu.memory_space<hbm>>
        tpu.enqueue_dma source(%dma_start3A_225 : memref<16x512xi32, #tpu.memory_space<hbm>>) target(%arg8 : memref<16x512xi32, #tpu.memory_space<vmem>>) target_semaphore(%arg9 : memref<!tpu.dma_semaphore, #tpu.memory_space<semaphore_mem>>)
      } else {
      }
      %mul3A_144 = arith.constant 16 : i32
      %mul3A_145 = arith.muli %add3A_129, %mul3A_144 : i32
      %add3A_146 = arith.addi %rem3A_3, %mul3A_145 : i32
      %dma_wait3A_147 = tpu.memref_slice %arg6[%mul3A_145] : memref<512xi32, #tpu.memory_space<vmem>> -> memref<16xi32, #tpu.memory_space<vmem>>
      %dma_wait3A_148 = arith.constant 0 : i32
      %dma_wait3A_149 = arith.constant 0 : i32
      %dma_wait3A_150 = tpu.memref_slice %arg3[%dma_wait3A_148, %dma_wait3A_149] : memref<100000x1024xf32, #tpu.memory_space<hbm>> -> memref<100000x1024xf32, #tpu.memory_space<hbm>>
      tpu.wait_indirect_dma semaphore(%arg17 : memref<!tpu.dma_semaphore, #tpu.memory_space<semaphore_mem>>) src(%dma_wait3A_150 : memref<100000x1024xf32, #tpu.memory_space<hbm>>) dst(%arg15 : memref<16x1024xf32, #tpu.memory_space<vmem>>)
      %dma_wait3A_151 = arith.constant 0 : i32
      %dma_wait3A_152 = tpu.memref_slice %arg4[%add3A_146, %dma_wait3A_151] : memref<4096x512xi32, #tpu.memory_space<hbm>> -> memref<16x512xi32, #tpu.memory_space<hbm>>
      %dma_wait3A_153 = arith.constant 0 : i32
      %dma_wait3A_154 = tpu.memref_slice %arg4[%add3A_146, %dma_wait3A_153] : memref<4096x512xi32, #tpu.memory_space<hbm>> -> memref<16x512xi32, #tpu.memory_space<hbm>>
      tpu.wait_dma2 semaphore(%arg17 : memref<!tpu.dma_semaphore, #tpu.memory_space<semaphore_mem>>) src(%dma_wait3A_154 : memref<16x512xi32, #tpu.memory_space<hbm>>) dst(%arg16 : memref<16x512xi32, #tpu.memory_space<vmem>>)
      %scan3A_155 = arith.constant 0 : i32
      %scan3A_156 = arith.constant 0 : i32
      %scan3A_157 = arith.constant 16 : i32
      %scan3A_158 = arith.addi %scan3A_156, %scan3A_157 : i32
      %scan3A_159 = arith.constant 1 : i32
      %scan3A_160 = scf.for %scan3A_213 = %scan3A_156 to %scan3A_158 step %scan3A_159 iter_args(%scan3A_214 = %scan3A_155) -> (i32)  : i32 {
        %get3A = arith.index_cast %scan3A_213 : i32 to index
        %get3A_215 = arith.constant 0 : index
        %get3A_216 = tpu.vector_load %arg16[%get3A, %get3A_215] {strides = array<i32>} : memref<16x512xi32, #tpu.memory_space<vmem>>, vector<1x16xi32>,
        %get3A_217 = vector.shape_cast %get3A_216 : vector<1x16xi32> to vector<16xi32>
        %get3A_218 = arith.index_cast %scan3A_213 : i32 to index
        %get3A_219 = arith.constant 16 : index
        %get3A_220 = tpu.vector_load %arg16[%get3A_218, %get3A_219] {strides = array<i32>} : memref<16x512xi32, #tpu.memory_space<vmem>>, vector<1x16xi32>,
        %get3A_221 = vector.shape_cast %get3A_220 : vector<1x16xi32> to vector<16xi32>
        %get3A_222 = arith.index_cast %scan3A_213 : i32 to index
        %get3A_223 = arith.constant 32 : index
        %get3A_224 = tpu.vector_load %arg16[%get3A_222, %get3A_223] {strides = array<i32>} : memref<16x512xi32, #tpu.memory_space<vmem>>, vector<1x16xi32>,
        %get3A_225 = vector.shape_cast %get3A_224 : vector<1x16xi32> to vector<16xi32>
        %get3A_226 = arith.index_cast %scan3A_213 : i32 to index
        %get3A_227 = arith.constant 48 : index
        %get3A_228 = tpu.vector_load %arg16[%get3A_226, %get3A_227] {strides = array<i32>} : memref<16x512xi32, #tpu.memory_space<vmem>>, vector<1x16xi32>,
        %get3A_229 = vector.shape_cast %get3A_228 : vector<1x16xi32> to vector<16xi32>
        %get3A_230 = arith.index_cast %scan3A_213 : i32 to index
        %get3A_231 = arith.constant 64 : index
        %get3A_232 = tpu.vector_load %arg16[%get3A_230, %get3A_231] {strides = array<i32>} : memref<16x512xi32, #tpu.memory_space<vmem>>, vector<1x16xi32>,
        %get3A_233 = vector.shape_cast %get3A_232 : vector<1x16xi32> to vector<16xi32>
        %get3A_234 = arith.index_cast %scan3A_213 : i32 to index
        %get3A_235 = arith.constant 80 : index
        %get3A_236 = tpu.vector_load %arg16[%get3A_234, %get3A_235] {strides = array<i32>} : memref<16x512xi32, #tpu.memory_space<vmem>>, vector<1x16xi32>,
        %get3A_237 = vector.shape_cast %get3A_236 : vector<1x16xi32> to vector<16xi32>
        %get3A_238 = arith.index_cast %scan3A_213 : i32 to index
        %get3A_239 = arith.constant 96 : index
        %get3A_240 = tpu.vector_load %arg16[%get3A_238, %get3A_239] {strides = array<i32>} : memref<16x512xi32, #tpu.memory_space<vmem>>, vector<1x16xi32>,
        %get3A_241 = vector.shape_cast %get3A_240 : vector<1x16xi32> to vector<16xi32>
        %get3A_242 = arith.index_cast %scan3A_213 : i32 to index
        %get3A_243 = arith.constant 112 : index
        %get3A_244 = tpu.vector_load %arg16[%get3A_242, %get3A_243] {strides = array<i32>} : memref<16x512xi32, #tpu.memory_space<vmem>>, vector<1x16xi32>,
        %get3A_245 = vector.shape_cast %get3A_244 : vector<1x16xi32> to vector<16xi32>
        %shift_left3A = arith.constant 16 : i32
        %shift_left3A_246 = vector.broadcast %shift_left3A : i32 to vector<16xi32>
        %shift_left3A_247 = arith.shli %get3A_217, %shift_left3A_246 : vector<16xi32>
        %bitcast_convert_type3A = tpu.bitcast %shift_left3A_247 : vector<16xi32> -> vector<16xf32>
        %shift_right_logical3A = arith.constant 16 : i32
        %shift_right_logical3A_248 = vector.broadcast %shift_right_logical3A : i32 to vector<16xi32>
        %shift_right_logical3A_249 = arith.shrui %get3A_217, %shift_right_logical3A_248 : vector<16xi32>
        %shift_left3A_250 = arith.constant 16 : i32
        %shift_left3A_251 = vector.broadcast %shift_left3A_250 : i32 to vector<16xi32>
        %shift_left3A_252 = arith.shli %shift_right_logical3A_249, %shift_left3A_251 : vector<16xi32>
        %bitcast_convert_type3A_253 = tpu.bitcast %shift_left3A_252 : vector<16xi32> -> vector<16xf32>
        %swap3A = arith.index_cast %scan3A_213 : i32 to index
        %swap3A_254 = arith.constant 0 : index
        %swap3A_255 = tpu.vector_load %arg15[%swap3A, %swap3A_254] {strides = array<i32>} : memref<16x1024xf32, #tpu.memory_space<vmem>>, vector<1x16xf32>,
        %swap3A_256 = vector.shape_cast %swap3A_255 : vector<1x16xf32> to vector<16xf32>
        %swap3A_257 = vector.shape_cast %bitcast_convert_type3A : vector<16xf32> to vector<1x16xf32>
        tpu.vector_store %arg15[%swap3A, %swap3A_254], %swap3A_257 {add = true, strides = array<i32>} : memref<16x1024xf32, #tpu.memory_space<vmem>>, vector<1x16xf32>,
        %swap3A_258 = arith.index_cast %scan3A_213 : i32 to index
        %swap3A_259 = arith.constant 16 : index
        %swap3A_260 = tpu.vector_load %arg15[%swap3A_258, %swap3A_259] {strides = array<i32>} : memref<16x1024xf32, #tpu.memory_space<vmem>>, vector<1x16xf32>,
        %swap3A_261 = vector.shape_cast %swap3A_260 : vector<1x16xf32> to vector<16xf32>
        %swap3A_262 = vector.shape_cast %bitcast_convert_type3A_253 : vector<16xf32> to vector<1x16xf32>
        tpu.vector_store %arg15[%swap3A_258, %swap3A_259], %swap3A_262 {add = true, strides = array<i32>} : memref<16x1024xf32, #tpu.memory_space<vmem>>, vector<1x16xf32>,
        %shift_left3A_263 = arith.constant 16 : i32
        %shift_left3A_264 = vector.broadcast %shift_left3A_263 : i32 to vector<16xi32>
        %shift_left3A_265 = arith.shli %get3A_221, %shift_left3A_264 : vector<16xi32>
        %bitcast_convert_type3A_266 = tpu.bitcast %shift_left3A_265 : vector<16xi32> -> vector<16xf32>
        %shift_right_logical3A_267 = arith.constant 16 : i32
        %shift_right_logical3A_268 = vector.broadcast %shift_right_logical3A_267 : i32 to vector<16xi32>
        %shift_right_logical3A_269 = arith.shrui %get3A_221, %shift_right_logical3A_268 : vector<16xi32>
        %shift_left3A_270 = arith.constant 16 : i32
        %shift_left3A_271 = vector.broadcast %shift_left3A_270 : i32 to vector<16xi32>
        %shift_left3A_272 = arith.shli %shift_right_logical3A_269, %shift_left3A_271 : vector<16xi32>
        %bitcast_convert_type3A_273 = tpu.bitcast %shift_left3A_272 : vector<16xi32> -> vector<16xf32>
        %swap3A_274 = arith.index_cast %scan3A_213 : i32 to index
        %swap3A_275 = arith.constant 32 : index
        %swap3A_276 = tpu.vector_load %arg15[%swap3A_274, %swap3A_275] {strides = array<i32>} : memref<16x1024xf32, #tpu.memory_space<vmem>>, vector<1x16xf32>,
        %swap3A_277 = vector.shape_cast %swap3A_276 : vector<1x16xf32> to vector<16xf32>
        %swap3A_278 = vector.shape_cast %bitcast_convert_type3A_266 : vector<16xf32> to vector<1x16xf32>
        tpu.vector_store %arg15[%swap3A_274, %swap3A_275], %swap3A_278 {add = true, strides = array<i32>} : memref<16x1024xf32, #tpu.memory_space<vmem>>, vector<1x16xf32>,
        %swap3A_279 = arith.index_cast %scan3A_213 : i32 to index
        %swap3A_280 = arith.constant 48 : index
        %swap3A_281 = tpu.vector_load %arg15[%swap3A_279, %swap3A_280] {strides = array<i32>} : memref<16x1024xf32, #tpu.memory_space<vmem>>, vector<1x16xf32>,
        %swap3A_282 = vector.shape_cast %swap3A_281 : vector<1x16xf32> to vector<16xf32>
        %swap3A_283 = vector.shape_cast %bitcast_convert_type3A_273 : vector<16xf32> to vector<1x16xf32>
        tpu.vector_store %arg15[%swap3A_279, %swap3A_280], %swap3A_283 {add = true, strides = array<i32>} : memref<16x1024xf32, #tpu.memory_space<vmem>>, vector<1x16xf32>,
        %shift_left3A_284 = arith.constant 16 : i32
        %shift_left3A_285 = vector.broadcast %shift_left3A_284 : i32 to vector<16xi32>
        %shift_left3A_286 = arith.shli %get3A_225, %shift_left3A_285 : vector<16xi32>
        %bitcast_convert_type3A_287 = tpu.bitcast %shift_left3A_286 : vector<16xi32> -> vector<16xf32>
        %shift_right_logical3A_288 = arith.constant 16 : i32
        %shift_right_logical3A_289 = vector.broadcast %shift_right_logical3A_288 : i32 to vector<16xi32>
        %shift_right_logical3A_290 = arith.shrui %get3A_225, %shift_right_logical3A_289 : vector<16xi32>
        %shift_left3A_291 = arith.constant 16 : i32
        %shift_left3A_292 = vector.broadcast %shift_left3A_291 : i32 to vector<16xi32>
        %shift_left3A_293 = arith.shli %shift_right_logical3A_290, %shift_left3A_292 : vector<16xi32>
        %bitcast_convert_type3A_294 = tpu.bitcast %shift_left3A_293 : vector<16xi32> -> vector<16xf32>
        %swap3A_295 = arith.index_cast %scan3A_213 : i32 to index
        %swap3A_296 = arith.constant 64 : index
        %swap3A_297 = tpu.vector_load %arg15[%swap3A_295, %swap3A_296] {strides = array<i32>} : memref<16x1024xf32, #tpu.memory_space<vmem>>, vector<1x16xf32>,
        %swap3A_298 = vector.shape_cast %swap3A_297 : vector<1x16xf32> to vector<16xf32>
        %swap3A_299 = vector.shape_cast %bitcast_convert_type3A_287 : vector<16xf32> to vector<1x16xf32>
        tpu.vector_store %arg15[%swap3A_295, %swap3A_296], %swap3A_299 {add = true, strides = array<i32>} : memref<16x1024xf32, #tpu.memory_space<vmem>>, vector<1x16xf32>,
        %swap3A_300 = arith.index_cast %scan3A_213 : i32 to index
        %swap3A_301 = arith.constant 80 : index
        %swap3A_302 = tpu.vector_load %arg15[%swap3A_300, %swap3A_301] {strides = array<i32>} : memref<16x1024xf32, #tpu.memory_space<vmem>>, vector<1x16xf32>,
        %swap3A_303 = vector.shape_cast %swap3A_302 : vector<1x16xf32> to vector<16xf32>
        %swap3A_304 = vector.shape_cast %bitcast_convert_type3A_294 : vector<16xf32> to vector<1x16xf32>
        tpu.vector_store %arg15[%swap3A_300, %swap3A_301], %swap3A_304 {add = true, strides = array<i32>} : memref<16x1024xf32, #tpu.memory_space<vmem>>, vector<1x16xf32>,
        %shift_left3A_305 = arith.constant 16 : i32
        %shift_left3A_306 = vector.broadcast %shift_left3A_305 : i32 to vector<16xi32>
        %shift_left3A_307 = arith.shli %get3A_229, %shift_left3A_306 : vector<16xi32>
        %bitcast_convert_type3A_308 = tpu.bitcast %shift_left3A_307 : vector<16xi32> -> vector<16xf32>
        %shift_right_logical3A_309 = arith.constant 16 : i32
        %shift_right_logical3A_310 = vector.broadcast %shift_right_logical3A_309 : i32 to vector<16xi32>
        %shift_right_logical3A_311 = arith.shrui %get3A_229, %shift_right_logical3A_310 : vector<16xi32>
        %shift_left3A_312 = arith.constant 16 : i32
        %shift_left3A_313 = vector.broadcast %shift_left3A_312 : i32 to vector<16xi32>
        %shift_left3A_314 = arith.shli %shift_right_logical3A_311, %shift_left3A_313 : vector<16xi32>
        %bitcast_convert_type3A_315 = tpu.bitcast %shift_left3A_314 : vector<16xi32> -> vector<16xf32>
        %swap3A_316 = arith.index_cast %scan3A_213 : i32 to index
        %swap3A_317 = arith.constant 96 : index
        %swap3A_318 = tpu.vector_load %arg15[%swap3A_316, %swap3A_317] {strides = array<i32>} : memref<16x1024xf32, #tpu.memory_space<vmem>>, vector<1x16xf32>,
        %swap3A_319 = vector.shape_cast %swap3A_318 : vector<1x16xf32> to vector<16xf32>
        %swap3A_320 = vector.shape_cast %bitcast_convert_type3A_308 : vector<16xf32> to vector<1x16xf32>
        tpu.vector_store %arg15[%swap3A_316, %swap3A_317], %swap3A_320 {add = true, strides = array<i32>} : memref<16x1024xf32, #tpu.memory_space<vmem>>, vector<1x16xf32>,
        %swap3A_321 = arith.index_cast %scan3A_213 : i32 to index
        %swap3A_322 = arith.constant 112 : index
        %swap3A_323 = tpu.vector_load %arg15[%swap3A_321, %swap3A_322] {strides = array<i32>} : memref<16x1024xf32, #tpu.memory_space<vmem>>, vector<1x16xf32>,
        %swap3A_324 = vector.shape_cast %swap3A_323 : vector<1x16xf32> to vector<16xf32>
        %swap3A_325 = vector.shape_cast %bitcast_convert_type3A_315 : vector<16xf32> to vector<1x16xf32>
        tpu.vector_store %arg15[%swap3A_321, %swap3A_322], %swap3A_325 {add = true, strides = array<i32>} : memref<16x1024xf32, #tpu.memory_space<vmem>>, vector<1x16xf32>,
        %shift_left3A_326 = arith.constant 16 : i32
        %shift_left3A_327 = vector.broadcast %shift_left3A_326 : i32 to vector<16xi32>
        %shift_left3A_328 = arith.shli %get3A_233, %shift_left3A_327 : vector<16xi32>
        %bitcast_convert_type3A_329 = tpu.bitcast %shift_left3A_328 : vector<16xi32> -> vector<16xf32>
        %shift_right_logical3A_330 = arith.constant 16 : i32
        %shift_right_logical3A_331 = vector.broadcast %shift_right_logical3A_330 : i32 to vector<16xi32>
        %shift_right_logical3A_332 = arith.shrui %get3A_233, %shift_right_logical3A_331 : vector<16xi32>
        %shift_left3A_333 = arith.constant 16 : i32
        %shift_left3A_334 = vector.broadcast %shift_left3A_333 : i32 to vector<16xi32>
        %shift_left3A_335 = arith.shli %shift_right_logical3A_332, %shift_left3A_334 : vector<16xi32>
        %bitcast_convert_type3A_336 = tpu.bitcast %shift_left3A_335 : vector<16xi32> -> vector<16xf32>
        %swap3A_337 = arith.index_cast %scan3A_213 : i32 to index
        %swap3A_338 = arith.constant 128 : index
        %swap3A_339 = tpu.vector_load %arg15[%swap3A_337, %swap3A_338] {strides = array<i32>} : memref<16x1024xf32, #tpu.memory_space<vmem>>, vector<1x16xf32>,
        %swap3A_340 = vector.shape_cast %swap3A_339 : vector<1x16xf32> to vector<16xf32>
        %swap3A_341 = vector.shape_cast %bitcast_convert_type3A_329 : vector<16xf32> to vector<1x16xf32>
        tpu.vector_store %arg15[%swap3A_337, %swap3A_338], %swap3A_341 {add = true, strides = array<i32>} : memref<16x1024xf32, #tpu.memory_space<vmem>>, vector<1x16xf32>,
        %swap3A_342 = arith.index_cast %scan3A_213 : i32 to index
        %swap3A_343 = arith.constant 144 : index
        %swap3A_344 = tpu.vector_load %arg15[%swap3A_342, %swap3A_343] {strides = array<i32>} : memref<16x1024xf32, #tpu.memory_space<vmem>>, vector<1x16xf32>,
        %swap3A_345 = vector.shape_cast %swap3A_344 : vector<1x16xf32> to vector<16xf32>
        %swap3A_346 = vector.shape_cast %bitcast_convert_type3A_336 : vector<16xf32> to vector<1x16xf32>
        tpu.vector_store %arg15[%swap3A_342, %swap3A_343], %swap3A_346 {add = true, strides = array<i32>} : memref<16x1024xf32, #tpu.memory_space<vmem>>, vector<1x16xf32>,
        %shift_left3A_347 = arith.constant 16 : i32
        %shift_left3A_348 = vector.broadcast %shift_left3A_347 : i32 to vector<16xi32>
        %shift_left3A_349 = arith.shli %get3A_237, %shift_left3A_348 : vector<16xi32>
        %bitcast_convert_type3A_350 = tpu.bitcast %shift_left3A_349 : vector<16xi32> -> vector<16xf32>
        %shift_right_logical3A_351 = arith.constant 16 : i32
        %shift_right_logical3A_352 = vector.broadcast %shift_right_logical3A_351 : i32 to vector<16xi32>
        %shift_right_logical3A_353 = arith.shrui %get3A_237, %shift_right_logical3A_352 : vector<16xi32>
        %shift_left3A_354 = arith.constant 16 : i32
        %shift_left3A_355 = vector.broadcast %shift_left3A_354 : i32 to vector<16xi32>
        %shift_left3A_356 = arith.shli %shift_right_logical3A_353, %shift_left3A_355 : vector<16xi32>
        %bitcast_convert_type3A_357 = tpu.bitcast %shift_left3A_356 : vector<16xi32> -> vector<16xf32>
        %swap3A_358 = arith.index_cast %scan3A_213 : i32 to index
        %swap3A_359 = arith.constant 160 : index
        %swap3A_360 = tpu.vector_load %arg15[%swap3A_358, %swap3A_359] {strides = array<i32>} : memref<16x1024xf32, #tpu.memory_space<vmem>>, vector<1x16xf32>,
        %swap3A_361 = vector.shape_cast %swap3A_360 : vector<1x16xf32> to vector<16xf32>
        %swap3A_362 = vector.shape_cast %bitcast_convert_type3A_350 : vector<16xf32> to vector<1x16xf32>
        tpu.vector_store %arg15[%swap3A_358, %swap3A_359], %swap3A_362 {add = true, strides = array<i32>} : memref<16x1024xf32, #tpu.memory_space<vmem>>, vector<1x16xf32>,
        %swap3A_363 = arith.index_cast %scan3A_213 : i32 to index
        %swap3A_364 = arith.constant 176 : index
        %swap3A_365 = tpu.vector_load %arg15[%swap3A_363, %swap3A_364] {strides = array<i32>} : memref<16x1024xf32, #tpu.memory_space<vmem>>, vector<1x16xf32>,
        %swap3A_366 = vector.shape_cast %swap3A_365 : vector<1x16xf32> to vector<16xf32>
        %swap3A_367 = vector.shape_cast %bitcast_convert_type3A_357 : vector<16xf32> to vector<1x16xf32>
        tpu.vector_store %arg15[%swap3A_363, %swap3A_364], %swap3A_367 {add = true, strides = array<i32>} : memref<16x1024xf32, #tpu.memory_space<vmem>>, vector<1x16xf32>,
        %shift_left3A_368 = arith.constant 16 : i32
        %shift_left3A_369 = vector.broadcast %shift_left3A_368 : i32 to vector<16xi32>
        %shift_left3A_370 = arith.shli %get3A_241, %shift_left3A_369 : vector<16xi32>
        %bitcast_convert_type3A_371 = tpu.bitcast %shift_left3A_370 : vector<16xi32> -> vector<16xf32>
        %shift_right_logical3A_372 = arith.constant 16 : i32
        %shift_right_logical3A_373 = vector.broadcast %shift_right_logical3A_372 : i32 to vector<16xi32>
        %shift_right_logical3A_374 = arith.shrui %get3A_241, %shift_right_logical3A_373 : vector<16xi32>
        %shift_left3A_375 = arith.constant 16 : i32
        %shift_left3A_376 = vector.broadcast %shift_left3A_375 : i32 to vector<16xi32>
        %shift_left3A_377 = arith.shli %shift_right_logical3A_374, %shift_left3A_376 : vector<16xi32>
        %bitcast_convert_type3A_378 = tpu.bitcast %shift_left3A_377 : vector<16xi32> -> vector<16xf32>
        %swap3A_379 = arith.index_cast %scan3A_213 : i32 to index
        %swap3A_380 = arith.constant 192 : index
        %swap3A_381 = tpu.vector_load %arg15[%swap3A_379, %swap3A_380] {strides = array<i32>} : memref<16x1024xf32, #tpu.memory_space<vmem>>, vector<1x16xf32>,
        %swap3A_382 = vector.shape_cast %swap3A_381 : vector<1x16xf32> to vector<16xf32>
        %swap3A_383 = vector.shape_cast %bitcast_convert_type3A_371 : vector<16xf32> to vector<1x16xf32>
        tpu.vector_store %arg15[%swap3A_379, %swap3A_380], %swap3A_383 {add = true, strides = array<i32>} : memref<16x1024xf32, #tpu.memory_space<vmem>>, vector<1x16xf32>,
        %swap3A_384 = arith.index_cast %scan3A_213 : i32 to index
        %swap3A_385 = arith.constant 208 : index
        %swap3A_386 = tpu.vector_load %arg15[%swap3A_384, %swap3A_385] {strides = array<i32>} : memref<16x1024xf32, #tpu.memory_space<vmem>>, vector<1x16xf32>,
        %swap3A_387 = vector.shape_cast %swap3A_386 : vector<1x16xf32> to vector<16xf32>
        %swap3A_388 = vector.shape_cast %bitcast_convert_type3A_378 : vector<16xf32> to vector<1x16xf32>
        tpu.vector_store %arg15[%swap3A_384, %swap3A_385], %swap3A_388 {add = true, strides = array<i32>} : memref<16x1024xf32, #tpu.memory_space<vmem>>, vector<1x16xf32>,
        %shift_left3A_389 = arith.constant 16 : i32
        %shift_left3A_390 = vector.broadcast %shift_left3A_389 : i32 to vector<16xi32>
        %shift_left3A_391 = arith.shli %get3A_245, %shift_left3A_390 : vector<16xi32>
        %bitcast_convert_type3A_392 = tpu.bitcast %shift_left3A_391 : vector<16xi32> -> vector<16xf32>
        %shift_right_logical3A_393 = arith.constant 16 : i32
        %shift_right_logical3A_394 = vector.broadcast %shift_right_logical3A_393 : i32 to vector<16xi32>
        %shift_right_logical3A_395 = arith.shrui %get3A_245, %shift_right_logical3A_394 : vector<16xi32>
        %shift_left3A_396 = arith.constant 16 : i32
        %shift_left3A_397 = vector.broadcast %shift_left3A_396 : i32 to vector<16xi32>
        %shift_left3A_398 = arith.shli %shift_right_logical3A_395, %shift_left3A_397 : vector<16xi32>
        %bitcast_convert_type3A_399 = tpu.bitcast %shift_left3A_398 : vector<16xi32> -> vector<16xf32>
        %swap3A_400 = arith.index_cast %scan3A_213 : i32 to index
        %swap3A_401 = arith.constant 224 : index
        %swap3A_402 = tpu.vector_load %arg15[%swap3A_400, %swap3A_401] {strides = array<i32>} : memref<16x1024xf32, #tpu.memory_space<vmem>>, vector<1x16xf32>,
        %swap3A_403 = vector.shape_cast %swap3A_402 : vector<1x16xf32> to vector<16xf32>
        %swap3A_404 = vector.shape_cast %bitcast_convert_type3A_392 : vector<16xf32> to vector<1x16xf32>
        tpu.vector_store %arg15[%swap3A_400, %swap3A_401], %swap3A_404 {add = true, strides = array<i32>} : memref<16x1024xf32, #tpu.memory_space<vmem>>, vector<1x16xf32>,
        %swap3A_405 = arith.index_cast %scan3A_213 : i32 to index
        %swap3A_406 = arith.constant 240 : index
        %swap3A_407 = tpu.vector_load %arg15[%swap3A_405, %swap3A_406] {strides = array<i32>} : memref<16x1024xf32, #tpu.memory_space<vmem>>, vector<1x16xf32>,
        %swap3A_408 = vector.shape_cast %swap3A_407 : vector<1x16xf32> to vector<16xf32>
        %swap3A_409 = vector.shape_cast %bitcast_convert_type3A_399 : vector<16xf32> to vector<1x16xf32>
        tpu.vector_store %arg15[%swap3A_405, %swap3A_406], %swap3A_409 {add = true, strides = array<i32>} : memref<16x1024xf32, #tpu.memory_space<vmem>>, vector<1x16xf32>,
        %get3A_410 = arith.index_cast %scan3A_213 : i32 to index
        %get3A_411 = arith.constant 128 : index
        %get3A_412 = tpu.vector_load %arg16[%get3A_410, %get3A_411] {strides = array<i32>} : memref<16x512xi32, #tpu.memory_space<vmem>>, vector<1x16xi32>,
        %get3A_413 = vector.shape_cast %get3A_412 : vector<1x16xi32> to vector<16xi32>
        %get3A_414 = arith.index_cast %scan3A_213 : i32 to index
        %get3A_415 = arith.constant 144 : index
        %get3A_416 = tpu.vector_load %arg16[%get3A_414, %get3A_415] {strides = array<i32>} : memref<16x512xi32, #tpu.memory_space<vmem>>, vector<1x16xi32>,
        %get3A_417 = vector.shape_cast %get3A_416 : vector<1x16xi32> to vector<16xi32>
        %get3A_418 = arith.index_cast %scan3A_213 : i32 to index
        %get3A_419 = arith.constant 160 : index
        %get3A_420 = tpu.vector_load %arg16[%get3A_418, %get3A_419] {strides = array<i32>} : memref<16x512xi32, #tpu.memory_space<vmem>>, vector<1x16xi32>,
        %get3A_421 = vector.shape_cast %get3A_420 : vector<1x16xi32> to vector<16xi32>
        %get3A_422 = arith.index_cast %scan3A_213 : i32 to index
        %get3A_423 = arith.constant 176 : index
        %get3A_424 = tpu.vector_load %arg16[%get3A_422, %get3A_423] {strides = array<i32>} : memref<16x512xi32, #tpu.memory_space<vmem>>, vector<1x16xi32>,
        %get3A_425 = vector.shape_cast %get3A_424 : vector<1x16xi32> to vector<16xi32>
        %get3A_426 = arith.index_cast %scan3A_213 : i32 to index
        %get3A_427 = arith.constant 192 : index
        %get3A_428 = tpu.vector_load %arg16[%get3A_426, %get3A_427] {strides = array<i32>} : memref<16x512xi32, #tpu.memory_space<vmem>>, vector<1x16xi32>,
        %get3A_429 = vector.shape_cast %get3A_428 : vector<1x16xi32> to vector<16xi32>
        %get3A_430 = arith.index_cast %scan3A_213 : i32 to index
        %get3A_431 = arith.constant 208 : index
        %get3A_432 = tpu.vector_load %arg16[%get3A_430, %get3A_431] {strides = array<i32>} : memref<16x512xi32, #tpu.memory_space<vmem>>, vector<1x16xi32>,
        %get3A_433 = vector.shape_cast %get3A_432 : vector<1x16xi32> to vector<16xi32>
        %get3A_434 = arith.index_cast %scan3A_213 : i32 to index
        %get3A_435 = arith.constant 224 : index
        %get3A_436 = tpu.vector_load %arg16[%get3A_434, %get3A_435] {strides = array<i32>} : memref<16x512xi32, #tpu.memory_space<vmem>>, vector<1x16xi32>,
        %get3A_437 = vector.shape_cast %get3A_436 : vector<1x16xi32> to vector<16xi32>
        %get3A_438 = arith.index_cast %scan3A_213 : i32 to index
        %get3A_439 = arith.constant 240 : index
        %get3A_440 = tpu.vector_load %arg16[%get3A_438, %get3A_439] {strides = array<i32>} : memref<16x512xi32, #tpu.memory_space<vmem>>, vector<1x16xi32>,
        %get3A_441 = vector.shape_cast %get3A_440 : vector<1x16xi32> to vector<16xi32>
        %shift_left3A_442 = arith.constant 16 : i32
        %shift_left3A_443 = vector.broadcast %shift_left3A_442 : i32 to vector<16xi32>
        %shift_left3A_444 = arith.shli %get3A_413, %shift_left3A_443 : vector<16xi32>
        %bitcast_convert_type3A_445 = tpu.bitcast %shift_left3A_444 : vector<16xi32> -> vector<16xf32>
        %shift_right_logical3A_446 = arith.constant 16 : i32
        %shift_right_logical3A_447 = vector.broadcast %shift_right_logical3A_446 : i32 to vector<16xi32>
        %shift_right_logical3A_448 = arith.shrui %get3A_413, %shift_right_logical3A_447 : vector<16xi32>
        %shift_left3A_449 = arith.constant 16 : i32
        %shift_left3A_450 = vector.broadcast %shift_left3A_449 : i32 to vector<16xi32>
        %shift_left3A_451 = arith.shli %shift_right_logical3A_448, %shift_left3A_450 : vector<16xi32>
        %bitcast_convert_type3A_452 = tpu.bitcast %shift_left3A_451 : vector<16xi32> -> vector<16xf32>
        %swap3A_453 = arith.index_cast %scan3A_213 : i32 to index
        %swap3A_454 = arith.constant 256 : index
        %swap3A_455 = tpu.vector_load %arg15[%swap3A_453, %swap3A_454] {strides = array<i32>} : memref<16x1024xf32, #tpu.memory_space<vmem>>, vector<1x16xf32>,
        %swap3A_456 = vector.shape_cast %swap3A_455 : vector<1x16xf32> to vector<16xf32>
        %swap3A_457 = vector.shape_cast %bitcast_convert_type3A_445 : vector<16xf32> to vector<1x16xf32>
        tpu.vector_store %arg15[%swap3A_453, %swap3A_454], %swap3A_457 {add = true, strides = array<i32>} : memref<16x1024xf32, #tpu.memory_space<vmem>>, vector<1x16xf32>,
        %swap3A_458 = arith.index_cast %scan3A_213 : i32 to index
        %swap3A_459 = arith.constant 272 : index
        %swap3A_460 = tpu.vector_load %arg15[%swap3A_458, %swap3A_459] {strides = array<i32>} : memref<16x1024xf32, #tpu.memory_space<vmem>>, vector<1x16xf32>,
        %swap3A_461 = vector.shape_cast %swap3A_460 : vector<1x16xf32> to vector<16xf32>
        %swap3A_462 = vector.shape_cast %bitcast_convert_type3A_452 : vector<16xf32> to vector<1x16xf32>
        tpu.vector_store %arg15[%swap3A_458, %swap3A_459], %swap3A_462 {add = true, strides = array<i32>} : memref<16x1024xf32, #tpu.memory_space<vmem>>, vector<1x16xf32>,
        %shift_left3A_463 = arith.constant 16 : i32
        %shift_left3A_464 = vector.broadcast %shift_left3A_463 : i32 to vector<16xi32>
        %shift_left3A_465 = arith.shli %get3A_417, %shift_left3A_464 : vector<16xi32>
        %bitcast_convert_type3A_466 = tpu.bitcast %shift_left3A_465 : vector<16xi32> -> vector<16xf32>
        %shift_right_logical3A_467 = arith.constant 16 : i32
        %shift_right_logical3A_468 = vector.broadcast %shift_right_logical3A_467 : i32 to vector<16xi32>
        %shift_right_logical3A_469 = arith.shrui %get3A_417, %shift_right_logical3A_468 : vector<16xi32>
        %shift_left3A_470 = arith.constant 16 : i32
        %shift_left3A_471 = vector.broadcast %shift_left3A_470 : i32 to vector<16xi32>
        %shift_left3A_472 = arith.shli %shift_right_logical3A_469, %shift_left3A_471 : vector<16xi32>
        %bitcast_convert_type3A_473 = tpu.bitcast %shift_left3A_472 : vector<16xi32> -> vector<16xf32>
        %swap3A_474 = arith.index_cast %scan3A_213 : i32 to index
        %swap3A_475 = arith.constant 288 : index
        %swap3A_476 = tpu.vector_load %arg15[%swap3A_474, %swap3A_475] {strides = array<i32>} : memref<16x1024xf32, #tpu.memory_space<vmem>>, vector<1x16xf32>,
        %swap3A_477 = vector.shape_cast %swap3A_476 : vector<1x16xf32> to vector<16xf32>
        %swap3A_478 = vector.shape_cast %bitcast_convert_type3A_466 : vector<16xf32> to vector<1x16xf32>
        tpu.vector_store %arg15[%swap3A_474, %swap3A_475], %swap3A_478 {add = true, strides = array<i32>} : memref<16x1024xf32, #tpu.memory_space<vmem>>, vector<1x16xf32>,
        %swap3A_479 = arith.index_cast %scan3A_213 : i32 to index
        %swap3A_480 = arith.constant 304 : index
        %swap3A_481 = tpu.vector_load %arg15[%swap3A_479, %swap3A_480] {strides = array<i32>} : memref<16x1024xf32, #tpu.memory_space<vmem>>, vector<1x16xf32>,
        %swap3A_482 = vector.shape_cast %swap3A_481 : vector<1x16xf32> to vector<16xf32>
        %swap3A_483 = vector.shape_cast %bitcast_convert_type3A_473 : vector<16xf32> to vector<1x16xf32>
        tpu.vector_store %arg15[%swap3A_479, %swap3A_480], %swap3A_483 {add = true, strides = array<i32>} : memref<16x1024xf32, #tpu.memory_space<vmem>>, vector<1x16xf32>,
        %shift_left3A_484 = arith.constant 16 : i32
        %shift_left3A_485 = vector.broadcast %shift_left3A_484 : i32 to vector<16xi32>
        %shift_left3A_486 = arith.shli %get3A_421, %shift_left3A_485 : vector<16xi32>
        %bitcast_convert_type3A_487 = tpu.bitcast %shift_left3A_486 : vector<16xi32> -> vector<16xf32>
        %shift_right_logical3A_488 = arith.constant 16 : i32
        %shift_right_logical3A_489 = vector.broadcast %shift_right_logical3A_488 : i32 to vector<16xi32>
        %shift_right_logical3A_490 = arith.shrui %get3A_421, %shift_right_logical3A_489 : vector<16xi32>
        %shift_left3A_491 = arith.constant 16 : i32
        %shift_left3A_492 = vector.broadcast %shift_left3A_491 : i32 to vector<16xi32>
        %shift_left3A_493 = arith.shli %shift_right_logical3A_490, %shift_left3A_492 : vector<16xi32>
        %bitcast_convert_type3A_494 = tpu.bitcast %shift_left3A_493 : vector<16xi32> -> vector<16xf32>
        %swap3A_495 = arith.index_cast %scan3A_213 : i32 to index
        %swap3A_496 = arith.constant 320 : index
        %swap3A_497 = tpu.vector_load %arg15[%swap3A_495, %swap3A_496] {strides = array<i32>} : memref<16x1024xf32, #tpu.memory_space<vmem>>, vector<1x16xf32>,
        %swap3A_498 = vector.shape_cast %swap3A_497 : vector<1x16xf32> to vector<16xf32>
        %swap3A_499 = vector.shape_cast %bitcast_convert_type3A_487 : vector<16xf32> to vector<1x16xf32>
        tpu.vector_store %arg15[%swap3A_495, %swap3A_496], %swap3A_499 {add = true, strides = array<i32>} : memref<16x1024xf32, #tpu.memory_space<vmem>>, vector<1x16xf32>,
        %swap3A_500 = arith.index_cast %scan3A_213 : i32 to index
        %swap3A_501 = arith.constant 336 : index
        %swap3A_502 = tpu.vector_load %arg15[%swap3A_500, %swap3A_501] {strides = array<i32>} : memref<16x1024xf32, #tpu.memory_space<vmem>>, vector<1x16xf32>,
        %swap3A_503 = vector.shape_cast %swap3A_502 : vector<1x16xf32> to vector<16xf32>
        %swap3A_504 = vector.shape_cast %bitcast_convert_type3A_494 : vector<16xf32> to vector<1x16xf32>
        tpu.vector_store %arg15[%swap3A_500, %swap3A_501], %swap3A_504 {add = true, strides = array<i32>} : memref<16x1024xf32, #tpu.memory_space<vmem>>, vector<1x16xf32>,
        %shift_left3A_505 = arith.constant 16 : i32
        %shift_left3A_506 = vector.broadcast %shift_left3A_505 : i32 to vector<16xi32>
        %shift_left3A_507 = arith.shli %get3A_425, %shift_left3A_506 : vector<16xi32>
        %bitcast_convert_type3A_508 = tpu.bitcast %shift_left3A_507 : vector<16xi32> -> vector<16xf32>
        %shift_right_logical3A_509 = arith.constant 16 : i32
        %shift_right_logical3A_510 = vector.broadcast %shift_right_logical3A_509 : i32 to vector<16xi32>
        %shift_right_logical3A_511 = arith.shrui %get3A_425, %shift_right_logical3A_510 : vector<16xi32>
        %shift_left3A_512 = arith.constant 16 : i32
        %shift_left3A_513 = vector.broadcast %shift_left3A_512 : i32 to vector<16xi32>
        %shift_left3A_514 = arith.shli %shift_right_logical3A_511, %shift_left3A_513 : vector<16xi32>
        %bitcast_convert_type3A_515 = tpu.bitcast %shift_left3A_514 : vector<16xi32> -> vector<16xf32>
        %swap3A_516 = arith.index_cast %scan3A_213 : i32 to index
        %swap3A_517 = arith.constant 352 : index
        %swap3A_518 = tpu.vector_load %arg15[%swap3A_516, %swap3A_517] {strides = array<i32>} : memref<16x1024xf32, #tpu.memory_space<vmem>>, vector<1x16xf32>,
        %swap3A_519 = vector.shape_cast %swap3A_518 : vector<1x16xf32> to vector<16xf32>
        %swap3A_520 = vector.shape_cast %bitcast_convert_type3A_508 : vector<16xf32> to vector<1x16xf32>
        tpu.vector_store %arg15[%swap3A_516, %swap3A_517], %swap3A_520 {add = true, strides = array<i32>} : memref<16x1024xf32, #tpu.memory_space<vmem>>, vector<1x16xf32>,
        %swap3A_521 = arith.index_cast %scan3A_213 : i32 to index
        %swap3A_522 = arith.constant 368 : index
        %swap3A_523 = tpu.vector_load %arg15[%swap3A_521, %swap3A_522] {strides = array<i32>} : memref<16x1024xf32, #tpu.memory_space<vmem>>, vector<1x16xf32>,
        %swap3A_524 = vector.shape_cast %swap3A_523 : vector<1x16xf32> to vector<16xf32>
        %swap3A_525 = vector.shape_cast %bitcast_convert_type3A_515 : vector<16xf32> to vector<1x16xf32>
        tpu.vector_store %arg15[%swap3A_521, %swap3A_522], %swap3A_525 {add = true, strides = array<i32>} : memref<16x1024xf32, #tpu.memory_space<vmem>>, vector<1x16xf32>,
        %shift_left3A_526 = arith.constant 16 : i32
        %shift_left3A_527 = vector.broadcast %shift_left3A_526 : i32 to vector<16xi32>
        %shift_left3A_528 = arith.shli %get3A_429, %shift_left3A_527 : vector<16xi32>
        %bitcast_convert_type3A_529 = tpu.bitcast %shift_left3A_528 : vector<16xi32> -> vector<16xf32>
        %shift_right_logical3A_530 = arith.constant 16 : i32
        %shift_right_logical3A_531 = vector.broadcast %shift_right_logical3A_530 : i32 to vector<16xi32>
        %shift_right_logical3A_532 = arith.shrui %get3A_429, %shift_right_logical3A_531 : vector<16xi32>
        %shift_left3A_533 = arith.constant 16 : i32
        %shift_left3A_534 = vector.broadcast %shift_left3A_533 : i32 to vector<16xi32>
        %shift_left3A_535 = arith.shli %shift_right_logical3A_532, %shift_left3A_534 : vector<16xi32>
        %bitcast_convert_type3A_536 = tpu.bitcast %shift_left3A_535 : vector<16xi32> -> vector<16xf32>
        %swap3A_537 = arith.index_cast %scan3A_213 : i32 to index
        %swap3A_538 = arith.constant 384 : index
        %swap3A_539 = tpu.vector_load %arg15[%swap3A_537, %swap3A_538] {strides = array<i32>} : memref<16x1024xf32, #tpu.memory_space<vmem>>, vector<1x16xf32>,
        %swap3A_540 = vector.shape_cast %swap3A_539 : vector<1x16xf32> to vector<16xf32>
        %swap3A_541 = vector.shape_cast %bitcast_convert_type3A_529 : vector<16xf32> to vector<1x16xf32>
        tpu.vector_store %arg15[%swap3A_537, %swap3A_538], %swap3A_541 {add = true, strides = array<i32>} : memref<16x1024xf32, #tpu.memory_space<vmem>>, vector<1x16xf32>,
        %swap3A_542 = arith.index_cast %scan3A_213 : i32 to index
        %swap3A_543 = arith.constant 400 : index
        %swap3A_544 = tpu.vector_load %arg15[%swap3A_542, %swap3A_543] {strides = array<i32>} : memref<16x1024xf32, #tpu.memory_space<vmem>>, vector<1x16xf32>,
        %swap3A_545 = vector.shape_cast %swap3A_544 : vector<1x16xf32> to vector<16xf32>
        %swap3A_546 = vector.shape_cast %bitcast_convert_type3A_536 : vector<16xf32> to vector<1x16xf32>
        tpu.vector_store %arg15[%swap3A_542, %swap3A_543], %swap3A_546 {add = true, strides = array<i32>} : memref<16x1024xf32, #tpu.memory_space<vmem>>, vector<1x16xf32>,
        %shift_left3A_547 = arith.constant 16 : i32
        %shift_left3A_548 = vector.broadcast %shift_left3A_547 : i32 to vector<16xi32>
        %shift_left3A_549 = arith.shli %get3A_433, %shift_left3A_548 : vector<16xi32>
        %bitcast_convert_type3A_550 = tpu.bitcast %shift_left3A_549 : vector<16xi32> -> vector<16xf32>
        %shift_right_logical3A_551 = arith.constant 16 : i32
        %shift_right_logical3A_552 = vector.broadcast %shift_right_logical3A_551 : i32 to vector<16xi32>
        %shift_right_logical3A_553 = arith.shrui %get3A_433, %shift_right_logical3A_552 : vector<16xi32>
        %shift_left3A_554 = arith.constant 16 : i32
        %shift_left3A_555 = vector.broadcast %shift_left3A_554 : i32 to vector<16xi32>
        %shift_left3A_556 = arith.shli %shift_right_logical3A_553, %shift_left3A_555 : vector<16xi32>
        %bitcast_convert_type3A_557 = tpu.bitcast %shift_left3A_556 : vector<16xi32> -> vector<16xf32>
        %swap3A_558 = arith.index_cast %scan3A_213 : i32 to index
        %swap3A_559 = arith.constant 416 : index
        %swap3A_560 = tpu.vector_load %arg15[%swap3A_558, %swap3A_559] {strides = array<i32>} : memref<16x1024xf32, #tpu.memory_space<vmem>>, vector<1x16xf32>,
        %swap3A_561 = vector.shape_cast %swap3A_560 : vector<1x16xf32> to vector<16xf32>
        %swap3A_562 = vector.shape_cast %bitcast_convert_type3A_550 : vector<16xf32> to vector<1x16xf32>
        tpu.vector_store %arg15[%swap3A_558, %swap3A_559], %swap3A_562 {add = true, strides = array<i32>} : memref<16x1024xf32, #tpu.memory_space<vmem>>, vector<1x16xf32>,
        %swap3A_563 = arith.index_cast %scan3A_213 : i32 to index
        %swap3A_564 = arith.constant 432 : index
        %swap3A_565 = tpu.vector_load %arg15[%swap3A_563, %swap3A_564] {strides = array<i32>} : memref<16x1024xf32, #tpu.memory_space<vmem>>, vector<1x16xf32>,
        %swap3A_566 = vector.shape_cast %swap3A_565 : vector<1x16xf32> to vector<16xf32>
        %swap3A_567 = vector.shape_cast %bitcast_convert_type3A_557 : vector<16xf32> to vector<1x16xf32>
        tpu.vector_store %arg15[%swap3A_563, %swap3A_564], %swap3A_567 {add = true, strides = array<i32>} : memref<16x1024xf32, #tpu.memory_space<vmem>>, vector<1x16xf32>,
        %shift_left3A_568 = arith.constant 16 : i32
        %shift_left3A_569 = vector.broadcast %shift_left3A_568 : i32 to vector<16xi32>
        %shift_left3A_570 = arith.shli %get3A_437, %shift_left3A_569 : vector<16xi32>
        %bitcast_convert_type3A_571 = tpu.bitcast %shift_left3A_570 : vector<16xi32> -> vector<16xf32>
        %shift_right_logical3A_572 = arith.constant 16 : i32
        %shift_right_logical3A_573 = vector.broadcast %shift_right_logical3A_572 : i32 to vector<16xi32>
        %shift_right_logical3A_574 = arith.shrui %get3A_437, %shift_right_logical3A_573 : vector<16xi32>
        %shift_left3A_575 = arith.constant 16 : i32
        %shift_left3A_576 = vector.broadcast %shift_left3A_575 : i32 to vector<16xi32>
        %shift_left3A_577 = arith.shli %shift_right_logical3A_574, %shift_left3A_576 : vector<16xi32>
        %bitcast_convert_type3A_578 = tpu.bitcast %shift_left3A_577 : vector<16xi32> -> vector<16xf32>
        %swap3A_579 = arith.index_cast %scan3A_213 : i32 to index
        %swap3A_580 = arith.constant 448 : index
        %swap3A_581 = tpu.vector_load %arg15[%swap3A_579, %swap3A_580] {strides = array<i32>} : memref<16x1024xf32, #tpu.memory_space<vmem>>, vector<1x16xf32>,
        %swap3A_582 = vector.shape_cast %swap3A_581 : vector<1x16xf32> to vector<16xf32>
        %swap3A_583 = vector.shape_cast %bitcast_convert_type3A_571 : vector<16xf32> to vector<1x16xf32>
        tpu.vector_store %arg15[%swap3A_579, %swap3A_580], %swap3A_583 {add = true, strides = array<i32>} : memref<16x1024xf32, #tpu.memory_space<vmem>>, vector<1x16xf32>,
        %swap3A_584 = arith.index_cast %scan3A_213 : i32 to index
        %swap3A_585 = arith.constant 464 : index
        %swap3A_586 = tpu.vector_load %arg15[%swap3A_584, %swap3A_585] {strides = array<i32>} : memref<16x1024xf32, #tpu.memory_space<vmem>>, vector<1x16xf32>,
        %swap3A_587 = vector.shape_cast %swap3A_586 : vector<1x16xf32> to vector<16xf32>
        %swap3A_588 = vector.shape_cast %bitcast_convert_type3A_578 : vector<16xf32> to vector<1x16xf32>
        tpu.vector_store %arg15[%swap3A_584, %swap3A_585], %swap3A_588 {add = true, strides = array<i32>} : memref<16x1024xf32, #tpu.memory_space<vmem>>, vector<1x16xf32>,
        %shift_left3A_589 = arith.constant 16 : i32
        %shift_left3A_590 = vector.broadcast %shift_left3A_589 : i32 to vector<16xi32>
        %shift_left3A_591 = arith.shli %get3A_441, %shift_left3A_590 : vector<16xi32>
        %bitcast_convert_type3A_592 = tpu.bitcast %shift_left3A_591 : vector<16xi32> -> vector<16xf32>
        %shift_right_logical3A_593 = arith.constant 16 : i32
        %shift_right_logical3A_594 = vector.broadcast %shift_right_logical3A_593 : i32 to vector<16xi32>
        %shift_right_logical3A_595 = arith.shrui %get3A_441, %shift_right_logical3A_594 : vector<16xi32>
        %shift_left3A_596 = arith.constant 16 : i32
        %shift_left3A_597 = vector.broadcast %shift_left3A_596 : i32 to vector<16xi32>
        %shift_left3A_598 = arith.shli %shift_right_logical3A_595, %shift_left3A_597 : vector<16xi32>
        %bitcast_convert_type3A_599 = tpu.bitcast %shift_left3A_598 : vector<16xi32> -> vector<16xf32>
        %swap3A_600 = arith.index_cast %scan3A_213 : i32 to index
        %swap3A_601 = arith.constant 480 : index
        %swap3A_602 = tpu.vector_load %arg15[%swap3A_600, %swap3A_601] {strides = array<i32>} : memref<16x1024xf32, #tpu.memory_space<vmem>>, vector<1x16xf32>,
        %swap3A_603 = vector.shape_cast %swap3A_602 : vector<1x16xf32> to vector<16xf32>
        %swap3A_604 = vector.shape_cast %bitcast_convert_type3A_592 : vector<16xf32> to vector<1x16xf32>
        tpu.vector_store %arg15[%swap3A_600, %swap3A_601], %swap3A_604 {add = true, strides = array<i32>} : memref<16x1024xf32, #tpu.memory_space<vmem>>, vector<1x16xf32>,
        %swap3A_605 = arith.index_cast %scan3A_213 : i32 to index
        %swap3A_606 = arith.constant 496 : index
        %swap3A_607 = tpu.vector_load %arg15[%swap3A_605, %swap3A_606] {strides = array<i32>} : memref<16x1024xf32, #tpu.memory_space<vmem>>, vector<1x16xf32>,
        %swap3A_608 = vector.shape_cast %swap3A_607 : vector<1x16xf32> to vector<16xf32>
        %swap3A_609 = vector.shape_cast %bitcast_convert_type3A_599 : vector<16xf32> to vector<1x16xf32>
        tpu.vector_store %arg15[%swap3A_605, %swap3A_606], %swap3A_609 {add = true, strides = array<i32>} : memref<16x1024xf32, #tpu.memory_space<vmem>>, vector<1x16xf32>,
        %get3A_610 = arith.index_cast %scan3A_213 : i32 to index
        %get3A_611 = arith.constant 256 : index
        %get3A_612 = tpu.vector_load %arg16[%get3A_610, %get3A_611] {strides = array<i32>} : memref<16x512xi32, #tpu.memory_space<vmem>>, vector<1x16xi32>,
        %get3A_613 = vector.shape_cast %get3A_612 : vector<1x16xi32> to vector<16xi32>
        %get3A_614 = arith.index_cast %scan3A_213 : i32 to index
        %get3A_615 = arith.constant 272 : index
        %get3A_616 = tpu.vector_load %arg16[%get3A_614, %get3A_615] {strides = array<i32>} : memref<16x512xi32, #tpu.memory_space<vmem>>, vector<1x16xi32>,
        %get3A_617 = vector.shape_cast %get3A_616 : vector<1x16xi32> to vector<16xi32>
        %get3A_618 = arith.index_cast %scan3A_213 : i32 to index
        %get3A_619 = arith.constant 288 : index
        %get3A_620 = tpu.vector_load %arg16[%get3A_618, %get3A_619] {strides = array<i32>} : memref<16x512xi32, #tpu.memory_space<vmem>>, vector<1x16xi32>,
        %get3A_621 = vector.shape_cast %get3A_620 : vector<1x16xi32> to vector<16xi32>
        %get3A_622 = arith.index_cast %scan3A_213 : i32 to index
        %get3A_623 = arith.constant 304 : index
        %get3A_624 = tpu.vector_load %arg16[%get3A_622, %get3A_623] {strides = array<i32>} : memref<16x512xi32, #tpu.memory_space<vmem>>, vector<1x16xi32>,
        %get3A_625 = vector.shape_cast %get3A_624 : vector<1x16xi32> to vector<16xi32>
        %get3A_626 = arith.index_cast %scan3A_213 : i32 to index
        %get3A_627 = arith.constant 320 : index
        %get3A_628 = tpu.vector_load %arg16[%get3A_626, %get3A_627] {strides = array<i32>} : memref<16x512xi32, #tpu.memory_space<vmem>>, vector<1x16xi32>,
        %get3A_629 = vector.shape_cast %get3A_628 : vector<1x16xi32> to vector<16xi32>
        %get3A_630 = arith.index_cast %scan3A_213 : i32 to index
        %get3A_631 = arith.constant 336 : index
        %get3A_632 = tpu.vector_load %arg16[%get3A_630, %get3A_631] {strides = array<i32>} : memref<16x512xi32, #tpu.memory_space<vmem>>, vector<1x16xi32>,
        %get3A_633 = vector.shape_cast %get3A_632 : vector<1x16xi32> to vector<16xi32>
        %get3A_634 = arith.index_cast %scan3A_213 : i32 to index
        %get3A_635 = arith.constant 352 : index
        %get3A_636 = tpu.vector_load %arg16[%get3A_634, %get3A_635] {strides = array<i32>} : memref<16x512xi32, #tpu.memory_space<vmem>>, vector<1x16xi32>,
        %get3A_637 = vector.shape_cast %get3A_636 : vector<1x16xi32> to vector<16xi32>
        %get3A_638 = arith.index_cast %scan3A_213 : i32 to index
        %get3A_639 = arith.constant 368 : index
        %get3A_640 = tpu.vector_load %arg16[%get3A_638, %get3A_639] {strides = array<i32>} : memref<16x512xi32, #tpu.memory_space<vmem>>, vector<1x16xi32>,
        %get3A_641 = vector.shape_cast %get3A_640 : vector<1x16xi32> to vector<16xi32>
        %shift_left3A_642 = arith.constant 16 : i32
        %shift_left3A_643 = vector.broadcast %shift_left3A_642 : i32 to vector<16xi32>
        %shift_left3A_644 = arith.shli %get3A_613, %shift_left3A_643 : vector<16xi32>
        %bitcast_convert_type3A_645 = tpu.bitcast %shift_left3A_644 : vector<16xi32> -> vector<16xf32>
        %shift_right_logical3A_646 = arith.constant 16 : i32
        %shift_right_logical3A_647 = vector.broadcast %shift_right_logical3A_646 : i32 to vector<16xi32>
        %shift_right_logical3A_648 = arith.shrui %get3A_613, %shift_right_logical3A_647 : vector<16xi32>
        %shift_left3A_649 = arith.constant 16 : i32
        %shift_left3A_650 = vector.broadcast %shift_left3A_649 : i32 to vector<16xi32>
        %shift_left3A_651 = arith.shli %shift_right_logical3A_648, %shift_left3A_650 : vector<16xi32>
        %bitcast_convert_type3A_652 = tpu.bitcast %shift_left3A_651 : vector<16xi32> -> vector<16xf32>
        %swap3A_653 = arith.index_cast %scan3A_213 : i32 to index
        %swap3A_654 = arith.constant 512 : index
        %swap3A_655 = tpu.vector_load %arg15[%swap3A_653, %swap3A_654] {strides = array<i32>} : memref<16x1024xf32, #tpu.memory_space<vmem>>, vector<1x16xf32>,
        %swap3A_656 = vector.shape_cast %swap3A_655 : vector<1x16xf32> to vector<16xf32>
        %swap3A_657 = vector.shape_cast %bitcast_convert_type3A_645 : vector<16xf32> to vector<1x16xf32>
        tpu.vector_store %arg15[%swap3A_653, %swap3A_654], %swap3A_657 {add = true, strides = array<i32>} : memref<16x1024xf32, #tpu.memory_space<vmem>>, vector<1x16xf32>,
        %swap3A_658 = arith.index_cast %scan3A_213 : i32 to index
        %swap3A_659 = arith.constant 528 : index
        %swap3A_660 = tpu.vector_load %arg15[%swap3A_658, %swap3A_659] {strides = array<i32>} : memref<16x1024xf32, #tpu.memory_space<vmem>>, vector<1x16xf32>,
        %swap3A_661 = vector.shape_cast %swap3A_660 : vector<1x16xf32> to vector<16xf32>
        %swap3A_662 = vector.shape_cast %bitcast_convert_type3A_652 : vector<16xf32> to vector<1x16xf32>
        tpu.vector_store %arg15[%swap3A_658, %swap3A_659], %swap3A_662 {add = true, strides = array<i32>} : memref<16x1024xf32, #tpu.memory_space<vmem>>, vector<1x16xf32>,
        %shift_left3A_663 = arith.constant 16 : i32
        %shift_left3A_664 = vector.broadcast %shift_left3A_663 : i32 to vector<16xi32>
        %shift_left3A_665 = arith.shli %get3A_617, %shift_left3A_664 : vector<16xi32>
        %bitcast_convert_type3A_666 = tpu.bitcast %shift_left3A_665 : vector<16xi32> -> vector<16xf32>
        %shift_right_logical3A_667 = arith.constant 16 : i32
        %shift_right_logical3A_668 = vector.broadcast %shift_right_logical3A_667 : i32 to vector<16xi32>
        %shift_right_logical3A_669 = arith.shrui %get3A_617, %shift_right_logical3A_668 : vector<16xi32>
        %shift_left3A_670 = arith.constant 16 : i32
        %shift_left3A_671 = vector.broadcast %shift_left3A_670 : i32 to vector<16xi32>
        %shift_left3A_672 = arith.shli %shift_right_logical3A_669, %shift_left3A_671 : vector<16xi32>
        %bitcast_convert_type3A_673 = tpu.bitcast %shift_left3A_672 : vector<16xi32> -> vector<16xf32>
        %swap3A_674 = arith.index_cast %scan3A_213 : i32 to index
        %swap3A_675 = arith.constant 544 : index
        %swap3A_676 = tpu.vector_load %arg15[%swap3A_674, %swap3A_675] {strides = array<i32>} : memref<16x1024xf32, #tpu.memory_space<vmem>>, vector<1x16xf32>,
        %swap3A_677 = vector.shape_cast %swap3A_676 : vector<1x16xf32> to vector<16xf32>
        %swap3A_678 = vector.shape_cast %bitcast_convert_type3A_666 : vector<16xf32> to vector<1x16xf32>
        tpu.vector_store %arg15[%swap3A_674, %swap3A_675], %swap3A_678 {add = true, strides = array<i32>} : memref<16x1024xf32, #tpu.memory_space<vmem>>, vector<1x16xf32>,
        %swap3A_679 = arith.index_cast %scan3A_213 : i32 to index
        %swap3A_680 = arith.constant 560 : index
        %swap3A_681 = tpu.vector_load %arg15[%swap3A_679, %swap3A_680] {strides = array<i32>} : memref<16x1024xf32, #tpu.memory_space<vmem>>, vector<1x16xf32>,
        %swap3A_682 = vector.shape_cast %swap3A_681 : vector<1x16xf32> to vector<16xf32>
        %swap3A_683 = vector.shape_cast %bitcast_convert_type3A_673 : vector<16xf32> to vector<1x16xf32>
        tpu.vector_store %arg15[%swap3A_679, %swap3A_680], %swap3A_683 {add = true, strides = array<i32>} : memref<16x1024xf32, #tpu.memory_space<vmem>>, vector<1x16xf32>,
        %shift_left3A_684 = arith.constant 16 : i32
        %shift_left3A_685 = vector.broadcast %shift_left3A_684 : i32 to vector<16xi32>
        %shift_left3A_686 = arith.shli %get3A_621, %shift_left3A_685 : vector<16xi32>
        %bitcast_convert_type3A_687 = tpu.bitcast %shift_left3A_686 : vector<16xi32> -> vector<16xf32>
        %shift_right_logical3A_688 = arith.constant 16 : i32
        %shift_right_logical3A_689 = vector.broadcast %shift_right_logical3A_688 : i32 to vector<16xi32>
        %shift_right_logical3A_690 = arith.shrui %get3A_621, %shift_right_logical3A_689 : vector<16xi32>
        %shift_left3A_691 = arith.constant 16 : i32
        %shift_left3A_692 = vector.broadcast %shift_left3A_691 : i32 to vector<16xi32>
        %shift_left3A_693 = arith.shli %shift_right_logical3A_690, %shift_left3A_692 : vector<16xi32>
        %bitcast_convert_type3A_694 = tpu.bitcast %shift_left3A_693 : vector<16xi32> -> vector<16xf32>
        %swap3A_695 = arith.index_cast %scan3A_213 : i32 to index
        %swap3A_696 = arith.constant 576 : index
        %swap3A_697 = tpu.vector_load %arg15[%swap3A_695, %swap3A_696] {strides = array<i32>} : memref<16x1024xf32, #tpu.memory_space<vmem>>, vector<1x16xf32>,
        %swap3A_698 = vector.shape_cast %swap3A_697 : vector<1x16xf32> to vector<16xf32>
        %swap3A_699 = vector.shape_cast %bitcast_convert_type3A_687 : vector<16xf32> to vector<1x16xf32>
        tpu.vector_store %arg15[%swap3A_695, %swap3A_696], %swap3A_699 {add = true, strides = array<i32>} : memref<16x1024xf32, #tpu.memory_space<vmem>>, vector<1x16xf32>,
        %swap3A_700 = arith.index_cast %scan3A_213 : i32 to index
        %swap3A_701 = arith.constant 592 : index
        %swap3A_702 = tpu.vector_load %arg15[%swap3A_700, %swap3A_701] {strides = array<i32>} : memref<16x1024xf32, #tpu.memory_space<vmem>>, vector<1x16xf32>,
        %swap3A_703 = vector.shape_cast %swap3A_702 : vector<1x16xf32> to vector<16xf32>
        %swap3A_704 = vector.shape_cast %bitcast_convert_type3A_694 : vector<16xf32> to vector<1x16xf32>
        tpu.vector_store %arg15[%swap3A_700, %swap3A_701], %swap3A_704 {add = true, strides = array<i32>} : memref<16x1024xf32, #tpu.memory_space<vmem>>, vector<1x16xf32>,
        %shift_left3A_705 = arith.constant 16 : i32
        %shift_left3A_706 = vector.broadcast %shift_left3A_705 : i32 to vector<16xi32>
        %shift_left3A_707 = arith.shli %get3A_625, %shift_left3A_706 : vector<16xi32>
        %bitcast_convert_type3A_708 = tpu.bitcast %shift_left3A_707 : vector<16xi32> -> vector<16xf32>
        %shift_right_logical3A_709 = arith.constant 16 : i32
        %shift_right_logical3A_710 = vector.broadcast %shift_right_logical3A_709 : i32 to vector<16xi32>
        %shift_right_logical3A_711 = arith.shrui %get3A_625, %shift_right_logical3A_710 : vector<16xi32>
        %shift_left3A_712 = arith.constant 16 : i32
        %shift_left3A_713 = vector.broadcast %shift_left3A_712 : i32 to vector<16xi32>
        %shift_left3A_714 = arith.shli %shift_right_logical3A_711, %shift_left3A_713 : vector<16xi32>
        %bitcast_convert_type3A_715 = tpu.bitcast %shift_left3A_714 : vector<16xi32> -> vector<16xf32>
        %swap3A_716 = arith.index_cast %scan3A_213 : i32 to index
        %swap3A_717 = arith.constant 608 : index
        %swap3A_718 = tpu.vector_load %arg15[%swap3A_716, %swap3A_717] {strides = array<i32>} : memref<16x1024xf32, #tpu.memory_space<vmem>>, vector<1x16xf32>,
        %swap3A_719 = vector.shape_cast %swap3A_718 : vector<1x16xf32> to vector<16xf32>
        %swap3A_720 = vector.shape_cast %bitcast_convert_type3A_708 : vector<16xf32> to vector<1x16xf32>
        tpu.vector_store %arg15[%swap3A_716, %swap3A_717], %swap3A_720 {add = true, strides = array<i32>} : memref<16x1024xf32, #tpu.memory_space<vmem>>, vector<1x16xf32>,
        %swap3A_721 = arith.index_cast %scan3A_213 : i32 to index
        %swap3A_722 = arith.constant 624 : index
        %swap3A_723 = tpu.vector_load %arg15[%swap3A_721, %swap3A_722] {strides = array<i32>} : memref<16x1024xf32, #tpu.memory_space<vmem>>, vector<1x16xf32>,
        %swap3A_724 = vector.shape_cast %swap3A_723 : vector<1x16xf32> to vector<16xf32>
        %swap3A_725 = vector.shape_cast %bitcast_convert_type3A_715 : vector<16xf32> to vector<1x16xf32>
        tpu.vector_store %arg15[%swap3A_721, %swap3A_722], %swap3A_725 {add = true, strides = array<i32>} : memref<16x1024xf32, #tpu.memory_space<vmem>>, vector<1x16xf32>,
        %shift_left3A_726 = arith.constant 16 : i32
        %shift_left3A_727 = vector.broadcast %shift_left3A_726 : i32 to vector<16xi32>
        %shift_left3A_728 = arith.shli %get3A_629, %shift_left3A_727 : vector<16xi32>
        %bitcast_convert_type3A_729 = tpu.bitcast %shift_left3A_728 : vector<16xi32> -> vector<16xf32>
        %shift_right_logical3A_730 = arith.constant 16 : i32
        %shift_right_logical3A_731 = vector.broadcast %shift_right_logical3A_730 : i32 to vector<16xi32>
        %shift_right_logical3A_732 = arith.shrui %get3A_629, %shift_right_logical3A_731 : vector<16xi32>
        %shift_left3A_733 = arith.constant 16 : i32
        %shift_left3A_734 = vector.broadcast %shift_left3A_733 : i32 to vector<16xi32>
        %shift_left3A_735 = arith.shli %shift_right_logical3A_732, %shift_left3A_734 : vector<16xi32>
        %bitcast_convert_type3A_736 = tpu.bitcast %shift_left3A_735 : vector<16xi32> -> vector<16xf32>
        %swap3A_737 = arith.index_cast %scan3A_213 : i32 to index
        %swap3A_738 = arith.constant 640 : index
        %swap3A_739 = tpu.vector_load %arg15[%swap3A_737, %swap3A_738] {strides = array<i32>} : memref<16x1024xf32, #tpu.memory_space<vmem>>, vector<1x16xf32>,
        %swap3A_740 = vector.shape_cast %swap3A_739 : vector<1x16xf32> to vector<16xf32>
        %swap3A_741 = vector.shape_cast %bitcast_convert_type3A_729 : vector<16xf32> to vector<1x16xf32>
        tpu.vector_store %arg15[%swap3A_737, %swap3A_738], %swap3A_741 {add = true, strides = array<i32>} : memref<16x1024xf32, #tpu.memory_space<vmem>>, vector<1x16xf32>,
        %swap3A_742 = arith.index_cast %scan3A_213 : i32 to index
        %swap3A_743 = arith.constant 656 : index
        %swap3A_744 = tpu.vector_load %arg15[%swap3A_742, %swap3A_743] {strides = array<i32>} : memref<16x1024xf32, #tpu.memory_space<vmem>>, vector<1x16xf32>,
        %swap3A_745 = vector.shape_cast %swap3A_744 : vector<1x16xf32> to vector<16xf32>
        %swap3A_746 = vector.shape_cast %bitcast_convert_type3A_736 : vector<16xf32> to vector<1x16xf32>
        tpu.vector_store %arg15[%swap3A_742, %swap3A_743], %swap3A_746 {add = true, strides = array<i32>} : memref<16x1024xf32, #tpu.memory_space<vmem>>, vector<1x16xf32>,
        %shift_left3A_747 = arith.constant 16 : i32
        %shift_left3A_748 = vector.broadcast %shift_left3A_747 : i32 to vector<16xi32>
        %shift_left3A_749 = arith.shli %get3A_633, %shift_left3A_748 : vector<16xi32>
        %bitcast_convert_type3A_750 = tpu.bitcast %shift_left3A_749 : vector<16xi32> -> vector<16xf32>
        %shift_right_logical3A_751 = arith.constant 16 : i32
        %shift_right_logical3A_752 = vector.broadcast %shift_right_logical3A_751 : i32 to vector<16xi32>
        %shift_right_logical3A_753 = arith.shrui %get3A_633, %shift_right_logical3A_752 : vector<16xi32>
        %shift_left3A_754 = arith.constant 16 : i32
        %shift_left3A_755 = vector.broadcast %shift_left3A_754 : i32 to vector<16xi32>
        %shift_left3A_756 = arith.shli %shift_right_logical3A_753, %shift_left3A_755 : vector<16xi32>
        %bitcast_convert_type3A_757 = tpu.bitcast %shift_left3A_756 : vector<16xi32> -> vector<16xf32>
        %swap3A_758 = arith.index_cast %scan3A_213 : i32 to index
        %swap3A_759 = arith.constant 672 : index
        %swap3A_760 = tpu.vector_load %arg15[%swap3A_758, %swap3A_759] {strides = array<i32>} : memref<16x1024xf32, #tpu.memory_space<vmem>>, vector<1x16xf32>,
        %swap3A_761 = vector.shape_cast %swap3A_760 : vector<1x16xf32> to vector<16xf32>
        %swap3A_762 = vector.shape_cast %bitcast_convert_type3A_750 : vector<16xf32> to vector<1x16xf32>
        tpu.vector_store %arg15[%swap3A_758, %swap3A_759], %swap3A_762 {add = true, strides = array<i32>} : memref<16x1024xf32, #tpu.memory_space<vmem>>, vector<1x16xf32>,
        %swap3A_763 = arith.index_cast %scan3A_213 : i32 to index
        %swap3A_764 = arith.constant 688 : index
        %swap3A_765 = tpu.vector_load %arg15[%swap3A_763, %swap3A_764] {strides = array<i32>} : memref<16x1024xf32, #tpu.memory_space<vmem>>, vector<1x16xf32>,
        %swap3A_766 = vector.shape_cast %swap3A_765 : vector<1x16xf32> to vector<16xf32>
        %swap3A_767 = vector.shape_cast %bitcast_convert_type3A_757 : vector<16xf32> to vector<1x16xf32>
        tpu.vector_store %arg15[%swap3A_763, %swap3A_764], %swap3A_767 {add = true, strides = array<i32>} : memref<16x1024xf32, #tpu.memory_space<vmem>>, vector<1x16xf32>,
        %shift_left3A_768 = arith.constant 16 : i32
        %shift_left3A_769 = vector.broadcast %shift_left3A_768 : i32 to vector<16xi32>
        %shift_left3A_770 = arith.shli %get3A_637, %shift_left3A_769 : vector<16xi32>
        %bitcast_convert_type3A_771 = tpu.bitcast %shift_left3A_770 : vector<16xi32> -> vector<16xf32>
        %shift_right_logical3A_772 = arith.constant 16 : i32
        %shift_right_logical3A_773 = vector.broadcast %shift_right_logical3A_772 : i32 to vector<16xi32>
        %shift_right_logical3A_774 = arith.shrui %get3A_637, %shift_right_logical3A_773 : vector<16xi32>
        %shift_left3A_775 = arith.constant 16 : i32
        %shift_left3A_776 = vector.broadcast %shift_left3A_775 : i32 to vector<16xi32>
        %shift_left3A_777 = arith.shli %shift_right_logical3A_774, %shift_left3A_776 : vector<16xi32>
        %bitcast_convert_type3A_778 = tpu.bitcast %shift_left3A_777 : vector<16xi32> -> vector<16xf32>
        %swap3A_779 = arith.index_cast %scan3A_213 : i32 to index
        %swap3A_780 = arith.constant 704 : index
        %swap3A_781 = tpu.vector_load %arg15[%swap3A_779, %swap3A_780] {strides = array<i32>} : memref<16x1024xf32, #tpu.memory_space<vmem>>, vector<1x16xf32>,
        %swap3A_782 = vector.shape_cast %swap3A_781 : vector<1x16xf32> to vector<16xf32>
        %swap3A_783 = vector.shape_cast %bitcast_convert_type3A_771 : vector<16xf32> to vector<1x16xf32>
        tpu.vector_store %arg15[%swap3A_779, %swap3A_780], %swap3A_783 {add = true, strides = array<i32>} : memref<16x1024xf32, #tpu.memory_space<vmem>>, vector<1x16xf32>,
        %swap3A_784 = arith.index_cast %scan3A_213 : i32 to index
        %swap3A_785 = arith.constant 720 : index
        %swap3A_786 = tpu.vector_load %arg15[%swap3A_784, %swap3A_785] {strides = array<i32>} : memref<16x1024xf32, #tpu.memory_space<vmem>>, vector<1x16xf32>,
        %swap3A_787 = vector.shape_cast %swap3A_786 : vector<1x16xf32> to vector<16xf32>
        %swap3A_788 = vector.shape_cast %bitcast_convert_type3A_778 : vector<16xf32> to vector<1x16xf32>
        tpu.vector_store %arg15[%swap3A_784, %swap3A_785], %swap3A_788 {add = true, strides = array<i32>} : memref<16x1024xf32, #tpu.memory_space<vmem>>, vector<1x16xf32>,
        %shift_left3A_789 = arith.constant 16 : i32
        %shift_left3A_790 = vector.broadcast %shift_left3A_789 : i32 to vector<16xi32>
        %shift_left3A_791 = arith.shli %get3A_641, %shift_left3A_790 : vector<16xi32>
        %bitcast_convert_type3A_792 = tpu.bitcast %shift_left3A_791 : vector<16xi32> -> vector<16xf32>
        %shift_right_logical3A_793 = arith.constant 16 : i32
        %shift_right_logical3A_794 = vector.broadcast %shift_right_logical3A_793 : i32 to vector<16xi32>
        %shift_right_logical3A_795 = arith.shrui %get3A_641, %shift_right_logical3A_794 : vector<16xi32>
        %shift_left3A_796 = arith.constant 16 : i32
        %shift_left3A_797 = vector.broadcast %shift_left3A_796 : i32 to vector<16xi32>
        %shift_left3A_798 = arith.shli %shift_right_logical3A_795, %shift_left3A_797 : vector<16xi32>
        %bitcast_convert_type3A_799 = tpu.bitcast %shift_left3A_798 : vector<16xi32> -> vector<16xf32>
        %swap3A_800 = arith.index_cast %scan3A_213 : i32 to index
        %swap3A_801 = arith.constant 736 : index
        %swap3A_802 = tpu.vector_load %arg15[%swap3A_800, %swap3A_801] {strides = array<i32>} : memref<16x1024xf32, #tpu.memory_space<vmem>>, vector<1x16xf32>,
        %swap3A_803 = vector.shape_cast %swap3A_802 : vector<1x16xf32> to vector<16xf32>
        %swap3A_804 = vector.shape_cast %bitcast_convert_type3A_792 : vector<16xf32> to vector<1x16xf32>
        tpu.vector_store %arg15[%swap3A_800, %swap3A_801], %swap3A_804 {add = true, strides = array<i32>} : memref<16x1024xf32, #tpu.memory_space<vmem>>, vector<1x16xf32>,
        %swap3A_805 = arith.index_cast %scan3A_213 : i32 to index
        %swap3A_806 = arith.constant 752 : index
        %swap3A_807 = tpu.vector_load %arg15[%swap3A_805, %swap3A_806] {strides = array<i32>} : memref<16x1024xf32, #tpu.memory_space<vmem>>, vector<1x16xf32>,
        %swap3A_808 = vector.shape_cast %swap3A_807 : vector<1x16xf32> to vector<16xf32>
        %swap3A_809 = vector.shape_cast %bitcast_convert_type3A_799 : vector<16xf32> to vector<1x16xf32>
        tpu.vector_store %arg15[%swap3A_805, %swap3A_806], %swap3A_809 {add = true, strides = array<i32>} : memref<16x1024xf32, #tpu.memory_space<vmem>>, vector<1x16xf32>,
        %get3A_810 = arith.index_cast %scan3A_213 : i32 to index
        %get3A_811 = arith.constant 384 : index
        %get3A_812 = tpu.vector_load %arg16[%get3A_810, %get3A_811] {strides = array<i32>} : memref<16x512xi32, #tpu.memory_space<vmem>>, vector<1x16xi32>,
        %get3A_813 = vector.shape_cast %get3A_812 : vector<1x16xi32> to vector<16xi32>
        %get3A_814 = arith.index_cast %scan3A_213 : i32 to index
        %get3A_815 = arith.constant 400 : index
        %get3A_816 = tpu.vector_load %arg16[%get3A_814, %get3A_815] {strides = array<i32>} : memref<16x512xi32, #tpu.memory_space<vmem>>, vector<1x16xi32>,
        %get3A_817 = vector.shape_cast %get3A_816 : vector<1x16xi32> to vector<16xi32>
        %get3A_818 = arith.index_cast %scan3A_213 : i32 to index
        %get3A_819 = arith.constant 416 : index
        %get3A_820 = tpu.vector_load %arg16[%get3A_818, %get3A_819] {strides = array<i32>} : memref<16x512xi32, #tpu.memory_space<vmem>>, vector<1x16xi32>,
        %get3A_821 = vector.shape_cast %get3A_820 : vector<1x16xi32> to vector<16xi32>
        %get3A_822 = arith.index_cast %scan3A_213 : i32 to index
        %get3A_823 = arith.constant 432 : index
        %get3A_824 = tpu.vector_load %arg16[%get3A_822, %get3A_823] {strides = array<i32>} : memref<16x512xi32, #tpu.memory_space<vmem>>, vector<1x16xi32>,
        %get3A_825 = vector.shape_cast %get3A_824 : vector<1x16xi32> to vector<16xi32>
        %get3A_826 = arith.index_cast %scan3A_213 : i32 to index
        %get3A_827 = arith.constant 448 : index
        %get3A_828 = tpu.vector_load %arg16[%get3A_826, %get3A_827] {strides = array<i32>} : memref<16x512xi32, #tpu.memory_space<vmem>>, vector<1x16xi32>,
        %get3A_829 = vector.shape_cast %get3A_828 : vector<1x16xi32> to vector<16xi32>
        %get3A_830 = arith.index_cast %scan3A_213 : i32 to index
        %get3A_831 = arith.constant 464 : index
        %get3A_832 = tpu.vector_load %arg16[%get3A_830, %get3A_831] {strides = array<i32>} : memref<16x512xi32, #tpu.memory_space<vmem>>, vector<1x16xi32>,
        %get3A_833 = vector.shape_cast %get3A_832 : vector<1x16xi32> to vector<16xi32>
        %get3A_834 = arith.index_cast %scan3A_213 : i32 to index
        %get3A_835 = arith.constant 480 : index
        %get3A_836 = tpu.vector_load %arg16[%get3A_834, %get3A_835] {strides = array<i32>} : memref<16x512xi32, #tpu.memory_space<vmem>>, vector<1x16xi32>,
        %get3A_837 = vector.shape_cast %get3A_836 : vector<1x16xi32> to vector<16xi32>
        %get3A_838 = arith.index_cast %scan3A_213 : i32 to index
        %get3A_839 = arith.constant 496 : index
        %get3A_840 = tpu.vector_load %arg16[%get3A_838, %get3A_839] {strides = array<i32>} : memref<16x512xi32, #tpu.memory_space<vmem>>, vector<1x16xi32>,
        %get3A_841 = vector.shape_cast %get3A_840 : vector<1x16xi32> to vector<16xi32>
        %shift_left3A_842 = arith.constant 16 : i32
        %shift_left3A_843 = vector.broadcast %shift_left3A_842 : i32 to vector<16xi32>
        %shift_left3A_844 = arith.shli %get3A_813, %shift_left3A_843 : vector<16xi32>
        %bitcast_convert_type3A_845 = tpu.bitcast %shift_left3A_844 : vector<16xi32> -> vector<16xf32>
        %shift_right_logical3A_846 = arith.constant 16 : i32
        %shift_right_logical3A_847 = vector.broadcast %shift_right_logical3A_846 : i32 to vector<16xi32>
        %shift_right_logical3A_848 = arith.shrui %get3A_813, %shift_right_logical3A_847 : vector<16xi32>
        %shift_left3A_849 = arith.constant 16 : i32
        %shift_left3A_850 = vector.broadcast %shift_left3A_849 : i32 to vector<16xi32>
        %shift_left3A_851 = arith.shli %shift_right_logical3A_848, %shift_left3A_850 : vector<16xi32>
        %bitcast_convert_type3A_852 = tpu.bitcast %shift_left3A_851 : vector<16xi32> -> vector<16xf32>
        %swap3A_853 = arith.index_cast %scan3A_213 : i32 to index
        %swap3A_854 = arith.constant 768 : index
        %swap3A_855 = tpu.vector_load %arg15[%swap3A_853, %swap3A_854] {strides = array<i32>} : memref<16x1024xf32, #tpu.memory_space<vmem>>, vector<1x16xf32>,
        %swap3A_856 = vector.shape_cast %swap3A_855 : vector<1x16xf32> to vector<16xf32>
        %swap3A_857 = vector.shape_cast %bitcast_convert_type3A_845 : vector<16xf32> to vector<1x16xf32>
        tpu.vector_store %arg15[%swap3A_853, %swap3A_854], %swap3A_857 {add = true, strides = array<i32>} : memref<16x1024xf32, #tpu.memory_space<vmem>>, vector<1x16xf32>,
        %swap3A_858 = arith.index_cast %scan3A_213 : i32 to index
        %swap3A_859 = arith.constant 784 : index
        %swap3A_860 = tpu.vector_load %arg15[%swap3A_858, %swap3A_859] {strides = array<i32>} : memref<16x1024xf32, #tpu.memory_space<vmem>>, vector<1x16xf32>,
        %swap3A_861 = vector.shape_cast %swap3A_860 : vector<1x16xf32> to vector<16xf32>
        %swap3A_862 = vector.shape_cast %bitcast_convert_type3A_852 : vector<16xf32> to vector<1x16xf32>
        tpu.vector_store %arg15[%swap3A_858, %swap3A_859], %swap3A_862 {add = true, strides = array<i32>} : memref<16x1024xf32, #tpu.memory_space<vmem>>, vector<1x16xf32>,
        %shift_left3A_863 = arith.constant 16 : i32
        %shift_left3A_864 = vector.broadcast %shift_left3A_863 : i32 to vector<16xi32>
        %shift_left3A_865 = arith.shli %get3A_817, %shift_left3A_864 : vector<16xi32>
        %bitcast_convert_type3A_866 = tpu.bitcast %shift_left3A_865 : vector<16xi32> -> vector<16xf32>
        %shift_right_logical3A_867 = arith.constant 16 : i32
        %shift_right_logical3A_868 = vector.broadcast %shift_right_logical3A_867 : i32 to vector<16xi32>
        %shift_right_logical3A_869 = arith.shrui %get3A_817, %shift_right_logical3A_868 : vector<16xi32>
        %shift_left3A_870 = arith.constant 16 : i32
        %shift_left3A_871 = vector.broadcast %shift_left3A_870 : i32 to vector<16xi32>
        %shift_left3A_872 = arith.shli %shift_right_logical3A_869, %shift_left3A_871 : vector<16xi32>
        %bitcast_convert_type3A_873 = tpu.bitcast %shift_left3A_872 : vector<16xi32> -> vector<16xf32>
        %swap3A_874 = arith.index_cast %scan3A_213 : i32 to index
        %swap3A_875 = arith.constant 800 : index
        %swap3A_876 = tpu.vector_load %arg15[%swap3A_874, %swap3A_875] {strides = array<i32>} : memref<16x1024xf32, #tpu.memory_space<vmem>>, vector<1x16xf32>,
        %swap3A_877 = vector.shape_cast %swap3A_876 : vector<1x16xf32> to vector<16xf32>
        %swap3A_878 = vector.shape_cast %bitcast_convert_type3A_866 : vector<16xf32> to vector<1x16xf32>
        tpu.vector_store %arg15[%swap3A_874, %swap3A_875], %swap3A_878 {add = true, strides = array<i32>} : memref<16x1024xf32, #tpu.memory_space<vmem>>, vector<1x16xf32>,
        %swap3A_879 = arith.index_cast %scan3A_213 : i32 to index
        %swap3A_880 = arith.constant 816 : index
        %swap3A_881 = tpu.vector_load %arg15[%swap3A_879, %swap3A_880] {strides = array<i32>} : memref<16x1024xf32, #tpu.memory_space<vmem>>, vector<1x16xf32>,
        %swap3A_882 = vector.shape_cast %swap3A_881 : vector<1x16xf32> to vector<16xf32>
        %swap3A_883 = vector.shape_cast %bitcast_convert_type3A_873 : vector<16xf32> to vector<1x16xf32>
        tpu.vector_store %arg15[%swap3A_879, %swap3A_880], %swap3A_883 {add = true, strides = array<i32>} : memref<16x1024xf32, #tpu.memory_space<vmem>>, vector<1x16xf32>,
        %shift_left3A_884 = arith.constant 16 : i32
        %shift_left3A_885 = vector.broadcast %shift_left3A_884 : i32 to vector<16xi32>
        %shift_left3A_886 = arith.shli %get3A_821, %shift_left3A_885 : vector<16xi32>
        %bitcast_convert_type3A_887 = tpu.bitcast %shift_left3A_886 : vector<16xi32> -> vector<16xf32>
        %shift_right_logical3A_888 = arith.constant 16 : i32
        %shift_right_logical3A_889 = vector.broadcast %shift_right_logical3A_888 : i32 to vector<16xi32>
        %shift_right_logical3A_890 = arith.shrui %get3A_821, %shift_right_logical3A_889 : vector<16xi32>
        %shift_left3A_891 = arith.constant 16 : i32
        %shift_left3A_892 = vector.broadcast %shift_left3A_891 : i32 to vector<16xi32>
        %shift_left3A_893 = arith.shli %shift_right_logical3A_890, %shift_left3A_892 : vector<16xi32>
        %bitcast_convert_type3A_894 = tpu.bitcast %shift_left3A_893 : vector<16xi32> -> vector<16xf32>
        %swap3A_895 = arith.index_cast %scan3A_213 : i32 to index
        %swap3A_896 = arith.constant 832 : index
        %swap3A_897 = tpu.vector_load %arg15[%swap3A_895, %swap3A_896] {strides = array<i32>} : memref<16x1024xf32, #tpu.memory_space<vmem>>, vector<1x16xf32>,
        %swap3A_898 = vector.shape_cast %swap3A_897 : vector<1x16xf32> to vector<16xf32>
        %swap3A_899 = vector.shape_cast %bitcast_convert_type3A_887 : vector<16xf32> to vector<1x16xf32>
        tpu.vector_store %arg15[%swap3A_895, %swap3A_896], %swap3A_899 {add = true, strides = array<i32>} : memref<16x1024xf32, #tpu.memory_space<vmem>>, vector<1x16xf32>,
        %swap3A_900 = arith.index_cast %scan3A_213 : i32 to index
        %swap3A_901 = arith.constant 848 : index
        %swap3A_902 = tpu.vector_load %arg15[%swap3A_900, %swap3A_901] {strides = array<i32>} : memref<16x1024xf32, #tpu.memory_space<vmem>>, vector<1x16xf32>,
        %swap3A_903 = vector.shape_cast %swap3A_902 : vector<1x16xf32> to vector<16xf32>
        %swap3A_904 = vector.shape_cast %bitcast_convert_type3A_894 : vector<16xf32> to vector<1x16xf32>
        tpu.vector_store %arg15[%swap3A_900, %swap3A_901], %swap3A_904 {add = true, strides = array<i32>} : memref<16x1024xf32, #tpu.memory_space<vmem>>, vector<1x16xf32>,
        %shift_left3A_905 = arith.constant 16 : i32
        %shift_left3A_906 = vector.broadcast %shift_left3A_905 : i32 to vector<16xi32>
        %shift_left3A_907 = arith.shli %get3A_825, %shift_left3A_906 : vector<16xi32>
        %bitcast_convert_type3A_908 = tpu.bitcast %shift_left3A_907 : vector<16xi32> -> vector<16xf32>
        %shift_right_logical3A_909 = arith.constant 16 : i32
        %shift_right_logical3A_910 = vector.broadcast %shift_right_logical3A_909 : i32 to vector<16xi32>
        %shift_right_logical3A_911 = arith.shrui %get3A_825, %shift_right_logical3A_910 : vector<16xi32>
        %shift_left3A_912 = arith.constant 16 : i32
        %shift_left3A_913 = vector.broadcast %shift_left3A_912 : i32 to vector<16xi32>
        %shift_left3A_914 = arith.shli %shift_right_logical3A_911, %shift_left3A_913 : vector<16xi32>
        %bitcast_convert_type3A_915 = tpu.bitcast %shift_left3A_914 : vector<16xi32> -> vector<16xf32>
        %swap3A_916 = arith.index_cast %scan3A_213 : i32 to index
        %swap3A_917 = arith.constant 864 : index
        %swap3A_918 = tpu.vector_load %arg15[%swap3A_916, %swap3A_917] {strides = array<i32>} : memref<16x1024xf32, #tpu.memory_space<vmem>>, vector<1x16xf32>,
        %swap3A_919 = vector.shape_cast %swap3A_918 : vector<1x16xf32> to vector<16xf32>
        %swap3A_920 = vector.shape_cast %bitcast_convert_type3A_908 : vector<16xf32> to vector<1x16xf32>
        tpu.vector_store %arg15[%swap3A_916, %swap3A_917], %swap3A_920 {add = true, strides = array<i32>} : memref<16x1024xf32, #tpu.memory_space<vmem>>, vector<1x16xf32>,
        %swap3A_921 = arith.index_cast %scan3A_213 : i32 to index
        %swap3A_922 = arith.constant 880 : index
        %swap3A_923 = tpu.vector_load %arg15[%swap3A_921, %swap3A_922] {strides = array<i32>} : memref<16x1024xf32, #tpu.memory_space<vmem>>, vector<1x16xf32>,
        %swap3A_924 = vector.shape_cast %swap3A_923 : vector<1x16xf32> to vector<16xf32>
        %swap3A_925 = vector.shape_cast %bitcast_convert_type3A_915 : vector<16xf32> to vector<1x16xf32>
        tpu.vector_store %arg15[%swap3A_921, %swap3A_922], %swap3A_925 {add = true, strides = array<i32>} : memref<16x1024xf32, #tpu.memory_space<vmem>>, vector<1x16xf32>,
        %shift_left3A_926 = arith.constant 16 : i32
        %shift_left3A_927 = vector.broadcast %shift_left3A_926 : i32 to vector<16xi32>
        %shift_left3A_928 = arith.shli %get3A_829, %shift_left3A_927 : vector<16xi32>
        %bitcast_convert_type3A_929 = tpu.bitcast %shift_left3A_928 : vector<16xi32> -> vector<16xf32>
        %shift_right_logical3A_930 = arith.constant 16 : i32
        %shift_right_logical3A_931 = vector.broadcast %shift_right_logical3A_930 : i32 to vector<16xi32>
        %shift_right_logical3A_932 = arith.shrui %get3A_829, %shift_right_logical3A_931 : vector<16xi32>
        %shift_left3A_933 = arith.constant 16 : i32
        %shift_left3A_934 = vector.broadcast %shift_left3A_933 : i32 to vector<16xi32>
        %shift_left3A_935 = arith.shli %shift_right_logical3A_932, %shift_left3A_934 : vector<16xi32>
        %bitcast_convert_type3A_936 = tpu.bitcast %shift_left3A_935 : vector<16xi32> -> vector<16xf32>
        %swap3A_937 = arith.index_cast %scan3A_213 : i32 to index
        %swap3A_938 = arith.constant 896 : index
        %swap3A_939 = tpu.vector_load %arg15[%swap3A_937, %swap3A_938] {strides = array<i32>} : memref<16x1024xf32, #tpu.memory_space<vmem>>, vector<1x16xf32>,
        %swap3A_940 = vector.shape_cast %swap3A_939 : vector<1x16xf32> to vector<16xf32>
        %swap3A_941 = vector.shape_cast %bitcast_convert_type3A_929 : vector<16xf32> to vector<1x16xf32>
        tpu.vector_store %arg15[%swap3A_937, %swap3A_938], %swap3A_941 {add = true, strides = array<i32>} : memref<16x1024xf32, #tpu.memory_space<vmem>>, vector<1x16xf32>,
        %swap3A_942 = arith.index_cast %scan3A_213 : i32 to index
        %swap3A_943 = arith.constant 912 : index
        %swap3A_944 = tpu.vector_load %arg15[%swap3A_942, %swap3A_943] {strides = array<i32>} : memref<16x1024xf32, #tpu.memory_space<vmem>>, vector<1x16xf32>,
        %swap3A_945 = vector.shape_cast %swap3A_944 : vector<1x16xf32> to vector<16xf32>
        %swap3A_946 = vector.shape_cast %bitcast_convert_type3A_936 : vector<16xf32> to vector<1x16xf32>
        tpu.vector_store %arg15[%swap3A_942, %swap3A_943], %swap3A_946 {add = true, strides = array<i32>} : memref<16x1024xf32, #tpu.memory_space<vmem>>, vector<1x16xf32>,
        %shift_left3A_947 = arith.constant 16 : i32
        %shift_left3A_948 = vector.broadcast %shift_left3A_947 : i32 to vector<16xi32>
        %shift_left3A_949 = arith.shli %get3A_833, %shift_left3A_948 : vector<16xi32>
        %bitcast_convert_type3A_950 = tpu.bitcast %shift_left3A_949 : vector<16xi32> -> vector<16xf32>
        %shift_right_logical3A_951 = arith.constant 16 : i32
        %shift_right_logical3A_952 = vector.broadcast %shift_right_logical3A_951 : i32 to vector<16xi32>
        %shift_right_logical3A_953 = arith.shrui %get3A_833, %shift_right_logical3A_952 : vector<16xi32>
        %shift_left3A_954 = arith.constant 16 : i32
        %shift_left3A_955 = vector.broadcast %shift_left3A_954 : i32 to vector<16xi32>
        %shift_left3A_956 = arith.shli %shift_right_logical3A_953, %shift_left3A_955 : vector<16xi32>
        %bitcast_convert_type3A_957 = tpu.bitcast %shift_left3A_956 : vector<16xi32> -> vector<16xf32>
        %swap3A_958 = arith.index_cast %scan3A_213 : i32 to index
        %swap3A_959 = arith.constant 928 : index
        %swap3A_960 = tpu.vector_load %arg15[%swap3A_958, %swap3A_959] {strides = array<i32>} : memref<16x1024xf32, #tpu.memory_space<vmem>>, vector<1x16xf32>,
        %swap3A_961 = vector.shape_cast %swap3A_960 : vector<1x16xf32> to vector<16xf32>
        %swap3A_962 = vector.shape_cast %bitcast_convert_type3A_950 : vector<16xf32> to vector<1x16xf32>
        tpu.vector_store %arg15[%swap3A_958, %swap3A_959], %swap3A_962 {add = true, strides = array<i32>} : memref<16x1024xf32, #tpu.memory_space<vmem>>, vector<1x16xf32>,
        %swap3A_963 = arith.index_cast %scan3A_213 : i32 to index
        %swap3A_964 = arith.constant 944 : index
        %swap3A_965 = tpu.vector_load %arg15[%swap3A_963, %swap3A_964] {strides = array<i32>} : memref<16x1024xf32, #tpu.memory_space<vmem>>, vector<1x16xf32>,
        %swap3A_966 = vector.shape_cast %swap3A_965 : vector<1x16xf32> to vector<16xf32>
        %swap3A_967 = vector.shape_cast %bitcast_convert_type3A_957 : vector<16xf32> to vector<1x16xf32>
        tpu.vector_store %arg15[%swap3A_963, %swap3A_964], %swap3A_967 {add = true, strides = array<i32>} : memref<16x1024xf32, #tpu.memory_space<vmem>>, vector<1x16xf32>,
        %shift_left3A_968 = arith.constant 16 : i32
        %shift_left3A_969 = vector.broadcast %shift_left3A_968 : i32 to vector<16xi32>
        %shift_left3A_970 = arith.shli %get3A_837, %shift_left3A_969 : vector<16xi32>
        %bitcast_convert_type3A_971 = tpu.bitcast %shift_left3A_970 : vector<16xi32> -> vector<16xf32>
        %shift_right_logical3A_972 = arith.constant 16 : i32
        %shift_right_logical3A_973 = vector.broadcast %shift_right_logical3A_972 : i32 to vector<16xi32>
        %shift_right_logical3A_974 = arith.shrui %get3A_837, %shift_right_logical3A_973 : vector<16xi32>
        %shift_left3A_975 = arith.constant 16 : i32
        %shift_left3A_976 = vector.broadcast %shift_left3A_975 : i32 to vector<16xi32>
        %shift_left3A_977 = arith.shli %shift_right_logical3A_974, %shift_left3A_976 : vector<16xi32>
        %bitcast_convert_type3A_978 = tpu.bitcast %shift_left3A_977 : vector<16xi32> -> vector<16xf32>
        %swap3A_979 = arith.index_cast %scan3A_213 : i32 to index
        %swap3A_980 = arith.constant 960 : index
        %swap3A_981 = tpu.vector_load %arg15[%swap3A_979, %swap3A_980] {strides = array<i32>} : memref<16x1024xf32, #tpu.memory_space<vmem>>, vector<1x16xf32>,
        %swap3A_982 = vector.shape_cast %swap3A_981 : vector<1x16xf32> to vector<16xf32>
        %swap3A_983 = vector.shape_cast %bitcast_convert_type3A_971 : vector<16xf32> to vector<1x16xf32>
        tpu.vector_store %arg15[%swap3A_979, %swap3A_980], %swap3A_983 {add = true, strides = array<i32>} : memref<16x1024xf32, #tpu.memory_space<vmem>>, vector<1x16xf32>,
        %swap3A_984 = arith.index_cast %scan3A_213 : i32 to index
        %swap3A_985 = arith.constant 976 : index
        %swap3A_986 = tpu.vector_load %arg15[%swap3A_984, %swap3A_985] {strides = array<i32>} : memref<16x1024xf32, #tpu.memory_space<vmem>>, vector<1x16xf32>,
        %swap3A_987 = vector.shape_cast %swap3A_986 : vector<1x16xf32> to vector<16xf32>
        %swap3A_988 = vector.shape_cast %bitcast_convert_type3A_978 : vector<16xf32> to vector<1x16xf32>
        tpu.vector_store %arg15[%swap3A_984, %swap3A_985], %swap3A_988 {add = true, strides = array<i32>} : memref<16x1024xf32, #tpu.memory_space<vmem>>, vector<1x16xf32>,
        %shift_left3A_989 = arith.constant 16 : i32
        %shift_left3A_990 = vector.broadcast %shift_left3A_989 : i32 to vector<16xi32>
        %shift_left3A_991 = arith.shli %get3A_841, %shift_left3A_990 : vector<16xi32>
        %bitcast_convert_type3A_992 = tpu.bitcast %shift_left3A_991 : vector<16xi32> -> vector<16xf32>
        %shift_right_logical3A_993 = arith.constant 16 : i32
        %shift_right_logical3A_994 = vector.broadcast %shift_right_logical3A_993 : i32 to vector<16xi32>
        %shift_right_logical3A_995 = arith.shrui %get3A_841, %shift_right_logical3A_994 : vector<16xi32>
        %shift_left3A_996 = arith.constant 16 : i32
        %shift_left3A_997 = vector.broadcast %shift_left3A_996 : i32 to vector<16xi32>
        %shift_left3A_998 = arith.shli %shift_right_logical3A_995, %shift_left3A_997 : vector<16xi32>
        %bitcast_convert_type3A_999 = tpu.bitcast %shift_left3A_998 : vector<16xi32> -> vector<16xf32>
        %swap3A_1000 = arith.index_cast %scan3A_213 : i32 to index
        %swap3A_1001 = arith.constant 992 : index
        %swap3A_1002 = tpu.vector_load %arg15[%swap3A_1000, %swap3A_1001] {strides = array<i32>} : memref<16x1024xf32, #tpu.memory_space<vmem>>, vector<1x16xf32>,
        %swap3A_1003 = vector.shape_cast %swap3A_1002 : vector<1x16xf32> to vector<16xf32>
        %swap3A_1004 = vector.shape_cast %bitcast_convert_type3A_992 : vector<16xf32> to vector<1x16xf32>
        tpu.vector_store %arg15[%swap3A_1000, %swap3A_1001], %swap3A_1004 {add = true, strides = array<i32>} : memref<16x1024xf32, #tpu.memory_space<vmem>>, vector<1x16xf32>,
        %swap3A_1005 = arith.index_cast %scan3A_213 : i32 to index
        %swap3A_1006 = arith.constant 1008 : index
        %swap3A_1007 = tpu.vector_load %arg15[%swap3A_1005, %swap3A_1006] {strides = array<i32>} : memref<16x1024xf32, #tpu.memory_space<vmem>>, vector<1x16xf32>,
        %swap3A_1008 = vector.shape_cast %swap3A_1007 : vector<1x16xf32> to vector<16xf32>
        %swap3A_1009 = vector.shape_cast %bitcast_convert_type3A_999 : vector<16xf32> to vector<1x16xf32>
        tpu.vector_store %arg15[%swap3A_1005, %swap3A_1006], %swap3A_1009 {add = true, strides = array<i32>} : memref<16x1024xf32, #tpu.memory_space<vmem>>, vector<1x16xf32>,
        %scan3A_1010 = arith.constant 0 : i32
        scf.yield %scan3A_1010 : i32
      }
      %scan3A_161 = arith.constant 16 : i32
      %mul3A_162 = arith.constant 16 : i32
      %mul3A_163 = arith.muli %add3A_129, %mul3A_162 : i32
      %add3A_164 = arith.addi %mul3A_2, %mul3A_163 : i32
      %dma_start3A_165 = arith.constant 0 : i32
      %dma_start3A_166 = tpu.memref_slice %arg5[%add3A_164, %dma_start3A_165] : memref<16384x1024xf32, #tpu.memory_space<hbm>> -> memref<16x1024xf32, #tpu.memory_space<hbm>>
      %dma_start3A_167 = arith.constant 0 : i32
      %dma_start3A_168 = tpu.memref_slice %arg5[%add3A_164, %dma_start3A_167] : memref<16384x1024xf32, #tpu.memory_space<hbm>> -> memref<16x1024xf32, #tpu.memory_space<hbm>>
      tpu.enqueue_dma source(%arg15 : memref<16x1024xf32, #tpu.memory_space<vmem>>) target(%dma_start3A_168 : memref<16x1024xf32, #tpu.memory_space<hbm>>) target_semaphore(%arg18 : memref<!tpu.dma_semaphore, #tpu.memory_space<semaphore_mem>>)
      %mul3A_169 = arith.constant 4 : i32
      %mul3A_170 = arith.muli %mul3A_169, %scan3A_42 : i32
      %add3A_171 = arith.constant 3 : i32
      %add3A_172 = arith.addi %mul3A_170, %add3A_171 : i32
      %add3A_173 = arith.constant 2 : i32
      %add3A_174 = arith.addi %add3A_172, %add3A_173 : i32
      %ge3A_175 = arith.constant 4 : i32
      %ge3A_176 = arith.cmpi sge, %add3A_174, %ge3A_175 : i32
      %convert_element_type3A_177 = arith.extui %ge3A_176 : i1 to i32
      %cond3A_178 = arith.constant 0 : i32
      %cond3A_179 = arith.cmpi ne, %convert_element_type3A_177, %cond3A_178 : i32
      scf.if %cond3A_179 {
        %add3A_213 = arith.constant 2 : i32
        %add3A_214 = arith.addi %add3A_172, %add3A_213 : i32
        %sub3A = arith.constant 4 : i32
        %sub3A_215 = arith.subi %add3A_214, %sub3A : i32
        %mul3A_216 = arith.constant 16 : i32
        %mul3A_217 = arith.muli %sub3A_215, %mul3A_216 : i32
        %add3A_218 = arith.addi %mul3A_2, %mul3A_217 : i32
        %dma_wait3A_219 = arith.constant 0 : i32
        %dma_wait3A_220 = tpu.memref_slice %arg5[%add3A_218, %dma_wait3A_219] : memref<16384x1024xf32, #tpu.memory_space<hbm>> -> memref<16x1024xf32, #tpu.memory_space<hbm>>
        %dma_wait3A_221 = arith.constant 0 : i32
        %dma_wait3A_222 = tpu.memref_slice %arg5[%add3A_218, %dma_wait3A_221] : memref<16384x1024xf32, #tpu.memory_space<hbm>> -> memref<16x1024xf32, #tpu.memory_space<hbm>>
        tpu.wait_dma2 semaphore(%arg14 : memref<!tpu.dma_semaphore, #tpu.memory_space<semaphore_mem>>) src(%arg11 : memref<16x1024xf32, #tpu.memory_space<vmem>>) dst(%dma_wait3A_222 : memref<16x1024xf32, #tpu.memory_space<hbm>>)
      } else {
      }
      %add3A_180 = arith.constant 2 : i32
      %add3A_181 = arith.addi %add3A_172, %add3A_180 : i32
      %lt3A_182 = arith.constant 32 : i32
      %lt3A_183 = arith.cmpi slt, %add3A_181, %lt3A_182 : i32
      %convert_element_type3A_184 = arith.extui %lt3A_183 : i1 to i32
      %cond3A_185 = arith.constant 0 : i32
      %cond3A_186 = arith.cmpi ne, %convert_element_type3A_184, %cond3A_185 : i32
      scf.if %cond3A_186 {
        %add3A_213 = arith.constant 2 : i32
        %add3A_214 = arith.addi %add3A_172, %add3A_213 : i32
        %mul3A_215 = arith.constant 16 : i32
        %mul3A_216 = arith.muli %add3A_214, %mul3A_215 : i32
        %add3A_217 = arith.addi %rem3A_3, %mul3A_216 : i32
        %dma_start3A_218 = tpu.memref_slice %arg6[%mul3A_216] : memref<512xi32, #tpu.memory_space<vmem>> -> memref<16xi32, #tpu.memory_space<vmem>>
        %dma_start3A_219 = arith.constant 0 : i32
        %dma_start3A_220 = arith.constant 0 : i32
        %dma_start3A_221 = tpu.memref_slice %arg3[%dma_start3A_219, %dma_start3A_220] : memref<100000x1024xf32, #tpu.memory_space<hbm>> -> memref<100000x1024xf32, #tpu.memory_space<hbm>>
        tpu.enqueue_indirect_dma source(%dma_start3A_221 : memref<100000x1024xf32, #tpu.memory_space<hbm>>) target(%arg11 : memref<16x1024xf32, #tpu.memory_space<vmem>>) offsets(%dma_start3A_218 : memref<16xi32, #tpu.memory_space<vmem>>) semaphore(%arg13 : memref<!tpu.dma_semaphore, #tpu.memory_space<semaphore_mem>>)
        %dma_start3A_222 = arith.constant 0 : i32
        %dma_start3A_223 = tpu.memref_slice %arg4[%add3A_217, %dma_start3A_222] : memref<4096x512xi32, #tpu.memory_space<hbm>> -> memref<16x512xi32, #tpu.memory_space<hbm>>
        %dma_start3A_224 = arith.constant 0 : i32
        %dma_start3A_225 = tpu.memref_slice %arg4[%add3A_217, %dma_start3A_224] : memref<4096x512xi32, #tpu.memory_space<hbm>> -> memref<16x512xi32, #tpu.memory_space<hbm>>
        tpu.enqueue_dma source(%dma_start3A_225 : memref<16x512xi32, #tpu.memory_space<hbm>>) target(%arg12 : memref<16x512xi32, #tpu.memory_space<vmem>>) target_semaphore(%arg13 : memref<!tpu.dma_semaphore, #tpu.memory_space<semaphore_mem>>)
      } else {
      }
      %mul3A_187 = arith.constant 16 : i32
      %mul3A_188 = arith.muli %add3A_172, %mul3A_187 : i32
      %add3A_189 = arith.addi %rem3A_3, %mul3A_188 : i32
      %dma_wait3A_190 = tpu.memref_slice %arg6[%mul3A_188] : memref<512xi32, #tpu.memory_space<vmem>> -> memref<16xi32, #tpu.memory_space<vmem>>
      %dma_wait3A_191 = arith.constant 0 : i32
      %dma_wait3A_192 = arith.constant 0 : i32
      %dma_wait3A_193 = tpu.memref_slice %arg3[%dma_wait3A_191, %dma_wait3A_192] : memref<100000x1024xf32, #tpu.memory_space<hbm>> -> memref<100000x1024xf32, #tpu.memory_space<hbm>>
      tpu.wait_indirect_dma semaphore(%arg21 : memref<!tpu.dma_semaphore, #tpu.memory_space<semaphore_mem>>) src(%dma_wait3A_193 : memref<100000x1024xf32, #tpu.memory_space<hbm>>) dst(%arg19 : memref<16x1024xf32, #tpu.memory_space<vmem>>)
      %dma_wait3A_194 = arith.constant 0 : i32
      %dma_wait3A_195 = tpu.memref_slice %arg4[%add3A_189, %dma_wait3A_194] : memref<4096x512xi32, #tpu.memory_space<hbm>> -> memref<16x512xi32, #tpu.memory_space<hbm>>
      %dma_wait3A_196 = arith.constant 0 : i32
      %dma_wait3A_197 = tpu.memref_slice %arg4[%add3A_189, %dma_wait3A_196] : memref<4096x512xi32, #tpu.memory_space<hbm>> -> memref<16x512xi32, #tpu.memory_space<hbm>>
      tpu.wait_dma2 semaphore(%arg21 : memref<!tpu.dma_semaphore, #tpu.memory_space<semaphore_mem>>) src(%dma_wait3A_197 : memref<16x512xi32, #tpu.memory_space<hbm>>) dst(%arg20 : memref<16x512xi32, #tpu.memory_space<vmem>>)
      %scan3A_198 = arith.constant 0 : i32
      %scan3A_199 = arith.constant 0 : i32
      %scan3A_200 = arith.constant 16 : i32
      %scan3A_201 = arith.addi %scan3A_199, %scan3A_200 : i32
      %scan3A_202 = arith.constant 1 : i32
      %scan3A_203 = scf.for %scan3A_213 = %scan3A_199 to %scan3A_201 step %scan3A_202 iter_args(%scan3A_214 = %scan3A_198) -> (i32)  : i32 {
        %get3A = arith.index_cast %scan3A_213 : i32 to index
        %get3A_215 = arith.constant 0 : index
        %get3A_216 = tpu.vector_load %arg20[%get3A, %get3A_215] {strides = array<i32>} : memref<16x512xi32, #tpu.memory_space<vmem>>, vector<1x16xi32>,
        %get3A_217 = vector.shape_cast %get3A_216 : vector<1x16xi32> to vector<16xi32>
        %get3A_218 = arith.index_cast %scan3A_213 : i32 to index
        %get3A_219 = arith.constant 16 : index
        %get3A_220 = tpu.vector_load %arg20[%get3A_218, %get3A_219] {strides = array<i32>} : memref<16x512xi32, #tpu.memory_space<vmem>>, vector<1x16xi32>,
        %get3A_221 = vector.shape_cast %get3A_220 : vector<1x16xi32> to vector<16xi32>
        %get3A_222 = arith.index_cast %scan3A_213 : i32 to index
        %get3A_223 = arith.constant 32 : index
        %get3A_224 = tpu.vector_load %arg20[%get3A_222, %get3A_223] {strides = array<i32>} : memref<16x512xi32, #tpu.memory_space<vmem>>, vector<1x16xi32>,
        %get3A_225 = vector.shape_cast %get3A_224 : vector<1x16xi32> to vector<16xi32>
        %get3A_226 = arith.index_cast %scan3A_213 : i32 to index
        %get3A_227 = arith.constant 48 : index
        %get3A_228 = tpu.vector_load %arg20[%get3A_226, %get3A_227] {strides = array<i32>} : memref<16x512xi32, #tpu.memory_space<vmem>>, vector<1x16xi32>,
        %get3A_229 = vector.shape_cast %get3A_228 : vector<1x16xi32> to vector<16xi32>
        %get3A_230 = arith.index_cast %scan3A_213 : i32 to index
        %get3A_231 = arith.constant 64 : index
        %get3A_232 = tpu.vector_load %arg20[%get3A_230, %get3A_231] {strides = array<i32>} : memref<16x512xi32, #tpu.memory_space<vmem>>, vector<1x16xi32>,
        %get3A_233 = vector.shape_cast %get3A_232 : vector<1x16xi32> to vector<16xi32>
        %get3A_234 = arith.index_cast %scan3A_213 : i32 to index
        %get3A_235 = arith.constant 80 : index
        %get3A_236 = tpu.vector_load %arg20[%get3A_234, %get3A_235] {strides = array<i32>} : memref<16x512xi32, #tpu.memory_space<vmem>>, vector<1x16xi32>,
        %get3A_237 = vector.shape_cast %get3A_236 : vector<1x16xi32> to vector<16xi32>
        %get3A_238 = arith.index_cast %scan3A_213 : i32 to index
        %get3A_239 = arith.constant 96 : index
        %get3A_240 = tpu.vector_load %arg20[%get3A_238, %get3A_239] {strides = array<i32>} : memref<16x512xi32, #tpu.memory_space<vmem>>, vector<1x16xi32>,
        %get3A_241 = vector.shape_cast %get3A_240 : vector<1x16xi32> to vector<16xi32>
        %get3A_242 = arith.index_cast %scan3A_213 : i32 to index
        %get3A_243 = arith.constant 112 : index
        %get3A_244 = tpu.vector_load %arg20[%get3A_242, %get3A_243] {strides = array<i32>} : memref<16x512xi32, #tpu.memory_space<vmem>>, vector<1x16xi32>,
        %get3A_245 = vector.shape_cast %get3A_244 : vector<1x16xi32> to vector<16xi32>
        %shift_left3A = arith.constant 16 : i32
        %shift_left3A_246 = vector.broadcast %shift_left3A : i32 to vector<16xi32>
        %shift_left3A_247 = arith.shli %get3A_217, %shift_left3A_246 : vector<16xi32>
        %bitcast_convert_type3A = tpu.bitcast %shift_left3A_247 : vector<16xi32> -> vector<16xf32>
        %shift_right_logical3A = arith.constant 16 : i32
        %shift_right_logical3A_248 = vector.broadcast %shift_right_logical3A : i32 to vector<16xi32>
        %shift_right_logical3A_249 = arith.shrui %get3A_217, %shift_right_logical3A_248 : vector<16xi32>
        %shift_left3A_250 = arith.constant 16 : i32
        %shift_left3A_251 = vector.broadcast %shift_left3A_250 : i32 to vector<16xi32>
        %shift_left3A_252 = arith.shli %shift_right_logical3A_249, %shift_left3A_251 : vector<16xi32>
        %bitcast_convert_type3A_253 = tpu.bitcast %shift_left3A_252 : vector<16xi32> -> vector<16xf32>
        %swap3A = arith.index_cast %scan3A_213 : i32 to index
        %swap3A_254 = arith.constant 0 : index
        %swap3A_255 = tpu.vector_load %arg19[%swap3A, %swap3A_254] {strides = array<i32>} : memref<16x1024xf32, #tpu.memory_space<vmem>>, vector<1x16xf32>,
        %swap3A_256 = vector.shape_cast %swap3A_255 : vector<1x16xf32> to vector<16xf32>
        %swap3A_257 = vector.shape_cast %bitcast_convert_type3A : vector<16xf32> to vector<1x16xf32>
        tpu.vector_store %arg19[%swap3A, %swap3A_254], %swap3A_257 {add = true, strides = array<i32>} : memref<16x1024xf32, #tpu.memory_space<vmem>>, vector<1x16xf32>,
        %swap3A_258 = arith.index_cast %scan3A_213 : i32 to index
        %swap3A_259 = arith.constant 16 : index
        %swap3A_260 = tpu.vector_load %arg19[%swap3A_258, %swap3A_259] {strides = array<i32>} : memref<16x1024xf32, #tpu.memory_space<vmem>>, vector<1x16xf32>,
        %swap3A_261 = vector.shape_cast %swap3A_260 : vector<1x16xf32> to vector<16xf32>
        %swap3A_262 = vector.shape_cast %bitcast_convert_type3A_253 : vector<16xf32> to vector<1x16xf32>
        tpu.vector_store %arg19[%swap3A_258, %swap3A_259], %swap3A_262 {add = true, strides = array<i32>} : memref<16x1024xf32, #tpu.memory_space<vmem>>, vector<1x16xf32>,
        %shift_left3A_263 = arith.constant 16 : i32
        %shift_left3A_264 = vector.broadcast %shift_left3A_263 : i32 to vector<16xi32>
        %shift_left3A_265 = arith.shli %get3A_221, %shift_left3A_264 : vector<16xi32>
        %bitcast_convert_type3A_266 = tpu.bitcast %shift_left3A_265 : vector<16xi32> -> vector<16xf32>
        %shift_right_logical3A_267 = arith.constant 16 : i32
        %shift_right_logical3A_268 = vector.broadcast %shift_right_logical3A_267 : i32 to vector<16xi32>
        %shift_right_logical3A_269 = arith.shrui %get3A_221, %shift_right_logical3A_268 : vector<16xi32>
        %shift_left3A_270 = arith.constant 16 : i32
        %shift_left3A_271 = vector.broadcast %shift_left3A_270 : i32 to vector<16xi32>
        %shift_left3A_272 = arith.shli %shift_right_logical3A_269, %shift_left3A_271 : vector<16xi32>
        %bitcast_convert_type3A_273 = tpu.bitcast %shift_left3A_272 : vector<16xi32> -> vector<16xf32>
        %swap3A_274 = arith.index_cast %scan3A_213 : i32 to index
        %swap3A_275 = arith.constant 32 : index
        %swap3A_276 = tpu.vector_load %arg19[%swap3A_274, %swap3A_275] {strides = array<i32>} : memref<16x1024xf32, #tpu.memory_space<vmem>>, vector<1x16xf32>,
        %swap3A_277 = vector.shape_cast %swap3A_276 : vector<1x16xf32> to vector<16xf32>
        %swap3A_278 = vector.shape_cast %bitcast_convert_type3A_266 : vector<16xf32> to vector<1x16xf32>
        tpu.vector_store %arg19[%swap3A_274, %swap3A_275], %swap3A_278 {add = true, strides = array<i32>} : memref<16x1024xf32, #tpu.memory_space<vmem>>, vector<1x16xf32>,
        %swap3A_279 = arith.index_cast %scan3A_213 : i32 to index
        %swap3A_280 = arith.constant 48 : index
        %swap3A_281 = tpu.vector_load %arg19[%swap3A_279, %swap3A_280] {strides = array<i32>} : memref<16x1024xf32, #tpu.memory_space<vmem>>, vector<1x16xf32>,
        %swap3A_282 = vector.shape_cast %swap3A_281 : vector<1x16xf32> to vector<16xf32>
        %swap3A_283 = vector.shape_cast %bitcast_convert_type3A_273 : vector<16xf32> to vector<1x16xf32>
        tpu.vector_store %arg19[%swap3A_279, %swap3A_280], %swap3A_283 {add = true, strides = array<i32>} : memref<16x1024xf32, #tpu.memory_space<vmem>>, vector<1x16xf32>,
        %shift_left3A_284 = arith.constant 16 : i32
        %shift_left3A_285 = vector.broadcast %shift_left3A_284 : i32 to vector<16xi32>
        %shift_left3A_286 = arith.shli %get3A_225, %shift_left3A_285 : vector<16xi32>
        %bitcast_convert_type3A_287 = tpu.bitcast %shift_left3A_286 : vector<16xi32> -> vector<16xf32>
        %shift_right_logical3A_288 = arith.constant 16 : i32
        %shift_right_logical3A_289 = vector.broadcast %shift_right_logical3A_288 : i32 to vector<16xi32>
        %shift_right_logical3A_290 = arith.shrui %get3A_225, %shift_right_logical3A_289 : vector<16xi32>
        %shift_left3A_291 = arith.constant 16 : i32
        %shift_left3A_292 = vector.broadcast %shift_left3A_291 : i32 to vector<16xi32>
        %shift_left3A_293 = arith.shli %shift_right_logical3A_290, %shift_left3A_292 : vector<16xi32>
        %bitcast_convert_type3A_294 = tpu.bitcast %shift_left3A_293 : vector<16xi32> -> vector<16xf32>
        %swap3A_295 = arith.index_cast %scan3A_213 : i32 to index
        %swap3A_296 = arith.constant 64 : index
        %swap3A_297 = tpu.vector_load %arg19[%swap3A_295, %swap3A_296] {strides = array<i32>} : memref<16x1024xf32, #tpu.memory_space<vmem>>, vector<1x16xf32>,
        %swap3A_298 = vector.shape_cast %swap3A_297 : vector<1x16xf32> to vector<16xf32>
        %swap3A_299 = vector.shape_cast %bitcast_convert_type3A_287 : vector<16xf32> to vector<1x16xf32>
        tpu.vector_store %arg19[%swap3A_295, %swap3A_296], %swap3A_299 {add = true, strides = array<i32>} : memref<16x1024xf32, #tpu.memory_space<vmem>>, vector<1x16xf32>,
        %swap3A_300 = arith.index_cast %scan3A_213 : i32 to index
        %swap3A_301 = arith.constant 80 : index
        %swap3A_302 = tpu.vector_load %arg19[%swap3A_300, %swap3A_301] {strides = array<i32>} : memref<16x1024xf32, #tpu.memory_space<vmem>>, vector<1x16xf32>,
        %swap3A_303 = vector.shape_cast %swap3A_302 : vector<1x16xf32> to vector<16xf32>
        %swap3A_304 = vector.shape_cast %bitcast_convert_type3A_294 : vector<16xf32> to vector<1x16xf32>
        tpu.vector_store %arg19[%swap3A_300, %swap3A_301], %swap3A_304 {add = true, strides = array<i32>} : memref<16x1024xf32, #tpu.memory_space<vmem>>, vector<1x16xf32>,
        %shift_left3A_305 = arith.constant 16 : i32
        %shift_left3A_306 = vector.broadcast %shift_left3A_305 : i32 to vector<16xi32>
        %shift_left3A_307 = arith.shli %get3A_229, %shift_left3A_306 : vector<16xi32>
        %bitcast_convert_type3A_308 = tpu.bitcast %shift_left3A_307 : vector<16xi32> -> vector<16xf32>
        %shift_right_logical3A_309 = arith.constant 16 : i32
        %shift_right_logical3A_310 = vector.broadcast %shift_right_logical3A_309 : i32 to vector<16xi32>
        %shift_right_logical3A_311 = arith.shrui %get3A_229, %shift_right_logical3A_310 : vector<16xi32>
        %shift_left3A_312 = arith.constant 16 : i32
        %shift_left3A_313 = vector.broadcast %shift_left3A_312 : i32 to vector<16xi32>
        %shift_left3A_314 = arith.shli %shift_right_logical3A_311, %shift_left3A_313 : vector<16xi32>
        %bitcast_convert_type3A_315 = tpu.bitcast %shift_left3A_314 : vector<16xi32> -> vector<16xf32>
        %swap3A_316 = arith.index_cast %scan3A_213 : i32 to index
        %swap3A_317 = arith.constant 96 : index
        %swap3A_318 = tpu.vector_load %arg19[%swap3A_316, %swap3A_317] {strides = array<i32>} : memref<16x1024xf32, #tpu.memory_space<vmem>>, vector<1x16xf32>,
        %swap3A_319 = vector.shape_cast %swap3A_318 : vector<1x16xf32> to vector<16xf32>
        %swap3A_320 = vector.shape_cast %bitcast_convert_type3A_308 : vector<16xf32> to vector<1x16xf32>
        tpu.vector_store %arg19[%swap3A_316, %swap3A_317], %swap3A_320 {add = true, strides = array<i32>} : memref<16x1024xf32, #tpu.memory_space<vmem>>, vector<1x16xf32>,
        %swap3A_321 = arith.index_cast %scan3A_213 : i32 to index
        %swap3A_322 = arith.constant 112 : index
        %swap3A_323 = tpu.vector_load %arg19[%swap3A_321, %swap3A_322] {strides = array<i32>} : memref<16x1024xf32, #tpu.memory_space<vmem>>, vector<1x16xf32>,
        %swap3A_324 = vector.shape_cast %swap3A_323 : vector<1x16xf32> to vector<16xf32>
        %swap3A_325 = vector.shape_cast %bitcast_convert_type3A_315 : vector<16xf32> to vector<1x16xf32>
        tpu.vector_store %arg19[%swap3A_321, %swap3A_322], %swap3A_325 {add = true, strides = array<i32>} : memref<16x1024xf32, #tpu.memory_space<vmem>>, vector<1x16xf32>,
        %shift_left3A_326 = arith.constant 16 : i32
        %shift_left3A_327 = vector.broadcast %shift_left3A_326 : i32 to vector<16xi32>
        %shift_left3A_328 = arith.shli %get3A_233, %shift_left3A_327 : vector<16xi32>
        %bitcast_convert_type3A_329 = tpu.bitcast %shift_left3A_328 : vector<16xi32> -> vector<16xf32>
        %shift_right_logical3A_330 = arith.constant 16 : i32
        %shift_right_logical3A_331 = vector.broadcast %shift_right_logical3A_330 : i32 to vector<16xi32>
        %shift_right_logical3A_332 = arith.shrui %get3A_233, %shift_right_logical3A_331 : vector<16xi32>
        %shift_left3A_333 = arith.constant 16 : i32
        %shift_left3A_334 = vector.broadcast %shift_left3A_333 : i32 to vector<16xi32>
        %shift_left3A_335 = arith.shli %shift_right_logical3A_332, %shift_left3A_334 : vector<16xi32>
        %bitcast_convert_type3A_336 = tpu.bitcast %shift_left3A_335 : vector<16xi32> -> vector<16xf32>
        %swap3A_337 = arith.index_cast %scan3A_213 : i32 to index
        %swap3A_338 = arith.constant 128 : index
        %swap3A_339 = tpu.vector_load %arg19[%swap3A_337, %swap3A_338] {strides = array<i32>} : memref<16x1024xf32, #tpu.memory_space<vmem>>, vector<1x16xf32>,
        %swap3A_340 = vector.shape_cast %swap3A_339 : vector<1x16xf32> to vector<16xf32>
        %swap3A_341 = vector.shape_cast %bitcast_convert_type3A_329 : vector<16xf32> to vector<1x16xf32>
        tpu.vector_store %arg19[%swap3A_337, %swap3A_338], %swap3A_341 {add = true, strides = array<i32>} : memref<16x1024xf32, #tpu.memory_space<vmem>>, vector<1x16xf32>,
        %swap3A_342 = arith.index_cast %scan3A_213 : i32 to index
        %swap3A_343 = arith.constant 144 : index
        %swap3A_344 = tpu.vector_load %arg19[%swap3A_342, %swap3A_343] {strides = array<i32>} : memref<16x1024xf32, #tpu.memory_space<vmem>>, vector<1x16xf32>,
        %swap3A_345 = vector.shape_cast %swap3A_344 : vector<1x16xf32> to vector<16xf32>
        %swap3A_346 = vector.shape_cast %bitcast_convert_type3A_336 : vector<16xf32> to vector<1x16xf32>
        tpu.vector_store %arg19[%swap3A_342, %swap3A_343], %swap3A_346 {add = true, strides = array<i32>} : memref<16x1024xf32, #tpu.memory_space<vmem>>, vector<1x16xf32>,
        %shift_left3A_347 = arith.constant 16 : i32
        %shift_left3A_348 = vector.broadcast %shift_left3A_347 : i32 to vector<16xi32>
        %shift_left3A_349 = arith.shli %get3A_237, %shift_left3A_348 : vector<16xi32>
        %bitcast_convert_type3A_350 = tpu.bitcast %shift_left3A_349 : vector<16xi32> -> vector<16xf32>
        %shift_right_logical3A_351 = arith.constant 16 : i32
        %shift_right_logical3A_352 = vector.broadcast %shift_right_logical3A_351 : i32 to vector<16xi32>
        %shift_right_logical3A_353 = arith.shrui %get3A_237, %shift_right_logical3A_352 : vector<16xi32>
        %shift_left3A_354 = arith.constant 16 : i32
        %shift_left3A_355 = vector.broadcast %shift_left3A_354 : i32 to vector<16xi32>
        %shift_left3A_356 = arith.shli %shift_right_logical3A_353, %shift_left3A_355 : vector<16xi32>
        %bitcast_convert_type3A_357 = tpu.bitcast %shift_left3A_356 : vector<16xi32> -> vector<16xf32>
        %swap3A_358 = arith.index_cast %scan3A_213 : i32 to index
        %swap3A_359 = arith.constant 160 : index
        %swap3A_360 = tpu.vector_load %arg19[%swap3A_358, %swap3A_359] {strides = array<i32>} : memref<16x1024xf32, #tpu.memory_space<vmem>>, vector<1x16xf32>,
        %swap3A_361 = vector.shape_cast %swap3A_360 : vector<1x16xf32> to vector<16xf32>
        %swap3A_362 = vector.shape_cast %bitcast_convert_type3A_350 : vector<16xf32> to vector<1x16xf32>
        tpu.vector_store %arg19[%swap3A_358, %swap3A_359], %swap3A_362 {add = true, strides = array<i32>} : memref<16x1024xf32, #tpu.memory_space<vmem>>, vector<1x16xf32>,
        %swap3A_363 = arith.index_cast %scan3A_213 : i32 to index
        %swap3A_364 = arith.constant 176 : index
        %swap3A_365 = tpu.vector_load %arg19[%swap3A_363, %swap3A_364] {strides = array<i32>} : memref<16x1024xf32, #tpu.memory_space<vmem>>, vector<1x16xf32>,
        %swap3A_366 = vector.shape_cast %swap3A_365 : vector<1x16xf32> to vector<16xf32>
        %swap3A_367 = vector.shape_cast %bitcast_convert_type3A_357 : vector<16xf32> to vector<1x16xf32>
        tpu.vector_store %arg19[%swap3A_363, %swap3A_364], %swap3A_367 {add = true, strides = array<i32>} : memref<16x1024xf32, #tpu.memory_space<vmem>>, vector<1x16xf32>,
        %shift_left3A_368 = arith.constant 16 : i32
        %shift_left3A_369 = vector.broadcast %shift_left3A_368 : i32 to vector<16xi32>
        %shift_left3A_370 = arith.shli %get3A_241, %shift_left3A_369 : vector<16xi32>
        %bitcast_convert_type3A_371 = tpu.bitcast %shift_left3A_370 : vector<16xi32> -> vector<16xf32>
        %shift_right_logical3A_372 = arith.constant 16 : i32
        %shift_right_logical3A_373 = vector.broadcast %shift_right_logical3A_372 : i32 to vector<16xi32>
        %shift_right_logical3A_374 = arith.shrui %get3A_241, %shift_right_logical3A_373 : vector<16xi32>
        %shift_left3A_375 = arith.constant 16 : i32
        %shift_left3A_376 = vector.broadcast %shift_left3A_375 : i32 to vector<16xi32>
        %shift_left3A_377 = arith.shli %shift_right_logical3A_374, %shift_left3A_376 : vector<16xi32>
        %bitcast_convert_type3A_378 = tpu.bitcast %shift_left3A_377 : vector<16xi32> -> vector<16xf32>
        %swap3A_379 = arith.index_cast %scan3A_213 : i32 to index
        %swap3A_380 = arith.constant 192 : index
        %swap3A_381 = tpu.vector_load %arg19[%swap3A_379, %swap3A_380] {strides = array<i32>} : memref<16x1024xf32, #tpu.memory_space<vmem>>, vector<1x16xf32>,
        %swap3A_382 = vector.shape_cast %swap3A_381 : vector<1x16xf32> to vector<16xf32>
        %swap3A_383 = vector.shape_cast %bitcast_convert_type3A_371 : vector<16xf32> to vector<1x16xf32>
        tpu.vector_store %arg19[%swap3A_379, %swap3A_380], %swap3A_383 {add = true, strides = array<i32>} : memref<16x1024xf32, #tpu.memory_space<vmem>>, vector<1x16xf32>,
        %swap3A_384 = arith.index_cast %scan3A_213 : i32 to index
        %swap3A_385 = arith.constant 208 : index
        %swap3A_386 = tpu.vector_load %arg19[%swap3A_384, %swap3A_385] {strides = array<i32>} : memref<16x1024xf32, #tpu.memory_space<vmem>>, vector<1x16xf32>,
        %swap3A_387 = vector.shape_cast %swap3A_386 : vector<1x16xf32> to vector<16xf32>
        %swap3A_388 = vector.shape_cast %bitcast_convert_type3A_378 : vector<16xf32> to vector<1x16xf32>
        tpu.vector_store %arg19[%swap3A_384, %swap3A_385], %swap3A_388 {add = true, strides = array<i32>} : memref<16x1024xf32, #tpu.memory_space<vmem>>, vector<1x16xf32>,
        %shift_left3A_389 = arith.constant 16 : i32
        %shift_left3A_390 = vector.broadcast %shift_left3A_389 : i32 to vector<16xi32>
        %shift_left3A_391 = arith.shli %get3A_245, %shift_left3A_390 : vector<16xi32>
        %bitcast_convert_type3A_392 = tpu.bitcast %shift_left3A_391 : vector<16xi32> -> vector<16xf32>
        %shift_right_logical3A_393 = arith.constant 16 : i32
        %shift_right_logical3A_394 = vector.broadcast %shift_right_logical3A_393 : i32 to vector<16xi32>
        %shift_right_logical3A_395 = arith.shrui %get3A_245, %shift_right_logical3A_394 : vector<16xi32>
        %shift_left3A_396 = arith.constant 16 : i32
        %shift_left3A_397 = vector.broadcast %shift_left3A_396 : i32 to vector<16xi32>
        %shift_left3A_398 = arith.shli %shift_right_logical3A_395, %shift_left3A_397 : vector<16xi32>
        %bitcast_convert_type3A_399 = tpu.bitcast %shift_left3A_398 : vector<16xi32> -> vector<16xf32>
        %swap3A_400 = arith.index_cast %scan3A_213 : i32 to index
        %swap3A_401 = arith.constant 224 : index
        %swap3A_402 = tpu.vector_load %arg19[%swap3A_400, %swap3A_401] {strides = array<i32>} : memref<16x1024xf32, #tpu.memory_space<vmem>>, vector<1x16xf32>,
        %swap3A_403 = vector.shape_cast %swap3A_402 : vector<1x16xf32> to vector<16xf32>
        %swap3A_404 = vector.shape_cast %bitcast_convert_type3A_392 : vector<16xf32> to vector<1x16xf32>
        tpu.vector_store %arg19[%swap3A_400, %swap3A_401], %swap3A_404 {add = true, strides = array<i32>} : memref<16x1024xf32, #tpu.memory_space<vmem>>, vector<1x16xf32>,
        %swap3A_405 = arith.index_cast %scan3A_213 : i32 to index
        %swap3A_406 = arith.constant 240 : index
        %swap3A_407 = tpu.vector_load %arg19[%swap3A_405, %swap3A_406] {strides = array<i32>} : memref<16x1024xf32, #tpu.memory_space<vmem>>, vector<1x16xf32>,
        %swap3A_408 = vector.shape_cast %swap3A_407 : vector<1x16xf32> to vector<16xf32>
        %swap3A_409 = vector.shape_cast %bitcast_convert_type3A_399 : vector<16xf32> to vector<1x16xf32>
        tpu.vector_store %arg19[%swap3A_405, %swap3A_406], %swap3A_409 {add = true, strides = array<i32>} : memref<16x1024xf32, #tpu.memory_space<vmem>>, vector<1x16xf32>,
        %get3A_410 = arith.index_cast %scan3A_213 : i32 to index
        %get3A_411 = arith.constant 128 : index
        %get3A_412 = tpu.vector_load %arg20[%get3A_410, %get3A_411] {strides = array<i32>} : memref<16x512xi32, #tpu.memory_space<vmem>>, vector<1x16xi32>,
        %get3A_413 = vector.shape_cast %get3A_412 : vector<1x16xi32> to vector<16xi32>
        %get3A_414 = arith.index_cast %scan3A_213 : i32 to index
        %get3A_415 = arith.constant 144 : index
        %get3A_416 = tpu.vector_load %arg20[%get3A_414, %get3A_415] {strides = array<i32>} : memref<16x512xi32, #tpu.memory_space<vmem>>, vector<1x16xi32>,
        %get3A_417 = vector.shape_cast %get3A_416 : vector<1x16xi32> to vector<16xi32>
        %get3A_418 = arith.index_cast %scan3A_213 : i32 to index
        %get3A_419 = arith.constant 160 : index
        %get3A_420 = tpu.vector_load %arg20[%get3A_418, %get3A_419] {strides = array<i32>} : memref<16x512xi32, #tpu.memory_space<vmem>>, vector<1x16xi32>,
        %get3A_421 = vector.shape_cast %get3A_420 : vector<1x16xi32> to vector<16xi32>
        %get3A_422 = arith.index_cast %scan3A_213 : i32 to index
        %get3A_423 = arith.constant 176 : index
        %get3A_424 = tpu.vector_load %arg20[%get3A_422, %get3A_423] {strides = array<i32>} : memref<16x512xi32, #tpu.memory_space<vmem>>, vector<1x16xi32>,
        %get3A_425 = vector.shape_cast %get3A_424 : vector<1x16xi32> to vector<16xi32>
        %get3A_426 = arith.index_cast %scan3A_213 : i32 to index
        %get3A_427 = arith.constant 192 : index
        %get3A_428 = tpu.vector_load %arg20[%get3A_426, %get3A_427] {strides = array<i32>} : memref<16x512xi32, #tpu.memory_space<vmem>>, vector<1x16xi32>,
        %get3A_429 = vector.shape_cast %get3A_428 : vector<1x16xi32> to vector<16xi32>
        %get3A_430 = arith.index_cast %scan3A_213 : i32 to index
        %get3A_431 = arith.constant 208 : index
        %get3A_432 = tpu.vector_load %arg20[%get3A_430, %get3A_431] {strides = array<i32>} : memref<16x512xi32, #tpu.memory_space<vmem>>, vector<1x16xi32>,
        %get3A_433 = vector.shape_cast %get3A_432 : vector<1x16xi32> to vector<16xi32>
        %get3A_434 = arith.index_cast %scan3A_213 : i32 to index
        %get3A_435 = arith.constant 224 : index
        %get3A_436 = tpu.vector_load %arg20[%get3A_434, %get3A_435] {strides = array<i32>} : memref<16x512xi32, #tpu.memory_space<vmem>>, vector<1x16xi32>,
        %get3A_437 = vector.shape_cast %get3A_436 : vector<1x16xi32> to vector<16xi32>
        %get3A_438 = arith.index_cast %scan3A_213 : i32 to index
        %get3A_439 = arith.constant 240 : index
        %get3A_440 = tpu.vector_load %arg20[%get3A_438, %get3A_439] {strides = array<i32>} : memref<16x512xi32, #tpu.memory_space<vmem>>, vector<1x16xi32>,
        %get3A_441 = vector.shape_cast %get3A_440 : vector<1x16xi32> to vector<16xi32>
        %shift_left3A_442 = arith.constant 16 : i32
        %shift_left3A_443 = vector.broadcast %shift_left3A_442 : i32 to vector<16xi32>
        %shift_left3A_444 = arith.shli %get3A_413, %shift_left3A_443 : vector<16xi32>
        %bitcast_convert_type3A_445 = tpu.bitcast %shift_left3A_444 : vector<16xi32> -> vector<16xf32>
        %shift_right_logical3A_446 = arith.constant 16 : i32
        %shift_right_logical3A_447 = vector.broadcast %shift_right_logical3A_446 : i32 to vector<16xi32>
        %shift_right_logical3A_448 = arith.shrui %get3A_413, %shift_right_logical3A_447 : vector<16xi32>
        %shift_left3A_449 = arith.constant 16 : i32
        %shift_left3A_450 = vector.broadcast %shift_left3A_449 : i32 to vector<16xi32>
        %shift_left3A_451 = arith.shli %shift_right_logical3A_448, %shift_left3A_450 : vector<16xi32>
        %bitcast_convert_type3A_452 = tpu.bitcast %shift_left3A_451 : vector<16xi32> -> vector<16xf32>
        %swap3A_453 = arith.index_cast %scan3A_213 : i32 to index
        %swap3A_454 = arith.constant 256 : index
        %swap3A_455 = tpu.vector_load %arg19[%swap3A_453, %swap3A_454] {strides = array<i32>} : memref<16x1024xf32, #tpu.memory_space<vmem>>, vector<1x16xf32>,
        %swap3A_456 = vector.shape_cast %swap3A_455 : vector<1x16xf32> to vector<16xf32>
        %swap3A_457 = vector.shape_cast %bitcast_convert_type3A_445 : vector<16xf32> to vector<1x16xf32>
        tpu.vector_store %arg19[%swap3A_453, %swap3A_454], %swap3A_457 {add = true, strides = array<i32>} : memref<16x1024xf32, #tpu.memory_space<vmem>>, vector<1x16xf32>,
        %swap3A_458 = arith.index_cast %scan3A_213 : i32 to index
        %swap3A_459 = arith.constant 272 : index
        %swap3A_460 = tpu.vector_load %arg19[%swap3A_458, %swap3A_459] {strides = array<i32>} : memref<16x1024xf32, #tpu.memory_space<vmem>>, vector<1x16xf32>,
        %swap3A_461 = vector.shape_cast %swap3A_460 : vector<1x16xf32> to vector<16xf32>
        %swap3A_462 = vector.shape_cast %bitcast_convert_type3A_452 : vector<16xf32> to vector<1x16xf32>
        tpu.vector_store %arg19[%swap3A_458, %swap3A_459], %swap3A_462 {add = true, strides = array<i32>} : memref<16x1024xf32, #tpu.memory_space<vmem>>, vector<1x16xf32>,
        %shift_left3A_463 = arith.constant 16 : i32
        %shift_left3A_464 = vector.broadcast %shift_left3A_463 : i32 to vector<16xi32>
        %shift_left3A_465 = arith.shli %get3A_417, %shift_left3A_464 : vector<16xi32>
        %bitcast_convert_type3A_466 = tpu.bitcast %shift_left3A_465 : vector<16xi32> -> vector<16xf32>
        %shift_right_logical3A_467 = arith.constant 16 : i32
        %shift_right_logical3A_468 = vector.broadcast %shift_right_logical3A_467 : i32 to vector<16xi32>
        %shift_right_logical3A_469 = arith.shrui %get3A_417, %shift_right_logical3A_468 : vector<16xi32>
        %shift_left3A_470 = arith.constant 16 : i32
        %shift_left3A_471 = vector.broadcast %shift_left3A_470 : i32 to vector<16xi32>
        %shift_left3A_472 = arith.shli %shift_right_logical3A_469, %shift_left3A_471 : vector<16xi32>
        %bitcast_convert_type3A_473 = tpu.bitcast %shift_left3A_472 : vector<16xi32> -> vector<16xf32>
        %swap3A_474 = arith.index_cast %scan3A_213 : i32 to index
        %swap3A_475 = arith.constant 288 : index
        %swap3A_476 = tpu.vector_load %arg19[%swap3A_474, %swap3A_475] {strides = array<i32>} : memref<16x1024xf32, #tpu.memory_space<vmem>>, vector<1x16xf32>,
        %swap3A_477 = vector.shape_cast %swap3A_476 : vector<1x16xf32> to vector<16xf32>
        %swap3A_478 = vector.shape_cast %bitcast_convert_type3A_466 : vector<16xf32> to vector<1x16xf32>
        tpu.vector_store %arg19[%swap3A_474, %swap3A_475], %swap3A_478 {add = true, strides = array<i32>} : memref<16x1024xf32, #tpu.memory_space<vmem>>, vector<1x16xf32>,
        %swap3A_479 = arith.index_cast %scan3A_213 : i32 to index
        %swap3A_480 = arith.constant 304 : index
        %swap3A_481 = tpu.vector_load %arg19[%swap3A_479, %swap3A_480] {strides = array<i32>} : memref<16x1024xf32, #tpu.memory_space<vmem>>, vector<1x16xf32>,
        %swap3A_482 = vector.shape_cast %swap3A_481 : vector<1x16xf32> to vector<16xf32>
        %swap3A_483 = vector.shape_cast %bitcast_convert_type3A_473 : vector<16xf32> to vector<1x16xf32>
        tpu.vector_store %arg19[%swap3A_479, %swap3A_480], %swap3A_483 {add = true, strides = array<i32>} : memref<16x1024xf32, #tpu.memory_space<vmem>>, vector<1x16xf32>,
        %shift_left3A_484 = arith.constant 16 : i32
        %shift_left3A_485 = vector.broadcast %shift_left3A_484 : i32 to vector<16xi32>
        %shift_left3A_486 = arith.shli %get3A_421, %shift_left3A_485 : vector<16xi32>
        %bitcast_convert_type3A_487 = tpu.bitcast %shift_left3A_486 : vector<16xi32> -> vector<16xf32>
        %shift_right_logical3A_488 = arith.constant 16 : i32
        %shift_right_logical3A_489 = vector.broadcast %shift_right_logical3A_488 : i32 to vector<16xi32>
        %shift_right_logical3A_490 = arith.shrui %get3A_421, %shift_right_logical3A_489 : vector<16xi32>
        %shift_left3A_491 = arith.constant 16 : i32
        %shift_left3A_492 = vector.broadcast %shift_left3A_491 : i32 to vector<16xi32>
        %shift_left3A_493 = arith.shli %shift_right_logical3A_490, %shift_left3A_492 : vector<16xi32>
        %bitcast_convert_type3A_494 = tpu.bitcast %shift_left3A_493 : vector<16xi32> -> vector<16xf32>
        %swap3A_495 = arith.index_cast %scan3A_213 : i32 to index
        %swap3A_496 = arith.constant 320 : index
        %swap3A_497 = tpu.vector_load %arg19[%swap3A_495, %swap3A_496] {strides = array<i32>} : memref<16x1024xf32, #tpu.memory_space<vmem>>, vector<1x16xf32>,
        %swap3A_498 = vector.shape_cast %swap3A_497 : vector<1x16xf32> to vector<16xf32>
        %swap3A_499 = vector.shape_cast %bitcast_convert_type3A_487 : vector<16xf32> to vector<1x16xf32>
        tpu.vector_store %arg19[%swap3A_495, %swap3A_496], %swap3A_499 {add = true, strides = array<i32>} : memref<16x1024xf32, #tpu.memory_space<vmem>>, vector<1x16xf32>,
        %swap3A_500 = arith.index_cast %scan3A_213 : i32 to index
        %swap3A_501 = arith.constant 336 : index
        %swap3A_502 = tpu.vector_load %arg19[%swap3A_500, %swap3A_501] {strides = array<i32>} : memref<16x1024xf32, #tpu.memory_space<vmem>>, vector<1x16xf32>,
        %swap3A_503 = vector.shape_cast %swap3A_502 : vector<1x16xf32> to vector<16xf32>
        %swap3A_504 = vector.shape_cast %bitcast_convert_type3A_494 : vector<16xf32> to vector<1x16xf32>
        tpu.vector_store %arg19[%swap3A_500, %swap3A_501], %swap3A_504 {add = true, strides = array<i32>} : memref<16x1024xf32, #tpu.memory_space<vmem>>, vector<1x16xf32>,
        %shift_left3A_505 = arith.constant 16 : i32
        %shift_left3A_506 = vector.broadcast %shift_left3A_505 : i32 to vector<16xi32>
        %shift_left3A_507 = arith.shli %get3A_425, %shift_left3A_506 : vector<16xi32>
        %bitcast_convert_type3A_508 = tpu.bitcast %shift_left3A_507 : vector<16xi32> -> vector<16xf32>
        %shift_right_logical3A_509 = arith.constant 16 : i32
        %shift_right_logical3A_510 = vector.broadcast %shift_right_logical3A_509 : i32 to vector<16xi32>
        %shift_right_logical3A_511 = arith.shrui %get3A_425, %shift_right_logical3A_510 : vector<16xi32>
        %shift_left3A_512 = arith.constant 16 : i32
        %shift_left3A_513 = vector.broadcast %shift_left3A_512 : i32 to vector<16xi32>
        %shift_left3A_514 = arith.shli %shift_right_logical3A_511, %shift_left3A_513 : vector<16xi32>
        %bitcast_convert_type3A_515 = tpu.bitcast %shift_left3A_514 : vector<16xi32> -> vector<16xf32>
        %swap3A_516 = arith.index_cast %scan3A_213 : i32 to index
        %swap3A_517 = arith.constant 352 : index
        %swap3A_518 = tpu.vector_load %arg19[%swap3A_516, %swap3A_517] {strides = array<i32>} : memref<16x1024xf32, #tpu.memory_space<vmem>>, vector<1x16xf32>,
        %swap3A_519 = vector.shape_cast %swap3A_518 : vector<1x16xf32> to vector<16xf32>
        %swap3A_520 = vector.shape_cast %bitcast_convert_type3A_508 : vector<16xf32> to vector<1x16xf32>
        tpu.vector_store %arg19[%swap3A_516, %swap3A_517], %swap3A_520 {add = true, strides = array<i32>} : memref<16x1024xf32, #tpu.memory_space<vmem>>, vector<1x16xf32>,
        %swap3A_521 = arith.index_cast %scan3A_213 : i32 to index
        %swap3A_522 = arith.constant 368 : index
        %swap3A_523 = tpu.vector_load %arg19[%swap3A_521, %swap3A_522] {strides = array<i32>} : memref<16x1024xf32, #tpu.memory_space<vmem>>, vector<1x16xf32>,
        %swap3A_524 = vector.shape_cast %swap3A_523 : vector<1x16xf32> to vector<16xf32>
        %swap3A_525 = vector.shape_cast %bitcast_convert_type3A_515 : vector<16xf32> to vector<1x16xf32>
        tpu.vector_store %arg19[%swap3A_521, %swap3A_522], %swap3A_525 {add = true, strides = array<i32>} : memref<16x1024xf32, #tpu.memory_space<vmem>>, vector<1x16xf32>,
        %shift_left3A_526 = arith.constant 16 : i32
        %shift_left3A_527 = vector.broadcast %shift_left3A_526 : i32 to vector<16xi32>
        %shift_left3A_528 = arith.shli %get3A_429, %shift_left3A_527 : vector<16xi32>
        %bitcast_convert_type3A_529 = tpu.bitcast %shift_left3A_528 : vector<16xi32> -> vector<16xf32>
        %shift_right_logical3A_530 = arith.constant 16 : i32
        %shift_right_logical3A_531 = vector.broadcast %shift_right_logical3A_530 : i32 to vector<16xi32>
        %shift_right_logical3A_532 = arith.shrui %get3A_429, %shift_right_logical3A_531 : vector<16xi32>
        %shift_left3A_533 = arith.constant 16 : i32
        %shift_left3A_534 = vector.broadcast %shift_left3A_533 : i32 to vector<16xi32>
        %shift_left3A_535 = arith.shli %shift_right_logical3A_532, %shift_left3A_534 : vector<16xi32>
        %bitcast_convert_type3A_536 = tpu.bitcast %shift_left3A_535 : vector<16xi32> -> vector<16xf32>
        %swap3A_537 = arith.index_cast %scan3A_213 : i32 to index
        %swap3A_538 = arith.constant 384 : index
        %swap3A_539 = tpu.vector_load %arg19[%swap3A_537, %swap3A_538] {strides = array<i32>} : memref<16x1024xf32, #tpu.memory_space<vmem>>, vector<1x16xf32>,
        %swap3A_540 = vector.shape_cast %swap3A_539 : vector<1x16xf32> to vector<16xf32>
        %swap3A_541 = vector.shape_cast %bitcast_convert_type3A_529 : vector<16xf32> to vector<1x16xf32>
        tpu.vector_store %arg19[%swap3A_537, %swap3A_538], %swap3A_541 {add = true, strides = array<i32>} : memref<16x1024xf32, #tpu.memory_space<vmem>>, vector<1x16xf32>,
        %swap3A_542 = arith.index_cast %scan3A_213 : i32 to index
        %swap3A_543 = arith.constant 400 : index
        %swap3A_544 = tpu.vector_load %arg19[%swap3A_542, %swap3A_543] {strides = array<i32>} : memref<16x1024xf32, #tpu.memory_space<vmem>>, vector<1x16xf32>,
        %swap3A_545 = vector.shape_cast %swap3A_544 : vector<1x16xf32> to vector<16xf32>
        %swap3A_546 = vector.shape_cast %bitcast_convert_type3A_536 : vector<16xf32> to vector<1x16xf32>
        tpu.vector_store %arg19[%swap3A_542, %swap3A_543], %swap3A_546 {add = true, strides = array<i32>} : memref<16x1024xf32, #tpu.memory_space<vmem>>, vector<1x16xf32>,
        %shift_left3A_547 = arith.constant 16 : i32
        %shift_left3A_548 = vector.broadcast %shift_left3A_547 : i32 to vector<16xi32>
        %shift_left3A_549 = arith.shli %get3A_433, %shift_left3A_548 : vector<16xi32>
        %bitcast_convert_type3A_550 = tpu.bitcast %shift_left3A_549 : vector<16xi32> -> vector<16xf32>
        %shift_right_logical3A_551 = arith.constant 16 : i32
        %shift_right_logical3A_552 = vector.broadcast %shift_right_logical3A_551 : i32 to vector<16xi32>
        %shift_right_logical3A_553 = arith.shrui %get3A_433, %shift_right_logical3A_552 : vector<16xi32>
        %shift_left3A_554 = arith.constant 16 : i32
        %shift_left3A_555 = vector.broadcast %shift_left3A_554 : i32 to vector<16xi32>
        %shift_left3A_556 = arith.shli %shift_right_logical3A_553, %shift_left3A_555 : vector<16xi32>
        %bitcast_convert_type3A_557 = tpu.bitcast %shift_left3A_556 : vector<16xi32> -> vector<16xf32>
        %swap3A_558 = arith.index_cast %scan3A_213 : i32 to index
        %swap3A_559 = arith.constant 416 : index
        %swap3A_560 = tpu.vector_load %arg19[%swap3A_558, %swap3A_559] {strides = array<i32>} : memref<16x1024xf32, #tpu.memory_space<vmem>>, vector<1x16xf32>,
        %swap3A_561 = vector.shape_cast %swap3A_560 : vector<1x16xf32> to vector<16xf32>
        %swap3A_562 = vector.shape_cast %bitcast_convert_type3A_550 : vector<16xf32> to vector<1x16xf32>
        tpu.vector_store %arg19[%swap3A_558, %swap3A_559], %swap3A_562 {add = true, strides = array<i32>} : memref<16x1024xf32, #tpu.memory_space<vmem>>, vector<1x16xf32>,
        %swap3A_563 = arith.index_cast %scan3A_213 : i32 to index
        %swap3A_564 = arith.constant 432 : index
        %swap3A_565 = tpu.vector_load %arg19[%swap3A_563, %swap3A_564] {strides = array<i32>} : memref<16x1024xf32, #tpu.memory_space<vmem>>, vector<1x16xf32>,
        %swap3A_566 = vector.shape_cast %swap3A_565 : vector<1x16xf32> to vector<16xf32>
        %swap3A_567 = vector.shape_cast %bitcast_convert_type3A_557 : vector<16xf32> to vector<1x16xf32>
        tpu.vector_store %arg19[%swap3A_563, %swap3A_564], %swap3A_567 {add = true, strides = array<i32>} : memref<16x1024xf32, #tpu.memory_space<vmem>>, vector<1x16xf32>,
        %shift_left3A_568 = arith.constant 16 : i32
        %shift_left3A_569 = vector.broadcast %shift_left3A_568 : i32 to vector<16xi32>
        %shift_left3A_570 = arith.shli %get3A_437, %shift_left3A_569 : vector<16xi32>
        %bitcast_convert_type3A_571 = tpu.bitcast %shift_left3A_570 : vector<16xi32> -> vector<16xf32>
        %shift_right_logical3A_572 = arith.constant 16 : i32
        %shift_right_logical3A_573 = vector.broadcast %shift_right_logical3A_572 : i32 to vector<16xi32>
        %shift_right_logical3A_574 = arith.shrui %get3A_437, %shift_right_logical3A_573 : vector<16xi32>
        %shift_left3A_575 = arith.constant 16 : i32
        %shift_left3A_576 = vector.broadcast %shift_left3A_575 : i32 to vector<16xi32>
        %shift_left3A_577 = arith.shli %shift_right_logical3A_574, %shift_left3A_576 : vector<16xi32>
        %bitcast_convert_type3A_578 = tpu.bitcast %shift_left3A_577 : vector<16xi32> -> vector<16xf32>
        %swap3A_579 = arith.index_cast %scan3A_213 : i32 to index
        %swap3A_580 = arith.constant 448 : index
        %swap3A_581 = tpu.vector_load %arg19[%swap3A_579, %swap3A_580] {strides = array<i32>} : memref<16x1024xf32, #tpu.memory_space<vmem>>, vector<1x16xf32>,
        %swap3A_582 = vector.shape_cast %swap3A_581 : vector<1x16xf32> to vector<16xf32>
        %swap3A_583 = vector.shape_cast %bitcast_convert_type3A_571 : vector<16xf32> to vector<1x16xf32>
        tpu.vector_store %arg19[%swap3A_579, %swap3A_580], %swap3A_583 {add = true, strides = array<i32>} : memref<16x1024xf32, #tpu.memory_space<vmem>>, vector<1x16xf32>,
        %swap3A_584 = arith.index_cast %scan3A_213 : i32 to index
        %swap3A_585 = arith.constant 464 : index
        %swap3A_586 = tpu.vector_load %arg19[%swap3A_584, %swap3A_585] {strides = array<i32>} : memref<16x1024xf32, #tpu.memory_space<vmem>>, vector<1x16xf32>,
        %swap3A_587 = vector.shape_cast %swap3A_586 : vector<1x16xf32> to vector<16xf32>
        %swap3A_588 = vector.shape_cast %bitcast_convert_type3A_578 : vector<16xf32> to vector<1x16xf32>
        tpu.vector_store %arg19[%swap3A_584, %swap3A_585], %swap3A_588 {add = true, strides = array<i32>} : memref<16x1024xf32, #tpu.memory_space<vmem>>, vector<1x16xf32>,
        %shift_left3A_589 = arith.constant 16 : i32
        %shift_left3A_590 = vector.broadcast %shift_left3A_589 : i32 to vector<16xi32>
        %shift_left3A_591 = arith.shli %get3A_441, %shift_left3A_590 : vector<16xi32>
        %bitcast_convert_type3A_592 = tpu.bitcast %shift_left3A_591 : vector<16xi32> -> vector<16xf32>
        %shift_right_logical3A_593 = arith.constant 16 : i32
        %shift_right_logical3A_594 = vector.broadcast %shift_right_logical3A_593 : i32 to vector<16xi32>
        %shift_right_logical3A_595 = arith.shrui %get3A_441, %shift_right_logical3A_594 : vector<16xi32>
        %shift_left3A_596 = arith.constant 16 : i32
        %shift_left3A_597 = vector.broadcast %shift_left3A_596 : i32 to vector<16xi32>
        %shift_left3A_598 = arith.shli %shift_right_logical3A_595, %shift_left3A_597 : vector<16xi32>
        %bitcast_convert_type3A_599 = tpu.bitcast %shift_left3A_598 : vector<16xi32> -> vector<16xf32>
        %swap3A_600 = arith.index_cast %scan3A_213 : i32 to index
        %swap3A_601 = arith.constant 480 : index
        %swap3A_602 = tpu.vector_load %arg19[%swap3A_600, %swap3A_601] {strides = array<i32>} : memref<16x1024xf32, #tpu.memory_space<vmem>>, vector<1x16xf32>,
        %swap3A_603 = vector.shape_cast %swap3A_602 : vector<1x16xf32> to vector<16xf32>
        %swap3A_604 = vector.shape_cast %bitcast_convert_type3A_592 : vector<16xf32> to vector<1x16xf32>
        tpu.vector_store %arg19[%swap3A_600, %swap3A_601], %swap3A_604 {add = true, strides = array<i32>} : memref<16x1024xf32, #tpu.memory_space<vmem>>, vector<1x16xf32>,
        %swap3A_605 = arith.index_cast %scan3A_213 : i32 to index
        %swap3A_606 = arith.constant 496 : index
        %swap3A_607 = tpu.vector_load %arg19[%swap3A_605, %swap3A_606] {strides = array<i32>} : memref<16x1024xf32, #tpu.memory_space<vmem>>, vector<1x16xf32>,
        %swap3A_608 = vector.shape_cast %swap3A_607 : vector<1x16xf32> to vector<16xf32>
        %swap3A_609 = vector.shape_cast %bitcast_convert_type3A_599 : vector<16xf32> to vector<1x16xf32>
        tpu.vector_store %arg19[%swap3A_605, %swap3A_606], %swap3A_609 {add = true, strides = array<i32>} : memref<16x1024xf32, #tpu.memory_space<vmem>>, vector<1x16xf32>,
        %get3A_610 = arith.index_cast %scan3A_213 : i32 to index
        %get3A_611 = arith.constant 256 : index
        %get3A_612 = tpu.vector_load %arg20[%get3A_610, %get3A_611] {strides = array<i32>} : memref<16x512xi32, #tpu.memory_space<vmem>>, vector<1x16xi32>,
        %get3A_613 = vector.shape_cast %get3A_612 : vector<1x16xi32> to vector<16xi32>
        %get3A_614 = arith.index_cast %scan3A_213 : i32 to index
        %get3A_615 = arith.constant 272 : index
        %get3A_616 = tpu.vector_load %arg20[%get3A_614, %get3A_615] {strides = array<i32>} : memref<16x512xi32, #tpu.memory_space<vmem>>, vector<1x16xi32>,
        %get3A_617 = vector.shape_cast %get3A_616 : vector<1x16xi32> to vector<16xi32>
        %get3A_618 = arith.index_cast %scan3A_213 : i32 to index
        %get3A_619 = arith.constant 288 : index
        %get3A_620 = tpu.vector_load %arg20[%get3A_618, %get3A_619] {strides = array<i32>} : memref<16x512xi32, #tpu.memory_space<vmem>>, vector<1x16xi32>,
        %get3A_621 = vector.shape_cast %get3A_620 : vector<1x16xi32> to vector<16xi32>
        %get3A_622 = arith.index_cast %scan3A_213 : i32 to index
        %get3A_623 = arith.constant 304 : index
        %get3A_624 = tpu.vector_load %arg20[%get3A_622, %get3A_623] {strides = array<i32>} : memref<16x512xi32, #tpu.memory_space<vmem>>, vector<1x16xi32>,
        %get3A_625 = vector.shape_cast %get3A_624 : vector<1x16xi32> to vector<16xi32>
        %get3A_626 = arith.index_cast %scan3A_213 : i32 to index
        %get3A_627 = arith.constant 320 : index
        %get3A_628 = tpu.vector_load %arg20[%get3A_626, %get3A_627] {strides = array<i32>} : memref<16x512xi32, #tpu.memory_space<vmem>>, vector<1x16xi32>,
        %get3A_629 = vector.shape_cast %get3A_628 : vector<1x16xi32> to vector<16xi32>
        %get3A_630 = arith.index_cast %scan3A_213 : i32 to index
        %get3A_631 = arith.constant 336 : index
        %get3A_632 = tpu.vector_load %arg20[%get3A_630, %get3A_631] {strides = array<i32>} : memref<16x512xi32, #tpu.memory_space<vmem>>, vector<1x16xi32>,
        %get3A_633 = vector.shape_cast %get3A_632 : vector<1x16xi32> to vector<16xi32>
        %get3A_634 = arith.index_cast %scan3A_213 : i32 to index
        %get3A_635 = arith.constant 352 : index
        %get3A_636 = tpu.vector_load %arg20[%get3A_634, %get3A_635] {strides = array<i32>} : memref<16x512xi32, #tpu.memory_space<vmem>>, vector<1x16xi32>,
        %get3A_637 = vector.shape_cast %get3A_636 : vector<1x16xi32> to vector<16xi32>
        %get3A_638 = arith.index_cast %scan3A_213 : i32 to index
        %get3A_639 = arith.constant 368 : index
        %get3A_640 = tpu.vector_load %arg20[%get3A_638, %get3A_639] {strides = array<i32>} : memref<16x512xi32, #tpu.memory_space<vmem>>, vector<1x16xi32>,
        %get3A_641 = vector.shape_cast %get3A_640 : vector<1x16xi32> to vector<16xi32>
        %shift_left3A_642 = arith.constant 16 : i32
        %shift_left3A_643 = vector.broadcast %shift_left3A_642 : i32 to vector<16xi32>
        %shift_left3A_644 = arith.shli %get3A_613, %shift_left3A_643 : vector<16xi32>
        %bitcast_convert_type3A_645 = tpu.bitcast %shift_left3A_644 : vector<16xi32> -> vector<16xf32>
        %shift_right_logical3A_646 = arith.constant 16 : i32
        %shift_right_logical3A_647 = vector.broadcast %shift_right_logical3A_646 : i32 to vector<16xi32>
        %shift_right_logical3A_648 = arith.shrui %get3A_613, %shift_right_logical3A_647 : vector<16xi32>
        %shift_left3A_649 = arith.constant 16 : i32
        %shift_left3A_650 = vector.broadcast %shift_left3A_649 : i32 to vector<16xi32>
        %shift_left3A_651 = arith.shli %shift_right_logical3A_648, %shift_left3A_650 : vector<16xi32>
        %bitcast_convert_type3A_652 = tpu.bitcast %shift_left3A_651 : vector<16xi32> -> vector<16xf32>
        %swap3A_653 = arith.index_cast %scan3A_213 : i32 to index
        %swap3A_654 = arith.constant 512 : index
        %swap3A_655 = tpu.vector_load %arg19[%swap3A_653, %swap3A_654] {strides = array<i32>} : memref<16x1024xf32, #tpu.memory_space<vmem>>, vector<1x16xf32>,
        %swap3A_656 = vector.shape_cast %swap3A_655 : vector<1x16xf32> to vector<16xf32>
        %swap3A_657 = vector.shape_cast %bitcast_convert_type3A_645 : vector<16xf32> to vector<1x16xf32>
        tpu.vector_store %arg19[%swap3A_653, %swap3A_654], %swap3A_657 {add = true, strides = array<i32>} : memref<16x1024xf32, #tpu.memory_space<vmem>>, vector<1x16xf32>,
        %swap3A_658 = arith.index_cast %scan3A_213 : i32 to index
        %swap3A_659 = arith.constant 528 : index
        %swap3A_660 = tpu.vector_load %arg19[%swap3A_658, %swap3A_659] {strides = array<i32>} : memref<16x1024xf32, #tpu.memory_space<vmem>>, vector<1x16xf32>,
        %swap3A_661 = vector.shape_cast %swap3A_660 : vector<1x16xf32> to vector<16xf32>
        %swap3A_662 = vector.shape_cast %bitcast_convert_type3A_652 : vector<16xf32> to vector<1x16xf32>
        tpu.vector_store %arg19[%swap3A_658, %swap3A_659], %swap3A_662 {add = true, strides = array<i32>} : memref<16x1024xf32, #tpu.memory_space<vmem>>, vector<1x16xf32>,
        %shift_left3A_663 = arith.constant 16 : i32
        %shift_left3A_664 = vector.broadcast %shift_left3A_663 : i32 to vector<16xi32>
        %shift_left3A_665 = arith.shli %get3A_617, %shift_left3A_664 : vector<16xi32>
        %bitcast_convert_type3A_666 = tpu.bitcast %shift_left3A_665 : vector<16xi32> -> vector<16xf32>
        %shift_right_logical3A_667 = arith.constant 16 : i32
        %shift_right_logical3A_668 = vector.broadcast %shift_right_logical3A_667 : i32 to vector<16xi32>
        %shift_right_logical3A_669 = arith.shrui %get3A_617, %shift_right_logical3A_668 : vector<16xi32>
        %shift_left3A_670 = arith.constant 16 : i32
        %shift_left3A_671 = vector.broadcast %shift_left3A_670 : i32 to vector<16xi32>
        %shift_left3A_672 = arith.shli %shift_right_logical3A_669, %shift_left3A_671 : vector<16xi32>
        %bitcast_convert_type3A_673 = tpu.bitcast %shift_left3A_672 : vector<16xi32> -> vector<16xf32>
        %swap3A_674 = arith.index_cast %scan3A_213 : i32 to index
        %swap3A_675 = arith.constant 544 : index
        %swap3A_676 = tpu.vector_load %arg19[%swap3A_674, %swap3A_675] {strides = array<i32>} : memref<16x1024xf32, #tpu.memory_space<vmem>>, vector<1x16xf32>,
        %swap3A_677 = vector.shape_cast %swap3A_676 : vector<1x16xf32> to vector<16xf32>
        %swap3A_678 = vector.shape_cast %bitcast_convert_type3A_666 : vector<16xf32> to vector<1x16xf32>
        tpu.vector_store %arg19[%swap3A_674, %swap3A_675], %swap3A_678 {add = true, strides = array<i32>} : memref<16x1024xf32, #tpu.memory_space<vmem>>, vector<1x16xf32>,
        %swap3A_679 = arith.index_cast %scan3A_213 : i32 to index
        %swap3A_680 = arith.constant 560 : index
        %swap3A_681 = tpu.vector_load %arg19[%swap3A_679, %swap3A_680] {strides = array<i32>} : memref<16x1024xf32, #tpu.memory_space<vmem>>, vector<1x16xf32>,
        %swap3A_682 = vector.shape_cast %swap3A_681 : vector<1x16xf32> to vector<16xf32>
        %swap3A_683 = vector.shape_cast %bitcast_convert_type3A_673 : vector<16xf32> to vector<1x16xf32>
        tpu.vector_store %arg19[%swap3A_679, %swap3A_680], %swap3A_683 {add = true, strides = array<i32>} : memref<16x1024xf32, #tpu.memory_space<vmem>>, vector<1x16xf32>,
        %shift_left3A_684 = arith.constant 16 : i32
        %shift_left3A_685 = vector.broadcast %shift_left3A_684 : i32 to vector<16xi32>
        %shift_left3A_686 = arith.shli %get3A_621, %shift_left3A_685 : vector<16xi32>
        %bitcast_convert_type3A_687 = tpu.bitcast %shift_left3A_686 : vector<16xi32> -> vector<16xf32>
        %shift_right_logical3A_688 = arith.constant 16 : i32
        %shift_right_logical3A_689 = vector.broadcast %shift_right_logical3A_688 : i32 to vector<16xi32>
        %shift_right_logical3A_690 = arith.shrui %get3A_621, %shift_right_logical3A_689 : vector<16xi32>
        %shift_left3A_691 = arith.constant 16 : i32
        %shift_left3A_692 = vector.broadcast %shift_left3A_691 : i32 to vector<16xi32>
        %shift_left3A_693 = arith.shli %shift_right_logical3A_690, %shift_left3A_692 : vector<16xi32>
        %bitcast_convert_type3A_694 = tpu.bitcast %shift_left3A_693 : vector<16xi32> -> vector<16xf32>
        %swap3A_695 = arith.index_cast %scan3A_213 : i32 to index
        %swap3A_696 = arith.constant 576 : index
        %swap3A_697 = tpu.vector_load %arg19[%swap3A_695, %swap3A_696] {strides = array<i32>} : memref<16x1024xf32, #tpu.memory_space<vmem>>, vector<1x16xf32>,
        %swap3A_698 = vector.shape_cast %swap3A_697 : vector<1x16xf32> to vector<16xf32>
        %swap3A_699 = vector.shape_cast %bitcast_convert_type3A_687 : vector<16xf32> to vector<1x16xf32>
        tpu.vector_store %arg19[%swap3A_695, %swap3A_696], %swap3A_699 {add = true, strides = array<i32>} : memref<16x1024xf32, #tpu.memory_space<vmem>>, vector<1x16xf32>,
        %swap3A_700 = arith.index_cast %scan3A_213 : i32 to index
        %swap3A_701 = arith.constant 592 : index
        %swap3A_702 = tpu.vector_load %arg19[%swap3A_700, %swap3A_701] {strides = array<i32>} : memref<16x1024xf32, #tpu.memory_space<vmem>>, vector<1x16xf32>,
        %swap3A_703 = vector.shape_cast %swap3A_702 : vector<1x16xf32> to vector<16xf32>
        %swap3A_704 = vector.shape_cast %bitcast_convert_type3A_694 : vector<16xf32> to vector<1x16xf32>
        tpu.vector_store %arg19[%swap3A_700, %swap3A_701], %swap3A_704 {add = true, strides = array<i32>} : memref<16x1024xf32, #tpu.memory_space<vmem>>, vector<1x16xf32>,
        %shift_left3A_705 = arith.constant 16 : i32
        %shift_left3A_706 = vector.broadcast %shift_left3A_705 : i32 to vector<16xi32>
        %shift_left3A_707 = arith.shli %get3A_625, %shift_left3A_706 : vector<16xi32>
        %bitcast_convert_type3A_708 = tpu.bitcast %shift_left3A_707 : vector<16xi32> -> vector<16xf32>
        %shift_right_logical3A_709 = arith.constant 16 : i32
        %shift_right_logical3A_710 = vector.broadcast %shift_right_logical3A_709 : i32 to vector<16xi32>
        %shift_right_logical3A_711 = arith.shrui %get3A_625, %shift_right_logical3A_710 : vector<16xi32>
        %shift_left3A_712 = arith.constant 16 : i32
        %shift_left3A_713 = vector.broadcast %shift_left3A_712 : i32 to vector<16xi32>
        %shift_left3A_714 = arith.shli %shift_right_logical3A_711, %shift_left3A_713 : vector<16xi32>
        %bitcast_convert_type3A_715 = tpu.bitcast %shift_left3A_714 : vector<16xi32> -> vector<16xf32>
        %swap3A_716 = arith.index_cast %scan3A_213 : i32 to index
        %swap3A_717 = arith.constant 608 : index
        %swap3A_718 = tpu.vector_load %arg19[%swap3A_716, %swap3A_717] {strides = array<i32>} : memref<16x1024xf32, #tpu.memory_space<vmem>>, vector<1x16xf32>,
        %swap3A_719 = vector.shape_cast %swap3A_718 : vector<1x16xf32> to vector<16xf32>
        %swap3A_720 = vector.shape_cast %bitcast_convert_type3A_708 : vector<16xf32> to vector<1x16xf32>
        tpu.vector_store %arg19[%swap3A_716, %swap3A_717], %swap3A_720 {add = true, strides = array<i32>} : memref<16x1024xf32, #tpu.memory_space<vmem>>, vector<1x16xf32>,
        %swap3A_721 = arith.index_cast %scan3A_213 : i32 to index
        %swap3A_722 = arith.constant 624 : index
        %swap3A_723 = tpu.vector_load %arg19[%swap3A_721, %swap3A_722] {strides = array<i32>} : memref<16x1024xf32, #tpu.memory_space<vmem>>, vector<1x16xf32>,
        %swap3A_724 = vector.shape_cast %swap3A_723 : vector<1x16xf32> to vector<16xf32>
        %swap3A_725 = vector.shape_cast %bitcast_convert_type3A_715 : vector<16xf32> to vector<1x16xf32>
        tpu.vector_store %arg19[%swap3A_721, %swap3A_722], %swap3A_725 {add = true, strides = array<i32>} : memref<16x1024xf32, #tpu.memory_space<vmem>>, vector<1x16xf32>,
        %shift_left3A_726 = arith.constant 16 : i32
        %shift_left3A_727 = vector.broadcast %shift_left3A_726 : i32 to vector<16xi32>
        %shift_left3A_728 = arith.shli %get3A_629, %shift_left3A_727 : vector<16xi32>
        %bitcast_convert_type3A_729 = tpu.bitcast %shift_left3A_728 : vector<16xi32> -> vector<16xf32>
        %shift_right_logical3A_730 = arith.constant 16 : i32
        %shift_right_logical3A_731 = vector.broadcast %shift_right_logical3A_730 : i32 to vector<16xi32>
        %shift_right_logical3A_732 = arith.shrui %get3A_629, %shift_right_logical3A_731 : vector<16xi32>
        %shift_left3A_733 = arith.constant 16 : i32
        %shift_left3A_734 = vector.broadcast %shift_left3A_733 : i32 to vector<16xi32>
        %shift_left3A_735 = arith.shli %shift_right_logical3A_732, %shift_left3A_734 : vector<16xi32>
        %bitcast_convert_type3A_736 = tpu.bitcast %shift_left3A_735 : vector<16xi32> -> vector<16xf32>
        %swap3A_737 = arith.index_cast %scan3A_213 : i32 to index
        %swap3A_738 = arith.constant 640 : index
        %swap3A_739 = tpu.vector_load %arg19[%swap3A_737, %swap3A_738] {strides = array<i32>} : memref<16x1024xf32, #tpu.memory_space<vmem>>, vector<1x16xf32>,
        %swap3A_740 = vector.shape_cast %swap3A_739 : vector<1x16xf32> to vector<16xf32>
        %swap3A_741 = vector.shape_cast %bitcast_convert_type3A_729 : vector<16xf32> to vector<1x16xf32>
        tpu.vector_store %arg19[%swap3A_737, %swap3A_738], %swap3A_741 {add = true, strides = array<i32>} : memref<16x1024xf32, #tpu.memory_space<vmem>>, vector<1x16xf32>,
        %swap3A_742 = arith.index_cast %scan3A_213 : i32 to index
        %swap3A_743 = arith.constant 656 : index
        %swap3A_744 = tpu.vector_load %arg19[%swap3A_742, %swap3A_743] {strides = array<i32>} : memref<16x1024xf32, #tpu.memory_space<vmem>>, vector<1x16xf32>,
        %swap3A_745 = vector.shape_cast %swap3A_744 : vector<1x16xf32> to vector<16xf32>
        %swap3A_746 = vector.shape_cast %bitcast_convert_type3A_736 : vector<16xf32> to vector<1x16xf32>
        tpu.vector_store %arg19[%swap3A_742, %swap3A_743], %swap3A_746 {add = true, strides = array<i32>} : memref<16x1024xf32, #tpu.memory_space<vmem>>, vector<1x16xf32>,
        %shift_left3A_747 = arith.constant 16 : i32
        %shift_left3A_748 = vector.broadcast %shift_left3A_747 : i32 to vector<16xi32>
        %shift_left3A_749 = arith.shli %get3A_633, %shift_left3A_748 : vector<16xi32>
        %bitcast_convert_type3A_750 = tpu.bitcast %shift_left3A_749 : vector<16xi32> -> vector<16xf32>
        %shift_right_logical3A_751 = arith.constant 16 : i32
        %shift_right_logical3A_752 = vector.broadcast %shift_right_logical3A_751 : i32 to vector<16xi32>
        %shift_right_logical3A_753 = arith.shrui %get3A_633, %shift_right_logical3A_752 : vector<16xi32>
        %shift_left3A_754 = arith.constant 16 : i32
        %shift_left3A_755 = vector.broadcast %shift_left3A_754 : i32 to vector<16xi32>
        %shift_left3A_756 = arith.shli %shift_right_logical3A_753, %shift_left3A_755 : vector<16xi32>
        %bitcast_convert_type3A_757 = tpu.bitcast %shift_left3A_756 : vector<16xi32> -> vector<16xf32>
        %swap3A_758 = arith.index_cast %scan3A_213 : i32 to index
        %swap3A_759 = arith.constant 672 : index
        %swap3A_760 = tpu.vector_load %arg19[%swap3A_758, %swap3A_759] {strides = array<i32>} : memref<16x1024xf32, #tpu.memory_space<vmem>>, vector<1x16xf32>,
        %swap3A_761 = vector.shape_cast %swap3A_760 : vector<1x16xf32> to vector<16xf32>
        %swap3A_762 = vector.shape_cast %bitcast_convert_type3A_750 : vector<16xf32> to vector<1x16xf32>
        tpu.vector_store %arg19[%swap3A_758, %swap3A_759], %swap3A_762 {add = true, strides = array<i32>} : memref<16x1024xf32, #tpu.memory_space<vmem>>, vector<1x16xf32>,
        %swap3A_763 = arith.index_cast %scan3A_213 : i32 to index
        %swap3A_764 = arith.constant 688 : index
        %swap3A_765 = tpu.vector_load %arg19[%swap3A_763, %swap3A_764] {strides = array<i32>} : memref<16x1024xf32, #tpu.memory_space<vmem>>, vector<1x16xf32>,
        %swap3A_766 = vector.shape_cast %swap3A_765 : vector<1x16xf32> to vector<16xf32>
        %swap3A_767 = vector.shape_cast %bitcast_convert_type3A_757 : vector<16xf32> to vector<1x16xf32>
        tpu.vector_store %arg19[%swap3A_763, %swap3A_764], %swap3A_767 {add = true, strides = array<i32>} : memref<16x1024xf32, #tpu.memory_space<vmem>>, vector<1x16xf32>,
        %shift_left3A_768 = arith.constant 16 : i32
        %shift_left3A_769 = vector.broadcast %shift_left3A_768 : i32 to vector<16xi32>
        %shift_left3A_770 = arith.shli %get3A_637, %shift_left3A_769 : vector<16xi32>
        %bitcast_convert_type3A_771 = tpu.bitcast %shift_left3A_770 : vector<16xi32> -> vector<16xf32>
        %shift_right_logical3A_772 = arith.constant 16 : i32
        %shift_right_logical3A_773 = vector.broadcast %shift_right_logical3A_772 : i32 to vector<16xi32>
        %shift_right_logical3A_774 = arith.shrui %get3A_637, %shift_right_logical3A_773 : vector<16xi32>
        %shift_left3A_775 = arith.constant 16 : i32
        %shift_left3A_776 = vector.broadcast %shift_left3A_775 : i32 to vector<16xi32>
        %shift_left3A_777 = arith.shli %shift_right_logical3A_774, %shift_left3A_776 : vector<16xi32>
        %bitcast_convert_type3A_778 = tpu.bitcast %shift_left3A_777 : vector<16xi32> -> vector<16xf32>
        %swap3A_779 = arith.index_cast %scan3A_213 : i32 to index
        %swap3A_780 = arith.constant 704 : index
        %swap3A_781 = tpu.vector_load %arg19[%swap3A_779, %swap3A_780] {strides = array<i32>} : memref<16x1024xf32, #tpu.memory_space<vmem>>, vector<1x16xf32>,
        %swap3A_782 = vector.shape_cast %swap3A_781 : vector<1x16xf32> to vector<16xf32>
        %swap3A_783 = vector.shape_cast %bitcast_convert_type3A_771 : vector<16xf32> to vector<1x16xf32>
        tpu.vector_store %arg19[%swap3A_779, %swap3A_780], %swap3A_783 {add = true, strides = array<i32>} : memref<16x1024xf32, #tpu.memory_space<vmem>>, vector<1x16xf32>,
        %swap3A_784 = arith.index_cast %scan3A_213 : i32 to index
        %swap3A_785 = arith.constant 720 : index
        %swap3A_786 = tpu.vector_load %arg19[%swap3A_784, %swap3A_785] {strides = array<i32>} : memref<16x1024xf32, #tpu.memory_space<vmem>>, vector<1x16xf32>,
        %swap3A_787 = vector.shape_cast %swap3A_786 : vector<1x16xf32> to vector<16xf32>
        %swap3A_788 = vector.shape_cast %bitcast_convert_type3A_778 : vector<16xf32> to vector<1x16xf32>
        tpu.vector_store %arg19[%swap3A_784, %swap3A_785], %swap3A_788 {add = true, strides = array<i32>} : memref<16x1024xf32, #tpu.memory_space<vmem>>, vector<1x16xf32>,
        %shift_left3A_789 = arith.constant 16 : i32
        %shift_left3A_790 = vector.broadcast %shift_left3A_789 : i32 to vector<16xi32>
        %shift_left3A_791 = arith.shli %get3A_641, %shift_left3A_790 : vector<16xi32>
        %bitcast_convert_type3A_792 = tpu.bitcast %shift_left3A_791 : vector<16xi32> -> vector<16xf32>
        %shift_right_logical3A_793 = arith.constant 16 : i32
        %shift_right_logical3A_794 = vector.broadcast %shift_right_logical3A_793 : i32 to vector<16xi32>
        %shift_right_logical3A_795 = arith.shrui %get3A_641, %shift_right_logical3A_794 : vector<16xi32>
        %shift_left3A_796 = arith.constant 16 : i32
        %shift_left3A_797 = vector.broadcast %shift_left3A_796 : i32 to vector<16xi32>
        %shift_left3A_798 = arith.shli %shift_right_logical3A_795, %shift_left3A_797 : vector<16xi32>
        %bitcast_convert_type3A_799 = tpu.bitcast %shift_left3A_798 : vector<16xi32> -> vector<16xf32>
        %swap3A_800 = arith.index_cast %scan3A_213 : i32 to index
        %swap3A_801 = arith.constant 736 : index
        %swap3A_802 = tpu.vector_load %arg19[%swap3A_800, %swap3A_801] {strides = array<i32>} : memref<16x1024xf32, #tpu.memory_space<vmem>>, vector<1x16xf32>,
        %swap3A_803 = vector.shape_cast %swap3A_802 : vector<1x16xf32> to vector<16xf32>
        %swap3A_804 = vector.shape_cast %bitcast_convert_type3A_792 : vector<16xf32> to vector<1x16xf32>
        tpu.vector_store %arg19[%swap3A_800, %swap3A_801], %swap3A_804 {add = true, strides = array<i32>} : memref<16x1024xf32, #tpu.memory_space<vmem>>, vector<1x16xf32>,
        %swap3A_805 = arith.index_cast %scan3A_213 : i32 to index
        %swap3A_806 = arith.constant 752 : index
        %swap3A_807 = tpu.vector_load %arg19[%swap3A_805, %swap3A_806] {strides = array<i32>} : memref<16x1024xf32, #tpu.memory_space<vmem>>, vector<1x16xf32>,
        %swap3A_808 = vector.shape_cast %swap3A_807 : vector<1x16xf32> to vector<16xf32>
        %swap3A_809 = vector.shape_cast %bitcast_convert_type3A_799 : vector<16xf32> to vector<1x16xf32>
        tpu.vector_store %arg19[%swap3A_805, %swap3A_806], %swap3A_809 {add = true, strides = array<i32>} : memref<16x1024xf32, #tpu.memory_space<vmem>>, vector<1x16xf32>,
        %get3A_810 = arith.index_cast %scan3A_213 : i32 to index
        %get3A_811 = arith.constant 384 : index
        %get3A_812 = tpu.vector_load %arg20[%get3A_810, %get3A_811] {strides = array<i32>} : memref<16x512xi32, #tpu.memory_space<vmem>>, vector<1x16xi32>,
        %get3A_813 = vector.shape_cast %get3A_812 : vector<1x16xi32> to vector<16xi32>
        %get3A_814 = arith.index_cast %scan3A_213 : i32 to index
        %get3A_815 = arith.constant 400 : index
        %get3A_816 = tpu.vector_load %arg20[%get3A_814, %get3A_815] {strides = array<i32>} : memref<16x512xi32, #tpu.memory_space<vmem>>, vector<1x16xi32>,
        %get3A_817 = vector.shape_cast %get3A_816 : vector<1x16xi32> to vector<16xi32>
        %get3A_818 = arith.index_cast %scan3A_213 : i32 to index
        %get3A_819 = arith.constant 416 : index
        %get3A_820 = tpu.vector_load %arg20[%get3A_818, %get3A_819] {strides = array<i32>} : memref<16x512xi32, #tpu.memory_space<vmem>>, vector<1x16xi32>,
        %get3A_821 = vector.shape_cast %get3A_820 : vector<1x16xi32> to vector<16xi32>
        %get3A_822 = arith.index_cast %scan3A_213 : i32 to index
        %get3A_823 = arith.constant 432 : index
        %get3A_824 = tpu.vector_load %arg20[%get3A_822, %get3A_823] {strides = array<i32>} : memref<16x512xi32, #tpu.memory_space<vmem>>, vector<1x16xi32>,
        %get3A_825 = vector.shape_cast %get3A_824 : vector<1x16xi32> to vector<16xi32>
        %get3A_826 = arith.index_cast %scan3A_213 : i32 to index
        %get3A_827 = arith.constant 448 : index
        %get3A_828 = tpu.vector_load %arg20[%get3A_826, %get3A_827] {strides = array<i32>} : memref<16x512xi32, #tpu.memory_space<vmem>>, vector<1x16xi32>,
        %get3A_829 = vector.shape_cast %get3A_828 : vector<1x16xi32> to vector<16xi32>
        %get3A_830 = arith.index_cast %scan3A_213 : i32 to index
        %get3A_831 = arith.constant 464 : index
        %get3A_832 = tpu.vector_load %arg20[%get3A_830, %get3A_831] {strides = array<i32>} : memref<16x512xi32, #tpu.memory_space<vmem>>, vector<1x16xi32>,
        %get3A_833 = vector.shape_cast %get3A_832 : vector<1x16xi32> to vector<16xi32>
        %get3A_834 = arith.index_cast %scan3A_213 : i32 to index
        %get3A_835 = arith.constant 480 : index
        %get3A_836 = tpu.vector_load %arg20[%get3A_834, %get3A_835] {strides = array<i32>} : memref<16x512xi32, #tpu.memory_space<vmem>>, vector<1x16xi32>,
        %get3A_837 = vector.shape_cast %get3A_836 : vector<1x16xi32> to vector<16xi32>
        %get3A_838 = arith.index_cast %scan3A_213 : i32 to index
        %get3A_839 = arith.constant 496 : index
        %get3A_840 = tpu.vector_load %arg20[%get3A_838, %get3A_839] {strides = array<i32>} : memref<16x512xi32, #tpu.memory_space<vmem>>, vector<1x16xi32>,
        %get3A_841 = vector.shape_cast %get3A_840 : vector<1x16xi32> to vector<16xi32>
        %shift_left3A_842 = arith.constant 16 : i32
        %shift_left3A_843 = vector.broadcast %shift_left3A_842 : i32 to vector<16xi32>
        %shift_left3A_844 = arith.shli %get3A_813, %shift_left3A_843 : vector<16xi32>
        %bitcast_convert_type3A_845 = tpu.bitcast %shift_left3A_844 : vector<16xi32> -> vector<16xf32>
        %shift_right_logical3A_846 = arith.constant 16 : i32
        %shift_right_logical3A_847 = vector.broadcast %shift_right_logical3A_846 : i32 to vector<16xi32>
        %shift_right_logical3A_848 = arith.shrui %get3A_813, %shift_right_logical3A_847 : vector<16xi32>
        %shift_left3A_849 = arith.constant 16 : i32
        %shift_left3A_850 = vector.broadcast %shift_left3A_849 : i32 to vector<16xi32>
        %shift_left3A_851 = arith.shli %shift_right_logical3A_848, %shift_left3A_850 : vector<16xi32>
        %bitcast_convert_type3A_852 = tpu.bitcast %shift_left3A_851 : vector<16xi32> -> vector<16xf32>
        %swap3A_853 = arith.index_cast %scan3A_213 : i32 to index
        %swap3A_854 = arith.constant 768 : index
        %swap3A_855 = tpu.vector_load %arg19[%swap3A_853, %swap3A_854] {strides = array<i32>} : memref<16x1024xf32, #tpu.memory_space<vmem>>, vector<1x16xf32>,
        %swap3A_856 = vector.shape_cast %swap3A_855 : vector<1x16xf32> to vector<16xf32>
        %swap3A_857 = vector.shape_cast %bitcast_convert_type3A_845 : vector<16xf32> to vector<1x16xf32>
        tpu.vector_store %arg19[%swap3A_853, %swap3A_854], %swap3A_857 {add = true, strides = array<i32>} : memref<16x1024xf32, #tpu.memory_space<vmem>>, vector<1x16xf32>,
        %swap3A_858 = arith.index_cast %scan3A_213 : i32 to index
        %swap3A_859 = arith.constant 784 : index
        %swap3A_860 = tpu.vector_load %arg19[%swap3A_858, %swap3A_859] {strides = array<i32>} : memref<16x1024xf32, #tpu.memory_space<vmem>>, vector<1x16xf32>,
        %swap3A_861 = vector.shape_cast %swap3A_860 : vector<1x16xf32> to vector<16xf32>
        %swap3A_862 = vector.shape_cast %bitcast_convert_type3A_852 : vector<16xf32> to vector<1x16xf32>
        tpu.vector_store %arg19[%swap3A_858, %swap3A_859], %swap3A_862 {add = true, strides = array<i32>} : memref<16x1024xf32, #tpu.memory_space<vmem>>, vector<1x16xf32>,
        %shift_left3A_863 = arith.constant 16 : i32
        %shift_left3A_864 = vector.broadcast %shift_left3A_863 : i32 to vector<16xi32>
        %shift_left3A_865 = arith.shli %get3A_817, %shift_left3A_864 : vector<16xi32>
        %bitcast_convert_type3A_866 = tpu.bitcast %shift_left3A_865 : vector<16xi32> -> vector<16xf32>
        %shift_right_logical3A_867 = arith.constant 16 : i32
        %shift_right_logical3A_868 = vector.broadcast %shift_right_logical3A_867 : i32 to vector<16xi32>
        %shift_right_logical3A_869 = arith.shrui %get3A_817, %shift_right_logical3A_868 : vector<16xi32>
        %shift_left3A_870 = arith.constant 16 : i32
        %shift_left3A_871 = vector.broadcast %shift_left3A_870 : i32 to vector<16xi32>
        %shift_left3A_872 = arith.shli %shift_right_logical3A_869, %shift_left3A_871 : vector<16xi32>
        %bitcast_convert_type3A_873 = tpu.bitcast %shift_left3A_872 : vector<16xi32> -> vector<16xf32>
        %swap3A_874 = arith.index_cast %scan3A_213 : i32 to index
        %swap3A_875 = arith.constant 800 : index
        %swap3A_876 = tpu.vector_load %arg19[%swap3A_874, %swap3A_875] {strides = array<i32>} : memref<16x1024xf32, #tpu.memory_space<vmem>>, vector<1x16xf32>,
        %swap3A_877 = vector.shape_cast %swap3A_876 : vector<1x16xf32> to vector<16xf32>
        %swap3A_878 = vector.shape_cast %bitcast_convert_type3A_866 : vector<16xf32> to vector<1x16xf32>
        tpu.vector_store %arg19[%swap3A_874, %swap3A_875], %swap3A_878 {add = true, strides = array<i32>} : memref<16x1024xf32, #tpu.memory_space<vmem>>, vector<1x16xf32>,
        %swap3A_879 = arith.index_cast %scan3A_213 : i32 to index
        %swap3A_880 = arith.constant 816 : index
        %swap3A_881 = tpu.vector_load %arg19[%swap3A_879, %swap3A_880] {strides = array<i32>} : memref<16x1024xf32, #tpu.memory_space<vmem>>, vector<1x16xf32>,
        %swap3A_882 = vector.shape_cast %swap3A_881 : vector<1x16xf32> to vector<16xf32>
        %swap3A_883 = vector.shape_cast %bitcast_convert_type3A_873 : vector<16xf32> to vector<1x16xf32>
        tpu.vector_store %arg19[%swap3A_879, %swap3A_880], %swap3A_883 {add = true, strides = array<i32>} : memref<16x1024xf32, #tpu.memory_space<vmem>>, vector<1x16xf32>,
        %shift_left3A_884 = arith.constant 16 : i32
        %shift_left3A_885 = vector.broadcast %shift_left3A_884 : i32 to vector<16xi32>
        %shift_left3A_886 = arith.shli %get3A_821, %shift_left3A_885 : vector<16xi32>
        %bitcast_convert_type3A_887 = tpu.bitcast %shift_left3A_886 : vector<16xi32> -> vector<16xf32>
        %shift_right_logical3A_888 = arith.constant 16 : i32
        %shift_right_logical3A_889 = vector.broadcast %shift_right_logical3A_888 : i32 to vector<16xi32>
        %shift_right_logical3A_890 = arith.shrui %get3A_821, %shift_right_logical3A_889 : vector<16xi32>
        %shift_left3A_891 = arith.constant 16 : i32
        %shift_left3A_892 = vector.broadcast %shift_left3A_891 : i32 to vector<16xi32>
        %shift_left3A_893 = arith.shli %shift_right_logical3A_890, %shift_left3A_892 : vector<16xi32>
        %bitcast_convert_type3A_894 = tpu.bitcast %shift_left3A_893 : vector<16xi32> -> vector<16xf32>
        %swap3A_895 = arith.index_cast %scan3A_213 : i32 to index
        %swap3A_896 = arith.constant 832 : index
        %swap3A_897 = tpu.vector_load %arg19[%swap3A_895, %swap3A_896] {strides = array<i32>} : memref<16x1024xf32, #tpu.memory_space<vmem>>, vector<1x16xf32>,
        %swap3A_898 = vector.shape_cast %swap3A_897 : vector<1x16xf32> to vector<16xf32>
        %swap3A_899 = vector.shape_cast %bitcast_convert_type3A_887 : vector<16xf32> to vector<1x16xf32>
        tpu.vector_store %arg19[%swap3A_895, %swap3A_896], %swap3A_899 {add = true, strides = array<i32>} : memref<16x1024xf32, #tpu.memory_space<vmem>>, vector<1x16xf32>,
        %swap3A_900 = arith.index_cast %scan3A_213 : i32 to index
        %swap3A_901 = arith.constant 848 : index
        %swap3A_902 = tpu.vector_load %arg19[%swap3A_900, %swap3A_901] {strides = array<i32>} : memref<16x1024xf32, #tpu.memory_space<vmem>>, vector<1x16xf32>,
        %swap3A_903 = vector.shape_cast %swap3A_902 : vector<1x16xf32> to vector<16xf32>
        %swap3A_904 = vector.shape_cast %bitcast_convert_type3A_894 : vector<16xf32> to vector<1x16xf32>
        tpu.vector_store %arg19[%swap3A_900, %swap3A_901], %swap3A_904 {add = true, strides = array<i32>} : memref<16x1024xf32, #tpu.memory_space<vmem>>, vector<1x16xf32>,
        %shift_left3A_905 = arith.constant 16 : i32
        %shift_left3A_906 = vector.broadcast %shift_left3A_905 : i32 to vector<16xi32>
        %shift_left3A_907 = arith.shli %get3A_825, %shift_left3A_906 : vector<16xi32>
        %bitcast_convert_type3A_908 = tpu.bitcast %shift_left3A_907 : vector<16xi32> -> vector<16xf32>
        %shift_right_logical3A_909 = arith.constant 16 : i32
        %shift_right_logical3A_910 = vector.broadcast %shift_right_logical3A_909 : i32 to vector<16xi32>
        %shift_right_logical3A_911 = arith.shrui %get3A_825, %shift_right_logical3A_910 : vector<16xi32>
        %shift_left3A_912 = arith.constant 16 : i32
        %shift_left3A_913 = vector.broadcast %shift_left3A_912 : i32 to vector<16xi32>
        %shift_left3A_914 = arith.shli %shift_right_logical3A_911, %shift_left3A_913 : vector<16xi32>
        %bitcast_convert_type3A_915 = tpu.bitcast %shift_left3A_914 : vector<16xi32> -> vector<16xf32>
        %swap3A_916 = arith.index_cast %scan3A_213 : i32 to index
        %swap3A_917 = arith.constant 864 : index
        %swap3A_918 = tpu.vector_load %arg19[%swap3A_916, %swap3A_917] {strides = array<i32>} : memref<16x1024xf32, #tpu.memory_space<vmem>>, vector<1x16xf32>,
        %swap3A_919 = vector.shape_cast %swap3A_918 : vector<1x16xf32> to vector<16xf32>
        %swap3A_920 = vector.shape_cast %bitcast_convert_type3A_908 : vector<16xf32> to vector<1x16xf32>
        tpu.vector_store %arg19[%swap3A_916, %swap3A_917], %swap3A_920 {add = true, strides = array<i32>} : memref<16x1024xf32, #tpu.memory_space<vmem>>, vector<1x16xf32>,
        %swap3A_921 = arith.index_cast %scan3A_213 : i32 to index
        %swap3A_922 = arith.constant 880 : index
        %swap3A_923 = tpu.vector_load %arg19[%swap3A_921, %swap3A_922] {strides = array<i32>} : memref<16x1024xf32, #tpu.memory_space<vmem>>, vector<1x16xf32>,
        %swap3A_924 = vector.shape_cast %swap3A_923 : vector<1x16xf32> to vector<16xf32>
        %swap3A_925 = vector.shape_cast %bitcast_convert_type3A_915 : vector<16xf32> to vector<1x16xf32>
        tpu.vector_store %arg19[%swap3A_921, %swap3A_922], %swap3A_925 {add = true, strides = array<i32>} : memref<16x1024xf32, #tpu.memory_space<vmem>>, vector<1x16xf32>,
        %shift_left3A_926 = arith.constant 16 : i32
        %shift_left3A_927 = vector.broadcast %shift_left3A_926 : i32 to vector<16xi32>
        %shift_left3A_928 = arith.shli %get3A_829, %shift_left3A_927 : vector<16xi32>
        %bitcast_convert_type3A_929 = tpu.bitcast %shift_left3A_928 : vector<16xi32> -> vector<16xf32>
        %shift_right_logical3A_930 = arith.constant 16 : i32
        %shift_right_logical3A_931 = vector.broadcast %shift_right_logical3A_930 : i32 to vector<16xi32>
        %shift_right_logical3A_932 = arith.shrui %get3A_829, %shift_right_logical3A_931 : vector<16xi32>
        %shift_left3A_933 = arith.constant 16 : i32
        %shift_left3A_934 = vector.broadcast %shift_left3A_933 : i32 to vector<16xi32>
        %shift_left3A_935 = arith.shli %shift_right_logical3A_932, %shift_left3A_934 : vector<16xi32>
        %bitcast_convert_type3A_936 = tpu.bitcast %shift_left3A_935 : vector<16xi32> -> vector<16xf32>
        %swap3A_937 = arith.index_cast %scan3A_213 : i32 to index
        %swap3A_938 = arith.constant 896 : index
        %swap3A_939 = tpu.vector_load %arg19[%swap3A_937, %swap3A_938] {strides = array<i32>} : memref<16x1024xf32, #tpu.memory_space<vmem>>, vector<1x16xf32>,
        %swap3A_940 = vector.shape_cast %swap3A_939 : vector<1x16xf32> to vector<16xf32>
        %swap3A_941 = vector.shape_cast %bitcast_convert_type3A_929 : vector<16xf32> to vector<1x16xf32>
        tpu.vector_store %arg19[%swap3A_937, %swap3A_938], %swap3A_941 {add = true, strides = array<i32>} : memref<16x1024xf32, #tpu.memory_space<vmem>>, vector<1x16xf32>,
        %swap3A_942 = arith.index_cast %scan3A_213 : i32 to index
        %swap3A_943 = arith.constant 912 : index
        %swap3A_944 = tpu.vector_load %arg19[%swap3A_942, %swap3A_943] {strides = array<i32>} : memref<16x1024xf32, #tpu.memory_space<vmem>>, vector<1x16xf32>,
        %swap3A_945 = vector.shape_cast %swap3A_944 : vector<1x16xf32> to vector<16xf32>
        %swap3A_946 = vector.shape_cast %bitcast_convert_type3A_936 : vector<16xf32> to vector<1x16xf32>
        tpu.vector_store %arg19[%swap3A_942, %swap3A_943], %swap3A_946 {add = true, strides = array<i32>} : memref<16x1024xf32, #tpu.memory_space<vmem>>, vector<1x16xf32>,
        %shift_left3A_947 = arith.constant 16 : i32
        %shift_left3A_948 = vector.broadcast %shift_left3A_947 : i32 to vector<16xi32>
        %shift_left3A_949 = arith.shli %get3A_833, %shift_left3A_948 : vector<16xi32>
        %bitcast_convert_type3A_950 = tpu.bitcast %shift_left3A_949 : vector<16xi32> -> vector<16xf32>
        %shift_right_logical3A_951 = arith.constant 16 : i32
        %shift_right_logical3A_952 = vector.broadcast %shift_right_logical3A_951 : i32 to vector<16xi32>
        %shift_right_logical3A_953 = arith.shrui %get3A_833, %shift_right_logical3A_952 : vector<16xi32>
        %shift_left3A_954 = arith.constant 16 : i32
        %shift_left3A_955 = vector.broadcast %shift_left3A_954 : i32 to vector<16xi32>
        %shift_left3A_956 = arith.shli %shift_right_logical3A_953, %shift_left3A_955 : vector<16xi32>
        %bitcast_convert_type3A_957 = tpu.bitcast %shift_left3A_956 : vector<16xi32> -> vector<16xf32>
        %swap3A_958 = arith.index_cast %scan3A_213 : i32 to index
        %swap3A_959 = arith.constant 928 : index
        %swap3A_960 = tpu.vector_load %arg19[%swap3A_958, %swap3A_959] {strides = array<i32>} : memref<16x1024xf32, #tpu.memory_space<vmem>>, vector<1x16xf32>,
        %swap3A_961 = vector.shape_cast %swap3A_960 : vector<1x16xf32> to vector<16xf32>
        %swap3A_962 = vector.shape_cast %bitcast_convert_type3A_950 : vector<16xf32> to vector<1x16xf32>
        tpu.vector_store %arg19[%swap3A_958, %swap3A_959], %swap3A_962 {add = true, strides = array<i32>} : memref<16x1024xf32, #tpu.memory_space<vmem>>, vector<1x16xf32>,
        %swap3A_963 = arith.index_cast %scan3A_213 : i32 to index
        %swap3A_964 = arith.constant 944 : index
        %swap3A_965 = tpu.vector_load %arg19[%swap3A_963, %swap3A_964] {strides = array<i32>} : memref<16x1024xf32, #tpu.memory_space<vmem>>, vector<1x16xf32>,
        %swap3A_966 = vector.shape_cast %swap3A_965 : vector<1x16xf32> to vector<16xf32>
        %swap3A_967 = vector.shape_cast %bitcast_convert_type3A_957 : vector<16xf32> to vector<1x16xf32>
        tpu.vector_store %arg19[%swap3A_963, %swap3A_964], %swap3A_967 {add = true, strides = array<i32>} : memref<16x1024xf32, #tpu.memory_space<vmem>>, vector<1x16xf32>,
        %shift_left3A_968 = arith.constant 16 : i32
        %shift_left3A_969 = vector.broadcast %shift_left3A_968 : i32 to vector<16xi32>
        %shift_left3A_970 = arith.shli %get3A_837, %shift_left3A_969 : vector<16xi32>
        %bitcast_convert_type3A_971 = tpu.bitcast %shift_left3A_970 : vector<16xi32> -> vector<16xf32>
        %shift_right_logical3A_972 = arith.constant 16 : i32
        %shift_right_logical3A_973 = vector.broadcast %shift_right_logical3A_972 : i32 to vector<16xi32>
        %shift_right_logical3A_974 = arith.shrui %get3A_837, %shift_right_logical3A_973 : vector<16xi32>
        %shift_left3A_975 = arith.constant 16 : i32
        %shift_left3A_976 = vector.broadcast %shift_left3A_975 : i32 to vector<16xi32>
        %shift_left3A_977 = arith.shli %shift_right_logical3A_974, %shift_left3A_976 : vector<16xi32>
        %bitcast_convert_type3A_978 = tpu.bitcast %shift_left3A_977 : vector<16xi32> -> vector<16xf32>
        %swap3A_979 = arith.index_cast %scan3A_213 : i32 to index
        %swap3A_980 = arith.constant 960 : index
        %swap3A_981 = tpu.vector_load %arg19[%swap3A_979, %swap3A_980] {strides = array<i32>} : memref<16x1024xf32, #tpu.memory_space<vmem>>, vector<1x16xf32>,
        %swap3A_982 = vector.shape_cast %swap3A_981 : vector<1x16xf32> to vector<16xf32>
        %swap3A_983 = vector.shape_cast %bitcast_convert_type3A_971 : vector<16xf32> to vector<1x16xf32>
        tpu.vector_store %arg19[%swap3A_979, %swap3A_980], %swap3A_983 {add = true, strides = array<i32>} : memref<16x1024xf32, #tpu.memory_space<vmem>>, vector<1x16xf32>,
        %swap3A_984 = arith.index_cast %scan3A_213 : i32 to index
        %swap3A_985 = arith.constant 976 : index
        %swap3A_986 = tpu.vector_load %arg19[%swap3A_984, %swap3A_985] {strides = array<i32>} : memref<16x1024xf32, #tpu.memory_space<vmem>>, vector<1x16xf32>,
        %swap3A_987 = vector.shape_cast %swap3A_986 : vector<1x16xf32> to vector<16xf32>
        %swap3A_988 = vector.shape_cast %bitcast_convert_type3A_978 : vector<16xf32> to vector<1x16xf32>
        tpu.vector_store %arg19[%swap3A_984, %swap3A_985], %swap3A_988 {add = true, strides = array<i32>} : memref<16x1024xf32, #tpu.memory_space<vmem>>, vector<1x16xf32>,
        %shift_left3A_989 = arith.constant 16 : i32
        %shift_left3A_990 = vector.broadcast %shift_left3A_989 : i32 to vector<16xi32>
        %shift_left3A_991 = arith.shli %get3A_841, %shift_left3A_990 : vector<16xi32>
        %bitcast_convert_type3A_992 = tpu.bitcast %shift_left3A_991 : vector<16xi32> -> vector<16xf32>
        %shift_right_logical3A_993 = arith.constant 16 : i32
        %shift_right_logical3A_994 = vector.broadcast %shift_right_logical3A_993 : i32 to vector<16xi32>
        %shift_right_logical3A_995 = arith.shrui %get3A_841, %shift_right_logical3A_994 : vector<16xi32>
        %shift_left3A_996 = arith.constant 16 : i32
        %shift_left3A_997 = vector.broadcast %shift_left3A_996 : i32 to vector<16xi32>
        %shift_left3A_998 = arith.shli %shift_right_logical3A_995, %shift_left3A_997 : vector<16xi32>
        %bitcast_convert_type3A_999 = tpu.bitcast %shift_left3A_998 : vector<16xi32> -> vector<16xf32>
        %swap3A_1000 = arith.index_cast %scan3A_213 : i32 to index
        %swap3A_1001 = arith.constant 992 : index
        %swap3A_1002 = tpu.vector_load %arg19[%swap3A_1000, %swap3A_1001] {strides = array<i32>} : memref<16x1024xf32, #tpu.memory_space<vmem>>, vector<1x16xf32>,
        %swap3A_1003 = vector.shape_cast %swap3A_1002 : vector<1x16xf32> to vector<16xf32>
        %swap3A_1004 = vector.shape_cast %bitcast_convert_type3A_992 : vector<16xf32> to vector<1x16xf32>
        tpu.vector_store %arg19[%swap3A_1000, %swap3A_1001], %swap3A_1004 {add = true, strides = array<i32>} : memref<16x1024xf32, #tpu.memory_space<vmem>>, vector<1x16xf32>,
        %swap3A_1005 = arith.index_cast %scan3A_213 : i32 to index
        %swap3A_1006 = arith.constant 1008 : index
        %swap3A_1007 = tpu.vector_load %arg19[%swap3A_1005, %swap3A_1006] {strides = array<i32>} : memref<16x1024xf32, #tpu.memory_space<vmem>>, vector<1x16xf32>,
        %swap3A_1008 = vector.shape_cast %swap3A_1007 : vector<1x16xf32> to vector<16xf32>
        %swap3A_1009 = vector.shape_cast %bitcast_convert_type3A_999 : vector<16xf32> to vector<1x16xf32>
        tpu.vector_store %arg19[%swap3A_1005, %swap3A_1006], %swap3A_1009 {add = true, strides = array<i32>} : memref<16x1024xf32, #tpu.memory_space<vmem>>, vector<1x16xf32>,
        %scan3A_1010 = arith.constant 0 : i32
        scf.yield %scan3A_1010 : i32
      }
      %scan3A_204 = arith.constant 16 : i32
      %mul3A_205 = arith.constant 16 : i32
      %mul3A_206 = arith.muli %add3A_172, %mul3A_205 : i32
      %add3A_207 = arith.addi %mul3A_2, %mul3A_206 : i32
      %dma_start3A_208 = arith.constant 0 : i32
      %dma_start3A_209 = tpu.memref_slice %arg5[%add3A_207, %dma_start3A_208] : memref<16384x1024xf32, #tpu.memory_space<hbm>> -> memref<16x1024xf32, #tpu.memory_space<hbm>>
      %dma_start3A_210 = arith.constant 0 : i32
      %dma_start3A_211 = tpu.memref_slice %arg5[%add3A_207, %dma_start3A_210] : memref<16384x1024xf32, #tpu.memory_space<hbm>> -> memref<16x1024xf32, #tpu.memory_space<hbm>>
      tpu.enqueue_dma source(%arg19 : memref<16x1024xf32, #tpu.memory_space<vmem>>) target(%dma_start3A_211 : memref<16x1024xf32, #tpu.memory_space<hbm>>) target_semaphore(%arg22 : memref<!tpu.dma_semaphore, #tpu.memory_space<semaphore_mem>>)
      %scan3A_212 = arith.constant 0 : i32
      scf.yield %scan3A_212 : i32
    }
    %scan3A_30 = arith.constant 8 : i32
    %add3A_31 = arith.constant 480 : i32
    %add3A_32 = arith.addi %mul3A_2, %add3A_31 : i32
    %dma_wait3A = arith.constant 0 : i32
    %dma_wait3A_33 = tpu.memref_slice %arg5[%add3A_32, %dma_wait3A] : memref<16384x1024xf32, #tpu.memory_space<hbm>> -> memref<16x1024xf32, #tpu.memory_space<hbm>>
    %dma_wait3A_34 = arith.constant 0 : i32
    %dma_wait3A_35 = tpu.memref_slice %arg5[%add3A_32, %dma_wait3A_34] : memref<16384x1024xf32, #tpu.memory_space<hbm>> -> memref<16x1024xf32, #tpu.memory_space<hbm>>
    tpu.wait_dma2 semaphore(%arg18 : memref<!tpu.dma_semaphore, #tpu.memory_space<semaphore_mem>>) src(%arg15 : memref<16x1024xf32, #tpu.memory_space<vmem>>) dst(%dma_wait3A_35 : memref<16x1024xf32, #tpu.memory_space<hbm>>)
    %add3A_36 = arith.constant 496 : i32
    %add3A_37 = arith.addi %mul3A_2, %add3A_36 : i32
    %dma_wait3A_38 = arith.constant 0 : i32
    %dma_wait3A_39 = tpu.memref_slice %arg5[%add3A_37, %dma_wait3A_38] : memref<16384x1024xf32, #tpu.memory_space<hbm>> -> memref<16x1024xf32, #tpu.memory_space<hbm>>
    %dma_wait3A_40 = arith.constant 0 : i32
    %dma_wait3A_41 = tpu.memref_slice %arg5[%add3A_37, %dma_wait3A_40] : memref<16384x1024xf32, #tpu.memory_space<hbm>> -> memref<16x1024xf32, #tpu.memory_space<hbm>>
    tpu.wait_dma2 semaphore(%arg22 : memref<!tpu.dma_semaphore, #tpu.memory_space<semaphore_mem>>) src(%arg19 : memref<16x1024xf32, #tpu.memory_space<vmem>>) dst(%dma_wait3A_41 : memref<16x1024xf32, #tpu.memory_space<hbm>>)
    return
  }
}

</mosaic_0001>

<sc_bundles>
// kernel: kernel.3.cloned.1.call-start
scs
__scs_entry_jumppad:
0x0: {  	(pc) =	sbr.rel $0x88, $3  }
0x1: {  	(tag) =	ssettag $0x0;
	lr =	simm.s32 $0x1  }
0x2: {  	[smem:$0x3F9F] =	sst lr;
	_ =	strace $0xD0000000  }
0x3: {  	_ = 	snop  }
0x4: {  	_ = 	snop  }
0x5: {  	_ = 	snop  }
0x6: {  	_ = 	snop  }
0x7: {  	_ = 	snop  }
__scs_overlays_trampoline_lowered:
0x8: {  	[smem:$0x3FAE] =	sst s0  }
0x9: {  	[smem:$0x3FAF] =	sst s1  }
0xa: {  	[smem:$0x3FB0] =	sst s2  }
0xb: {  	[smem:$0x3FB1] =	sst s3  }
0xc: {  	[smem:$0x3FB2] =	sst s4  }
0xd: {  	[smem:$0x3FB3] =	sst s5  }
0xe: {  	[smem:$0x3FB4] =	sst s6  }
0xf: {  	[smem:$0x3FB5] =	sst s7  }
0x10: {  	[smem:$0x3FB6] =	sst s8  }
0x11: {  	[smem:$0x3FB7] =	sst s9;
	s0 =	simm.s32 @!p0 $0x0  }
0x12: {  	s1 =	sld [smem:$0x3F9D];
	s0 =	simm.s32 @p0 $0x1  }
0x13: {  	[smem:$0x3FB8] =	sst s0;
	s0 =	simm.s32 @!p1 $0x0  }
0x14: {  	s2 =	sld [smem:$0x3F9C];
	s0 =	simm.s32 @p1 $0x1  }
0x15: {  	[smem:$0x3FB9] =	sst s0;
	s0 =	simm.s32 @!p2 $0x0  }
0x16: {  	s3 =	sld [smem:$0x3FDB];
	s0 =	simm.s32 @p2 $0x1  }
0x17: {  	s4 =	simm.s32 $0x1BF5;
	[smem:$0x3FBB] =	sst s0  }
0x18: {  	s0 =	sld [smem:$0x3F9E];
	_ =	swait.ge [sflag:s4], $0x0  }
0x19: {  	s7 =	sld [smem:$0x3F9F]  }
0x1a: {  	s8 =	sadd.s32 $0xFFFFE003, lr  }
0x1b: {  	s9 =	sadd.s32 $0xFFFFFEF7, lr;
	s5 =	simm.s32 $0xFFFFFFFF;
	p2 =	slt.u32 s8, $0xFFFFF086  }
0x1c: {  	p1 =	slt.u32 s9, $0xF7A;
	s5 =	simm.s32 @!p2 $0x0  }
0x1d: {  	s5 =	simm.s32 @p1 $0x1;
	p0 =	seq.s32 s7, s2  }
0x1e: {  	s7 =	smul.u32 @!p0 $0xF7A, s2;
	p2 =	seq.s32 @!p0 s5, $0x0  }
0x1f: {  	s9 =	smul.u32 $0xF7A, s1;
	s8 =	simm.s32 @!p0 $0x1BF5;
	p2 =	por !p2, p0  }
0x20: {  	[sflag:s8] =	ssyncset.s32 @!p0 $0xFFFFF086;
	s6 =	sadd.s32 @!p0 s3, s7;
	s7 =	simm.s32 @!p0 $0x108  }
0x21: {  	s3 =	sadd.s32 s3, s9;
	s6 =	sadd.s32 @!p0 $0x88, s6;
	s7 =	simm.s32 @p2 $0x1082  }
0x22: {  	[simem:s7], [sflag:s8] =	dma.local @!p0 [hbm:s6], $0xF7A  }
0x23: {  	s9 =	sor.u32 $0xD0000000, s2;
	s6 =	simm.s32 $0x108;
	_ =	swait.ge @!p0 [sflag:s8], $0x0  }
0x24: {  	s3 =	sadd.s32 $0x88, s3;
	s6 =	simm.s32 @!p1 $0x1082;
	[sflag:s4] =	ssyncset.s32 $0xFFFFF086  }
0x25: {  	[simem:s6], [sflag:s4] =	dma.local [hbm:s3], $0xF7A  }
0x26: {  	[smem:$0x3F9F] =	sst s1;
	(tag) =	ssettag s2;
	_ =	strace s9  }
0x27: {  	s1 =	sld [smem:$0x3FAF]  }
0x28: {  	s2 =	sld [smem:$0x3FB0]  }
0x29: {  	s4 =	sld [smem:$0x3FB2]  }
0x2a: {  	p0 =	seq.s32 s5, $0x0;
	s5 =	sld [smem:$0x3FB3]  }
0x2b: {  	s6 =	sld [smem:$0x3FB4]  }
0x2c: {  	s7 =	sld [smem:$0x3FB5]  }
0x2d: {  	s3 =	simm.s32 $0x108;
	s8 =	sld [smem:$0x3FB6]  }
0x2e: {  	s3 =	simm.s32 @!p0 $0x1082;
	s9 =	sld [smem:$0x3FB7]  }
0x2f: {  	lr =	sadd.s32 s0, s3;
	s0 =	sld [smem:$0x3FAE]  }
0x30: {  	s3 =	sld [smem:$0x3FB1]  }
0x31: {  	[smem:$0x3FBA] =	sst s10  }
0x32: {  	s10 =	sld [smem:$0x3FB8];
	_ =	sdelay $0x3  }
0x33: {  	p0 =	seq.s32 s10, $0x1;
	s10 =	sld [smem:$0x3FBA];
	_ =	sdelay $0x3  }
0x34: {  	[smem:$0x3FBA] =	sst s10  }
0x35: {  	s10 =	sld [smem:$0x3FB9];
	_ =	sdelay $0x3  }
0x36: {  	p1 =	seq.s32 s10, $0x1;
	s10 =	sld [smem:$0x3FBA];
	_ =	sdelay $0x3  }
0x37: {  	[smem:$0x3FBA] =	sst s10  }
0x38: {  	s10 =	sld [smem:$0x3FBB]  }
0x39: {  	_ = 	snop;
	(pc) =	sbr.ind lr, $3  }
0x3a: {  	_ = 	snop  }
0x3b: {  	_ = 	snop  }
0x3c: {  	p2 =	seq.s32 s10, $0x1;
	s10 =	sld [smem:$0x3FBA]  }
0x3d: {  	_ =	shalt  }
0x3e: {  	_ =	shalt  }
0x3f: {  	_ =	shalt  }
0x40: {  	_ =	shalt  }
0x41: {  	_ =	shalt  }
0x42: {  	_ =	shalt  }
0x43: {  	_ =	shalt  }
0x44: {  	_ =	shalt  }
0x45: {  	_ =	shalt  }
0x46: {  	_ =	shalt  }
0x47: {  	_ =	shalt  }
0x48: {  	_ =	shalt  }
0x49: {  	_ =	shalt  }
0x4a: {  	_ =	shalt  }
0x4b: {  	_ =	shalt  }
0x4c: {  	_ =	shalt  }
0x4d: {  	_ =	shalt  }
0x4e: {  	_ =	shalt  }
0x4f: {  	_ =	shalt  }
0x50: {  	_ =	shalt  }
0x51: {  	_ =	shalt  }
0x52: {  	_ =	shalt  }
0x53: {  	_ =	shalt  }
0x54: {  	_ =	shalt  }
0x55: {  	_ =	shalt  }
0x56: {  	_ =	shalt  }
0x57: {  	_ =	shalt  }
0x58: {  	_ =	shalt  }
0x59: {  	_ =	shalt  }
0x5a: {  	_ =	shalt  }
0x5b: {  	_ =	shalt  }
0x5c: {  	_ =	shalt  }
0x5d: {  	_ =	shalt  }
0x5e: {  	_ =	shalt  }
0x5f: {  	_ =	shalt  }
0x60: {  	_ =	shalt  }
0x61: {  	_ =	shalt  }
0x62: {  	_ =	shalt  }
0x63: {  	_ =	shalt  }
0x64: {  	_ =	shalt  }
0x65: {  	_ =	shalt  }
0x66: {  	_ =	shalt  }
0x67: {  	_ =	shalt  }
0x68: {  	_ =	shalt  }
0x69: {  	_ =	shalt  }
0x6a: {  	_ =	shalt  }
0x6b: {  	_ =	shalt  }
0x6c: {  	_ =	shalt  }
0x6d: {  	_ =	shalt  }
0x6e: {  	_ =	shalt  }
0x6f: {  	_ =	shalt  }
0x70: {  	_ =	shalt  }
0x71: {  	_ =	shalt  }
0x72: {  	_ =	shalt  }
0x73: {  	_ =	shalt  }
0x74: {  	_ =	shalt  }
0x75: {  	_ =	shalt  }
0x76: {  	_ =	shalt  }
0x77: {  	_ =	shalt  }
0x78: {  	_ =	shalt  }
0x79: {  	_ =	shalt  }
0x7a: {  	_ =	shalt  }
0x7b: {  	_ =	shalt  }
0x7c: {  	_ =	shalt  }
0x7d: {  	_ =	shalt  }
0x7e: {  	_ =	shalt  }
0x7f: {  	_ =	shalt  }
0x80: {  	_ =	shalt  }
0x81: {  	_ =	shalt  }
0x82: {  	_ =	shalt  }
0x83: {  	_ =	shalt  }
0x84: {  	_ =	shalt  }
0x85: {  	_ =	shalt  }
0x86: {  	_ =	shalt  }
0x87: {  	_ =	shalt  }
.Lfunc_end0:
.L_simem_size_0:
called_computation_lowered:
.L_overlay_start_0:
0x88: {  	s2 =	sld [smem:$0x3FD9]  }
0x89: {  	s3 =	sld [smem:$0x3FFE];
	_ =	sdelay $0x1  }
0x8a: {  	s1 =	srdreg.scid  }
0x8b: {  	s0 =	sand.u32 $0x1, s1  }
0x8c: {  	s17 =	sshll.u32 s0, $0xA;
	s2 =	sadd.s32 s3, s2  }
0x8d: {  	s2 =	sadd.s32 s2, s17  }
0x8e: {  	[smem:$0x3FC6] =	sst s2  }
0x8f: {  	_ = 	snop  }
0x90: {  	s2 =	sld [smem:$0x3FC8]  }
0x91: {  	s18 =	sld [smem:$0x3FD0];
	(tm) =	ssettm $0x1  }
0x92: {  	s4 =	sld [smem:$0x3FFB];
	_ =	sdelay $0x3  }
0x93: {  	_ =	strace s4  }
0x94: {  	s4 =	sld [smem:$0x3FFC];
	_ =	sdelay $0x3  }
0x95: {  	_ =	strace s4  }
0x96: {  	s4 =	sld [smem:$0x3FFD];
	_ =	sdelay $0x3  }
0x97: {  	_ =	strace s4  }
0x98: {  	_ =	strace $0x8FFFFFFF  }
0x99: {  	s19 =	sld [smem:$0x3FDB];
	_ =	sdelay $0x1  }
0x9a: {  	s5 =	simm.s32 $_scs_section_size  }
0x9b: {  	s6 =	simm.s32 $_size__tile_overlayer_lowered;
	s7 =	simm.s32 $_tile_overlayer_lowered  }
0x9c: {  	s22 =	simm.s32 $0x1BFF;
	s21 =	sshll.u32 s7, $0x1;
	s4 =	sadd.s32 s5, s19  }
0x9d: {  	s8 =	simm.s32 $0x0;
	s20 =	sshll.u32 s6, $0x1;
	s6 =	sadd.s32 s21, s4  }
0x9e: {  	[timem:s8], [sflag:s22] =	dma.local [hbm:s6], s20  }
0x9f: {  	_ =	swait.ge [sflag:s22], s20  }
0xa0: {  	s5 =	ssub.s32 $0x0, s20;
	[sflag:s22] =	ssyncset.done $0x0  }
0xa1: {  	[sflag:s22] =	ssyncadd.s32 s5;
	_ =	sdelay $0x1  }
0xa2: {  	s23 =	simm.s32 $0x1B8B  }
0xa3: {  	_ =	swait.ge [sflag:s23], $0x1  }
0xa4: {  	[sflag:s23] =	ssyncset.done $0x0  }
0xa5: {  	s25 =	simm.s32 $0x1B8E;
	s24 =	sld [smem:$0x3FFE];
	[sflag:s23] =	ssyncadd.s32 $0xFFFFFFFF  }
0xa6: {  	s26 =	simm.s32 $execute0_lowered;
	[smem:$0x3FD2] =	sst s25  }
0xa7: {  	s6 =	sshll.u32 s26, $0x1;
	_ =	strace $0x80000046;
	[dreg:$0x1] =	wrdreg $0xFFFFFFFF  }
0xa8: {  	s28 =	simm.s32 $_size_execute0_lowered;
	s4 =	sadd.s32 s4, s6;
	[dreg:$0x0] =	wrdreg $0x0  }
0xa9: {  	s6 =	sshll.u32 s28, $0x1;
	[dreg:$0x2] =	wrdreg s4  }
0xaa: {  	[dreg:$0x3] =	wrdreg s6  }
0xab: {  	[dreg:$0x4] =	wrdreg $0xC0  }
0xac: {  	_ =	task [dreg:s8], $0x5FFFF  }
0xad: {  	[dreg:$0x1] =	wrdreg $0xFFFFFFFF  }
0xae: {  	[dreg:$0x0] =	wrdreg $0x60  }
0xaf: {  	[dreg:$0x2] =	wrdreg s24  }
0xb0: {  	[dreg:$0x3] =	wrdreg s2  }
0xb1: {  	[dreg:$0x4] =	wrdreg s18  }
0xb2: {  	[dreg:$0x5] =	wrdreg $0x9  }
0xb3: {  	_ =	task.clear_ibuf [dreg:s8], $0x6FFFF;
	_ =	strace $0x90000046  }
0xb4: {  	s29 =	simm.s32 $0x9;
	_ =	strace $0x80000048  }
0xb5: {  	_ =	swait.ge [sflag:s29], $0x1  }
0xb6: {  	[sflag:s29] =	ssyncadd.s32 $0xFFFFFFFF  }
0xb7: {  	_ =	strace $0x90000048  }
0xb8: {  	_ =	sfence  }
0xb9: {  	s30 =	sld [smem:$0x0];
	_ =	sdelay $0x2  }
0xba: {  	s31 =	sshll.u32 s1, $0xD;
	s1 =	sshrl.u32 s1, $0x2  }
0xbb: {  	s3 =	sand.u32 $0x4000, s31;
	s1 =	sadd.s32 s1, s30  }
0xbc: {  	s0 =	sor.u32 s3, s0;
	s1 =	sshll.u32 s1, $0x11  }
0xbd: {  	s0 =	sor.u32 s1, s0  }
0xbe: {  	s0 =	sadd.s32 $0x8F2B, s0  }
0xbf: {  	[sflag:s0] =	ssyncadd.remote.s32 $0x1  }
0xc0: {  	_ =	sfence.sel $0xFFFF  }
0xc1: {  	[dreg:$0x0] =	wrdreg $0xFFFFFFFF;
	(pc) =	sbr.abs _section_cstart, $3  }
0xc2: {  	[dreg:$0x1] =	wrdreg $0xFFFFFFFF  }
0xc3: {  	_ =	task.clear_ibuf [dreg:s8], $0x2FFFF;
	_ =	strace $0x9FFFFFFF  }
0xc4: {  	(tm) =	ssettm $0x7FFFFFFF  }
0xc5: {  	_ =	shalt  }
tec
execute0_lowered:
.L_overlay_start_1:
0x0: {  	(tag) =	ssettag $0x1  }
0x1: {  	s0 =	rddreg [dreg:$0x0]  }
0x2: {  	s1 =	rddreg [dreg:$0x1]  }
0x3: {  	s11 =	rddreg [dreg:$0x2];
	s4 =	simm.s32 $0x0;
	s2 =	srdreg.scid  }
0x4: {  	s3 =	stileid.u32;
	s17 =	simm.s32 $0x200;
	s20 =	simm.s32 $0xC200  }
0x5: {  	s31 =	simm.s32 $0x1;
	s16 =	simm.s32 $0x16200;
	s21 =	simm.s32 $0x2  }
0x6: {  	s22 =	simm.s32 $0x5;
	s23 =	simm.s32 $0x4;
	s24 =	simm.s32 $0x7  }
0x7: {  	[smem:$0x7FF] =	sst s4;
	s2 =	sand.u32 $0x1, s2;
	s3 =	sshll.u32 s3, $0xA  }
0x8: {  	s5 =	sadd.s32 $0x800, s0;
	s9 =	sadd.s32 $0x100, s1;
	s10 =	sadd.s32 $0x200, s1  }
0x9: {  	s12 =	sadd.s32 $0x300, s1;
	s6 =	sshll.u32 s2, $0x9;
	s2 =	ssub.s32 $0x2, s2  }
0xa: {  	_ =	strace $0x80000047;
	s6 =	sor.u32 s6, s3;
	s26 =	sshrl.u32 s2, $0x1  }
0xb: {  	s7 =	sand.u32 $0xE00, s6;
	s8 =	sshrl.u32 s6, $0x3;
	s2 =	ssub.s32 s2, s26  }
0xc: {  	s29 =	sshll.u32 s6, $0x7;
	s26 =	simm.s32 $0x6200;
	s0 =	sadd.s32 s0, s8  }
0xd: {  	s28 =	sshll.u32 s7, $0x6;
	s30 =	smax.u32 s2, $0x1;
	[dreg:$0x4] =	wrdreg s0  }
0xe: {  	v2 =	vlaneseq.u32;
	s14 =	sadd.s32 s11, s29;
	s0 =	sadd.s32 s5, s28;
	[dreg:$0x7] =	wrdreg s30  }
0xf: {  	vm0 =	vmmov $0xffff;
	v1 =	vshrl.u32 v2, $0x3;
	s2 =	simm.s32 $0x3;
	[dreg:$0x5] =	wrdreg s0;
	s0 =	sadd.s32 $0x400, s0  }
0x10: {  	v0 =	vand.u32 $0x7, v2;
	v2 =	vor.u32 $0x8, v2;
	v1 =	vmul.u32 $0x8, v1;
	s11 =	simm.s32 $0x0;
	[dreg:$0x6] =	wrdreg s0;
	s0 =	simm.s32 $0x12200  }
.LBB2_1:
0x11: {  	[dreg:$0x8] =	wrdreg s11  }
0x12: {  	s3 =	rddreg [dreg:$0x4];
	s11 =	simm.s32 $0x9  }
0x13: {  	[tilespmem:s4], [sflag:$0x9] =	stream.linear.gather [hbm4b:s3+s4], $0x200, $0x38;
	[tilespmem:$0x18200] =	vst v63  }
0x14: {  	_ =	swait.ge [sflag:s11], $0x200  }
0x15: {  	[sflag:s11] =	ssyncset.done $0x0  }
0x16: {  	[sflag:s11] =	ssyncadd.s32 $0xFFFFFE00  }
0x17: {  	v3 =	vld [tilespmem:$0x0];
	_ =	sdelay $0x4  }
0x18: {  	v4 =	vshll.u32 v3, $0x3  }
0x19: {  	v3 =	vand.u32 $0x7, v3;
	v4 =	vand.u32 $0xFFFFFFC0, v4  }
0x1a: {  	v3 =	vor.u32 v3, v4  }
0x1b: {  	v4 =	vperm.xlane v3, v0;
	_ =	sdelay $0x1  }
0x1c: {  	v4 =	vadd.s32 v1, v4;
	_ =	sdelay $0x4  }
0x1d: {  	[tilespmem:s17], [sflag:$0x1] =	stream.indirect_vreg.gather [hbm4b:s1+s4], $0x80, v4, vm0, $0xb8;
	[tilespmem:$0x18200] =	vst v63  }
0x1e: {  	s13 =	simm.s32 $0xA00;
	v3 =	vperm.xlane v3, v2  }
0x1f: {  	[tilespmem:s13], [sflag:$0x1] =	stream.indirect_vreg.gather [hbm4b:s9+s4], $0x80, v4, vm0, $0xb8;
	[tilespmem:$0x18200] =	vst v63  }
0x20: {  	s15 =	simm.s32 $0x1200;
	v3 =	vadd.s32 v1, v3  }
0x21: {  	[tilespmem:s15], [sflag:$0x1] =	stream.indirect_vreg.gather [hbm4b:s10+s4], $0x80, v4, vm0, $0xb8;
	[tilespmem:$0x18200] =	vst v63  }
0x22: {  	s18 =	simm.s32 $0x1A00  }
0x23: {  	[tilespmem:s18], [sflag:$0x1] =	stream.indirect_vreg.gather [hbm4b:s12+s4], $0x80, v4, vm0, $0xb8;
	[tilespmem:$0x18200] =	vst v63  }
0x24: {  	s19 =	simm.s32 $0x2200  }
0x25: {  	[tilespmem:s19], [sflag:$0x1] =	stream.indirect_vreg.gather [hbm4b:s1+s4], $0x80, v3, vm0, $0xb8;
	[tilespmem:$0x18200] =	vst v63  }
0x26: {  	s25 =	simm.s32 $0x2A00  }
0x27: {  	[tilespmem:s25], [sflag:$0x1] =	stream.indirect_vreg.gather [hbm4b:s9+s4], $0x80, v3, vm0, $0xb8;
	[tilespmem:$0x18200] =	vst v63  }
0x28: {  	s28 =	simm.s32 $0x3200  }
0x29: {  	[tilespmem:s28], [sflag:$0x1] =	stream.indirect_vreg.gather [hbm4b:s10+s4], $0x80, v3, vm0, $0xb8;
	[tilespmem:$0x18200] =	vst v63  }
0x2a: {  	s29 =	simm.s32 $0x3A00  }
0x2b: {  	[tilespmem:s29], [sflag:$0x1] =	stream.indirect_vreg.gather [hbm4b:s12+s4], $0x80, v3, vm0, $0xb8;
	[tilespmem:$0x18200] =	vst v63  }
0x2c: {  	s8 =	simm.s32 $0x4200;
	s30 =	rddreg [dreg:$0x5]  }
0x2d: {  	[tilespmem:s8], [sflag:$0x1] =	stream.linear.gather [hbm4b:s30+s4], $0x2000, $0x38;
	[tilespmem:$0x18200] =	vst v63  }
0x2e: {  	v3 =	vld [tilespmem:$0x10];
	_ =	sdelay $0x4  }
0x2f: {  	v63 =	vshll.u32 v3, $0x3  }
0x30: {  	v3 =	vand.u32 $0x7, v3;
	v4 =	vand.u32 $0xFFFFFFC0, v63  }
0x31: {  	v3 =	vor.u32 v3, v4  }
0x32: {  	v4 =	vperm.xlane v3, v0;
	_ =	sdelay $0x1  }
0x33: {  	v4 =	vadd.s32 v1, v4;
	_ =	sdelay $0x4  }
0x34: {  	[tilespmem:s26], [sflag:$0x3] =	stream.indirect_vreg.gather [hbm4b:s1+s4], $0x80, v4, vm0, $0xb8;
	[tilespmem:$0x18200] =	vst v63  }
0x35: {  	s11 =	simm.s32 $0x6A00;
	v3 =	vperm.xlane v3, v2  }
0x36: {  	[tilespmem:s11], [sflag:$0x3] =	stream.indirect_vreg.gather [hbm4b:s9+s4], $0x80, v4, vm0, $0xb8;
	[tilespmem:$0x18200] =	vst v63  }
0x37: {  	s13 =	simm.s32 $0x7200;
	v3 =	vadd.s32 v1, v3  }
0x38: {  	[tilespmem:s13], [sflag:$0x3] =	stream.indirect_vreg.gather [hbm4b:s10+s4], $0x80, v4, vm0, $0xb8;
	[tilespmem:$0x18200] =	vst v63  }
0x39: {  	s15 =	simm.s32 $0x7A00  }
0x3a: {  	[tilespmem:s15], [sflag:$0x3] =	stream.indirect_vreg.gather [hbm4b:s12+s4], $0x80, v4, vm0, $0xb8;
	[tilespmem:$0x18200] =	vst v63  }
0x3b: {  	s18 =	simm.s32 $0x8200  }
0x3c: {  	[tilespmem:s18], [sflag:$0x3] =	stream.indirect_vreg.gather [hbm4b:s1+s4], $0x80, v3, vm0, $0xb8;
	[tilespmem:$0x18200] =	vst v63  }
0x3d: {  	s19 =	simm.s32 $0x8A00  }
0x3e: {  	[tilespmem:s19], [sflag:$0x3] =	stream.indirect_vreg.gather [hbm4b:s9+s4], $0x80, v3, vm0, $0xb8;
	[tilespmem:$0x18200] =	vst v63  }
0x3f: {  	s25 =	simm.s32 $0x9200  }
0x40: {  	[tilespmem:s25], [sflag:$0x3] =	stream.indirect_vreg.gather [hbm4b:s10+s4], $0x80, v3, vm0, $0xb8;
	[tilespmem:$0x18200] =	vst v63  }
0x41: {  	s28 =	simm.s32 $0x9A00  }
0x42: {  	[tilespmem:s28], [sflag:$0x3] =	stream.indirect_vreg.gather [hbm4b:s12+s4], $0x80, v3, vm0, $0xb8;
	[tilespmem:$0x18200] =	vst v63  }
0x43: {  	s29 =	rddreg [dreg:$0x6];
	s30 =	simm.s32 $0xA200;
	s25 =	simm.s32 $0x0  }
0x44: {  	[tilespmem:s30], [sflag:$0x3] =	stream.linear.gather [hbm4b:s29+s4], $0x2000, $0x38;
	[tilespmem:$0x18200] =	vst v63  }
.LBB2_2:
0x45: {  	p0 =	seq.s32 s25, $0x0  }
0x46: {  	s3 =	simm.s32 @!p0 $0x6  }
0x47: {  	s28 =	sshll.u32 s25, $0x2;
	_ =	swait.ge @!p0 [sflag:s3], $0x4000  }
0x48: {  	s29 =	sor.u32 $0x2, s28;
	[sflag:s3] =	ssyncset.done @!p0 $0x0  }
0x49: {  	[sflag:s3] =	ssyncadd.s32 @!p0 $0xFFFFC000;
	s3 =	sshll.u32 s29, $0x4  }
0x4a: {  	v3 =	vld [tilespmem:s3+$0x0];
	_ =	sdelay $0x4  }
0x4b: {  	v4 =	vshll.u32 v3, $0x3  }
0x4c: {  	v3 =	vand.u32 $0x7, v3;
	v4 =	vand.u32 $0xFFFFFFC0, v4  }
0x4d: {  	v3 =	vor.u32 v3, v4  }
0x4e: {  	v4 =	vperm.xlane v3, v0;
	_ =	sdelay $0x1  }
0x4f: {  	v4 =	vadd.s32 v1, v4;
	_ =	sdelay $0x3  }
0x50: {  	s30 =	simm.s32 $0x0  }
0x51: {  	[tilespmem:s20], [sflag:$0x5] =	stream.indirect_vreg.gather [hbm4b:s1+s30], $0x80, v4, vm0, $0xb8;
	[tilespmem:$0x18200] =	vst v63  }
0x52: {  	s8 =	simm.s32 $0xCA00;
	v3 =	vperm.xlane v3, v2  }
0x53: {  	[tilespmem:s8], [sflag:$0x5] =	stream.indirect_vreg.gather [hbm4b:s9+s30], $0x80, v4, vm0, $0xb8;
	[tilespmem:$0x18200] =	vst v63  }
0x54: {  	s19 =	simm.s32 $0xD200;
	v3 =	vadd.s32 v1, v3  }
0x55: {  	[tilespmem:s19], [sflag:$0x5] =	stream.indirect_vreg.gather [hbm4b:s10+s30], $0x80, v4, vm0, $0xb8;
	[tilespmem:$0x18200] =	vst v63  }
0x56: {  	s11 =	simm.s32 $0xDA00  }
0x57: {  	[tilespmem:s11], [sflag:$0x5] =	stream.indirect_vreg.gather [hbm4b:s12+s30], $0x80, v4, vm0, $0xb8;
	[tilespmem:$0x18200] =	vst v63  }
0x58: {  	s13 =	simm.s32 $0xE200  }
0x59: {  	[tilespmem:s13], [sflag:$0x5] =	stream.indirect_vreg.gather [hbm4b:s1+s30], $0x80, v3, vm0, $0xb8;
	[tilespmem:$0x18200] =	vst v63  }
0x5a: {  	s15 =	simm.s32 $0xEA00  }
0x5b: {  	[tilespmem:s15], [sflag:$0x5] =	stream.indirect_vreg.gather [hbm4b:s9+s30], $0x80, v3, vm0, $0xb8;
	[tilespmem:$0x18200] =	vst v63  }
0x5c: {  	s18 =	simm.s32 $0xF200;
	s3 =	sadd.s32 s7, s3  }
0x5d: {  	[tilespmem:s18], [sflag:$0x5] =	stream.indirect_vreg.gather [hbm4b:s10+s30], $0x80, v3, vm0, $0xb8;
	[tilespmem:$0x18200] =	vst v63  }
0x5e: {  	s3 =	sshll.u32 s3, $0x6;
	s19 =	simm.s32 $0xFA00  }
0x5f: {  	[tilespmem:s19], [sflag:$0x5] =	stream.indirect_vreg.gather [hbm4b:s12+s30], $0x80, v3, vm0, $0xb8;
	[tilespmem:$0x18200] =	vst v63  }
0x60: {  	s3 =	sadd.s32 s5, s3;
	s11 =	simm.s32 $0x10200  }
0x61: {  	[tilespmem:s11], [sflag:$0x5] =	stream.linear.gather [hbm4b:s3+s30], $0x2000, $0x38;
	[tilespmem:$0x18200] =	vst v63  }
0x62: {  	_ =	swait.ge [sflag:s31], $0x4000  }
0x63: {  	[sflag:s31] =	ssyncset.done $0x0  }
0x64: {  	[sflag:s31] =	ssyncadd.s32 $0xFFFFC000  }
0x65: {  	s13 =	simm.s32 $0x0;
	_ =	swait.ge [sflag:s31], $0x2000  }
0x66: {  	s18 =	sand.u32 $0x380, s30;
	s3 =	sand.u32 $0x3FFFF000, s13;
	[sflag:s31] =	ssyncset.done $0x0  }
0x67: {  	s15 =	sor.u32 s18, s3;
	[sflag:s31] =	ssyncadd.s32 $0xFFFFE000  }
0x68: {  	v3 =	vld [tilespmem:s15+$0x4200]  }
0x69: {  	v4 =	vld [tilespmem:s15+$0x4210]  }
0x6a: {  	v5 =	vld [tilespmem:s15+$0x4220]  }
0x6b: {  	v6 =	vld [tilespmem:s15+$0x4230]  }
0x6c: {  	v7 =	vld [tilespmem:s15+$0x4240]  }
0x6d: {  	s19 =	simm.s32 $0x0;
	v8 =	vld [tilespmem:s15+$0x4250]  }
0x6e: {  	s3 =	sand.u32 $0x3FFFE000, s19;
	v9 =	vld [tilespmem:s15+$0x4260]  }
0x6f: {  	s3 =	sor.u32 s18, s3;
	v10 =	vld [tilespmem:s15+$0x4270];
	v11 =	vand.u32 $0xFFFF0000, v5  }
0x70: {  	v12 =	vand.u32 $0xFFFF0000, v4;
	[tilespmem:s3+$0x250] =	vst.add.f32.msk $0xffff, v11  }
0x71: {  	v4 =	vshll.u32 v4, $0x10;
	[tilespmem:s3+$0x230] =	vst.add.f32.msk $0xffff, v12  }
0x72: {  	v5 =	vshll.u32 v5, $0x10;
	[tilespmem:s3+$0x220] =	vst.add.f32.msk $0xffff, v4  }
0x73: {  	v4 =	vshll.u32 v3, $0x10;
	[tilespmem:s3+$0x240] =	vst.add.f32.msk $0xffff, v5  }
0x74: {  	v5 =	vand.u32 $0xFFFF0000, v6;
	[tilespmem:s3+$0x200] =	vst.add.f32.msk $0xffff, v4  }
0x75: {  	v3 =	vand.u32 $0xFFFF0000, v3;
	[tilespmem:s3+$0x270] =	vst.add.f32.msk $0xffff, v5  }
0x76: {  	v4 =	vshll.u32 v7, $0x10;
	[tilespmem:s3+$0x210] =	vst.add.f32.msk $0xffff, v3  }
0x77: {  	v3 =	vand.u32 $0xFFFF0000, v7;
	[tilespmem:s3+$0x600] =	vst.add.f32.msk $0xffff, v4  }
0x78: {  	v4 =	vand.u32 $0xFFFF0000, v8;
	[tilespmem:s3+$0x610] =	vst.add.f32.msk $0xffff, v3  }
0x79: {  	v3 =	vshll.u32 v6, $0x10;
	[tilespmem:s3+$0x630] =	vst.add.f32.msk $0xffff, v4  }
0x7a: {  	v4 =	vand.u32 $0xFFFF0000, v9;
	[tilespmem:s3+$0x260] =	vst.add.f32.msk $0xffff, v3  }
0x7b: {  	v3 =	vshll.u32 v8, $0x10;
	[tilespmem:s3+$0x650] =	vst.add.f32.msk $0xffff, v4  }
0x7c: {  	v4 =	vand.u32 $0xFFFF0000, v10;
	[tilespmem:s3+$0x620] =	vst.add.f32.msk $0xffff, v3  }
0x7d: {  	v3 =	vshll.u32 v9, $0x10;
	[tilespmem:s3+$0x670] =	vst.add.f32.msk $0xffff, v4  }
0x7e: {  	v4 =	vshll.u32 v10, $0x10;
	[tilespmem:s3+$0x640] =	vst.add.f32.msk $0xffff, v3  }
0x7f: {  	[tilespmem:s3+$0x660] =	vst.add.f32.msk $0xffff, v4  }
0x80: {  	v3 =	vld [tilespmem:s15+$0x4600]  }
0x81: {  	v4 =	vld [tilespmem:s15+$0x4630]  }
0x82: {  	v5 =	vld [tilespmem:s15+$0x4610]  }
0x83: {  	v6 =	vld [tilespmem:s15+$0x4620]  }
0x84: {  	v7 =	vld [tilespmem:s15+$0x4640]  }
0x85: {  	v46 =	vld [tilespmem:s15+$0x4650]  }
0x86: {  	v47 =	vld [tilespmem:s15+$0x4660]  }
0x87: {  	v48 =	vld [tilespmem:s15+$0x4670];
	v49 =	vshll.u32 v4, $0x10  }
0x88: {  	v4 =	vand.u32 $0xFFFF0000, v4;
	[tilespmem:s3+$0xA60] =	vst.add.f32.msk $0xffff, v49  }
0x89: {  	v50 =	vand.u32 $0xFFFF0000, v5;
	[tilespmem:s3+$0xA70] =	vst.add.f32.msk $0xffff, v4  }
0x8a: {  	v4 =	vshll.u32 v5, $0x10;
	[tilespmem:s3+$0xA30] =	vst.add.f32.msk $0xffff, v50  }
0x8b: {  	v5 =	vand.u32 $0xFFFF0000, v3;
	[tilespmem:s3+$0xA20] =	vst.add.f32.msk $0xffff, v4  }
0x8c: {  	v3 =	vshll.u32 v3, $0x10;
	[tilespmem:s3+$0xA10] =	vst.add.f32.msk $0xffff, v5  }
0x8d: {  	v4 =	vand.u32 $0xFFFF0000, v6;
	[tilespmem:s3+$0xA00] =	vst.add.f32.msk $0xffff, v3  }
0x8e: {  	v3 =	vshll.u32 v6, $0x10;
	[tilespmem:s3+$0xA50] =	vst.add.f32.msk $0xffff, v4  }
0x8f: {  	v4 =	vand.u32 $0xFFFF0000, v7;
	[tilespmem:s3+$0xA40] =	vst.add.f32.msk $0xffff, v3  }
0x90: {  	v3 =	vand.u32 $0xFFFF0000, v46;
	[tilespmem:s3+$0xE10] =	vst.add.f32.msk $0xffff, v4  }
0x91: {  	v4 =	vshll.u32 v7, $0x10;
	[tilespmem:s3+$0xE30] =	vst.add.f32.msk $0xffff, v3  }
0x92: {  	v3 =	vand.u32 $0xFFFF0000, v48;
	[tilespmem:s3+$0xE00] =	vst.add.f32.msk $0xffff, v4  }
0x93: {  	v4 =	vand.u32 $0xFFFF0000, v47;
	[tilespmem:s3+$0xE70] =	vst.add.f32.msk $0xffff, v3  }
0x94: {  	v3 =	vshll.u32 v47, $0x10;
	[tilespmem:s3+$0xE50] =	vst.add.f32.msk $0xffff, v4  }
0x95: {  	v4 =	vshll.u32 v46, $0x10;
	[tilespmem:s3+$0xE40] =	vst.add.f32.msk $0xffff, v3  }
0x96: {  	[tilespmem:s3+$0xE20] =	vst.add.f32.msk $0xffff, v4;
	v4 =	vshll.u32 v48, $0x10  }
0x97: {  	[tilespmem:s3+$0xE60] =	vst.add.f32.msk $0xffff, v4  }
0x98: {  	v3 =	vld [tilespmem:s15+$0x4A50]  }
0x99: {  	v4 =	vld [tilespmem:s15+$0x4A40]  }
0x9a: {  	v5 =	vld [tilespmem:s15+$0x4A30]  }
0x9b: {  	v6 =	vld [tilespmem:s15+$0x4A20]  }
0x9c: {  	v7 =	vld [tilespmem:s15+$0x4A10]  }
0x9d: {  	v51 =	vld [tilespmem:s15+$0x4A70]  }
0x9e: {  	v52 =	vld [tilespmem:s15+$0x4A60]  }
0x9f: {  	v53 =	vld [tilespmem:s15+$0x4A00];
	v54 =	vand.u32 $0xFFFF0000, v5  }
0xa0: {  	v55 =	vshll.u32 v6, $0x10;
	[tilespmem:s3+$0x1270] =	vst.add.f32.msk $0xffff, v54  }
0xa1: {  	v6 =	vand.u32 $0xFFFF0000, v6;
	[tilespmem:s3+$0x1240] =	vst.add.f32.msk $0xffff, v55  }
0xa2: {  	v5 =	vshll.u32 v5, $0x10;
	[tilespmem:s3+$0x1250] =	vst.add.f32.msk $0xffff, v6  }
0xa3: {  	v6 =	vand.u32 $0xFFFF0000, v4;
	[tilespmem:s3+$0x1260] =	vst.add.f32.msk $0xffff, v5  }
0xa4: {  	v4 =	vshll.u32 v4, $0x10;
	[tilespmem:s3+$0x1610] =	vst.add.f32.msk $0xffff, v6  }
0xa5: {  	v5 =	vshll.u32 v51, $0x10;
	[tilespmem:s3+$0x1600] =	vst.add.f32.msk $0xffff, v4  }
0xa6: {  	v4 =	vand.u32 $0xFFFF0000, v51;
	[tilespmem:s3+$0x1660] =	vst.add.f32.msk $0xffff, v5  }
0xa7: {  	v5 =	vand.u32 $0xFFFF0000, v7;
	[tilespmem:s3+$0x1670] =	vst.add.f32.msk $0xffff, v4  }
0xa8: {  	v4 =	vshll.u32 v7, $0x10;
	[tilespmem:s3+$0x1230] =	vst.add.f32.msk $0xffff, v5  }
0xa9: {  	v5 =	vand.u32 $0xFFFF0000, v52;
	[tilespmem:s3+$0x1220] =	vst.add.f32.msk $0xffff, v4  }
0xaa: {  	v4 =	vshll.u32 v3, $0x10;
	[tilespmem:s3+$0x1650] =	vst.add.f32.msk $0xffff, v5  }
0xab: {  	v3 =	vand.u32 $0xFFFF0000, v3;
	[tilespmem:s3+$0x1620] =	vst.add.f32.msk $0xffff, v4  }
0xac: {  	v4 =	vshll.u32 v52, $0x10;
	[tilespmem:s3+$0x1630] =	vst.add.f32.msk $0xffff, v3  }
0xad: {  	v3 =	vand.u32 $0xFFFF0000, v53;
	[tilespmem:s3+$0x1640] =	vst.add.f32.msk $0xffff, v4  }
0xae: {  	v4 =	vshll.u32 v53, $0x10;
	[tilespmem:s3+$0x1210] =	vst.add.f32.msk $0xffff, v3  }
0xaf: {  	[tilespmem:s3+$0x1200] =	vst.add.f32.msk $0xffff, v4  }
0xb0: {  	v3 =	vld [tilespmem:s15+$0x4E00]  }
0xb1: {  	v4 =	vld [tilespmem:s15+$0x4E10]  }
0xb2: {  	v5 =	vld [tilespmem:s15+$0x4E20]  }
0xb3: {  	v6 =	vld [tilespmem:s15+$0x4E30]  }
0xb4: {  	v7 =	vld [tilespmem:s15+$0x4E40]  }
0xb5: {  	v56 =	vld [tilespmem:s15+$0x4E50]  }
0xb6: {  	v57 =	vld [tilespmem:s15+$0x4E60]  }
0xb7: {  	v11 =	vld [tilespmem:s15+$0x4E70];
	v58 =	vshll.u32 v4, $0x10  }
0xb8: {  	v59 =	vand.u32 $0xFFFF0000, v3;
	[tilespmem:s3+$0x1A20] =	vst.add.f32.msk $0xffff, v58  }
0xb9: {  	v60 =	vshll.u32 v5, $0x10;
	[tilespmem:s3+$0x1A10] =	vst.add.f32.msk $0xffff, v59  }
0xba: {  	v61 =	vand.u32 $0xFFFF0000, v56;
	[tilespmem:s3+$0x1A40] =	vst.add.f32.msk $0xffff, v60  }
0xbb: {  	v62 =	vshll.u32 v57, $0x10;
	[tilespmem:s3+$0x1E30] =	vst.add.f32.msk $0xffff, v61  }
0xbc: {  	v8 =	vshll.u32 v56, $0x10;
	[tilespmem:s3+$0x1E40] =	vst.add.f32.msk $0xffff, v62  }
0xbd: {  	v5 =	vand.u32 $0xFFFF0000, v5;
	[tilespmem:s3+$0x1E20] =	vst.add.f32.msk $0xffff, v8  }
0xbe: {  	v63 =	vshll.u32 v7, $0x10;
	[tilespmem:s3+$0x1A50] =	vst.add.f32.msk $0xffff, v5  }
0xbf: {  	v3 =	vshll.u32 v3, $0x10;
	[tilespmem:s3+$0x1E00] =	vst.add.f32.msk $0xffff, v63  }
0xc0: {  	v5 =	vand.u32 $0xFFFF0000, v7;
	[tilespmem:s3+$0x1A00] =	vst.add.f32.msk $0xffff, v3  }
0xc1: {  	v3 =	vand.u32 $0xFFFF0000, v6;
	[tilespmem:s3+$0x1E10] =	vst.add.f32.msk $0xffff, v5  }
0xc2: {  	v5 =	vshll.u32 v6, $0x10;
	[tilespmem:s3+$0x1A70] =	vst.add.f32.msk $0xffff, v3  }
0xc3: {  	v6 =	vshll.u32 v11, $0x10;
	[tilespmem:s3+$0x1A60] =	vst.add.f32.msk $0xffff, v5  }
0xc4: {  	v5 =	vand.u32 $0xFFFF0000, v57;
	[tilespmem:s3+$0x1E60] =	vst.add.f32.msk $0xffff, v6  }
0xc5: {  	s8 =	simm.s32 $0x1;
	v3 =	vand.u32 $0xFFFF0000, v4;
	v4 =	vand.u32 $0xFFFF0000, v11;
	[tilespmem:s3+$0x1E50] =	vst.add.f32.msk $0xffff, v5  }
.LBB2_3:
0xc6: {  	s19 =	sshll.u32 s8, $0x9  }
0xc7: {  	[tilespmem:s3+$0x1E70] =	vst.add.f32.msk $0xffff, v4;
	s30 =	sadd.s32 $0x80, s30;
	s13 =	smov.u32 s8;
	s18 =	sadd.s32 $0x1, s8  }
0xc8: {  	p1 =	sne.s32 s8, $0xF;
	s15 =	sand.u32 $0x380, s30;
	s19 =	sand.u32 $0x3FFFF000, s19;
	[tilespmem:s3+$0x1A30] =	vst.add.f32.msk $0xffff, v3  }
0xc9: {  	s19 =	sor.u32 s15, s19  }
0xca: {  	v3 =	vld [tilespmem:s19+$0x4200]  }
0xcb: {  	v4 =	vld [tilespmem:s19+$0x4210]  }
0xcc: {  	v5 =	vld [tilespmem:s19+$0x4220]  }
0xcd: {  	v6 =	vld [tilespmem:s19+$0x4230]  }
0xce: {  	v7 =	vld [tilespmem:s19+$0x4240]  }
0xcf: {  	s3 =	sshll.u32 s13, $0xA;
	v8 =	vld [tilespmem:s19+$0x4250]  }
0xd0: {  	s3 =	sand.u32 $0x3FFFE000, s3;
	v9 =	vld [tilespmem:s19+$0x4260];
	v10 =	vshll.u32 v4, $0x10  }
0xd1: {  	s3 =	sor.u32 s15, s3;
	v12 =	vshll.u32 v3, $0x10;
	v3 =	vand.u32 $0xFFFF0000, v3;
	v11 =	vld [tilespmem:s19+$0x4270];
	v13 =	vand.u32 $0xFFFF0000, v5  }
0xd2: {  	v4 =	vand.u32 $0xFFFF0000, v4;
	v5 =	vshll.u32 v5, $0x10;
	[tilespmem:s3+$0x250] =	vst.add.f32.msk $0xffff, v13;
	v13 =	vand.u32 $0xFFFF0000, v6  }
0xd3: {  	[tilespmem:s3+$0x230] =	vst.add.f32.msk $0xffff, v4;
	v4 =	vshll.u32 v7, $0x10;
	v7 =	vand.u32 $0xFFFF0000, v7  }
0xd4: {  	v6 =	vshll.u32 v6, $0x10;
	[tilespmem:s3+$0x220] =	vst.add.f32.msk $0xffff, v10;
	v10 =	vshll.u32 v8, $0x10;
	v8 =	vand.u32 $0xFFFF0000, v8  }
0xd5: {  	[tilespmem:s3+$0x240] =	vst.add.f32.msk $0xffff, v5;
	v5 =	vshll.u32 v9, $0x10;
	v9 =	vand.u32 $0xFFFF0000, v9  }
0xd6: {  	[tilespmem:s3+$0x200] =	vst.add.f32.msk $0xffff, v12;
	v12 =	vshll.u32 v11, $0x10;
	v11 =	vand.u32 $0xFFFF0000, v11  }
0xd7: {  	[tilespmem:s3+$0x270] =	vst.add.f32.msk $0xffff, v13  }
0xd8: {  	[tilespmem:s3+$0x210] =	vst.add.f32.msk $0xffff, v3  }
0xd9: {  	[tilespmem:s3+$0x600] =	vst.add.f32.msk $0xffff, v4  }
0xda: {  	[tilespmem:s3+$0x610] =	vst.add.f32.msk $0xffff, v7  }
0xdb: {  	[tilespmem:s3+$0x630] =	vst.add.f32.msk $0xffff, v8  }
0xdc: {  	[tilespmem:s3+$0x260] =	vst.add.f32.msk $0xffff, v6  }
0xdd: {  	[tilespmem:s3+$0x650] =	vst.add.f32.msk $0xffff, v9  }
0xde: {  	[tilespmem:s3+$0x620] =	vst.add.f32.msk $0xffff, v10  }
0xdf: {  	[tilespmem:s3+$0x670] =	vst.add.f32.msk $0xffff, v11  }
0xe0: {  	[tilespmem:s3+$0x640] =	vst.add.f32.msk $0xffff, v5  }
0xe1: {  	[tilespmem:s3+$0x660] =	vst.add.f32.msk $0xffff, v12  }
0xe2: {  	v3 =	vld [tilespmem:s19+$0x4600]  }
0xe3: {  	v4 =	vld [tilespmem:s19+$0x4630]  }
0xe4: {  	v5 =	vld [tilespmem:s19+$0x4610]  }
0xe5: {  	v6 =	vld [tilespmem:s19+$0x4620]  }
0xe6: {  	v7 =	vld [tilespmem:s19+$0x4640]  }
0xe7: {  	v8 =	vld [tilespmem:s19+$0x4650]  }
0xe8: {  	v10 =	vand.u32 $0xFFFF0000, v3;
	v9 =	vld [tilespmem:s19+$0x4660]  }
0xe9: {  	v13 =	vshll.u32 v4, $0x10;
	v4 =	vand.u32 $0xFFFF0000, v4;
	v11 =	vld [tilespmem:s19+$0x4670];
	v12 =	vand.u32 $0xFFFF0000, v5  }
0xea: {  	v5 =	vshll.u32 v5, $0x10;
	v14 =	vshll.u32 v6, $0x10;
	v6 =	vand.u32 $0xFFFF0000, v6;
	[tilespmem:s3+$0xA60] =	vst.add.f32.msk $0xffff, v13  }
0xeb: {  	[tilespmem:s3+$0xA70] =	vst.add.f32.msk $0xffff, v4;
	v4 =	vshll.u32 v7, $0x10;
	v7 =	vand.u32 $0xFFFF0000, v7  }
0xec: {  	v3 =	vshll.u32 v3, $0x10;
	[tilespmem:s3+$0xA30] =	vst.add.f32.msk $0xffff, v12;
	v12 =	vand.u32 $0xFFFF0000, v8  }
0xed: {  	[tilespmem:s3+$0xA20] =	vst.add.f32.msk $0xffff, v5;
	v5 =	vshll.u32 v8, $0x10;
	v8 =	vshll.u32 v9, $0x10;
	v9 =	vand.u32 $0xFFFF0000, v9  }
0xee: {  	[tilespmem:s3+$0xA10] =	vst.add.f32.msk $0xffff, v10;
	v10 =	vshll.u32 v11, $0x10;
	v11 =	vand.u32 $0xFFFF0000, v11  }
0xef: {  	[tilespmem:s3+$0xA50] =	vst.add.f32.msk $0xffff, v6  }
0xf0: {  	[tilespmem:s3+$0xA00] =	vst.add.f32.msk $0xffff, v3  }
0xf1: {  	[tilespmem:s3+$0xE10] =	vst.add.f32.msk $0xffff, v7  }
0xf2: {  	[tilespmem:s3+$0xA40] =	vst.add.f32.msk $0xffff, v14  }
0xf3: {  	[tilespmem:s3+$0xE00] =	vst.add.f32.msk $0xffff, v4  }
0xf4: {  	[tilespmem:s3+$0xE30] =	vst.add.f32.msk $0xffff, v12  }
0xf5: {  	[tilespmem:s3+$0xE50] =	vst.add.f32.msk $0xffff, v9  }
0xf6: {  	[tilespmem:s3+$0xE70] =	vst.add.f32.msk $0xffff, v11  }
0xf7: {  	[tilespmem:s3+$0xE20] =	vst.add.f32.msk $0xffff, v5  }
0xf8: {  	[tilespmem:s3+$0xE40] =	vst.add.f32.msk $0xffff, v8  }
0xf9: {  	[tilespmem:s3+$0xE60] =	vst.add.f32.msk $0xffff, v10  }
0xfa: {  	v3 =	vld [tilespmem:s19+$0x4A50]  }
0xfb: {  	v4 =	vld [tilespmem:s19+$0x4A40]  }
0xfc: {  	v5 =	vld [tilespmem:s19+$0x4A30]  }
0xfd: {  	v6 =	vld [tilespmem:s19+$0x4A20]  }
0xfe: {  	v7 =	vld [tilespmem:s19+$0x4A10]  }
0xff: {  	v8 =	vld [tilespmem:s19+$0x4A70]  }
0x100: {  	v9 =	vld [tilespmem:s19+$0x4A60]  }
0x101: {  	v10 =	vld [tilespmem:s19+$0x4A00];
	v11 =	vshll.u32 v5, $0x10;
	v5 =	vand.u32 $0xFFFF0000, v5  }
0x102: {  	v12 =	vshll.u32 v6, $0x10;
	v6 =	vand.u32 $0xFFFF0000, v6;
	[tilespmem:s3+$0x1270] =	vst.add.f32.msk $0xffff, v5  }
0x103: {  	v5 =	vand.u32 $0xFFFF0000, v7;
	[tilespmem:s3+$0x1240] =	vst.add.f32.msk $0xffff, v12;
	v12 =	vshll.u32 v4, $0x10;
	v4 =	vand.u32 $0xFFFF0000, v4  }
0x104: {  	v7 =	vshll.u32 v7, $0x10;
	[tilespmem:s3+$0x1250] =	vst.add.f32.msk $0xffff, v6;
	v6 =	vand.u32 $0xFFFF0000, v3;
	v13 =	vshll.u32 v8, $0x10  }
0x105: {  	v8 =	vand.u32 $0xFFFF0000, v8;
	[tilespmem:s3+$0x1260] =	vst.add.f32.msk $0xffff, v11;
	v11 =	vshll.u32 v9, $0x10;
	v9 =	vand.u32 $0xFFFF0000, v9  }
0x106: {  	v14 =	vshll.u32 v10, $0x10;
	v10 =	vand.u32 $0xFFFF0000, v10;
	[tilespmem:s3+$0x1610] =	vst.add.f32.msk $0xffff, v4  }
0x107: {  	[tilespmem:s3+$0x1600] =	vst.add.f32.msk $0xffff, v12  }
0x108: {  	[tilespmem:s3+$0x1660] =	vst.add.f32.msk $0xffff, v13  }
0x109: {  	[tilespmem:s3+$0x1670] =	vst.add.f32.msk $0xffff, v8  }
0x10a: {  	[tilespmem:s3+$0x1230] =	vst.add.f32.msk $0xffff, v5  }
0x10b: {  	v3 =	vshll.u32 v3, $0x10;
	[tilespmem:s3+$0x1220] =	vst.add.f32.msk $0xffff, v7  }
0x10c: {  	[tilespmem:s3+$0x1620] =	vst.add.f32.msk $0xffff, v3  }
0x10d: {  	[tilespmem:s3+$0x1650] =	vst.add.f32.msk $0xffff, v9  }
0x10e: {  	[tilespmem:s3+$0x1630] =	vst.add.f32.msk $0xffff, v6  }
0x10f: {  	[tilespmem:s3+$0x1640] =	vst.add.f32.msk $0xffff, v11  }
0x110: {  	[tilespmem:s3+$0x1210] =	vst.add.f32.msk $0xffff, v10  }
0x111: {  	[tilespmem:s3+$0x1200] =	vst.add.f32.msk $0xffff, v14  }
0x112: {  	v4 =	vld [tilespmem:s19+$0x4E00]  }
0x113: {  	v3 =	vld [tilespmem:s19+$0x4E10]  }
0x114: {  	v5 =	vld [tilespmem:s19+$0x4E20]  }
0x115: {  	v6 =	vld [tilespmem:s19+$0x4E30]  }
0x116: {  	v7 =	vld [tilespmem:s19+$0x4E40]  }
0x117: {  	v8 =	vld [tilespmem:s19+$0x4E50]  }
0x118: {  	v9 =	vld [tilespmem:s19+$0x4E60];
	v10 =	vshll.u32 v3, $0x10  }
0x119: {  	v12 =	vand.u32 $0xFFFF0000, v4;
	v3 =	vand.u32 $0xFFFF0000, v3;
	v11 =	vld [tilespmem:s19+$0x4E70];
	v13 =	vshll.u32 v5, $0x10  }
0x11a: {  	v5 =	vand.u32 $0xFFFF0000, v5;
	[tilespmem:s3+$0x1A20] =	vst.add.f32.msk $0xffff, v10  }
0x11b: {  	[tilespmem:s3+$0x1A10] =	vst.add.f32.msk $0xffff, v12;
	v10 =	vshll.u32 v7, $0x10  }
0x11c: {  	v7 =	vand.u32 $0xFFFF0000, v7;
	[tilespmem:s3+$0x1A40] =	vst.add.f32.msk $0xffff, v13;
	v12 =	vshll.u32 v8, $0x10;
	v8 =	vand.u32 $0xFFFF0000, v8  }
0x11d: {  	v4 =	vshll.u32 v4, $0x10;
	[tilespmem:s3+$0x1E30] =	vst.add.f32.msk $0xffff, v8;
	v8 =	vshll.u32 v9, $0x10  }
0x11e: {  	v13 =	vshll.u32 v6, $0x10;
	[tilespmem:s3+$0x1E40] =	vst.add.f32.msk $0xffff, v8  }
0x11f: {  	v6 =	vand.u32 $0xFFFF0000, v6;
	[tilespmem:s3+$0x1E20] =	vst.add.f32.msk $0xffff, v12  }
0x120: {  	[tilespmem:s3+$0x1A50] =	vst.add.f32.msk $0xffff, v5;
	v5 =	vand.u32 $0xFFFF0000, v9  }
0x121: {  	[tilespmem:s3+$0x1E00] =	vst.add.f32.msk $0xffff, v10  }
0x122: {  	[tilespmem:s3+$0x1E10] =	vst.add.f32.msk $0xffff, v7  }
.Ltmp0:
0x123: {  	v7 =	vshll.u32 v11, $0x10;
	[tilespmem:s3+$0x1A00] =	vst.add.f32.msk $0xffff, v4;
	(pc) =	sbr.rel @p1 .LBB2_3-.Ltmp0, $4  }
0x124: {  	v4 =	vand.u32 $0xFFFF0000, v11;
	[tilespmem:s3+$0x1A60] =	vst.add.f32.msk $0xffff, v13  }
0x125: {  	[tilespmem:s3+$0x1A70] =	vst.add.f32.msk $0xffff, v6  }
0x126: {  	[tilespmem:s3+$0x1E50] =	vst.add.f32.msk $0xffff, v5  }
0x127: {  	s8 =	smov.u32 s18;
	[tilespmem:s3+$0x1E60] =	vst.add.f32.msk $0xffff, v7  }
0x128: {  	[tilespmem:s3+$0x1E70] =	vst.add.f32.msk $0xffff, v4;
	s8 =	sshll.u32 s25, $0xD  }
0x129: {  	[tilespmem:s3+$0x1A30] =	vst.add.f32.msk $0xffff, v3;
	s3 =	simm.s32 @!p0 $0x8;
	s8 =	sadd.s32 s8, s14  }
0x12a: {  	[hbm4b:s8+s4] =	stream.linear.scatter [tilespmem:s17], [sflag:$0x2], $0x4000, $0x38;
	[tilespmem:$0x18200] =	vst v63  }
0x12b: {  	_ =	swait.ge @!p0 [sflag:s3], $0x4000  }
0x12c: {  	s28 =	sor.u32 $0x3, s28;
	[sflag:s3] =	ssyncset.done @!p0 $0x0  }
0x12d: {  	[sflag:s3] =	ssyncadd.s32 @!p0 $0xFFFFC000;
	s3 =	sshll.u32 s28, $0x4  }
0x12e: {  	v3 =	vld [tilespmem:s3+$0x0];
	_ =	sdelay $0x4  }
0x12f: {  	v4 =	vshll.u32 v3, $0x3  }
0x130: {  	v3 =	vand.u32 $0x7, v3;
	v4 =	vand.u32 $0xFFFFFFC0, v4  }
0x131: {  	v3 =	vor.u32 v3, v4  }
0x132: {  	v4 =	vperm.xlane v3, v0;
	_ =	sdelay $0x1  }
0x133: {  	v4 =	vadd.s32 v1, v4;
	_ =	sdelay $0x3  }
0x134: {  	s30 =	simm.s32 $0x0  }
0x135: {  	[tilespmem:s0], [sflag:$0x7] =	stream.indirect_vreg.gather [hbm4b:s1+s30], $0x80, v4, vm0, $0xb8;
	[tilespmem:$0x18200] =	vst v63  }
0x136: {  	s11 =	simm.s32 $0x12A00;
	v3 =	vperm.xlane v3, v2  }
0x137: {  	[tilespmem:s11], [sflag:$0x7] =	stream.indirect_vreg.gather [hbm4b:s9+s30], $0x80, v4, vm0, $0xb8;
	[tilespmem:$0x18200] =	vst v63  }
0x138: {  	s13 =	simm.s32 $0x13200;
	v3 =	vadd.s32 v1, v3  }
0x139: {  	[tilespmem:s13], [sflag:$0x7] =	stream.indirect_vreg.gather [hbm4b:s10+s30], $0x80, v4, vm0, $0xb8;
	[tilespmem:$0x18200] =	vst v63  }
0x13a: {  	s15 =	simm.s32 $0x13A00  }
0x13b: {  	[tilespmem:s15], [sflag:$0x7] =	stream.indirect_vreg.gather [hbm4b:s12+s30], $0x80, v4, vm0, $0xb8;
	[tilespmem:$0x18200] =	vst v63  }
0x13c: {  	s18 =	simm.s32 $0x14200  }
0x13d: {  	[tilespmem:s18], [sflag:$0x7] =	stream.indirect_vreg.gather [hbm4b:s1+s30], $0x80, v3, vm0, $0xb8;
	[tilespmem:$0x18200] =	vst v63  }
0x13e: {  	s19 =	simm.s32 $0x14A00  }
0x13f: {  	[tilespmem:s19], [sflag:$0x7] =	stream.indirect_vreg.gather [hbm4b:s9+s30], $0x80, v3, vm0, $0xb8;
	[tilespmem:$0x18200] =	vst v63  }
0x140: {  	s3 =	sadd.s32 s7, s3;
	s11 =	simm.s32 $0x15200  }
0x141: {  	[tilespmem:s11], [sflag:$0x7] =	stream.indirect_vreg.gather [hbm4b:s10+s30], $0x80, v3, vm0, $0xb8;
	[tilespmem:$0x18200] =	vst v63  }
0x142: {  	s3 =	sshll.u32 s3, $0x6;
	s13 =	simm.s32 $0x15A00  }
0x143: {  	[tilespmem:s13], [sflag:$0x7] =	stream.indirect_vreg.gather [hbm4b:s12+s30], $0x80, v3, vm0, $0xb8;
	[tilespmem:$0x18200] =	vst v63  }
0x144: {  	s3 =	sadd.s32 s5, s3  }
0x145: {  	[tilespmem:s16], [sflag:$0x7] =	stream.linear.gather [hbm4b:s3+s30], $0x2000, $0x38;
	[tilespmem:$0x18200] =	vst v63  }
0x146: {  	_ =	swait.ge [sflag:s2], $0x4000  }
0x147: {  	[sflag:s2] =	ssyncset.done $0x0  }
0x148: {  	[sflag:s2] =	ssyncadd.s32 $0xFFFFC000  }
0x149: {  	s15 =	simm.s32 $0x0;
	_ =	swait.ge [sflag:s2], $0x2000  }
0x14a: {  	s13 =	sand.u32 $0x380, s30;
	s3 =	sand.u32 $0x3FFFF000, s15;
	[sflag:s2] =	ssyncset.done $0x0  }
0x14b: {  	s18 =	sor.u32 s13, s3;
	[sflag:s2] =	ssyncadd.s32 $0xFFFFE000  }
0x14c: {  	v3 =	vld [tilespmem:s18+$0xA200]  }
0x14d: {  	v4 =	vld [tilespmem:s18+$0xA210]  }
0x14e: {  	v5 =	vld [tilespmem:s18+$0xA220]  }
0x14f: {  	v6 =	vld [tilespmem:s18+$0xA230]  }
0x150: {  	v7 =	vld [tilespmem:s18+$0xA240]  }
0x151: {  	s19 =	simm.s32 $0x0;
	v8 =	vld [tilespmem:s18+$0xA250]  }
0x152: {  	s3 =	sand.u32 $0x3FFFE000, s19;
	v9 =	vld [tilespmem:s18+$0xA260]  }
0x153: {  	s3 =	sor.u32 s13, s3;
	v10 =	vld [tilespmem:s18+$0xA270];
	v11 =	vand.u32 $0xFFFF0000, v5  }
0x154: {  	v12 =	vand.u32 $0xFFFF0000, v4;
	[tilespmem:s3+$0x6250] =	vst.add.f32.msk $0xffff, v11  }
0x155: {  	v4 =	vshll.u32 v4, $0x10;
	[tilespmem:s3+$0x6230] =	vst.add.f32.msk $0xffff, v12  }
0x156: {  	v5 =	vshll.u32 v5, $0x10;
	[tilespmem:s3+$0x6220] =	vst.add.f32.msk $0xffff, v4  }
0x157: {  	v4 =	vshll.u32 v3, $0x10;
	[tilespmem:s3+$0x6240] =	vst.add.f32.msk $0xffff, v5  }
0x158: {  	v5 =	vand.u32 $0xFFFF0000, v6;
	[tilespmem:s3+$0x6200] =	vst.add.f32.msk $0xffff, v4  }
0x159: {  	v3 =	vand.u32 $0xFFFF0000, v3;
	[tilespmem:s3+$0x6270] =	vst.add.f32.msk $0xffff, v5  }
0x15a: {  	v4 =	vshll.u32 v7, $0x10;
	[tilespmem:s3+$0x6210] =	vst.add.f32.msk $0xffff, v3  }
0x15b: {  	v3 =	vand.u32 $0xFFFF0000, v7;
	[tilespmem:s3+$0x6600] =	vst.add.f32.msk $0xffff, v4  }
0x15c: {  	v4 =	vand.u32 $0xFFFF0000, v8;
	[tilespmem:s3+$0x6610] =	vst.add.f32.msk $0xffff, v3  }
0x15d: {  	v3 =	vshll.u32 v6, $0x10;
	[tilespmem:s3+$0x6630] =	vst.add.f32.msk $0xffff, v4  }
0x15e: {  	v4 =	vand.u32 $0xFFFF0000, v9;
	[tilespmem:s3+$0x6260] =	vst.add.f32.msk $0xffff, v3  }
0x15f: {  	v3 =	vshll.u32 v8, $0x10;
	[tilespmem:s3+$0x6650] =	vst.add.f32.msk $0xffff, v4  }
0x160: {  	v4 =	vand.u32 $0xFFFF0000, v10;
	[tilespmem:s3+$0x6620] =	vst.add.f32.msk $0xffff, v3  }
0x161: {  	v3 =	vshll.u32 v9, $0x10;
	[tilespmem:s3+$0x6670] =	vst.add.f32.msk $0xffff, v4  }
0x162: {  	v4 =	vshll.u32 v10, $0x10;
	[tilespmem:s3+$0x6640] =	vst.add.f32.msk $0xffff, v3  }
0x163: {  	[tilespmem:s3+$0x6660] =	vst.add.f32.msk $0xffff, v4  }
0x164: {  	v3 =	vld [tilespmem:s18+$0xA600]  }
0x165: {  	v4 =	vld [tilespmem:s18+$0xA630]  }
0x166: {  	v5 =	vld [tilespmem:s18+$0xA610]  }
0x167: {  	v6 =	vld [tilespmem:s18+$0xA620]  }
0x168: {  	v7 =	vld [tilespmem:s18+$0xA640]  }
0x169: {  	v46 =	vld [tilespmem:s18+$0xA650]  }
0x16a: {  	v47 =	vld [tilespmem:s18+$0xA660]  }
0x16b: {  	v48 =	vld [tilespmem:s18+$0xA670];
	v49 =	vshll.u32 v4, $0x10  }
0x16c: {  	v4 =	vand.u32 $0xFFFF0000, v4;
	[tilespmem:s3+$0x6A60] =	vst.add.f32.msk $0xffff, v49  }
0x16d: {  	v50 =	vand.u32 $0xFFFF0000, v5;
	[tilespmem:s3+$0x6A70] =	vst.add.f32.msk $0xffff, v4  }
0x16e: {  	v4 =	vshll.u32 v5, $0x10;
	[tilespmem:s3+$0x6A30] =	vst.add.f32.msk $0xffff, v50  }
0x16f: {  	v5 =	vand.u32 $0xFFFF0000, v3;
	[tilespmem:s3+$0x6A20] =	vst.add.f32.msk $0xffff, v4  }
0x170: {  	v3 =	vshll.u32 v3, $0x10;
	[tilespmem:s3+$0x6A10] =	vst.add.f32.msk $0xffff, v5  }
0x171: {  	v4 =	vand.u32 $0xFFFF0000, v6;
	[tilespmem:s3+$0x6A00] =	vst.add.f32.msk $0xffff, v3  }
0x172: {  	v3 =	vshll.u32 v6, $0x10;
	[tilespmem:s3+$0x6A50] =	vst.add.f32.msk $0xffff, v4  }
0x173: {  	v4 =	vand.u32 $0xFFFF0000, v7;
	[tilespmem:s3+$0x6A40] =	vst.add.f32.msk $0xffff, v3  }
0x174: {  	v3 =	vand.u32 $0xFFFF0000, v46;
	[tilespmem:s3+$0x6E10] =	vst.add.f32.msk $0xffff, v4  }
0x175: {  	v4 =	vshll.u32 v7, $0x10;
	[tilespmem:s3+$0x6E30] =	vst.add.f32.msk $0xffff, v3  }
0x176: {  	v3 =	vand.u32 $0xFFFF0000, v48;
	[tilespmem:s3+$0x6E00] =	vst.add.f32.msk $0xffff, v4  }
0x177: {  	v4 =	vand.u32 $0xFFFF0000, v47;
	[tilespmem:s3+$0x6E70] =	vst.add.f32.msk $0xffff, v3  }
0x178: {  	v3 =	vshll.u32 v47, $0x10;
	[tilespmem:s3+$0x6E50] =	vst.add.f32.msk $0xffff, v4  }
0x179: {  	v4 =	vshll.u32 v46, $0x10;
	[tilespmem:s3+$0x6E40] =	vst.add.f32.msk $0xffff, v3  }
0x17a: {  	[tilespmem:s3+$0x6E20] =	vst.add.f32.msk $0xffff, v4;
	v4 =	vshll.u32 v48, $0x10  }
0x17b: {  	[tilespmem:s3+$0x6E60] =	vst.add.f32.msk $0xffff, v4  }
0x17c: {  	v3 =	vld [tilespmem:s18+$0xAA50]  }
0x17d: {  	v4 =	vld [tilespmem:s18+$0xAA40]  }
0x17e: {  	v5 =	vld [tilespmem:s18+$0xAA30]  }
0x17f: {  	v6 =	vld [tilespmem:s18+$0xAA20]  }
0x180: {  	v7 =	vld [tilespmem:s18+$0xAA10]  }
0x181: {  	v51 =	vld [tilespmem:s18+$0xAA70]  }
0x182: {  	v52 =	vld [tilespmem:s18+$0xAA60]  }
0x183: {  	v53 =	vld [tilespmem:s18+$0xAA00];
	v54 =	vand.u32 $0xFFFF0000, v5  }
0x184: {  	v55 =	vshll.u32 v6, $0x10;
	[tilespmem:s3+$0x7270] =	vst.add.f32.msk $0xffff, v54  }
0x185: {  	v6 =	vand.u32 $0xFFFF0000, v6;
	[tilespmem:s3+$0x7240] =	vst.add.f32.msk $0xffff, v55  }
0x186: {  	v5 =	vshll.u32 v5, $0x10;
	[tilespmem:s3+$0x7250] =	vst.add.f32.msk $0xffff, v6  }
0x187: {  	v6 =	vand.u32 $0xFFFF0000, v4;
	[tilespmem:s3+$0x7260] =	vst.add.f32.msk $0xffff, v5  }
0x188: {  	v4 =	vshll.u32 v4, $0x10;
	[tilespmem:s3+$0x7610] =	vst.add.f32.msk $0xffff, v6  }
0x189: {  	v5 =	vshll.u32 v51, $0x10;
	[tilespmem:s3+$0x7600] =	vst.add.f32.msk $0xffff, v4  }
0x18a: {  	v4 =	vand.u32 $0xFFFF0000, v51;
	[tilespmem:s3+$0x7660] =	vst.add.f32.msk $0xffff, v5  }
0x18b: {  	v5 =	vand.u32 $0xFFFF0000, v7;
	[tilespmem:s3+$0x7670] =	vst.add.f32.msk $0xffff, v4  }
0x18c: {  	v4 =	vshll.u32 v7, $0x10;
	[tilespmem:s3+$0x7230] =	vst.add.f32.msk $0xffff, v5  }
0x18d: {  	v5 =	vand.u32 $0xFFFF0000, v52;
	[tilespmem:s3+$0x7220] =	vst.add.f32.msk $0xffff, v4  }
0x18e: {  	v4 =	vshll.u32 v3, $0x10;
	[tilespmem:s3+$0x7650] =	vst.add.f32.msk $0xffff, v5  }
0x18f: {  	v3 =	vand.u32 $0xFFFF0000, v3;
	[tilespmem:s3+$0x7620] =	vst.add.f32.msk $0xffff, v4  }
0x190: {  	v4 =	vshll.u32 v52, $0x10;
	[tilespmem:s3+$0x7630] =	vst.add.f32.msk $0xffff, v3  }
0x191: {  	v3 =	vand.u32 $0xFFFF0000, v53;
	[tilespmem:s3+$0x7640] =	vst.add.f32.msk $0xffff, v4  }
0x192: {  	v4 =	vshll.u32 v53, $0x10;
	[tilespmem:s3+$0x7210] =	vst.add.f32.msk $0xffff, v3  }
0x193: {  	[tilespmem:s3+$0x7200] =	vst.add.f32.msk $0xffff, v4  }
0x194: {  	v3 =	vld [tilespmem:s18+$0xAE00]  }
0x195: {  	v4 =	vld [tilespmem:s18+$0xAE10]  }
0x196: {  	v5 =	vld [tilespmem:s18+$0xAE20]  }
0x197: {  	v6 =	vld [tilespmem:s18+$0xAE30]  }
0x198: {  	v7 =	vld [tilespmem:s18+$0xAE40]  }
0x199: {  	v56 =	vld [tilespmem:s18+$0xAE50]  }
0x19a: {  	v57 =	vld [tilespmem:s18+$0xAE60]  }
0x19b: {  	v11 =	vld [tilespmem:s18+$0xAE70];
	v58 =	vshll.u32 v4, $0x10  }
0x19c: {  	v59 =	vand.u32 $0xFFFF0000, v3;
	[tilespmem:s3+$0x7A20] =	vst.add.f32.msk $0xffff, v58  }
0x19d: {  	v60 =	vshll.u32 v5, $0x10;
	[tilespmem:s3+$0x7A10] =	vst.add.f32.msk $0xffff, v59  }
0x19e: {  	v61 =	vand.u32 $0xFFFF0000, v56;
	[tilespmem:s3+$0x7A40] =	vst.add.f32.msk $0xffff, v60  }
0x19f: {  	v62 =	vshll.u32 v57, $0x10;
	[tilespmem:s3+$0x7E30] =	vst.add.f32.msk $0xffff, v61  }
0x1a0: {  	v8 =	vshll.u32 v56, $0x10;
	[tilespmem:s3+$0x7E40] =	vst.add.f32.msk $0xffff, v62  }
0x1a1: {  	v5 =	vand.u32 $0xFFFF0000, v5;
	[tilespmem:s3+$0x7E20] =	vst.add.f32.msk $0xffff, v8  }
0x1a2: {  	v63 =	vshll.u32 v7, $0x10;
	[tilespmem:s3+$0x7A50] =	vst.add.f32.msk $0xffff, v5  }
0x1a3: {  	v3 =	vshll.u32 v3, $0x10;
	[tilespmem:s3+$0x7E00] =	vst.add.f32.msk $0xffff, v63  }
0x1a4: {  	v5 =	vand.u32 $0xFFFF0000, v7;
	[tilespmem:s3+$0x7A00] =	vst.add.f32.msk $0xffff, v3  }
0x1a5: {  	v3 =	vand.u32 $0xFFFF0000, v6;
	[tilespmem:s3+$0x7E10] =	vst.add.f32.msk $0xffff, v5  }
0x1a6: {  	v5 =	vshll.u32 v6, $0x10;
	[tilespmem:s3+$0x7A70] =	vst.add.f32.msk $0xffff, v3  }
0x1a7: {  	v6 =	vshll.u32 v11, $0x10;
	[tilespmem:s3+$0x7A60] =	vst.add.f32.msk $0xffff, v5  }
0x1a8: {  	v5 =	vand.u32 $0xFFFF0000, v57;
	[tilespmem:s3+$0x7E60] =	vst.add.f32.msk $0xffff, v6  }
0x1a9: {  	s8 =	simm.s32 $0x1;
	v3 =	vand.u32 $0xFFFF0000, v4;
	v4 =	vand.u32 $0xFFFF0000, v11;
	[tilespmem:s3+$0x7E50] =	vst.add.f32.msk $0xffff, v5  }
.LBB2_5:
0x1aa: {  	s13 =	sshll.u32 s8, $0x9  }
0x1ab: {  	[tilespmem:s3+$0x7E70] =	vst.add.f32.msk $0xffff, v4;
	s30 =	sadd.s32 $0x80, s30;
	s15 =	smov.u32 s8;
	s18 =	sadd.s32 $0x1, s8  }
0x1ac: {  	p0 =	sne.s32 s8, $0xF;
	s11 =	sand.u32 $0x380, s30;
	s13 =	sand.u32 $0x3FFFF000, s13;
	[tilespmem:s3+$0x7A30] =	vst.add.f32.msk $0xffff, v3  }
0x1ad: {  	s19 =	sor.u32 s11, s13  }
0x1ae: {  	v3 =	vld [tilespmem:s19+$0xA200]  }
0x1af: {  	v4 =	vld [tilespmem:s19+$0xA210]  }
0x1b0: {  	v5 =	vld [tilespmem:s19+$0xA220]  }
0x1b1: {  	v6 =	vld [tilespmem:s19+$0xA230]  }
0x1b2: {  	v7 =	vld [tilespmem:s19+$0xA240]  }
0x1b3: {  	s3 =	sshll.u32 s15, $0xA;
	v8 =	vld [tilespmem:s19+$0xA250]  }
0x1b4: {  	s3 =	sand.u32 $0x3FFFE000, s3;
	v9 =	vld [tilespmem:s19+$0xA260];
	v10 =	vshll.u32 v4, $0x10  }
0x1b5: {  	s3 =	sor.u32 s11, s3;
	v12 =	vshll.u32 v3, $0x10;
	v3 =	vand.u32 $0xFFFF0000, v3;
	v11 =	vld [tilespmem:s19+$0xA270];
	v13 =	vand.u32 $0xFFFF0000, v5  }
0x1b6: {  	v4 =	vand.u32 $0xFFFF0000, v4;
	v5 =	vshll.u32 v5, $0x10;
	[tilespmem:s3+$0x6250] =	vst.add.f32.msk $0xffff, v13;
	v13 =	vand.u32 $0xFFFF0000, v6  }
0x1b7: {  	[tilespmem:s3+$0x6230] =	vst.add.f32.msk $0xffff, v4;
	v4 =	vshll.u32 v7, $0x10;
	v7 =	vand.u32 $0xFFFF0000, v7  }
0x1b8: {  	v6 =	vshll.u32 v6, $0x10;
	[tilespmem:s3+$0x6220] =	vst.add.f32.msk $0xffff, v10;
	v10 =	vshll.u32 v8, $0x10;
	v8 =	vand.u32 $0xFFFF0000, v8  }
0x1b9: {  	[tilespmem:s3+$0x6240] =	vst.add.f32.msk $0xffff, v5;
	v5 =	vshll.u32 v9, $0x10;
	v9 =	vand.u32 $0xFFFF0000, v9  }
0x1ba: {  	[tilespmem:s3+$0x6200] =	vst.add.f32.msk $0xffff, v12;
	v12 =	vshll.u32 v11, $0x10;
	v11 =	vand.u32 $0xFFFF0000, v11  }
0x1bb: {  	[tilespmem:s3+$0x6270] =	vst.add.f32.msk $0xffff, v13  }
0x1bc: {  	[tilespmem:s3+$0x6210] =	vst.add.f32.msk $0xffff, v3  }
0x1bd: {  	[tilespmem:s3+$0x6600] =	vst.add.f32.msk $0xffff, v4  }
0x1be: {  	[tilespmem:s3+$0x6610] =	vst.add.f32.msk $0xffff, v7  }
0x1bf: {  	[tilespmem:s3+$0x6630] =	vst.add.f32.msk $0xffff, v8  }
0x1c0: {  	[tilespmem:s3+$0x6260] =	vst.add.f32.msk $0xffff, v6  }
0x1c1: {  	[tilespmem:s3+$0x6650] =	vst.add.f32.msk $0xffff, v9  }
0x1c2: {  	[tilespmem:s3+$0x6620] =	vst.add.f32.msk $0xffff, v10  }
0x1c3: {  	[tilespmem:s3+$0x6670] =	vst.add.f32.msk $0xffff, v11  }
0x1c4: {  	[tilespmem:s3+$0x6640] =	vst.add.f32.msk $0xffff, v5  }
0x1c5: {  	[tilespmem:s3+$0x6660] =	vst.add.f32.msk $0xffff, v12  }
0x1c6: {  	v3 =	vld [tilespmem:s19+$0xA600]  }
0x1c7: {  	v4 =	vld [tilespmem:s19+$0xA630]  }
0x1c8: {  	v5 =	vld [tilespmem:s19+$0xA610]  }
0x1c9: {  	v6 =	vld [tilespmem:s19+$0xA620]  }
0x1ca: {  	v7 =	vld [tilespmem:s19+$0xA640]  }
0x1cb: {  	v8 =	vld [tilespmem:s19+$0xA650]  }
0x1cc: {  	v10 =	vand.u32 $0xFFFF0000, v3;
	v9 =	vld [tilespmem:s19+$0xA660]  }
0x1cd: {  	v13 =	vshll.u32 v4, $0x10;
	v4 =	vand.u32 $0xFFFF0000, v4;
	v11 =	vld [tilespmem:s19+$0xA670];
	v12 =	vand.u32 $0xFFFF0000, v5  }
0x1ce: {  	v5 =	vshll.u32 v5, $0x10;
	v14 =	vshll.u32 v6, $0x10;
	v6 =	vand.u32 $0xFFFF0000, v6;
	[tilespmem:s3+$0x6A60] =	vst.add.f32.msk $0xffff, v13  }
0x1cf: {  	[tilespmem:s3+$0x6A70] =	vst.add.f32.msk $0xffff, v4;
	v4 =	vshll.u32 v7, $0x10;
	v7 =	vand.u32 $0xFFFF0000, v7  }
0x1d0: {  	v3 =	vshll.u32 v3, $0x10;
	[tilespmem:s3+$0x6A30] =	vst.add.f32.msk $0xffff, v12;
	v12 =	vand.u32 $0xFFFF0000, v8  }
0x1d1: {  	[tilespmem:s3+$0x6A20] =	vst.add.f32.msk $0xffff, v5;
	v5 =	vshll.u32 v8, $0x10;
	v8 =	vshll.u32 v9, $0x10;
	v9 =	vand.u32 $0xFFFF0000, v9  }
0x1d2: {  	[tilespmem:s3+$0x6A10] =	vst.add.f32.msk $0xffff, v10;
	v10 =	vshll.u32 v11, $0x10;
	v11 =	vand.u32 $0xFFFF0000, v11  }
0x1d3: {  	[tilespmem:s3+$0x6A50] =	vst.add.f32.msk $0xffff, v6  }
0x1d4: {  	[tilespmem:s3+$0x6A00] =	vst.add.f32.msk $0xffff, v3  }
0x1d5: {  	[tilespmem:s3+$0x6E10] =	vst.add.f32.msk $0xffff, v7  }
0x1d6: {  	[tilespmem:s3+$0x6A40] =	vst.add.f32.msk $0xffff, v14  }
0x1d7: {  	[tilespmem:s3+$0x6E00] =	vst.add.f32.msk $0xffff, v4  }
0x1d8: {  	[tilespmem:s3+$0x6E30] =	vst.add.f32.msk $0xffff, v12  }
0x1d9: {  	[tilespmem:s3+$0x6E50] =	vst.add.f32.msk $0xffff, v9  }
0x1da: {  	[tilespmem:s3+$0x6E70] =	vst.add.f32.msk $0xffff, v11  }
0x1db: {  	[tilespmem:s3+$0x6E20] =	vst.add.f32.msk $0xffff, v5  }
0x1dc: {  	[tilespmem:s3+$0x6E40] =	vst.add.f32.msk $0xffff, v8  }
0x1dd: {  	[tilespmem:s3+$0x6E60] =	vst.add.f32.msk $0xffff, v10  }
0x1de: {  	v3 =	vld [tilespmem:s19+$0xAA50]  }
0x1df: {  	v4 =	vld [tilespmem:s19+$0xAA40]  }
0x1e0: {  	v5 =	vld [tilespmem:s19+$0xAA30]  }
0x1e1: {  	v6 =	vld [tilespmem:s19+$0xAA20]  }
0x1e2: {  	v7 =	vld [tilespmem:s19+$0xAA10]  }
0x1e3: {  	v8 =	vld [tilespmem:s19+$0xAA70]  }
0x1e4: {  	v9 =	vld [tilespmem:s19+$0xAA60]  }
0x1e5: {  	v10 =	vld [tilespmem:s19+$0xAA00];
	v11 =	vshll.u32 v5, $0x10;
	v5 =	vand.u32 $0xFFFF0000, v5  }
0x1e6: {  	v12 =	vshll.u32 v6, $0x10;
	v6 =	vand.u32 $0xFFFF0000, v6;
	[tilespmem:s3+$0x7270] =	vst.add.f32.msk $0xffff, v5  }
0x1e7: {  	v5 =	vand.u32 $0xFFFF0000, v7;
	[tilespmem:s3+$0x7240] =	vst.add.f32.msk $0xffff, v12;
	v12 =	vshll.u32 v4, $0x10;
	v4 =	vand.u32 $0xFFFF0000, v4  }
0x1e8: {  	v7 =	vshll.u32 v7, $0x10;
	[tilespmem:s3+$0x7250] =	vst.add.f32.msk $0xffff, v6;
	v6 =	vand.u32 $0xFFFF0000, v3;
	v13 =	vshll.u32 v8, $0x10  }
0x1e9: {  	v8 =	vand.u32 $0xFFFF0000, v8;
	[tilespmem:s3+$0x7260] =	vst.add.f32.msk $0xffff, v11;
	v11 =	vshll.u32 v9, $0x10;
	v9 =	vand.u32 $0xFFFF0000, v9  }
0x1ea: {  	v14 =	vshll.u32 v10, $0x10;
	v10 =	vand.u32 $0xFFFF0000, v10;
	[tilespmem:s3+$0x7610] =	vst.add.f32.msk $0xffff, v4  }
0x1eb: {  	[tilespmem:s3+$0x7600] =	vst.add.f32.msk $0xffff, v12  }
0x1ec: {  	[tilespmem:s3+$0x7660] =	vst.add.f32.msk $0xffff, v13  }
0x1ed: {  	[tilespmem:s3+$0x7670] =	vst.add.f32.msk $0xffff, v8  }
0x1ee: {  	[tilespmem:s3+$0x7230] =	vst.add.f32.msk $0xffff, v5  }
0x1ef: {  	v3 =	vshll.u32 v3, $0x10;
	[tilespmem:s3+$0x7220] =	vst.add.f32.msk $0xffff, v7  }
0x1f0: {  	[tilespmem:s3+$0x7620] =	vst.add.f32.msk $0xffff, v3  }
0x1f1: {  	[tilespmem:s3+$0x7650] =	vst.add.f32.msk $0xffff, v9  }
0x1f2: {  	[tilespmem:s3+$0x7630] =	vst.add.f32.msk $0xffff, v6  }
0x1f3: {  	[tilespmem:s3+$0x7640] =	vst.add.f32.msk $0xffff, v11  }
0x1f4: {  	[tilespmem:s3+$0x7210] =	vst.add.f32.msk $0xffff, v10  }
0x1f5: {  	[tilespmem:s3+$0x7200] =	vst.add.f32.msk $0xffff, v14  }
0x1f6: {  	v4 =	vld [tilespmem:s19+$0xAE00]  }
0x1f7: {  	v3 =	vld [tilespmem:s19+$0xAE10]  }
0x1f8: {  	v5 =	vld [tilespmem:s19+$0xAE20]  }
0x1f9: {  	v6 =	vld [tilespmem:s19+$0xAE30]  }
0x1fa: {  	v7 =	vld [tilespmem:s19+$0xAE40]  }
0x1fb: {  	v8 =	vld [tilespmem:s19+$0xAE50]  }
0x1fc: {  	v9 =	vld [tilespmem:s19+$0xAE60];
	v10 =	vshll.u32 v3, $0x10  }
0x1fd: {  	v12 =	vand.u32 $0xFFFF0000, v4;
	v3 =	vand.u32 $0xFFFF0000, v3;
	v11 =	vld [tilespmem:s19+$0xAE70];
	v13 =	vshll.u32 v5, $0x10  }
0x1fe: {  	v5 =	vand.u32 $0xFFFF0000, v5;
	[tilespmem:s3+$0x7A20] =	vst.add.f32.msk $0xffff, v10  }
0x1ff: {  	[tilespmem:s3+$0x7A10] =	vst.add.f32.msk $0xffff, v12;
	v10 =	vshll.u32 v7, $0x10  }
0x200: {  	v7 =	vand.u32 $0xFFFF0000, v7;
	[tilespmem:s3+$0x7A40] =	vst.add.f32.msk $0xffff, v13;
	v12 =	vshll.u32 v8, $0x10;
	v8 =	vand.u32 $0xFFFF0000, v8  }
0x201: {  	v4 =	vshll.u32 v4, $0x10;
	[tilespmem:s3+$0x7E30] =	vst.add.f32.msk $0xffff, v8;
	v8 =	vshll.u32 v9, $0x10  }
0x202: {  	v13 =	vshll.u32 v6, $0x10;
	[tilespmem:s3+$0x7E40] =	vst.add.f32.msk $0xffff, v8  }
0x203: {  	v6 =	vand.u32 $0xFFFF0000, v6;
	[tilespmem:s3+$0x7E20] =	vst.add.f32.msk $0xffff, v12  }
0x204: {  	[tilespmem:s3+$0x7A50] =	vst.add.f32.msk $0xffff, v5;
	v5 =	vand.u32 $0xFFFF0000, v9  }
0x205: {  	[tilespmem:s3+$0x7E00] =	vst.add.f32.msk $0xffff, v10  }
0x206: {  	[tilespmem:s3+$0x7E10] =	vst.add.f32.msk $0xffff, v7  }
.Ltmp1:
0x207: {  	v7 =	vshll.u32 v11, $0x10;
	[tilespmem:s3+$0x7A00] =	vst.add.f32.msk $0xffff, v4;
	(pc) =	sbr.rel @p0 .LBB2_5-.Ltmp1, $4  }
0x208: {  	v4 =	vand.u32 $0xFFFF0000, v11;
	[tilespmem:s3+$0x7A60] =	vst.add.f32.msk $0xffff, v13  }
0x209: {  	[tilespmem:s3+$0x7A70] =	vst.add.f32.msk $0xffff, v6  }
0x20a: {  	[tilespmem:s3+$0x7E50] =	vst.add.f32.msk $0xffff, v5  }
0x20b: {  	s8 =	smov.u32 s18;
	[tilespmem:s3+$0x7E60] =	vst.add.f32.msk $0xffff, v7  }
0x20c: {  	s30 =	sshll.u32 s25, $0x6  }
0x20d: {  	s8 =	sadd.s32 s30, s6  }
0x20e: {  	s11 =	rddreg [dreg:$0x2];
	s8 =	sshll.u32 s8, $0x7  }
0x20f: {  	[tilespmem:s3+$0x7E70] =	vst.add.f32.msk $0xffff, v4;
	s8 =	sadd.s32 s11, s8  }
0x210: {  	[tilespmem:s3+$0x7A30] =	vst.add.f32.msk $0xffff, v3;
	s13 =	sadd.s32 $0x800, s8  }
0x211: {  	[hbm4b:s13+s4] =	stream.linear.scatter [tilespmem:s26], [sflag:$0x4], $0x4000, $0x38;
	[tilespmem:$0x18200] =	vst v63  }
0x212: {  	_ =	swait.ge [sflag:s21], $0x4000  }
0x213: {  	[sflag:s21] =	ssyncset.done $0x0  }
0x214: {  	p0 =	seq.s32 s25, $0x7;
	[sflag:s21] =	ssyncadd.s32 $0xFFFFC000  }
0x215: {  	v3 =	vld @!p0 [tilespmem:s30+$0x40];
	_ =	sdelay $0x4  }
0x216: {  	v4 =	vshll.u32 @!p0 v3, $0x3  }
0x217: {  	v5 =	vlaneseq.u32 @!p0;
	v3 =	vand.u32 @!p0 $0x7, v3;
	v4 =	vand.u32 @!p0 $0xFFFFFFC0, v4  }
0x218: {  	v6 =	vshrl.u32 @!p0 v5, $0x3;
	v3 =	vor.u32 @!p0 v3, v4;
	v4 =	vand.u32 @!p0 $0x7, v5  }
0x219: {  	v6 =	vmul.u32 @!p0 $0x8, v6;
	v4 =	vperm.xlane @!p0 v3, v4;
	_ =	sdelay $0x1  }
0x21a: {  	v4 =	vadd.s32 @!p0 v6, v4;
	_ =	sdelay $0x3  }
0x21b: {  	vm1 =	vmmov @!p0 $0xffff;
	s3 =	simm.s32 @!p0 $0x0;
	s8 =	simm.s32 @!p0 $0x200  }
0x21c: {  	v5 =	vor.u32 @!p0 $0x8, v5;
	[tilespmem:s8], [sflag:$0x1] =	stream.indirect_vreg.gather @!p0 [hbm4b:s1+s3], $0x80, v4, vm1, $0xb8;
	[tilespmem:$0x18200] =	vst v63  }
0x21d: {  	v3 =	vperm.xlane @!p0 v3, v5;
	s8 =	simm.s32 @!p0 $0xA00  }
0x21e: {  	[tilespmem:s8], [sflag:$0x1] =	stream.indirect_vreg.gather @!p0 [hbm4b:s9+s3], $0x80, v4, vm1, $0xb8;
	[tilespmem:$0x18200] =	vst v63  }
0x21f: {  	v3 =	vadd.s32 @!p0 v6, v3;
	s8 =	simm.s32 @!p0 $0x1200  }
0x220: {  	[tilespmem:s8], [sflag:$0x1] =	stream.indirect_vreg.gather @!p0 [hbm4b:s10+s3], $0x80, v4, vm1, $0xb8;
	[tilespmem:$0x18200] =	vst v63  }
0x221: {  	s8 =	simm.s32 @!p0 $0x1A00  }
0x222: {  	[tilespmem:s8], [sflag:$0x1] =	stream.indirect_vreg.gather @!p0 [hbm4b:s12+s3], $0x80, v4, vm1, $0xb8;
	[tilespmem:$0x18200] =	vst v63  }
0x223: {  	s8 =	simm.s32 @!p0 $0x2200  }
0x224: {  	[tilespmem:s8], [sflag:$0x1] =	stream.indirect_vreg.gather @!p0 [hbm4b:s1+s3], $0x80, v3, vm1, $0xb8;
	[tilespmem:$0x18200] =	vst v63  }
0x225: {  	s8 =	simm.s32 @!p0 $0x2A00  }
0x226: {  	[tilespmem:s8], [sflag:$0x1] =	stream.indirect_vreg.gather @!p0 [hbm4b:s9+s3], $0x80, v3, vm1, $0xb8;
	[tilespmem:$0x18200] =	vst v63  }
0x227: {  	s8 =	simm.s32 @!p0 $0x3200  }
0x228: {  	[tilespmem:s8], [sflag:$0x1] =	stream.indirect_vreg.gather @!p0 [hbm4b:s10+s3], $0x80, v3, vm1, $0xb8;
	[tilespmem:$0x18200] =	vst v63  }
0x229: {  	s8 =	sadd.s32 @!p0 $0x40, s30  }
0x22a: {  	s11 =	simm.s32 @!p0 $0x3A00;
	s8 =	sadd.s32 @!p0 s7, s8  }
0x22b: {  	[tilespmem:s11], [sflag:$0x1] =	stream.indirect_vreg.gather @!p0 [hbm4b:s12+s3], $0x80, v3, vm1, $0xb8;
	[tilespmem:$0x18200] =	vst v63  }
0x22c: {  	s8 =	sshll.u32 @!p0 s8, $0x6  }
0x22d: {  	s11 =	simm.s32 @!p0 $0x4200;
	s8 =	sadd.s32 @!p0 s5, s8  }
0x22e: {  	[tilespmem:s11], [sflag:$0x1] =	stream.linear.gather @!p0 [hbm4b:s8+s3], $0x2000, $0x38;
	[tilespmem:$0x18200] =	vst v63  }
0x22f: {  	_ =	swait.ge [sflag:s22], $0x4000  }
0x230: {  	[sflag:s22] =	ssyncset.done $0x0  }
0x231: {  	s15 =	simm.s32 $0x0;
	s3 =	simm.s32 $0x0;
	[sflag:s22] =	ssyncadd.s32 $0xFFFFC000  }
0x232: {  	s8 =	sand.u32 $0x3FFFF000, s15;
	s18 =	sand.u32 $0x380, s3;
	_ =	swait.ge [sflag:s22], $0x2000  }
0x233: {  	s13 =	sor.u32 s18, s8;
	[sflag:s22] =	ssyncset.done $0x0  }
0x234: {  	s8 =	sadd.s32 $0x10200, s13;
	[sflag:s22] =	ssyncadd.s32 $0xFFFFE000  }
0x235: {  	v3 =	vld [tilespmem:s8+$0x10]  }
0x236: {  	v4 =	vld [tilespmem:s8+$0x20]  }
0x237: {  	v5 =	vld [tilespmem:s8+$0x30]  }
0x238: {  	v6 =	vld [tilespmem:s8+$0x40]  }
0x239: {  	v7 =	vld [tilespmem:s13+$0x10200]  }
0x23a: {  	s19 =	simm.s32 $0x0;
	v8 =	vld [tilespmem:s8+$0x50]  }
0x23b: {  	v9 =	vld [tilespmem:s8+$0x70];
	s13 =	sand.u32 $0x3FFFE000, s19  }
0x23c: {  	v10 =	vld [tilespmem:s8+$0x60];
	s18 =	sor.u32 s18, s13;
	v11 =	vand.u32 $0xFFFF0000, v5  }
0x23d: {  	v5 =	vshll.u32 v5, $0x10;
	[tilespmem:s18+$0xC270] =	vst.add.f32.msk $0xffff, v11  }
0x23e: {  	v50 =	vshll.u32 v3, $0x10;
	[tilespmem:s18+$0xC260] =	vst.add.f32.msk $0xffff, v5  }
0x23f: {  	v3 =	vand.u32 $0xFFFF0000, v3;
	[tilespmem:s18+$0xC220] =	vst.add.f32.msk $0xffff, v50  }
0x240: {  	v5 =	vand.u32 $0xFFFF0000, v4;
	[tilespmem:s18+$0xC230] =	vst.add.f32.msk $0xffff, v3  }
0x241: {  	v4 =	vshll.u32 v4, $0x10;
	[tilespmem:s18+$0xC250] =	vst.add.f32.msk $0xffff, v5  }
0x242: {  	v3 =	vshll.u32 v6, $0x10;
	[tilespmem:s18+$0xC240] =	vst.add.f32.msk $0xffff, v4  }
0x243: {  	v4 =	vand.u32 $0xFFFF0000, v7;
	[tilespmem:s18+$0xC600] =	vst.add.f32.msk $0xffff, v3  }
0x244: {  	v3 =	vand.u32 $0xFFFF0000, v8;
	[tilespmem:s18+$0xC210] =	vst.add.f32.msk $0xffff, v4  }
0x245: {  	v4 =	vshll.u32 v7, $0x10;
	[tilespmem:s18+$0xC630] =	vst.add.f32.msk $0xffff, v3  }
0x246: {  	v3 =	vand.u32 $0xFFFF0000, v6;
	[tilespmem:s18+$0xC200] =	vst.add.f32.msk $0xffff, v4  }
0x247: {  	v4 =	vshll.u32 v8, $0x10;
	[tilespmem:s18+$0xC610] =	vst.add.f32.msk $0xffff, v3  }
0x248: {  	v3 =	vand.u32 $0xFFFF0000, v9;
	[tilespmem:s18+$0xC620] =	vst.add.f32.msk $0xffff, v4  }
0x249: {  	v4 =	vshll.u32 v9, $0x10;
	[tilespmem:s18+$0xC670] =	vst.add.f32.msk $0xffff, v3  }
0x24a: {  	v3 =	vand.u32 $0xFFFF0000, v10;
	[tilespmem:s18+$0xC660] =	vst.add.f32.msk $0xffff, v4  }
0x24b: {  	v4 =	vshll.u32 v10, $0x10;
	[tilespmem:s18+$0xC650] =	vst.add.f32.msk $0xffff, v3  }
0x24c: {  	[tilespmem:s18+$0xC640] =	vst.add.f32.msk $0xffff, v4  }
0x24d: {  	v3 =	vld [tilespmem:s8+$0x440]  }
0x24e: {  	v4 =	vld [tilespmem:s8+$0x430]  }
0x24f: {  	v5 =	vld [tilespmem:s8+$0x400]  }
0x250: {  	v6 =	vld [tilespmem:s8+$0x420]  }
0x251: {  	v7 =	vld [tilespmem:s8+$0x470]  }
0x252: {  	v8 =	vld [tilespmem:s8+$0x450]  }
0x253: {  	v51 =	vld [tilespmem:s8+$0x460]  }
0x254: {  	v11 =	vld [tilespmem:s8+$0x410];
	v52 =	vand.u32 $0xFFFF0000, v4  }
0x255: {  	v53 =	vshll.u32 v3, $0x10;
	[tilespmem:s18+$0xCA70] =	vst.add.f32.msk $0xffff, v52  }
0x256: {  	v4 =	vshll.u32 v4, $0x10;
	[tilespmem:s18+$0xCE00] =	vst.add.f32.msk $0xffff, v53  }
0x257: {  	v54 =	vand.u32 $0xFFFF0000, v5;
	[tilespmem:s18+$0xCA60] =	vst.add.f32.msk $0xffff, v4  }
0x258: {  	v3 =	vand.u32 $0xFFFF0000, v3;
	[tilespmem:s18+$0xCA10] =	vst.add.f32.msk $0xffff, v54  }
0x259: {  	v4 =	vshll.u32 v5, $0x10;
	[tilespmem:s18+$0xCE10] =	vst.add.f32.msk $0xffff, v3  }
0x25a: {  	v5 =	vand.u32 $0xFFFF0000, v6;
	[tilespmem:s18+$0xCA00] =	vst.add.f32.msk $0xffff, v4  }
0x25b: {  	v3 =	vand.u32 $0xFFFF0000, v51;
	[tilespmem:s18+$0xCA50] =	vst.add.f32.msk $0xffff, v5  }
0x25c: {  	v4 =	vand.u32 $0xFFFF0000, v7;
	[tilespmem:s18+$0xCE50] =	vst.add.f32.msk $0xffff, v3  }
0x25d: {  	v5 =	vshll.u32 v6, $0x10;
	[tilespmem:s18+$0xCE70] =	vst.add.f32.msk $0xffff, v4  }
0x25e: {  	v3 =	vshll.u32 v8, $0x10;
	[tilespmem:s18+$0xCA40] =	vst.add.f32.msk $0xffff, v5  }
0x25f: {  	v4 =	vshll.u32 v7, $0x10;
	[tilespmem:s18+$0xCE20] =	vst.add.f32.msk $0xffff, v3  }
0x260: {  	v3 =	vshll.u32 v11, $0x10;
	[tilespmem:s18+$0xCE60] =	vst.add.f32.msk $0xffff, v4  }
0x261: {  	v4 =	vand.u32 $0xFFFF0000, v8;
	[tilespmem:s18+$0xCA20] =	vst.add.f32.msk $0xffff, v3  }
0x262: {  	[tilespmem:s18+$0xCE30] =	vst.add.f32.msk $0xffff, v4;
	v4 =	vand.u32 $0xFFFF0000, v11  }
0x263: {  	[tilespmem:s18+$0xCA30] =	vst.add.f32.msk $0xffff, v4;
	v4 =	vshll.u32 v51, $0x10  }
0x264: {  	[tilespmem:s18+$0xCE40] =	vst.add.f32.msk $0xffff, v4  }
0x265: {  	v3 =	vld [tilespmem:s8+$0x860]  }
0x266: {  	v4 =	vld [tilespmem:s8+$0x850]  }
0x267: {  	v5 =	vld [tilespmem:s8+$0x840]  }
0x268: {  	v6 =	vld [tilespmem:s8+$0x830]  }
0x269: {  	v7 =	vld [tilespmem:s8+$0x800]  }
0x26a: {  	v8 =	vld [tilespmem:s8+$0x810]  }
0x26b: {  	v55 =	vld [tilespmem:s8+$0x870]  }
0x26c: {  	v10 =	vld [tilespmem:s8+$0x820];
	v56 =	vshll.u32 v5, $0x10  }
0x26d: {  	v5 =	vand.u32 $0xFFFF0000, v5;
	[tilespmem:s18+$0xD600] =	vst.add.f32.msk $0xffff, v56  }
0x26e: {  	v57 =	vshll.u32 v6, $0x10;
	[tilespmem:s18+$0xD610] =	vst.add.f32.msk $0xffff, v5  }
0x26f: {  	v5 =	vand.u32 $0xFFFF0000, v6;
	[tilespmem:s18+$0xD260] =	vst.add.f32.msk $0xffff, v57  }
0x270: {  	v6 =	vand.u32 $0xFFFF0000, v7;
	[tilespmem:s18+$0xD270] =	vst.add.f32.msk $0xffff, v5  }
0x271: {  	[tilespmem:s18+$0xD210] =	vst.add.f32.msk $0xffff, v6;
	v5 =	vshll.u32 v4, $0x10  }
0x272: {  	v6 =	vshll.u32 v7, $0x10;
	[tilespmem:s18+$0xD620] =	vst.add.f32.msk $0xffff, v5  }
0x273: {  	v4 =	vand.u32 $0xFFFF0000, v4;
	[tilespmem:s18+$0xD200] =	vst.add.f32.msk $0xffff, v6  }
0x274: {  	v5 =	vshll.u32 v8, $0x10;
	[tilespmem:s18+$0xD630] =	vst.add.f32.msk $0xffff, v4  }
0x275: {  	v6 =	vand.u32 $0xFFFF0000, v8;
	[tilespmem:s18+$0xD220] =	vst.add.f32.msk $0xffff, v5  }
0x276: {  	v5 =	vand.u32 $0xFFFF0000, v55;
	[tilespmem:s18+$0xD230] =	vst.add.f32.msk $0xffff, v6  }
0x277: {  	v6 =	vand.u32 $0xFFFF0000, v10;
	[tilespmem:s18+$0xD670] =	vst.add.f32.msk $0xffff, v5  }
0x278: {  	v5 =	vshll.u32 v55, $0x10;
	[tilespmem:s18+$0xD250] =	vst.add.f32.msk $0xffff, v6  }
0x279: {  	v6 =	vand.u32 $0xFFFF0000, v3;
	[tilespmem:s18+$0xD660] =	vst.add.f32.msk $0xffff, v5  }
0x27a: {  	v3 =	vshll.u32 v3, $0x10;
	[tilespmem:s18+$0xD650] =	vst.add.f32.msk $0xffff, v6  }
0x27b: {  	v5 =	vshll.u32 v10, $0x10;
	[tilespmem:s18+$0xD640] =	vst.add.f32.msk $0xffff, v3  }
0x27c: {  	[tilespmem:s18+$0xD240] =	vst.add.f32.msk $0xffff, v5  }
0x27d: {  	v4 =	vld [tilespmem:s8+$0xC00]  }
0x27e: {  	v5 =	vld [tilespmem:s8+$0xC10]  }
0x27f: {  	v6 =	vld [tilespmem:s8+$0xC20]  }
0x280: {  	v3 =	vld [tilespmem:s8+$0xC30]  }
0x281: {  	v7 =	vld [tilespmem:s8+$0xC40]  }
0x282: {  	v8 =	vld [tilespmem:s8+$0xC50]  }
0x283: {  	v58 =	vld [tilespmem:s8+$0xC60]  }
0x284: {  	v59 =	vld [tilespmem:s8+$0xC70];
	v60 =	vand.u32 $0xFFFF0000, v6  }
0x285: {  	v12 =	vshll.u32 v4, $0x10;
	[tilespmem:s18+$0xDA50] =	vst.add.f32.msk $0xffff, v60  }
0x286: {  	v61 =	vand.u32 $0xFFFF0000, v5;
	[tilespmem:s18+$0xDA00] =	vst.add.f32.msk $0xffff, v12  }
0x287: {  	v62 =	vand.u32 $0xFFFF0000, v3;
	[tilespmem:s18+$0xDA30] =	vst.add.f32.msk $0xffff, v61  }
0x288: {  	v4 =	vand.u32 $0xFFFF0000, v4;
	[tilespmem:s18+$0xDA70] =	vst.add.f32.msk $0xffff, v62  }
0x289: {  	v63 =	vshll.u32 v7, $0x10;
	[tilespmem:s18+$0xDA10] =	vst.add.f32.msk $0xffff, v4  }
0x28a: {  	v5 =	vshll.u32 v5, $0x10;
	[tilespmem:s18+$0xDE00] =	vst.add.f32.msk $0xffff, v63  }
0x28b: {  	v4 =	vshll.u32 v6, $0x10;
	[tilespmem:s18+$0xDA20] =	vst.add.f32.msk $0xffff, v5  }
0x28c: {  	v6 =	vand.u32 $0xFFFF0000, v7;
	[tilespmem:s18+$0xDA40] =	vst.add.f32.msk $0xffff, v4  }
0x28d: {  	[tilespmem:s18+$0xDE10] =	vst.add.f32.msk $0xffff, v6;
	v4 =	vshll.u32 v59, $0x10  }
0x28e: {  	v6 =	vshll.u32 v8, $0x10;
	[tilespmem:s18+$0xDE60] =	vst.add.f32.msk $0xffff, v4  }
0x28f: {  	v4 =	vand.u32 $0xFFFF0000, v59;
	[tilespmem:s18+$0xDE20] =	vst.add.f32.msk $0xffff, v6  }
0x290: {  	s8 =	simm.s32 $0x1;
	v5 =	vand.u32 $0xFFFF0000, v58;
	v6 =	vshll.u32 v58, $0x10;
	[tilespmem:s18+$0xDE70] =	vst.add.f32.msk $0xffff, v4;
	v4 =	vand.u32 $0xFFFF0000, v8  }
.LBB2_7:
0x291: {  	s11 =	sshll.u32 s8, $0x9  }
0x292: {  	[tilespmem:s18+$0xDE40] =	vst.add.f32.msk $0xffff, v6;
	s3 =	sadd.s32 $0x80, s3;
	s13 =	smov.u32 s8;
	s19 =	sadd.s32 $0x1, s8  }
0x293: {  	p1 =	sne.s32 s8, $0xF;
	v3 =	vshll.u32 v3, $0x10;
	s15 =	sand.u32 $0x380, s3;
	s11 =	sand.u32 $0x3FFFF000, s11;
	[tilespmem:s18+$0xDE30] =	vst.add.f32.msk $0xffff, v4  }
0x294: {  	s11 =	sor.u32 s15, s11;
	[tilespmem:s18+$0xDE50] =	vst.add.f32.msk $0xffff, v5  }
0x295: {  	s8 =	sadd.s32 $0x10200, s11;
	[tilespmem:s18+$0xDA60] =	vst.add.f32.msk $0xffff, v3  }
0x296: {  	v3 =	vld [tilespmem:s8+$0x10]  }
0x297: {  	v4 =	vld [tilespmem:s8+$0x20]  }
0x298: {  	v5 =	vld [tilespmem:s8+$0x30]  }
0x299: {  	v6 =	vld [tilespmem:s8+$0x40]  }
0x29a: {  	v7 =	vld [tilespmem:s11+$0x10200]  }
0x29b: {  	s11 =	sshll.u32 s13, $0xA;
	v8 =	vld [tilespmem:s8+$0x50];
	v9 =	vshll.u32 v3, $0x10  }
0x29c: {  	s11 =	sand.u32 $0x3FFFE000, s11;
	v10 =	vld [tilespmem:s8+$0x70]  }
0x29d: {  	s18 =	sor.u32 s15, s11;
	v12 =	vand.u32 $0xFFFF0000, v4;
	v11 =	vld [tilespmem:s8+$0x60];
	v13 =	vshll.u32 v5, $0x10;
	v5 =	vand.u32 $0xFFFF0000, v5  }
0x29e: {  	v3 =	vand.u32 $0xFFFF0000, v3;
	v4 =	vshll.u32 v4, $0x10;
	[tilespmem:s18+$0xC270] =	vst.add.f32.msk $0xffff, v5  }
0x29f: {  	v5 =	vshll.u32 v7, $0x10;
	v7 =	vand.u32 $0xFFFF0000, v7;
	[tilespmem:s18+$0xC260] =	vst.add.f32.msk $0xffff, v13;
	v13 =	vshll.u32 v6, $0x10  }
0x2a0: {  	v6 =	vand.u32 $0xFFFF0000, v6;
	[tilespmem:s18+$0xC220] =	vst.add.f32.msk $0xffff, v9;
	v9 =	vshll.u32 v8, $0x10;
	v8 =	vand.u32 $0xFFFF0000, v8  }
0x2a1: {  	[tilespmem:s18+$0xC250] =	vst.add.f32.msk $0xffff, v12;
	v12 =	vshll.u32 v10, $0x10;
	v10 =	vand.u32 $0xFFFF0000, v10  }
0x2a2: {  	[tilespmem:s18+$0xC230] =	vst.add.f32.msk $0xffff, v3;
	v3 =	vshll.u32 v11, $0x10;
	v11 =	vand.u32 $0xFFFF0000, v11  }
0x2a3: {  	[tilespmem:s18+$0xC240] =	vst.add.f32.msk $0xffff, v4  }
0x2a4: {  	[tilespmem:s18+$0xC600] =	vst.add.f32.msk $0xffff, v13  }
0x2a5: {  	[tilespmem:s18+$0xC210] =	vst.add.f32.msk $0xffff, v7  }
0x2a6: {  	[tilespmem:s18+$0xC630] =	vst.add.f32.msk $0xffff, v8  }
0x2a7: {  	[tilespmem:s18+$0xC200] =	vst.add.f32.msk $0xffff, v5  }
0x2a8: {  	[tilespmem:s18+$0xC610] =	vst.add.f32.msk $0xffff, v6  }
0x2a9: {  	[tilespmem:s18+$0xC620] =	vst.add.f32.msk $0xffff, v9  }
0x2aa: {  	[tilespmem:s18+$0xC670] =	vst.add.f32.msk $0xffff, v10  }
0x2ab: {  	[tilespmem:s18+$0xC660] =	vst.add.f32.msk $0xffff, v12  }
0x2ac: {  	[tilespmem:s18+$0xC650] =	vst.add.f32.msk $0xffff, v11  }
0x2ad: {  	[tilespmem:s18+$0xC640] =	vst.add.f32.msk $0xffff, v3  }
0x2ae: {  	v3 =	vld [tilespmem:s8+$0x440]  }
0x2af: {  	v4 =	vld [tilespmem:s8+$0x430]  }
0x2b0: {  	v5 =	vld [tilespmem:s8+$0x400]  }
0x2b1: {  	v6 =	vld [tilespmem:s8+$0x420]  }
0x2b2: {  	v7 =	vld [tilespmem:s8+$0x470]  }
0x2b3: {  	v8 =	vld [tilespmem:s8+$0x450]  }
0x2b4: {  	v9 =	vld [tilespmem:s8+$0x460];
	v10 =	vshll.u32 v4, $0x10;
	v4 =	vand.u32 $0xFFFF0000, v4  }
0x2b5: {  	v11 =	vld [tilespmem:s8+$0x410];
	v12 =	vshll.u32 v5, $0x10;
	v5 =	vand.u32 $0xFFFF0000, v5  }
0x2b6: {  	v13 =	vshll.u32 v6, $0x10;
	v6 =	vand.u32 $0xFFFF0000, v6;
	[tilespmem:s18+$0xCA70] =	vst.add.f32.msk $0xffff, v4;
	v4 =	vshll.u32 v3, $0x10  }
0x2b7: {  	v3 =	vand.u32 $0xFFFF0000, v3;
	[tilespmem:s18+$0xCE00] =	vst.add.f32.msk $0xffff, v4;
	v4 =	vshll.u32 v7, $0x10;
	v7 =	vand.u32 $0xFFFF0000, v7  }
0x2b8: {  	[tilespmem:s18+$0xCA60] =	vst.add.f32.msk $0xffff, v10;
	v10 =	vand.u32 $0xFFFF0000, v8  }
0x2b9: {  	[tilespmem:s18+$0xCA10] =	vst.add.f32.msk $0xffff, v5;
	v5 =	vshll.u32 v8, $0x10;
	v8 =	vshll.u32 v9, $0x10;
	v9 =	vand.u32 $0xFFFF0000, v9  }
0x2ba: {  	[tilespmem:s18+$0xCA00] =	vst.add.f32.msk $0xffff, v12;
	v12 =	vshll.u32 v11, $0x10;
	v11 =	vand.u32 $0xFFFF0000, v11  }
0x2bb: {  	[tilespmem:s18+$0xCA50] =	vst.add.f32.msk $0xffff, v6  }
0x2bc: {  	[tilespmem:s18+$0xCE70] =	vst.add.f32.msk $0xffff, v7  }
0x2bd: {  	[tilespmem:s18+$0xCA40] =	vst.add.f32.msk $0xffff, v13  }
0x2be: {  	[tilespmem:s18+$0xCE60] =	vst.add.f32.msk $0xffff, v4  }
0x2bf: {  	[tilespmem:s18+$0xCE10] =	vst.add.f32.msk $0xffff, v3  }
0x2c0: {  	[tilespmem:s18+$0xCE30] =	vst.add.f32.msk $0xffff, v10  }
0x2c1: {  	[tilespmem:s18+$0xCE50] =	vst.add.f32.msk $0xffff, v9  }
0x2c2: {  	[tilespmem:s18+$0xCA30] =	vst.add.f32.msk $0xffff, v11  }
0x2c3: {  	[tilespmem:s18+$0xCE20] =	vst.add.f32.msk $0xffff, v5  }
0x2c4: {  	[tilespmem:s18+$0xCE40] =	vst.add.f32.msk $0xffff, v8  }
0x2c5: {  	[tilespmem:s18+$0xCA20] =	vst.add.f32.msk $0xffff, v12  }
0x2c6: {  	v3 =	vld [tilespmem:s8+$0x860]  }
0x2c7: {  	v4 =	vld [tilespmem:s8+$0x850]  }
0x2c8: {  	v5 =	vld [tilespmem:s8+$0x840]  }
0x2c9: {  	v6 =	vld [tilespmem:s8+$0x830]  }
0x2ca: {  	v7 =	vld [tilespmem:s8+$0x800]  }
0x2cb: {  	v8 =	vld [tilespmem:s8+$0x810]  }
0x2cc: {  	v9 =	vld [tilespmem:s8+$0x870]  }
0x2cd: {  	v10 =	vld [tilespmem:s8+$0x820];
	v11 =	vshll.u32 v5, $0x10;
	v5 =	vand.u32 $0xFFFF0000, v5  }
0x2ce: {  	v12 =	vshll.u32 v6, $0x10;
	v6 =	vand.u32 $0xFFFF0000, v6;
	[tilespmem:s18+$0xD600] =	vst.add.f32.msk $0xffff, v11  }
0x2cf: {  	v11 =	vshll.u32 v7, $0x10;
	v7 =	vand.u32 $0xFFFF0000, v7;
	[tilespmem:s18+$0xD610] =	vst.add.f32.msk $0xffff, v5  }
0x2d0: {  	v5 =	vshll.u32 v8, $0x10;
	v8 =	vand.u32 $0xFFFF0000, v8;
	[tilespmem:s18+$0xD260] =	vst.add.f32.msk $0xffff, v12;
	v12 =	vand.u32 $0xFFFF0000, v4  }
0x2d1: {  	[tilespmem:s18+$0xD270] =	vst.add.f32.msk $0xffff, v6;
	v6 =	vshll.u32 v3, $0x10;
	v3 =	vand.u32 $0xFFFF0000, v3;
	v13 =	vand.u32 $0xFFFF0000, v9  }
0x2d2: {  	v4 =	vshll.u32 v4, $0x10;
	[tilespmem:s18+$0xD210] =	vst.add.f32.msk $0xffff, v7;
	v7 =	vshll.u32 v10, $0x10;
	v10 =	vand.u32 $0xFFFF0000, v10  }
0x2d3: {  	[tilespmem:s18+$0xD620] =	vst.add.f32.msk $0xffff, v4;
	v4 =	vshll.u32 v9, $0x10  }
0x2d4: {  	[tilespmem:s18+$0xD200] =	vst.add.f32.msk $0xffff, v11  }
0x2d5: {  	[tilespmem:s18+$0xD220] =	vst.add.f32.msk $0xffff, v5  }
0x2d6: {  	[tilespmem:s18+$0xD230] =	vst.add.f32.msk $0xffff, v8  }
0x2d7: {  	[tilespmem:s18+$0xD670] =	vst.add.f32.msk $0xffff, v13  }
0x2d8: {  	[tilespmem:s18+$0xD250] =	vst.add.f32.msk $0xffff, v10  }
0x2d9: {  	[tilespmem:s18+$0xD660] =	vst.add.f32.msk $0xffff, v4  }
0x2da: {  	[tilespmem:s18+$0xD650] =	vst.add.f32.msk $0xffff, v3  }
0x2db: {  	[tilespmem:s18+$0xD630] =	vst.add.f32.msk $0xffff, v12  }
0x2dc: {  	[tilespmem:s18+$0xD240] =	vst.add.f32.msk $0xffff, v7  }
0x2dd: {  	[tilespmem:s18+$0xD640] =	vst.add.f32.msk $0xffff, v6  }
0x2de: {  	v4 =	vld [tilespmem:s8+$0xC00]  }
0x2df: {  	v5 =	vld [tilespmem:s8+$0xC10]  }
0x2e0: {  	v6 =	vld [tilespmem:s8+$0xC20]  }
0x2e1: {  	v3 =	vld [tilespmem:s8+$0xC30]  }
0x2e2: {  	v7 =	vld [tilespmem:s8+$0xC40]  }
0x2e3: {  	v8 =	vld [tilespmem:s8+$0xC50]  }
0x2e4: {  	v9 =	vld [tilespmem:s8+$0xC60]  }
0x2e5: {  	v10 =	vld [tilespmem:s8+$0xC70];
	v11 =	vand.u32 $0xFFFF0000, v6  }
0x2e6: {  	v12 =	vshll.u32 v4, $0x10;
	v13 =	vand.u32 $0xFFFF0000, v4;
	[tilespmem:s18+$0xDA50] =	vst.add.f32.msk $0xffff, v11;
	v11 =	vand.u32 $0xFFFF0000, v3  }
0x2e7: {  	v4 =	vand.u32 $0xFFFF0000, v5;
	[tilespmem:s18+$0xDA00] =	vst.add.f32.msk $0xffff, v12;
	v12 =	vand.u32 $0xFFFF0000, v7  }
0x2e8: {  	v7 =	vshll.u32 v7, $0x10;
	[tilespmem:s18+$0xDA30] =	vst.add.f32.msk $0xffff, v4;
	v4 =	vand.u32 $0xFFFF0000, v8  }
0x2e9: {  	v14 =	vshll.u32 v5, $0x10;
	[tilespmem:s18+$0xDA70] =	vst.add.f32.msk $0xffff, v11  }
0x2ea: {  	v8 =	vshll.u32 v8, $0x10;
	[tilespmem:s18+$0xDA10] =	vst.add.f32.msk $0xffff, v13  }
0x2eb: {  	v5 =	vshll.u32 v6, $0x10;
	[tilespmem:s18+$0xDE00] =	vst.add.f32.msk $0xffff, v7  }
0x2ec: {  	[tilespmem:s18+$0xDA40] =	vst.add.f32.msk $0xffff, v5;
	v5 =	vand.u32 $0xFFFF0000, v9  }
.Ltmp2:
0x2ed: {  	v6 =	vshll.u32 v10, $0x10;
	[tilespmem:s18+$0xDE10] =	vst.add.f32.msk $0xffff, v12;
	(pc) =	sbr.rel @p1 .LBB2_7-.Ltmp2, $4  }
0x2ee: {  	[tilespmem:s18+$0xDE60] =	vst.add.f32.msk $0xffff, v6  }
0x2ef: {  	v6 =	vand.u32 $0xFFFF0000, v10;
	[tilespmem:s18+$0xDA20] =	vst.add.f32.msk $0xffff, v14  }
0x2f0: {  	[tilespmem:s18+$0xDE70] =	vst.add.f32.msk $0xffff, v6  }
0x2f1: {  	s8 =	smov.u32 s19;
	v6 =	vshll.u32 v9, $0x10;
	[tilespmem:s18+$0xDE20] =	vst.add.f32.msk $0xffff, v8  }
0x2f2: {  	[tilespmem:s18+$0xDE40] =	vst.add.f32.msk $0xffff, v6  }
0x2f3: {  	[tilespmem:s18+$0xDE30] =	vst.add.f32.msk $0xffff, v4  }
0x2f4: {  	v3 =	vshll.u32 v3, $0x10;
	[tilespmem:s18+$0xDE50] =	vst.add.f32.msk $0xffff, v5;
	s3 =	sshll.u32 s29, $0xB  }
0x2f5: {  	[tilespmem:s18+$0xDA60] =	vst.add.f32.msk $0xffff, v3;
	s3 =	sadd.s32 s3, s14  }
0x2f6: {  	[hbm4b:s3+s4] =	stream.linear.scatter [tilespmem:s20], [sflag:$0x6], $0x4000, $0x38;
	[tilespmem:$0x18200] =	vst v63  }
0x2f7: {  	_ =	swait.ge [sflag:s23], $0x4000  }
0x2f8: {  	[sflag:s23] =	ssyncset.done $0x0  }
0x2f9: {  	[sflag:s23] =	ssyncadd.s32 $0xFFFFC000  }
0x2fa: {  	v3 =	vld @!p0 [tilespmem:s30+$0x50];
	_ =	sdelay $0x4  }
0x2fb: {  	v4 =	vshll.u32 @!p0 v3, $0x3  }
0x2fc: {  	v5 =	vlaneseq.u32 @!p0;
	v3 =	vand.u32 @!p0 $0x7, v3;
	v4 =	vand.u32 @!p0 $0xFFFFFFC0, v4  }
0x2fd: {  	v6 =	vshrl.u32 @!p0 v5, $0x3;
	v3 =	vor.u32 @!p0 v3, v4;
	v4 =	vand.u32 @!p0 $0x7, v5  }
0x2fe: {  	v6 =	vmul.u32 @!p0 $0x8, v6;
	v4 =	vperm.xlane @!p0 v3, v4;
	_ =	sdelay $0x1  }
0x2ff: {  	v4 =	vadd.s32 @!p0 v6, v4;
	_ =	sdelay $0x3  }
0x300: {  	s8 =	simm.s32 @!p0 $0x6200;
	s3 =	simm.s32 @!p0 $0x0  }
0x301: {  	v5 =	vor.u32 @!p0 $0x8, v5;
	[tilespmem:s8], [sflag:$0x3] =	stream.indirect_vreg.gather @!p0 [hbm4b:s1+s3], $0x80, v4, vm1, $0xb8;
	[tilespmem:$0x18200] =	vst v63  }
0x302: {  	v3 =	vperm.xlane @!p0 v3, v5;
	s8 =	simm.s32 @!p0 $0x6A00  }
0x303: {  	[tilespmem:s8], [sflag:$0x3] =	stream.indirect_vreg.gather @!p0 [hbm4b:s9+s3], $0x80, v4, vm1, $0xb8;
	[tilespmem:$0x18200] =	vst v63  }
0x304: {  	v3 =	vadd.s32 @!p0 v6, v3;
	s8 =	simm.s32 @!p0 $0x7200  }
0x305: {  	[tilespmem:s8], [sflag:$0x3] =	stream.indirect_vreg.gather @!p0 [hbm4b:s10+s3], $0x80, v4, vm1, $0xb8;
	[tilespmem:$0x18200] =	vst v63  }
0x306: {  	s8 =	simm.s32 @!p0 $0x7A00  }
0x307: {  	[tilespmem:s8], [sflag:$0x3] =	stream.indirect_vreg.gather @!p0 [hbm4b:s12+s3], $0x80, v4, vm1, $0xb8;
	[tilespmem:$0x18200] =	vst v63  }
0x308: {  	s8 =	simm.s32 @!p0 $0x8200  }
0x309: {  	[tilespmem:s8], [sflag:$0x3] =	stream.indirect_vreg.gather @!p0 [hbm4b:s1+s3], $0x80, v3, vm1, $0xb8;
	[tilespmem:$0x18200] =	vst v63  }
0x30a: {  	s8 =	simm.s32 @!p0 $0x8A00  }
0x30b: {  	[tilespmem:s8], [sflag:$0x3] =	stream.indirect_vreg.gather @!p0 [hbm4b:s9+s3], $0x80, v3, vm1, $0xb8;
	[tilespmem:$0x18200] =	vst v63  }
0x30c: {  	s8 =	simm.s32 @!p0 $0x9200  }
0x30d: {  	[tilespmem:s8], [sflag:$0x3] =	stream.indirect_vreg.gather @!p0 [hbm4b:s10+s3], $0x80, v3, vm1, $0xb8;
	[tilespmem:$0x18200] =	vst v63  }
0x30e: {  	s8 =	sadd.s32 @!p0 $0x50, s30  }
0x30f: {  	s11 =	simm.s32 @!p0 $0x9A00;
	s8 =	sadd.s32 @!p0 s7, s8  }
0x310: {  	[tilespmem:s11], [sflag:$0x3] =	stream.indirect_vreg.gather @!p0 [hbm4b:s12+s3], $0x80, v3, vm1, $0xb8;
	[tilespmem:$0x18200] =	vst v63  }
0x311: {  	s8 =	sshll.u32 @!p0 s8, $0x6  }
0x312: {  	s11 =	simm.s32 @!p0 $0xA200;
	s8 =	sadd.s32 @!p0 s5, s8  }
0x313: {  	[tilespmem:s11], [sflag:$0x3] =	stream.linear.gather @!p0 [hbm4b:s8+s3], $0x2000, $0x38;
	[tilespmem:$0x18200] =	vst v63  }
0x314: {  	_ =	swait.ge [sflag:s24], $0x4000  }
0x315: {  	[sflag:s24] =	ssyncset.done $0x0  }
0x316: {  	[sflag:s24] =	ssyncadd.s32 $0xFFFFC000  }
0x317: {  	s29 =	simm.s32 $0x0;
	s13 =	simm.s32 $0x0;
	_ =	swait.ge [sflag:s24], $0x2000  }
0x318: {  	s15 =	sand.u32 $0x380, s29;
	s3 =	sand.u32 $0x3FFFF000, s13;
	[sflag:s24] =	ssyncset.done $0x0  }
0x319: {  	s18 =	sor.u32 s15, s3;
	[sflag:s24] =	ssyncadd.s32 $0xFFFFE000  }
0x31a: {  	s3 =	sadd.s32 $0x16200, s18;
	v3 =	vld [tilespmem:s18+$0x16200]  }
0x31b: {  	v4 =	vld [tilespmem:s3+$0x70]  }
0x31c: {  	v5 =	vld [tilespmem:s3+$0x60]  }
0x31d: {  	v6 =	vld [tilespmem:s3+$0x20]  }
0x31e: {  	s19 =	simm.s32 $0x0;
	v7 =	vld [tilespmem:s3+$0x10]  }
0x31f: {  	s11 =	sand.u32 $0x3FFFE000, s19;
	v8 =	vld [tilespmem:s3+$0x30]  }
0x320: {  	s8 =	sor.u32 s15, s11;
	v9 =	vld [tilespmem:s3+$0x40]  }
0x321: {  	s30 =	sadd.s32 $0x12200, s8;
	v10 =	vld [tilespmem:s3+$0x50];
	v11 =	vshll.u32 v3, $0x10  }
0x322: {  	s11 =	sor.u32 $0x10, s30;
	v3 =	vand.u32 $0xFFFF0000, v3;
	[tilespmem:s8+$0x12200] =	vst.add.f32.msk $0xffff, v11  }
0x323: {  	s13 =	sor.u32 $0x20, s30;
	[tilespmem:s11+$0x0] =	vst.add.f32.msk $0xffff, v3;
	v3 =	vshll.u32 v7, $0x10  }
0x324: {  	s15 =	sor.u32 $0x30, s30;
	v7 =	vand.u32 $0xFFFF0000, v7;
	[tilespmem:s13+$0x0] =	vst.add.f32.msk $0xffff, v3  }
0x325: {  	s18 =	sor.u32 $0x40, s30;
	v3 =	vshll.u32 v6, $0x10;
	[tilespmem:s15+$0x0] =	vst.add.f32.msk $0xffff, v7  }
0x326: {  	s19 =	sor.u32 $0x50, s30;
	v6 =	vand.u32 $0xFFFF0000, v6;
	[tilespmem:s18+$0x0] =	vst.add.f32.msk $0xffff, v3  }
0x327: {  	s11 =	sor.u32 $0x60, s30;
	v3 =	vshll.u32 v8, $0x10;
	[tilespmem:s19+$0x0] =	vst.add.f32.msk $0xffff, v6  }
0x328: {  	s13 =	sor.u32 $0x70, s30;
	v6 =	vand.u32 $0xFFFF0000, v8;
	[tilespmem:s11+$0x0] =	vst.add.f32.msk $0xffff, v3  }
0x329: {  	v3 =	vand.u32 $0xFFFF0000, v4;
	[tilespmem:s13+$0x0] =	vst.add.f32.msk $0xffff, v6  }
0x32a: {  	v4 =	vshll.u32 v4, $0x10;
	[tilespmem:s30+$0x470] =	vst.add.f32.msk $0xffff, v3  }
0x32b: {  	v3 =	vand.u32 $0xFFFF0000, v5;
	[tilespmem:s30+$0x460] =	vst.add.f32.msk $0xffff, v4  }
0x32c: {  	v4 =	vshll.u32 v5, $0x10;
	[tilespmem:s30+$0x450] =	vst.add.f32.msk $0xffff, v3  }
0x32d: {  	v3 =	vand.u32 $0xFFFF0000, v9;
	[tilespmem:s30+$0x440] =	vst.add.f32.msk $0xffff, v4  }
0x32e: {  	v4 =	vand.u32 $0xFFFF0000, v10;
	[tilespmem:s30+$0x410] =	vst.add.f32.msk $0xffff, v3  }
0x32f: {  	v3 =	vshll.u32 v10, $0x10;
	[tilespmem:s30+$0x430] =	vst.add.f32.msk $0xffff, v4  }
0x330: {  	v4 =	vshll.u32 v9, $0x10;
	[tilespmem:s30+$0x420] =	vst.add.f32.msk $0xffff, v3  }
0x331: {  	[tilespmem:s30+$0x400] =	vst.add.f32.msk $0xffff, v4  }
0x332: {  	v3 =	vld [tilespmem:s3+$0x470]  }
0x333: {  	v4 =	vld [tilespmem:s3+$0x420]  }
0x334: {  	v5 =	vld [tilespmem:s3+$0x400]  }
0x335: {  	v6 =	vld [tilespmem:s3+$0x410]  }
0x336: {  	v7 =	vld [tilespmem:s3+$0x440]  }
0x337: {  	v8 =	vld [tilespmem:s3+$0x450]  }
0x338: {  	v53 =	vld [tilespmem:s3+$0x460]  }
0x339: {  	s15 =	sor.u32 $0x800, s30;
	v54 =	vld [tilespmem:s3+$0x430];
	v55 =	vshll.u32 v5, $0x10  }
0x33a: {  	s18 =	sor.u32 $0x810, s30;
	v5 =	vand.u32 $0xFFFF0000, v5;
	[tilespmem:s15+$0x0] =	vst.add.f32.msk $0xffff, v55  }
0x33b: {  	s19 =	sor.u32 $0x820, s30;
	[tilespmem:s18+$0x0] =	vst.add.f32.msk $0xffff, v5;
	v5 =	vshll.u32 v6, $0x10  }
0x33c: {  	s11 =	sor.u32 $0x830, s30;
	v6 =	vand.u32 $0xFFFF0000, v6;
	[tilespmem:s19+$0x0] =	vst.add.f32.msk $0xffff, v5  }
0x33d: {  	s13 =	sor.u32 $0x840, s30;
	v5 =	vshll.u32 v4, $0x10;
	[tilespmem:s11+$0x0] =	vst.add.f32.msk $0xffff, v6  }
0x33e: {  	s15 =	sor.u32 $0x850, s30;
	v4 =	vand.u32 $0xFFFF0000, v4;
	[tilespmem:s13+$0x0] =	vst.add.f32.msk $0xffff, v5  }
0x33f: {  	s18 =	sor.u32 $0x860, s30;
	[tilespmem:s15+$0x0] =	vst.add.f32.msk $0xffff, v4;
	v4 =	vshll.u32 v54, $0x10  }
0x340: {  	s19 =	sor.u32 $0x870, s30;
	v5 =	vand.u32 $0xFFFF0000, v54;
	[tilespmem:s18+$0x0] =	vst.add.f32.msk $0xffff, v4  }
0x341: {  	v4 =	vand.u32 $0xFFFF0000, v3;
	[tilespmem:s19+$0x0] =	vst.add.f32.msk $0xffff, v5  }
0x342: {  	v5 =	vand.u32 $0xFFFF0000, v53;
	[tilespmem:s30+$0xC70] =	vst.add.f32.msk $0xffff, v4  }
0x343: {  	v3 =	vshll.u32 v3, $0x10;
	[tilespmem:s30+$0xC50] =	vst.add.f32.msk $0xffff, v5  }
0x344: {  	v4 =	vand.u32 $0xFFFF0000, v8;
	[tilespmem:s30+$0xC60] =	vst.add.f32.msk $0xffff, v3  }
0x345: {  	v3 =	vshll.u32 v53, $0x10;
	[tilespmem:s30+$0xC30] =	vst.add.f32.msk $0xffff, v4  }
0x346: {  	v4 =	vand.u32 $0xFFFF0000, v7;
	[tilespmem:s30+$0xC40] =	vst.add.f32.msk $0xffff, v3  }
0x347: {  	v3 =	vshll.u32 v8, $0x10;
	[tilespmem:s30+$0xC10] =	vst.add.f32.msk $0xffff, v4  }
0x348: {  	v4 =	vshll.u32 v7, $0x10;
	[tilespmem:s30+$0xC20] =	vst.add.f32.msk $0xffff, v3  }
0x349: {  	[tilespmem:s30+$0xC00] =	vst.add.f32.msk $0xffff, v4  }
0x34a: {  	v3 =	vld [tilespmem:s3+$0x820]  }
0x34b: {  	v4 =	vld [tilespmem:s3+$0x810]  }
0x34c: {  	v5 =	vld [tilespmem:s3+$0x800]  }
0x34d: {  	v6 =	vld [tilespmem:s3+$0x830]  }
0x34e: {  	v7 =	vld [tilespmem:s3+$0x840]  }
0x34f: {  	v8 =	vld [tilespmem:s3+$0x850]  }
0x350: {  	v56 =	vld [tilespmem:s3+$0x860]  }
0x351: {  	s11 =	sor.u32 $0x1000, s30;
	v57 =	vld [tilespmem:s3+$0x870];
	v58 =	vshll.u32 v5, $0x10  }
0x352: {  	s13 =	sor.u32 $0x1010, s30;
	v5 =	vand.u32 $0xFFFF0000, v5;
	[tilespmem:s11+$0x0] =	vst.add.f32.msk $0xffff, v58  }
0x353: {  	s15 =	sor.u32 $0x1020, s30;
	v59 =	vshll.u32 v4, $0x10;
	[tilespmem:s13+$0x0] =	vst.add.f32.msk $0xffff, v5  }
0x354: {  	s18 =	sor.u32 $0x1030, s30;
	v4 =	vand.u32 $0xFFFF0000, v4;
	[tilespmem:s15+$0x0] =	vst.add.f32.msk $0xffff, v59  }
0x355: {  	s19 =	sor.u32 $0x1040, s30;
	[tilespmem:s18+$0x0] =	vst.add.f32.msk $0xffff, v4;
	v4 =	vshll.u32 v3, $0x10  }
0x356: {  	s11 =	sor.u32 $0x1050, s30;
	v3 =	vand.u32 $0xFFFF0000, v3;
	[tilespmem:s19+$0x0] =	vst.add.f32.msk $0xffff, v4  }
0x357: {  	s13 =	sor.u32 $0x1060, s30;
	[tilespmem:s11+$0x0] =	vst.add.f32.msk $0xffff, v3;
	v3 =	vshll.u32 v6, $0x10  }
0x358: {  	s15 =	sor.u32 $0x1070, s30;
	v4 =	vand.u32 $0xFFFF0000, v6;
	[tilespmem:s13+$0x0] =	vst.add.f32.msk $0xffff, v3  }
0x359: {  	v3 =	vand.u32 $0xFFFF0000, v57;
	[tilespmem:s15+$0x0] =	vst.add.f32.msk $0xffff, v4  }
0x35a: {  	v4 =	vand.u32 $0xFFFF0000, v56;
	[tilespmem:s30+$0x1470] =	vst.add.f32.msk $0xffff, v3  }
0x35b: {  	[tilespmem:s30+$0x1450] =	vst.add.f32.msk $0xffff, v4;
	v3 =	vshll.u32 v57, $0x10  }
0x35c: {  	v4 =	vshll.u32 v8, $0x10;
	[tilespmem:s30+$0x1460] =	vst.add.f32.msk $0xffff, v3  }
0x35d: {  	v3 =	vand.u32 $0xFFFF0000, v7;
	[tilespmem:s30+$0x1420] =	vst.add.f32.msk $0xffff, v4  }
0x35e: {  	v4 =	vand.u32 $0xFFFF0000, v8;
	[tilespmem:s30+$0x1410] =	vst.add.f32.msk $0xffff, v3  }
0x35f: {  	v3 =	vshll.u32 v56, $0x10;
	[tilespmem:s30+$0x1430] =	vst.add.f32.msk $0xffff, v4  }
0x360: {  	[tilespmem:s30+$0x1440] =	vst.add.f32.msk $0xffff, v3;
	v3 =	vshll.u32 v7, $0x10  }
0x361: {  	[tilespmem:s30+$0x1400] =	vst.add.f32.msk $0xffff, v3  }
0x362: {  	v5 =	vld [tilespmem:s3+$0xC10]  }
0x363: {  	v6 =	vld [tilespmem:s3+$0xC60]  }
0x364: {  	v7 =	vld [tilespmem:s3+$0xC00]  }
0x365: {  	v8 =	vld [tilespmem:s3+$0xC20]  }
0x366: {  	v60 =	vld [tilespmem:s3+$0xC30]  }
0x367: {  	v3 =	vld [tilespmem:s3+$0xC40]  }
0x368: {  	v61 =	vld [tilespmem:s3+$0xC50]  }
0x369: {  	s18 =	sor.u32 $0x1800, s30;
	v4 =	vld [tilespmem:s3+$0xC70];
	v62 =	vshll.u32 v7, $0x10  }
0x36a: {  	s19 =	sor.u32 $0x1810, s30;
	v7 =	vand.u32 $0xFFFF0000, v7;
	[tilespmem:s18+$0x0] =	vst.add.f32.msk $0xffff, v62  }
0x36b: {  	s8 =	sor.u32 $0x1820, s30;
	v63 =	vshll.u32 v5, $0x10;
	[tilespmem:s19+$0x0] =	vst.add.f32.msk $0xffff, v7  }
0x36c: {  	s11 =	sor.u32 $0x1830, s30;
	v5 =	vand.u32 $0xFFFF0000, v5;
	[tilespmem:s8+$0x0] =	vst.add.f32.msk $0xffff, v63  }
0x36d: {  	s13 =	sor.u32 $0x1840, s30;
	v7 =	vshll.u32 v8, $0x10;
	[tilespmem:s11+$0x0] =	vst.add.f32.msk $0xffff, v5  }
0x36e: {  	s15 =	sor.u32 $0x1850, s30;
	v5 =	vand.u32 $0xFFFF0000, v8;
	[tilespmem:s13+$0x0] =	vst.add.f32.msk $0xffff, v7  }
0x36f: {  	s18 =	sor.u32 $0x1860, s30;
	[tilespmem:s15+$0x0] =	vst.add.f32.msk $0xffff, v5;
	v5 =	vshll.u32 v60, $0x10  }
0x370: {  	s19 =	sor.u32 $0x1870, s30;
	v7 =	vand.u32 $0xFFFF0000, v60;
	[tilespmem:s18+$0x0] =	vst.add.f32.msk $0xffff, v5  }
0x371: {  	v5 =	vand.u32 $0xFFFF0000, v6;
	[tilespmem:s19+$0x0] =	vst.add.f32.msk $0xffff, v7  }
0x372: {  	v6 =	vshll.u32 v6, $0x10;
	[tilespmem:s30+$0x1C50] =	vst.add.f32.msk $0xffff, v5  }
0x373: {  	v7 =	vand.u32 $0xFFFF0000, v4;
	[tilespmem:s30+$0x1C40] =	vst.add.f32.msk $0xffff, v6  }
0x374: {  	v5 =	vand.u32 $0xFFFF0000, v61;
	[tilespmem:s30+$0x1C70] =	vst.add.f32.msk $0xffff, v7  }
0x375: {  	s8 =	simm.s32 $0x1;
	v6 =	vshll.u32 v61, $0x10;
	[tilespmem:s30+$0x1C30] =	vst.add.f32.msk $0xffff, v5;
	v5 =	vand.u32 $0xFFFF0000, v3  }
.LBB2_9:
0x376: {  	s11 =	sshll.u32 s8, $0x9  }
0x377: {  	[tilespmem:s30+$0x1C20] =	vst.add.f32.msk $0xffff, v6;
	s29 =	sadd.s32 $0x80, s29;
	s13 =	smov.u32 s8;
	s3 =	sadd.s32 $0x1, s8  }
0x378: {  	p0 =	sne.s32 s8, $0xF;
	v3 =	vshll.u32 v3, $0x10;
	v4 =	vshll.u32 v4, $0x10;
	s15 =	sand.u32 $0x380, s29;
	s11 =	sand.u32 $0x3FFFF000, s11;
	[tilespmem:s30+$0x1C10] =	vst.add.f32.msk $0xffff, v5  }
0x379: {  	s8 =	sor.u32 s15, s11;
	[tilespmem:s30+$0x1C00] =	vst.add.f32.msk $0xffff, v3  }
0x37a: {  	[tilespmem:s30+$0x1C60] =	vst.add.f32.msk $0xffff, v4  }
0x37b: {  	s18 =	sadd.s32 $0x16200, s8;
	v3 =	vld [tilespmem:s8+$0x16200]  }
0x37c: {  	v4 =	vld [tilespmem:s18+$0x70]  }
0x37d: {  	v5 =	vld [tilespmem:s18+$0x60]  }
0x37e: {  	v6 =	vld [tilespmem:s18+$0x20]  }
0x37f: {  	v7 =	vld [tilespmem:s18+$0x30]  }
0x380: {  	s8 =	sshll.u32 s13, $0xA;
	v8 =	vld [tilespmem:s18+$0x10];
	v9 =	vand.u32 $0xFFFF0000, v3  }
0x381: {  	s8 =	sand.u32 $0x3FFFE000, s8;
	v10 =	vld [tilespmem:s18+$0x40]  }
0x382: {  	s8 =	sor.u32 s15, s8  }
0x383: {  	s30 =	sadd.s32 $0x12200, s8;
	v3 =	vshll.u32 v3, $0x10;
	v11 =	vld [tilespmem:s18+$0x50];
	v12 =	vshll.u32 v6, $0x10  }
0x384: {  	s11 =	sor.u32 $0x20, s30;
	[tilespmem:s8+$0x12200] =	vst.add.f32.msk $0xffff, v3;
	s8 =	sor.u32 $0x10, s30  }
0x385: {  	[tilespmem:s8+$0x0] =	vst.add.f32.msk $0xffff, v9;
	v3 =	vshll.u32 v8, $0x10  }
0x386: {  	v8 =	vand.u32 $0xFFFF0000, v8;
	s8 =	sor.u32 $0x30, s30;
	[tilespmem:s11+$0x0] =	vst.add.f32.msk $0xffff, v3  }
0x387: {  	[tilespmem:s8+$0x0] =	vst.add.f32.msk $0xffff, v8;
	s8 =	sor.u32 $0x40, s30  }
0x388: {  	v3 =	vand.u32 $0xFFFF0000, v6;
	[tilespmem:s8+$0x0] =	vst.add.f32.msk $0xffff, v12;
	s8 =	sor.u32 $0x50, s30  }
0x389: {  	[tilespmem:s8+$0x0] =	vst.add.f32.msk $0xffff, v3;
	v3 =	vshll.u32 v7, $0x10;
	s8 =	sor.u32 $0x60, s30  }
0x38a: {  	v6 =	vand.u32 $0xFFFF0000, v7;
	[tilespmem:s8+$0x0] =	vst.add.f32.msk $0xffff, v3;
	s8 =	sor.u32 $0x70, s30;
	v3 =	vshll.u32 v4, $0x10;
	v4 =	vand.u32 $0xFFFF0000, v4  }
0x38b: {  	v7 =	vshll.u32 v5, $0x10;
	v5 =	vand.u32 $0xFFFF0000, v5;
	[tilespmem:s8+$0x0] =	vst.add.f32.msk $0xffff, v6;
	v6 =	vand.u32 $0xFFFF0000, v11  }
0x38c: {  	v8 =	vand.u32 $0xFFFF0000, v10;
	[tilespmem:s30+$0x470] =	vst.add.f32.msk $0xffff, v4  }
0x38d: {  	v4 =	vshll.u32 v11, $0x10;
	[tilespmem:s30+$0x460] =	vst.add.f32.msk $0xffff, v3  }
0x38e: {  	v3 =	vshll.u32 v10, $0x10;
	[tilespmem:s30+$0x450] =	vst.add.f32.msk $0xffff, v5  }
0x38f: {  	[tilespmem:s30+$0x440] =	vst.add.f32.msk $0xffff, v7  }
0x390: {  	[tilespmem:s30+$0x410] =	vst.add.f32.msk $0xffff, v8  }
0x391: {  	[tilespmem:s30+$0x430] =	vst.add.f32.msk $0xffff, v6  }
0x392: {  	[tilespmem:s30+$0x420] =	vst.add.f32.msk $0xffff, v4  }
0x393: {  	[tilespmem:s30+$0x400] =	vst.add.f32.msk $0xffff, v3  }
0x394: {  	v3 =	vld [tilespmem:s18+$0x470]  }
0x395: {  	v4 =	vld [tilespmem:s18+$0x420]  }
0x396: {  	v5 =	vld [tilespmem:s18+$0x400]  }
0x397: {  	v6 =	vld [tilespmem:s18+$0x410]  }
0x398: {  	v7 =	vld [tilespmem:s18+$0x440]  }
0x399: {  	v8 =	vld [tilespmem:s18+$0x450]  }
0x39a: {  	v9 =	vld [tilespmem:s18+$0x460]  }
0x39b: {  	s8 =	sor.u32 $0x800, s30;
	v10 =	vld [tilespmem:s18+$0x430];
	v11 =	vshll.u32 v5, $0x10  }
0x39c: {  	v5 =	vand.u32 $0xFFFF0000, v5;
	[tilespmem:s8+$0x0] =	vst.add.f32.msk $0xffff, v11;
	s8 =	sor.u32 $0x810, s30  }
0x39d: {  	[tilespmem:s8+$0x0] =	vst.add.f32.msk $0xffff, v5;
	v5 =	vshll.u32 v6, $0x10;
	s8 =	sor.u32 $0x820, s30  }
0x39e: {  	v6 =	vand.u32 $0xFFFF0000, v6;
	[tilespmem:s8+$0x0] =	vst.add.f32.msk $0xffff, v5;
	s8 =	sor.u32 $0x830, s30  }
0x39f: {  	v5 =	vshll.u32 v4, $0x10;
	[tilespmem:s8+$0x0] =	vst.add.f32.msk $0xffff, v6;
	s8 =	sor.u32 $0x840, s30  }
0x3a0: {  	v4 =	vand.u32 $0xFFFF0000, v4;
	[tilespmem:s8+$0x0] =	vst.add.f32.msk $0xffff, v5;
	s8 =	sor.u32 $0x850, s30  }
0x3a1: {  	[tilespmem:s8+$0x0] =	vst.add.f32.msk $0xffff, v4;
	v4 =	vshll.u32 v10, $0x10;
	s8 =	sor.u32 $0x860, s30  }
0x3a2: {  	v5 =	vand.u32 $0xFFFF0000, v10;
	[tilespmem:s8+$0x0] =	vst.add.f32.msk $0xffff, v4;
	s8 =	sor.u32 $0x870, s30  }
0x3a3: {  	v6 =	vand.u32 $0xFFFF0000, v3;
	v4 =	vand.u32 $0xFFFF0000, v7;
	[tilespmem:s8+$0x0] =	vst.add.f32.msk $0xffff, v5;
	v5 =	vand.u32 $0xFFFF0000, v9  }
0x3a4: {  	v10 =	vshll.u32 v8, $0x10;
	v8 =	vand.u32 $0xFFFF0000, v8;
	[tilespmem:s30+$0xC70] =	vst.add.f32.msk $0xffff, v6  }
0x3a5: {  	v3 =	vshll.u32 v3, $0x10;
	v6 =	vshll.u32 v9, $0x10;
	[tilespmem:s30+$0xC50] =	vst.add.f32.msk $0xffff, v5  }
0x3a6: {  	v5 =	vshll.u32 v7, $0x10;
	[tilespmem:s30+$0xC60] =	vst.add.f32.msk $0xffff, v3  }
0x3a7: {  	[tilespmem:s30+$0xC30] =	vst.add.f32.msk $0xffff, v8  }
0x3a8: {  	[tilespmem:s30+$0xC40] =	vst.add.f32.msk $0xffff, v6  }
0x3a9: {  	[tilespmem:s30+$0xC10] =	vst.add.f32.msk $0xffff, v4  }
0x3aa: {  	[tilespmem:s30+$0xC20] =	vst.add.f32.msk $0xffff, v10  }
0x3ab: {  	[tilespmem:s30+$0xC00] =	vst.add.f32.msk $0xffff, v5  }
0x3ac: {  	v3 =	vld [tilespmem:s18+$0x820]  }
0x3ad: {  	v4 =	vld [tilespmem:s18+$0x810]  }
0x3ae: {  	v5 =	vld [tilespmem:s18+$0x800]  }
0x3af: {  	v6 =	vld [tilespmem:s18+$0x830]  }
0x3b0: {  	v7 =	vld [tilespmem:s18+$0x840]  }
0x3b1: {  	v8 =	vld [tilespmem:s18+$0x850]  }
0x3b2: {  	v9 =	vld [tilespmem:s18+$0x860]  }
0x3b3: {  	s8 =	sor.u32 $0x1000, s30;
	v12 =	vshll.u32 v4, $0x10;
	v10 =	vld [tilespmem:s18+$0x870];
	v11 =	vshll.u32 v5, $0x10  }
0x3b4: {  	v5 =	vand.u32 $0xFFFF0000, v5;
	[tilespmem:s8+$0x0] =	vst.add.f32.msk $0xffff, v11;
	s8 =	sor.u32 $0x1010, s30  }
0x3b5: {  	[tilespmem:s8+$0x0] =	vst.add.f32.msk $0xffff, v5;
	s8 =	sor.u32 $0x1020, s30  }
0x3b6: {  	v4 =	vand.u32 $0xFFFF0000, v4;
	[tilespmem:s8+$0x0] =	vst.add.f32.msk $0xffff, v12;
	s8 =	sor.u32 $0x1030, s30  }
0x3b7: {  	[tilespmem:s8+$0x0] =	vst.add.f32.msk $0xffff, v4;
	v4 =	vshll.u32 v3, $0x10;
	s8 =	sor.u32 $0x1040, s30  }
0x3b8: {  	v3 =	vand.u32 $0xFFFF0000, v3;
	[tilespmem:s8+$0x0] =	vst.add.f32.msk $0xffff, v4;
	s8 =	sor.u32 $0x1050, s30  }
0x3b9: {  	[tilespmem:s8+$0x0] =	vst.add.f32.msk $0xffff, v3;
	v3 =	vshll.u32 v6, $0x10;
	s8 =	sor.u32 $0x1060, s30  }
0x3ba: {  	v4 =	vand.u32 $0xFFFF0000, v6;
	[tilespmem:s8+$0x0] =	vst.add.f32.msk $0xffff, v3;
	s8 =	sor.u32 $0x1070, s30  }
0x3bb: {  	v3 =	vand.u32 $0xFFFF0000, v9;
	[tilespmem:s8+$0x0] =	vst.add.f32.msk $0xffff, v4;
	v4 =	vand.u32 $0xFFFF0000, v10  }
0x3bc: {  	[tilespmem:s30+$0x1470] =	vst.add.f32.msk $0xffff, v4  }
0x3bd: {  	[tilespmem:s30+$0x1450] =	vst.add.f32.msk $0xffff, v3;
	v3 =	vshll.u32 v10, $0x10  }
0x3be: {  	v4 =	vshll.u32 v8, $0x10;
	[tilespmem:s30+$0x1460] =	vst.add.f32.msk $0xffff, v3  }
0x3bf: {  	v3 =	vand.u32 $0xFFFF0000, v7;
	[tilespmem:s30+$0x1420] =	vst.add.f32.msk $0xffff, v4  }
0x3c0: {  	[tilespmem:s30+$0x1410] =	vst.add.f32.msk $0xffff, v3;
	v3 =	vshll.u32 v9, $0x10  }
0x3c1: {  	v4 =	vand.u32 $0xFFFF0000, v8;
	[tilespmem:s30+$0x1440] =	vst.add.f32.msk $0xffff, v3  }
0x3c2: {  	v3 =	vshll.u32 v7, $0x10;
	[tilespmem:s30+$0x1430] =	vst.add.f32.msk $0xffff, v4  }
0x3c3: {  	[tilespmem:s30+$0x1400] =	vst.add.f32.msk $0xffff, v3  }
0x3c4: {  	v5 =	vld [tilespmem:s18+$0xC10]  }
0x3c5: {  	v6 =	vld [tilespmem:s18+$0xC60]  }
0x3c6: {  	v7 =	vld [tilespmem:s18+$0xC00]  }
0x3c7: {  	v8 =	vld [tilespmem:s18+$0xC20]  }
0x3c8: {  	v9 =	vld [tilespmem:s18+$0xC30]  }
0x3c9: {  	v3 =	vld [tilespmem:s18+$0xC40]  }
0x3ca: {  	v10 =	vld [tilespmem:s18+$0xC50]  }
0x3cb: {  	s8 =	sor.u32 $0x1800, s30;
	v12 =	vshll.u32 v5, $0x10;
	v4 =	vld [tilespmem:s18+$0xC70];
	v11 =	vshll.u32 v7, $0x10  }
0x3cc: {  	v7 =	vand.u32 $0xFFFF0000, v7;
	[tilespmem:s8+$0x0] =	vst.add.f32.msk $0xffff, v11;
	s8 =	sor.u32 $0x1810, s30;
	v11 =	vand.u32 $0xFFFF0000, v5  }
0x3cd: {  	[tilespmem:s8+$0x0] =	vst.add.f32.msk $0xffff, v7;
	s8 =	sor.u32 $0x1820, s30  }
0x3ce: {  	v7 =	vshll.u32 v8, $0x10;
	[tilespmem:s8+$0x0] =	vst.add.f32.msk $0xffff, v12;
	s8 =	sor.u32 $0x1830, s30;
	v5 =	vand.u32 $0xFFFF0000, v3  }
0x3cf: {  	[tilespmem:s8+$0x0] =	vst.add.f32.msk $0xffff, v11;
	s8 =	sor.u32 $0x1840, s30  }
0x3d0: {  	v8 =	vand.u32 $0xFFFF0000, v8;
	[tilespmem:s8+$0x0] =	vst.add.f32.msk $0xffff, v7;
	s8 =	sor.u32 $0x1850, s30  }
0x3d1: {  	v7 =	vshll.u32 v9, $0x10;
	[tilespmem:s8+$0x0] =	vst.add.f32.msk $0xffff, v8;
	s8 =	sor.u32 $0x1860, s30  }
0x3d2: {  	v8 =	vand.u32 $0xFFFF0000, v9;
	[tilespmem:s8+$0x0] =	vst.add.f32.msk $0xffff, v7;
	s8 =	sor.u32 $0x1870, s30  }
.Ltmp3:
0x3d3: {  	v7 =	vand.u32 $0xFFFF0000, v6;
	[tilespmem:s8+$0x0] =	vst.add.f32.msk $0xffff, v8;
	v8 =	vand.u32 $0xFFFF0000, v4;
	(pc) =	sbr.rel @p0 .LBB2_9-.Ltmp3, $4  }
0x3d4: {  	v6 =	vshll.u32 v6, $0x10;
	[tilespmem:s30+$0x1C50] =	vst.add.f32.msk $0xffff, v7  }
0x3d5: {  	v7 =	vand.u32 $0xFFFF0000, v10;
	[tilespmem:s30+$0x1C40] =	vst.add.f32.msk $0xffff, v6  }
0x3d6: {  	[tilespmem:s30+$0x1C30] =	vst.add.f32.msk $0xffff, v7  }
0x3d7: {  	s8 =	smov.u32 s3;
	v6 =	vshll.u32 v10, $0x10;
	[tilespmem:s30+$0x1C70] =	vst.add.f32.msk $0xffff, v8  }
0x3d8: {  	s25 =	sadd.s32 $0x1, s25  }
0x3d9: {  	p0 =	sne.s32 s25, $0x8  }
.Ltmp4:
0x3da: {  	[tilespmem:s30+$0x1C20] =	vst.add.f32.msk $0xffff, v6;
	(pc) =	sbr.rel @p0 .LBB2_2-.Ltmp4, $4  }
0x3db: {  	v3 =	vshll.u32 v3, $0x10;
	[tilespmem:s30+$0x1C10] =	vst.add.f32.msk $0xffff, v5  }
0x3dc: {  	v4 =	vshll.u32 v4, $0x10;
	s3 =	sshll.u32 s28, $0xB;
	[tilespmem:s30+$0x1C00] =	vst.add.f32.msk $0xffff, v3  }
0x3dd: {  	[tilespmem:s30+$0x1C60] =	vst.add.f32.msk $0xffff, v4;
	s3 =	sadd.s32 s3, s14  }
0x3de: {  	[hbm4b:s3+s4] =	stream.linear.scatter [tilespmem:s0], [sflag:$0x8], $0x4000, $0x38;
	[tilespmem:$0x18200] =	vst v63  }
0x3df: {  	s3 =	simm.s32 $0x6  }
0x3e0: {  	_ =	swait.ge [sflag:s3], $0x4000  }
0x3e1: {  	[sflag:s3] =	ssyncset.done $0x0  }
0x3e2: {  	s8 =	simm.s32 $0x8;
	[sflag:s3] =	ssyncadd.s32 $0xFFFFC000  }
0x3e3: {  	_ =	swait.ge [sflag:s8], $0x4000  }
0x3e4: {  	s11 =	rddreg [dreg:$0x8]  }
0x3e5: {  	s30 =	rddreg [dreg:$0x7];
	s11 =	sadd.s32 $0x1, s11  }
0x3e6: {  	p0 =	sne.s32 s11, s30  }
.Ltmp5:
0x3e7: {  	_ = 	snop;
	(pc) =	sbr.rel @p0 .LBB2_1-.Ltmp5, $3  }
0x3e8: {  	_ =	sdelay $0x1  }
0x3e9: {  	[sflag:s8] =	ssyncset.done $0x0  }
0x3ea: {  	[sflag:s8] =	ssyncadd.s32 $0xFFFFC000  }
0x3eb: {  	_ =	sfence.sel $0x180000  }
0x3ec: {  	[bflag:$0x0] =	sbarrier.arrive $0xFFFF  }
0x3ed: {  	_ =	strace $0x90000047  }
0x3ee: {  	s0 =	stileid.u32;
	[bflag:$0x2] =	sbarrier.arrive $0xFFFF  }
0x3ef: {  	p0 =	sne.s32 s0, $0x0;
	s0 =	rddreg [dreg:$0x3]  }
0x3f0: {  	s0 =	sadd.s32 @!p0 $0x100000, s0  }
0x3f1: {  	[sflag:s0] =	ssyncadd.tile.s32 @!p0 $0x1;
	_ =	shalt  }
.Lfunc_end2:
_tile_overlayer_lowered:
.L_overlay_start_2:
0x3f2: {  	(tag) =	ssettag $0x2  }
0x3f3: {  	s0 =	rddreg [dreg:$0x0];
	s2 =	stileid.u32  }
0x3f4: {  	s1 =	rddreg [dreg:$0x1];
	p0 =	sne.s32 s2, $0x0  }
0x3f5: {  	s3 =	rddreg [dreg:$0x2];
	[bflag:$0x3] =	sbarrier.arrive $0xFFFF;
	s2 =	simm.s32 @!p0 $0x1C09  }
0x3f6: {  	[timem:s3], [sflag:s2] =	dma.local @!p0 [hbm:s0], s1  }
0x3f7: {  	s0 =	simm.s32 @!p0 $0x9  }
0x3f8: {  	_ =	swait.ge @!p0 [sflag:s0], s1  }
0x3f9: {  	s1 =	ssub.s32 @!p0 $0x0, s1;
	[sflag:s0] =	ssyncset.done @!p0 $0x0  }
0x3fa: {  	[sflag:s0] =	ssyncadd.s32 @!p0 s1  }
0x3fb: {  	[bflag:$0x3] =	sbarrier.arrive $0xFFFF  }
0x3fc: {  	_ =	shalt  }

</sc_bundles>
